<compile_context>
chip_gen: v7x
topology: tpu7x:2x2x1
jax: 0.10.2.dev20260603
libtpu: 0.0.44.dev20260713+nightly
codegen_flags: <defaults>
</compile_context>

<pallas_src>
import jax
import jax.numpy as jnp
from jax import lax
from jax.experimental import pallas as pl
from jax.experimental.pallas import tpu as pltpu
from jax.experimental.pallas import tpu_sc as plsc

NTOT = 10000
DPAD = 10240
NE = 320000
NB = 5000
BATCH = 2
IN_CH = 128
HID = 64
MAXN = 32

NC, NS = 2, 16
NW = NC * NS
CHUNK = 128
NCHUNKS = NE // CHUNK
CPW = NCHUNKS // NW
NEXTRA = NCHUNKS - CPW * NW
SLOTS = CPW + 1
NBUF = 6
RPT = NTOT // NS
DRPT = DPAD // NS

_MASKCHUNKS = 313


def _selu(x):
    alpha = 1.6732632423543772
    scale = 1.0507009873554805
    return scale * jnp.where(x > 0, x, alpha * (jnp.exp(x) - 1.0))


def _sc_deg_sel(dst2d, mask, shuf, deg_out, sel_out,
                dst_v, ones_v, zero_v, mask_v, table_v, shuf_v, sel_v, deg_acc,
                dsem):
    cid = lax.axis_index("c")
    sid = lax.axis_index("s")
    wid = sid * NC + cid

    def _fill(i, _):
        zero_v[pl.ds(i * 16, 16)] = jnp.zeros((16,), jnp.float32)
        return 0
    lax.fori_loop(0, DRPT // 16, _fill, 0)
    for j in range(CHUNK // 16):
        ones_v[pl.ds(j * 16, 16)] = jnp.full((16,), 1.0, jnp.float32)
    pltpu.sync_copy(zero_v, deg_acc.at[pl.ds(sid * DRPT, DRPT)])
    plsc.subcore_barrier()

    pltpu.sync_copy(dst2d.at[pl.ds(wid * CPW, CPW)], dst_v.at[pl.ds(0, CPW)])

    @pl.when(wid < NEXTRA)
    def _():
        pltpu.sync_copy(dst2d.at[pl.ds(NW * CPW + wid, 1)],
                        dst_v.at[pl.ds(CPW, 1)])
    nch = jnp.where(wid < NEXTRA, CPW + 1, CPW)

    ndgroups = (SLOTS + 7) // 8

    def _edge(t, _):
        for j in range(8):
            @pl.when(t * 8 + j < nch)
            def _(j=j):
                pltpu.async_copy(ones_v, deg_acc.at[dst_v.at[t * 8 + j]],
                                 dsem, add=True)
        for j in range(8):
            @pl.when(t * 8 + j < nch)
            def _(j=j):
                pltpu.make_async_copy(ones_v, deg_acc.at[dst_v.at[0]],
                                      dsem).wait()
        return 0
    lax.fori_loop(0, ndgroups, _edge, 0)

    @pl.when(wid < BATCH)
    def _():
        b = wid

        def _zt(i, _):
            table_v[pl.ds(i * 16, 16)] = jnp.zeros((16,), jnp.int32)
            mask_v[pl.ds(i * 16, 16)] = jnp.zeros((16,), jnp.float32)
            return 0
        lax.fori_loop(0, _MASKCHUNKS, _zt, 0)
        pltpu.sync_copy(mask.at[b], mask_v.at[pl.ds(0, NB)])
        pltpu.sync_copy(shuf.at[b], shuf_v)

        def _cs(i, carry):
            v = mask_v[pl.ds(i * 16, 16)]
            nz = v != 0.0
            nzi = jnp.where(nz, 1, 0).astype(jnp.int32)
            r = plsc.cumsum(nzi) + carry
            pos = jnp.maximum(r - 1, 0)
            ids = lax.iota(jnp.int32, 16) + i * 16
            plsc.store_scatter(table_v, [pos], ids, mask=nz)
            return lax.reduce_max(r, axes=(0,))
        lax.fori_loop(0, _MASKCHUNKS, _cs, 0)

        for j in range(MAXN // 16):
            s16 = shuf_v[pl.ds(j * 16, 16)]
            sel_v[pl.ds(j * 16, 16)] = plsc.load_gather(table_v, [s16])
        pltpu.sync_copy(sel_v, sel_out.at[b])

    plsc.subcore_barrier()
    pltpu.sync_copy(deg_acc.at[pl.ds(sid * DRPT, DRPT)],
                    deg_out.at[cid, pl.ds(sid * DRPT, DRPT)])


def _sc_scatter(g, src2d, dst2d, part_out,
                src_v, dst_v, buf0, buf1, buf2, buf3, buf4, buf5, acc,
                sg0, sg1, sg2, sg3, sg4, sg5, ss0, ss1, ss2, ss3, ss4, ss5):
    cid = lax.axis_index("c")
    sid = lax.axis_index("s")
    wid = sid * NC + cid
    bufs = (buf0, buf1, buf2, buf3, buf4, buf5)
    sgs = (sg0, sg1, sg2, sg3, sg4, sg5)
    sss = (ss0, ss1, ss2, ss3, ss4, ss5)

    def _zb(i, _):
        buf0[i // 4, pl.ds((i % 4) * 16, 16)] = jnp.zeros((16,), jnp.float32)
        return 0
    lax.fori_loop(0, CHUNK * HID // 16, _zb, 0)
    for j in range(RPT // CHUNK):
        pltpu.sync_copy(buf0, acc.at[pl.ds(sid * RPT + j * CHUNK, CHUNK)])
    pltpu.sync_copy(buf0.at[pl.ds(0, RPT - (RPT // CHUNK) * CHUNK)],
                    acc.at[pl.ds(sid * RPT + (RPT // CHUNK) * CHUNK,
                                 RPT - (RPT // CHUNK) * CHUNK)])
    plsc.subcore_barrier()

    pltpu.sync_copy(src2d.at[pl.ds(wid * CPW, CPW)], src_v.at[pl.ds(0, CPW)])
    pltpu.sync_copy(dst2d.at[pl.ds(wid * CPW, CPW)], dst_v.at[pl.ds(0, CPW)])

    @pl.when(wid < NEXTRA)
    def _():
        pltpu.sync_copy(src2d.at[pl.ds(NW * CPW + wid, 1)],
                        src_v.at[pl.ds(CPW, 1)])
        pltpu.sync_copy(dst2d.at[pl.ds(NW * CPW + wid, 1)],
                        dst_v.at[pl.ds(CPW, 1)])
    nch = jnp.where(wid < NEXTRA, CPW + 1, CPW)

    for b in range(NBUF):
        @pl.when(b < nch)
        def _(b=b):
            pltpu.async_copy(g.at[src_v.at[b]], bufs[b], sgs[b])

    ngroups = (SLOTS + NBUF - 1) // NBUF

    def _group(t, _):
        for b in range(NBUF):
            s = t * NBUF + b

            @pl.when((s >= 3) & (s + 3 < nch))
            def _(b=b, s=s):
                bb = (b + 3) % NBUF
                pltpu.make_async_copy(bufs[bb], acc.at[dst_v.at[0]],
                                      sss[bb]).wait()
                pltpu.async_copy(g.at[src_v.at[s + 3]], bufs[bb], sgs[bb])

            @pl.when(s < nch)
            def _(b=b, s=s):
                pltpu.make_async_copy(g.at[src_v.at[s]], bufs[b],
                                      sgs[b]).wait()
                pltpu.async_copy(bufs[b], acc.at[dst_v.at[s]], sss[b],
                                 add=True)
        return 0
    lax.fori_loop(0, ngroups, _group, 0)

    for b in range(NBUF):
        @pl.when(b < nch)
        def _(b=b):
            pltpu.make_async_copy(bufs[b], acc.at[dst_v.at[0]], sss[b]).wait()

    plsc.subcore_barrier()
    pltpu.sync_copy(acc.at[pl.ds(sid * RPT, RPT)],
                    part_out.at[cid, pl.ds(sid * RPT, RPT)])


_SC_MESH = plsc.VectorSubcoreMesh(core_axis_name="c", subcore_axis_name="s")
_SC_PARAMS = pltpu.CompilerParams(
    use_tc_tiling_on_sc=False, needs_layout_passes=False)

_deg_sel_call = pl.kernel(
    _sc_deg_sel,
    compiler_params=_SC_PARAMS,
    out_type=[
        jax.ShapeDtypeStruct((NC, DPAD), jnp.float32),
        jax.ShapeDtypeStruct((BATCH, MAXN), jnp.int32),
    ],
    mesh=_SC_MESH,
    scratch_types=[
        pltpu.VMEM((SLOTS, CHUNK), jnp.int32),
        pltpu.VMEM((CHUNK,), jnp.float32),
        pltpu.VMEM((DRPT,), jnp.float32),
        pltpu.VMEM((_MASKCHUNKS * 16,), jnp.float32),
        pltpu.VMEM((_MASKCHUNKS * 16,), jnp.int32),
        pltpu.VMEM((MAXN,), jnp.int32),
        pltpu.VMEM((MAXN,), jnp.int32),
        pltpu.VMEM_SHARED((DPAD,), jnp.float32),
        pltpu.SemaphoreType.DMA,
    ],
)

_scatter_call = pl.kernel(
    _sc_scatter,
    compiler_params=_SC_PARAMS,
    out_type=jax.ShapeDtypeStruct((NC, NTOT, HID), jnp.float32),
    mesh=_SC_MESH,
    scratch_types=[
        pltpu.VMEM((SLOTS, CHUNK), jnp.int32),
        pltpu.VMEM((SLOTS, CHUNK), jnp.int32),
        pltpu.VMEM((CHUNK, HID), jnp.float32),
        pltpu.VMEM((CHUNK, HID), jnp.float32),
        pltpu.VMEM((CHUNK, HID), jnp.float32),
        pltpu.VMEM((CHUNK, HID), jnp.float32),
        pltpu.VMEM((CHUNK, HID), jnp.float32),
        pltpu.VMEM((CHUNK, HID), jnp.float32),
        pltpu.VMEM_SHARED((NTOT, HID), jnp.float32),
        pltpu.SemaphoreType.DMA,
        pltpu.SemaphoreType.DMA,
        pltpu.SemaphoreType.DMA,
        pltpu.SemaphoreType.DMA,
        pltpu.SemaphoreType.DMA,
        pltpu.SemaphoreType.DMA,
        pltpu.SemaphoreType.DMA,
        pltpu.SemaphoreType.DMA,
        pltpu.SemaphoreType.DMA,
        pltpu.SemaphoreType.DMA,
        pltpu.SemaphoreType.DMA,
        pltpu.SemaphoreType.DMA,
    ],
)


_BLK = 1000


def _dinv_block(degp_ref):
    deg = degp_ref[:, 0] + degp_ref[:, 1] + 1.0
    return lax.rsqrt(deg)


def _tc_g1_body(x_ref, w1_ref, degp_ref, g1_ref):
    dinv = _dinv_block(degp_ref)
    xw = jnp.dot(x_ref[...], w1_ref[...], preferred_element_type=jnp.float32)
    g1_ref[...] = dinv[:, None] * xw


def _tc_g2_body(sp_ref, g1_ref, degp_ref, b1_ref, w2_ref, g2_ref):
    dinv = _dinv_block(degp_ref)
    t = dinv[:, None] * (sp_ref[0] + sp_ref[1] + g1_ref[...]) + b1_ref[...]
    h1 = _selu(t)
    hw = jnp.dot(h1, w2_ref[...], preferred_element_type=jnp.float32)
    g2_ref[...] = dinv[:, None] * hw


def _tc_final_body(sp_ref, g2_ref, degp_ref, b2_ref, sel_ref,
                   wq_ref, bq_ref, wk_ref, bk_ref, wv_ref, bv_ref,
                   wo_ref, bo_ref, wfc_ref, bfc_ref, out_ref):
    deg = degp_ref[:NTOT, 0] + degp_ref[:NTOT, 1] + 1.0
    dinv = lax.rsqrt(deg)
    s = sp_ref[0] + sp_ref[1] + g2_ref[...]
    h2 = _selu(dinv[:, None] * s + b2_ref[...])

    rows = []
    for b in range(BATCH):
        keys = h2[b * NB:(b + 1) * NB, :]
        selb = sel_ref[b, :]
        iota = lax.broadcasted_iota(jnp.int32, (MAXN, NB), 1)
        onehot = (iota == selb[:, None]).astype(jnp.float32)
        q0 = jnp.dot(onehot, keys, preferred_element_type=jnp.float32)
        q = jnp.dot(q0, wq_ref[...], preferred_element_type=jnp.float32) \
            + bq_ref[...]
        kk = jnp.dot(keys, wk_ref[...], preferred_element_type=jnp.float32) \
            + bk_ref[...]
        vv = jnp.dot(keys, wv_ref[...], preferred_element_type=jnp.float32) \
            + bv_ref[...]
        scores = lax.dot_general(q, kk, (((1,), (1,)), ((), ())),
                                 preferred_element_type=jnp.float32) / 8.0
        m = jnp.max(scores, axis=-1, keepdims=True)
        e = jnp.exp(scores - m)
        attn = e / jnp.sum(e, axis=-1, keepdims=True)
        ao = jnp.dot(attn, vv, preferred_element_type=jnp.float32)
        o = jnp.dot(ao, wo_ref[...], preferred_element_type=jnp.float32) \
            + bo_ref[...]
        so = _selu(o)
        prod = so[:, :, None] * wfc_ref[...]
        rows.append(jnp.sum(prod, axis=(0, 1)) + bfc_ref[0, :])
    out_ref[...] = jnp.stack(rows, axis=0)


def kernel(x, edge_index, shuffle_indices, W1, b1, W2, b2, Wq, bq, Wk, bk,
           Wv, bv, Wo, bo, Wfc, bfc):
    f32 = jnp.float32
    src2d = edge_index[0].reshape(NCHUNKS, CHUNK)
    dst2d = edge_index[1].reshape(NCHUNKS, CHUNK)
    mask = x[:, IN_CH - 3].reshape(BATCH, NB)
    wfc3 = Wfc.reshape(MAXN, HID, MAXN)

    deg_p, sel = _deg_sel_call(dst2d, mask, shuffle_indices)
    deg_pt = deg_p.T

    g1 = pl.pallas_call(
        _tc_g1_body,
        grid=(NTOT // _BLK,),
        in_specs=[
            pl.BlockSpec((_BLK, IN_CH), lambda i: (i, 0)),
            pl.BlockSpec((IN_CH, HID), lambda i: (0, 0)),
            pl.BlockSpec((_BLK, NC), lambda i: (i, 0)),
        ],
        out_specs=pl.BlockSpec((_BLK, HID), lambda i: (i, 0)),
        out_shape=jax.ShapeDtypeStruct((NTOT, HID), f32),
    )(x, W1, deg_pt)

    part1 = _scatter_call(g1, src2d, dst2d)

    g2 = pl.pallas_call(
        _tc_g2_body,
        grid=(NTOT // _BLK,),
        in_specs=[
            pl.BlockSpec((NC, _BLK, HID), lambda i: (0, i, 0)),
            pl.BlockSpec((_BLK, HID), lambda i: (i, 0)),
            pl.BlockSpec((_BLK, NC), lambda i: (i, 0)),
            pl.BlockSpec((1, HID), lambda i: (0, 0)),
            pl.BlockSpec((HID, HID), lambda i: (0, 0)),
        ],
        out_specs=pl.BlockSpec((_BLK, HID), lambda i: (i, 0)),
        out_shape=jax.ShapeDtypeStruct((NTOT, HID), f32),
    )(part1, g1, deg_pt, b1.reshape(1, HID), W2)

    part2 = _scatter_call(g2, src2d, dst2d)

    out = pl.pallas_call(
        _tc_final_body,
        out_shape=jax.ShapeDtypeStruct((BATCH, MAXN), f32),
    )(part2, g2, deg_pt, b2.reshape(1, HID), sel,
      Wq, bq.reshape(1, HID), Wk, bk.reshape(1, HID), Wv, bv.reshape(1, HID),
      Wo, bo.reshape(1, HID), wfc3, bfc.reshape(1, MAXN))
    return out

# --- scband reference (transcript-rebuilt; emitter-appended) ---
"""Pipeline reference for scband-gdqn-attention-72851235275288 (READ-ONLY COPY).

The authoritative reference and input builder live on the scoring server;
editing this copy changes nothing except your own understanding.
"""

import jax, jax.numpy as jnp
import numpy as np

TOTAL_NODES = 10000
N_NODES = 5000
BATCH = 2
N_EDGES = 320000
IN_CH = 128
HID = 64
MAX_NEIGH = 32


def _gcn_conv(x, edge_index, W, b, num_nodes):
    src = edge_index[0]
    dst = edge_index[1]
    loop = jnp.arange(num_nodes, dtype=src.dtype)
    src = jnp.concatenate([src, loop])
    dst = jnp.concatenate([dst, loop])
    deg = jax.ops.segment_sum(jnp.ones(dst.shape[0], dtype=x.dtype), dst, num_segments=num_nodes)
    dinv = jnp.where(deg > 0, deg ** -0.5, 0.0)
    norm = dinv[src] * dinv[dst]
    h = x @ W
    msg = h[src] * norm[:, None]
    out = jax.ops.segment_sum(msg, dst, num_segments=num_nodes)
    return out + b


def setup_inputs(seed: int = 0) -> dict:
    key = jax.random.key(seed)
    ks = jax.random.split(key, 20)
    inp = {}
    inp['x'] = jax.random.normal(ks[0], (TOTAL_NODES, IN_CH), dtype=jnp.float32)
    inp['edge_index'] = jax.random.randint(ks[1], (2, N_EDGES), 0, TOTAL_NODES, dtype=jnp.int32)
    inp['shuffle_indices'] = jax.random.randint(ks[2], (BATCH, MAX_NEIGH), 0, N_NODES, dtype=jnp.int32)
    s = 0.05
    inp['W1'] = jax.random.normal(ks[3], (IN_CH, HID), dtype=jnp.float32) * s
    inp['b1'] = jnp.zeros((HID,), dtype=jnp.float32)
    inp['W2'] = jax.random.normal(ks[4], (HID, HID), dtype=jnp.float32) * s
    inp['b2'] = jnp.zeros((HID,), dtype=jnp.float32)
    inp['Wq'] = jax.random.normal(ks[5], (HID, HID), dtype=jnp.float32) * s
    inp['bq'] = jnp.zeros((HID,), dtype=jnp.float32)
    inp['Wk'] = jax.random.normal(ks[6], (HID, HID), dtype=jnp.float32) * s
    inp['bk'] = jnp.zeros((HID,), dtype=jnp.float32)
    inp['Wv'] = jax.random.normal(ks[7], (HID, HID), dtype=jnp.float32) * s
    inp['bv'] = jnp.zeros((HID,), dtype=jnp.float32)
    inp['Wo'] = jax.random.normal(ks[8], (HID, HID), dtype=jnp.float32) * s
    inp['bo'] = jnp.zeros((HID,), dtype=jnp.float32)
    inp['Wfc'] = jax.random.normal(ks[9], (HID * MAX_NEIGH, MAX_NEIGH), dtype=jnp.float32) * s
    inp['bfc'] = jnp.zeros((MAX_NEIGH,), dtype=jnp.float32)
    return inp


def reference(x, edge_index, shuffle_indices, W1, b1, W2, b2, Wq, bq, Wk, bk, Wv, bv, Wo, bo, Wfc, bfc):
    num_nodes = x.shape[0]
    batch_neighbor_mask = x[:, -3].reshape(-1, N_NODES)
    h = _gcn_conv(x, edge_index, W1, b1, num_nodes)
    h = jax.nn.selu(h)
    h = _gcn_conv(h, edge_index, W2, b2, num_nodes)
    h = jax.nn.selu(h)
    keys = h.reshape(-1, N_NODES, HID)
    values = keys
    batch_size = keys.shape[0]
    querys = []
    for i in range(batch_size):
        idx = jnp.nonzero(batch_neighbor_mask[i], size=N_NODES, fill_value=0)[0]
        q = keys[i][idx]
        if q.shape[0] < MAX_NEIGH:
            q = jnp.pad(q, ((0, MAX_NEIGH - q.shape[0]), (0, 0)))
        querys.append(q)
    querys = jnp.stack(querys)
    batch_indices = jnp.arange(batch_size)[:, None]
    shuffled_query = querys[batch_indices, shuffle_indices]
    # CrossAttention with num_heads=1 (head reshape/transpose is identity)
    Q = shuffled_query @ Wq + bq
    K = keys @ Wk + bk
    V = values @ Wv + bv
    scores = jnp.einsum('bqd,bkd->bqk', Q, K) / (HID ** 0.5)
    attn = jax.nn.softmax(scores, axis=-1)
    attn_out = jnp.einsum('bqk,bkd->bqd', attn, V)
    out = attn_out @ Wo + bo
    out = out.reshape(-1, HID * MAX_NEIGH)
    out = jax.nn.selu(out)
    return out @ Wfc + bfc

if __name__ == "__main__":
    import jax
    _d = setup_inputs()
    print(jax.jit(kernel)(*tuple(_d.values())))

</pallas_src>

<mosaic_0001>
#map = affine_map<(d0, d1) -> (0, 0)>
#map1 = affine_map<(d0, d1) -> (0, 0, 0)>
module attributes {stable_mosaic.version = 14 : i64} {
  func.func @_sc_scatter(%arg0: i32, %arg1: i32, %arg2: memref<10000x64xf32, #tpu.memory_space<hbm>>, %arg3: memref<2500x128xi32, #tpu.memory_space<hbm>>, %arg4: memref<2500x128xi32, #tpu.memory_space<hbm>>, %arg5: memref<2x10000x64xf32, #tpu.memory_space<hbm>>, %arg6: memref<79x128xi32, #tpu.memory_space<vmem>>, %arg7: memref<79x128xi32, #tpu.memory_space<vmem>>, %arg8: memref<128x64xf32, #tpu.memory_space<vmem>>, %arg9: memref<128x64xf32, #tpu.memory_space<vmem>>, %arg10: memref<128x64xf32, #tpu.memory_space<vmem>>, %arg11: memref<128x64xf32, #tpu.memory_space<vmem>>, %arg12: memref<128x64xf32, #tpu.memory_space<vmem>>, %arg13: memref<128x64xf32, #tpu.memory_space<vmem>>, %arg14: memref<10000x64xf32, #tpu.memory_space<vmem_shared>>, %arg15: memref<!tpu.dma_semaphore, #tpu.memory_space<semaphore_mem>>, %arg16: memref<!tpu.dma_semaphore, #tpu.memory_space<semaphore_mem>>, %arg17: memref<!tpu.dma_semaphore, #tpu.memory_space<semaphore_mem>>, %arg18: memref<!tpu.dma_semaphore, #tpu.memory_space<semaphore_mem>>, %arg19: memref<!tpu.dma_semaphore, #tpu.memory_space<semaphore_mem>>, %arg20: memref<!tpu.dma_semaphore, #tpu.memory_space<semaphore_mem>>, %arg21: memref<!tpu.dma_semaphore, #tpu.memory_space<semaphore_mem>>, %arg22: memref<!tpu.dma_semaphore, #tpu.memory_space<semaphore_mem>>, %arg23: memref<!tpu.dma_semaphore, #tpu.memory_space<semaphore_mem>>, %arg24: memref<!tpu.dma_semaphore, #tpu.memory_space<semaphore_mem>>, %arg25: memref<!tpu.dma_semaphore, #tpu.memory_space<semaphore_mem>>, %arg26: memref<!tpu.dma_semaphore, #tpu.memory_space<semaphore_mem>>) attributes {dimension_semantics = [#tpu.dimension_semantics<core_parallel>, #tpu.dimension_semantics<subcore_parallel>], iteration_bounds = array<i64: 2, 16>, scalar_prefetch = 0 : i64, scratch_operands = 21 : i64, tpu.core_type = #tpu.core_type<sc_vector_subcore>, window_params = [{transform_indices = #map}, {transform_indices = #map}, {transform_indices = #map}, {transform_indices = #map1}]} {
    %mul3A = arith.constant 2 : i32
    %mul3A_0 = arith.muli %arg1, %mul3A : i32
    %add3A = arith.addi %mul3A_0, %arg0 : i32
    %scan3A = arith.constant 0 : i32
    %scan3A_1 = arith.constant 0 : i32
    %scan3A_2 = arith.constant 512 : i32
    %scan3A_3 = arith.addi %scan3A_1, %scan3A_2 : i32
    %scan3A_4 = arith.constant 1 : i32
    %scan3A_5 = scf.for %scan3A_107 = %scan3A_1 to %scan3A_3 step %scan3A_4 iter_args(%scan3A_108 = %scan3A) -> (i32)  : i32 {
      %broadcast_in_dim3A = arith.constant 0.000000e+00 : f32
      %broadcast_in_dim3A_109 = vector.broadcast %broadcast_in_dim3A : f32 to vector<16xf32>
      %jit3A_110 = arith.constant 4 : i32
      %div3A = arith.divsi %scan3A_107, %jit3A_110 : i32
      %sign3A = arith.constant 0 : i32
      %sign3A_111 = arith.cmpi sgt, %scan3A_107, %sign3A : i32
      %sign3A_112 = arith.extui %sign3A_111 : i1 to i32
      %sign3A_113 = arith.constant 0 : i32
      %sign3A_114 = arith.cmpi slt, %scan3A_107, %sign3A_113 : i32
      %sign3A_115 = arith.extui %sign3A_114 : i1 to i32
      %sign3A_116 = arith.subi %sign3A_112, %sign3A_115 : i32
      %sign3A_117 = arith.constant 0 : i32
      %sign3A_118 = arith.cmpi sgt, %jit3A_110, %sign3A_117 : i32
      %sign3A_119 = arith.extui %sign3A_118 : i1 to i32
      %sign3A_120 = arith.constant 0 : i32
      %sign3A_121 = arith.cmpi slt, %jit3A_110, %sign3A_120 : i32
      %sign3A_122 = arith.extui %sign3A_121 : i1 to i32
      %sign3A_123 = arith.subi %sign3A_119, %sign3A_122 : i32
      %ne3A = arith.cmpi ne, %sign3A_116, %sign3A_123 : i32
      %rem3A = arith.remsi %scan3A_107, %jit3A_110 : i32
      %ne3A_124 = arith.constant 0 : i32
      %ne3A_125 = arith.cmpi ne, %rem3A, %ne3A_124 : i32
      %and3A = arith.andi %ne3A, %ne3A_125 : i1
      %sub3A = arith.constant 1 : i32
      %sub3A_126 = arith.subi %div3A, %sub3A : i32
      %select_n3A_127 = arith.select %and3A, %sub3A_126, %div3A : i32
      %jit3A_128 = arith.constant 4 : i32
      %eq3A = arith.constant 0 : i32
      %eq3A_129 = arith.cmpi eq, %jit3A_128, %eq3A : i32
      %jit3A_130 = arith.constant 1 : i32
      %select_n3A_131 = arith.select %eq3A_129, %jit3A_130, %jit3A_128 : i32
      %rem3A_132 = arith.remsi %scan3A_107, %select_n3A_131 : i32
      %ne3A_133 = arith.constant 0 : i32
      %ne3A_134 = arith.cmpi ne, %rem3A_132, %ne3A_133 : i32
      %lt3A_135 = arith.constant 0 : i32
      %lt3A_136 = arith.cmpi slt, %rem3A_132, %lt3A_135 : i32
      %lt3A_137 = arith.constant 0 : i32
      %lt3A_138 = arith.cmpi slt, %select_n3A_131, %lt3A_137 : i32
      %ne3A_139 = arith.xori %lt3A_136, %lt3A_138 : i1
      %and3A_140 = arith.andi %ne3A_139, %ne3A_134 : i1
      %add3A_141 = arith.addi %rem3A_132, %select_n3A_131 : i32
      %select_n3A_142 = arith.select %and3A_140, %add3A_141, %rem3A_132 : i32
      %mul3A_143 = arith.constant 16 : i32
      %mul3A_144 = arith.muli %select_n3A_142, %mul3A_143 : i32
      %swap3A = arith.index_cast %select_n3A_127 : i32 to index
      %swap3A_145 = arith.index_cast %mul3A_144 : i32 to index
      %swap3A_146 = tpu.vector_load %arg8[%swap3A, %swap3A_145] {strides = array<i32>} : memref<128x64xf32, #tpu.memory_space<vmem>>, vector<16xf32>,
      tpu.vector_store %arg8[%swap3A, %swap3A_145], %broadcast_in_dim3A_109 {strides = array<i32>} : memref<128x64xf32, #tpu.memory_space<vmem>>, vector<16xf32>,
      %scan3A_147 = arith.constant 0 : i32
      scf.yield %scan3A_147 : i32
    }
    %scan3A_6 = arith.constant 512 : i32
    %mul3A_7 = arith.constant 625 : i32
    %mul3A_8 = arith.muli %arg1, %mul3A_7 : i32
    %add3A_9 = arith.constant 0 : i32
    %add3A_10 = arith.addi %mul3A_8, %add3A_9 : i32
    "tpu.region"() ({
      %run_scoped3A = tpu.sem_alloc : memref<!tpu.dma_semaphore, #tpu.memory_space<semaphore_mem>>
      %dma_start3A = arith.constant 0 : i32
      %dma_start3A_107 = tpu.memref_slice %arg14[%add3A_10, %dma_start3A] : memref<10000x64xf32, #tpu.memory_space<vmem_shared>> -> memref<128x64xf32, #tpu.memory_space<vmem_shared>>
      %dma_start3A_108 = arith.constant 0 : i32
      %dma_start3A_109 = tpu.memref_slice %arg14[%add3A_10, %dma_start3A_108] : memref<10000x64xf32, #tpu.memory_space<vmem_shared>> -> memref<128x64xf32, #tpu.memory_space<vmem_shared>>
      tpu.enqueue_dma source(%arg8 : memref<128x64xf32, #tpu.memory_space<vmem>>) target(%dma_start3A_109 : memref<128x64xf32, #tpu.memory_space<vmem_shared>>) target_semaphore(%run_scoped3A : memref<!tpu.dma_semaphore, #tpu.memory_space<semaphore_mem>>)
      %dma_wait3A = arith.constant 0 : i32
      %dma_wait3A_110 = tpu.memref_slice %arg14[%add3A_10, %dma_wait3A] : memref<10000x64xf32, #tpu.memory_space<vmem_shared>> -> memref<128x64xf32, #tpu.memory_space<vmem_shared>>
      %dma_wait3A_111 = arith.constant 0 : i32
      %dma_wait3A_112 = tpu.memref_slice %arg14[%add3A_10, %dma_wait3A_111] : memref<10000x64xf32, #tpu.memory_space<vmem_shared>> -> memref<128x64xf32, #tpu.memory_space<vmem_shared>>
      tpu.wait_dma2 semaphore(%run_scoped3A : memref<!tpu.dma_semaphore, #tpu.memory_space<semaphore_mem>>) src(%arg8 : memref<128x64xf32, #tpu.memory_space<vmem>>) dst(%dma_wait3A_112 : memref<128x64xf32, #tpu.memory_space<vmem_shared>>)
      tpu.yield
    }) : () -> ()
    %mul3A_11 = arith.constant 625 : i32
    %mul3A_12 = arith.muli %arg1, %mul3A_11 : i32
    %add3A_13 = arith.constant 128 : i32
    %add3A_14 = arith.addi %mul3A_12, %add3A_13 : i32
    "tpu.region"() ({
      %run_scoped3A = tpu.sem_alloc : memref<!tpu.dma_semaphore, #tpu.memory_space<semaphore_mem>>
      %dma_start3A = arith.constant 0 : i32
      %dma_start3A_107 = tpu.memref_slice %arg14[%add3A_14, %dma_start3A] : memref<10000x64xf32, #tpu.memory_space<vmem_shared>> -> memref<128x64xf32, #tpu.memory_space<vmem_shared>>
      %dma_start3A_108 = arith.constant 0 : i32
      %dma_start3A_109 = tpu.memref_slice %arg14[%add3A_14, %dma_start3A_108] : memref<10000x64xf32, #tpu.memory_space<vmem_shared>> -> memref<128x64xf32, #tpu.memory_space<vmem_shared>>
      tpu.enqueue_dma source(%arg8 : memref<128x64xf32, #tpu.memory_space<vmem>>) target(%dma_start3A_109 : memref<128x64xf32, #tpu.memory_space<vmem_shared>>) target_semaphore(%run_scoped3A : memref<!tpu.dma_semaphore, #tpu.memory_space<semaphore_mem>>)
      %dma_wait3A = arith.constant 0 : i32
      %dma_wait3A_110 = tpu.memref_slice %arg14[%add3A_14, %dma_wait3A] : memref<10000x64xf32, #tpu.memory_space<vmem_shared>> -> memref<128x64xf32, #tpu.memory_space<vmem_shared>>
      %dma_wait3A_111 = arith.constant 0 : i32
      %dma_wait3A_112 = tpu.memref_slice %arg14[%add3A_14, %dma_wait3A_111] : memref<10000x64xf32, #tpu.memory_space<vmem_shared>> -> memref<128x64xf32, #tpu.memory_space<vmem_shared>>
      tpu.wait_dma2 semaphore(%run_scoped3A : memref<!tpu.dma_semaphore, #tpu.memory_space<semaphore_mem>>) src(%arg8 : memref<128x64xf32, #tpu.memory_space<vmem>>) dst(%dma_wait3A_112 : memref<128x64xf32, #tpu.memory_space<vmem_shared>>)
      tpu.yield
    }) : () -> ()
    %mul3A_15 = arith.constant 625 : i32
    %mul3A_16 = arith.muli %arg1, %mul3A_15 : i32
    %add3A_17 = arith.constant 256 : i32
    %add3A_18 = arith.addi %mul3A_16, %add3A_17 : i32
    "tpu.region"() ({
      %run_scoped3A = tpu.sem_alloc : memref<!tpu.dma_semaphore, #tpu.memory_space<semaphore_mem>>
      %dma_start3A = arith.constant 0 : i32
      %dma_start3A_107 = tpu.memref_slice %arg14[%add3A_18, %dma_start3A] : memref<10000x64xf32, #tpu.memory_space<vmem_shared>> -> memref<128x64xf32, #tpu.memory_space<vmem_shared>>
      %dma_start3A_108 = arith.constant 0 : i32
      %dma_start3A_109 = tpu.memref_slice %arg14[%add3A_18, %dma_start3A_108] : memref<10000x64xf32, #tpu.memory_space<vmem_shared>> -> memref<128x64xf32, #tpu.memory_space<vmem_shared>>
      tpu.enqueue_dma source(%arg8 : memref<128x64xf32, #tpu.memory_space<vmem>>) target(%dma_start3A_109 : memref<128x64xf32, #tpu.memory_space<vmem_shared>>) target_semaphore(%run_scoped3A : memref<!tpu.dma_semaphore, #tpu.memory_space<semaphore_mem>>)
      %dma_wait3A = arith.constant 0 : i32
      %dma_wait3A_110 = tpu.memref_slice %arg14[%add3A_18, %dma_wait3A] : memref<10000x64xf32, #tpu.memory_space<vmem_shared>> -> memref<128x64xf32, #tpu.memory_space<vmem_shared>>
      %dma_wait3A_111 = arith.constant 0 : i32
      %dma_wait3A_112 = tpu.memref_slice %arg14[%add3A_18, %dma_wait3A_111] : memref<10000x64xf32, #tpu.memory_space<vmem_shared>> -> memref<128x64xf32, #tpu.memory_space<vmem_shared>>
      tpu.wait_dma2 semaphore(%run_scoped3A : memref<!tpu.dma_semaphore, #tpu.memory_space<semaphore_mem>>) src(%arg8 : memref<128x64xf32, #tpu.memory_space<vmem>>) dst(%dma_wait3A_112 : memref<128x64xf32, #tpu.memory_space<vmem_shared>>)
      tpu.yield
    }) : () -> ()
    %mul3A_19 = arith.constant 625 : i32
    %mul3A_20 = arith.muli %arg1, %mul3A_19 : i32
    %add3A_21 = arith.constant 384 : i32
    %add3A_22 = arith.addi %mul3A_20, %add3A_21 : i32
    "tpu.region"() ({
      %run_scoped3A = tpu.sem_alloc : memref<!tpu.dma_semaphore, #tpu.memory_space<semaphore_mem>>
      %dma_start3A = arith.constant 0 : i32
      %dma_start3A_107 = tpu.memref_slice %arg14[%add3A_22, %dma_start3A] : memref<10000x64xf32, #tpu.memory_space<vmem_shared>> -> memref<128x64xf32, #tpu.memory_space<vmem_shared>>
      %dma_start3A_108 = arith.constant 0 : i32
      %dma_start3A_109 = tpu.memref_slice %arg14[%add3A_22, %dma_start3A_108] : memref<10000x64xf32, #tpu.memory_space<vmem_shared>> -> memref<128x64xf32, #tpu.memory_space<vmem_shared>>
      tpu.enqueue_dma source(%arg8 : memref<128x64xf32, #tpu.memory_space<vmem>>) target(%dma_start3A_109 : memref<128x64xf32, #tpu.memory_space<vmem_shared>>) target_semaphore(%run_scoped3A : memref<!tpu.dma_semaphore, #tpu.memory_space<semaphore_mem>>)
      %dma_wait3A = arith.constant 0 : i32
      %dma_wait3A_110 = tpu.memref_slice %arg14[%add3A_22, %dma_wait3A] : memref<10000x64xf32, #tpu.memory_space<vmem_shared>> -> memref<128x64xf32, #tpu.memory_space<vmem_shared>>
      %dma_wait3A_111 = arith.constant 0 : i32
      %dma_wait3A_112 = tpu.memref_slice %arg14[%add3A_22, %dma_wait3A_111] : memref<10000x64xf32, #tpu.memory_space<vmem_shared>> -> memref<128x64xf32, #tpu.memory_space<vmem_shared>>
      tpu.wait_dma2 semaphore(%run_scoped3A : memref<!tpu.dma_semaphore, #tpu.memory_space<semaphore_mem>>) src(%arg8 : memref<128x64xf32, #tpu.memory_space<vmem>>) dst(%dma_wait3A_112 : memref<128x64xf32, #tpu.memory_space<vmem_shared>>)
      tpu.yield
    }) : () -> ()
    %mul3A_23 = arith.constant 625 : i32
    %mul3A_24 = arith.muli %arg1, %mul3A_23 : i32
    %add3A_25 = arith.constant 512 : i32
    %add3A_26 = arith.addi %mul3A_24, %add3A_25 : i32
    "tpu.region"() ({
      %run_scoped3A = tpu.sem_alloc : memref<!tpu.dma_semaphore, #tpu.memory_space<semaphore_mem>>
      %dma_start3A = arith.constant 0 : i32
      %dma_start3A_107 = arith.constant 0 : i32
      %dma_start3A_108 = tpu.memref_slice %arg8[%dma_start3A, %dma_start3A_107] : memref<128x64xf32, #tpu.memory_space<vmem>> -> memref<113x64xf32, #tpu.memory_space<vmem>>
      %dma_start3A_109 = arith.constant 0 : i32
      %dma_start3A_110 = tpu.memref_slice %arg14[%add3A_26, %dma_start3A_109] : memref<10000x64xf32, #tpu.memory_space<vmem_shared>> -> memref<113x64xf32, #tpu.memory_space<vmem_shared>>
      %dma_start3A_111 = arith.constant 0 : i32
      %dma_start3A_112 = tpu.memref_slice %arg14[%add3A_26, %dma_start3A_111] : memref<10000x64xf32, #tpu.memory_space<vmem_shared>> -> memref<113x64xf32, #tpu.memory_space<vmem_shared>>
      %dma_start3A_113 = arith.constant 0 : i32
      %dma_start3A_114 = arith.constant 0 : i32
      %dma_start3A_115 = tpu.memref_slice %arg8[%dma_start3A_113, %dma_start3A_114] : memref<128x64xf32, #tpu.memory_space<vmem>> -> memref<113x64xf32, #tpu.memory_space<vmem>>
      tpu.enqueue_dma source(%dma_start3A_115 : memref<113x64xf32, #tpu.memory_space<vmem>>) target(%dma_start3A_112 : memref<113x64xf32, #tpu.memory_space<vmem_shared>>) target_semaphore(%run_scoped3A : memref<!tpu.dma_semaphore, #tpu.memory_space<semaphore_mem>>)
      %dma_wait3A = arith.constant 0 : i32
      %dma_wait3A_116 = arith.constant 0 : i32
      %dma_wait3A_117 = tpu.memref_slice %arg8[%dma_wait3A, %dma_wait3A_116] : memref<128x64xf32, #tpu.memory_space<vmem>> -> memref<113x64xf32, #tpu.memory_space<vmem>>
      %dma_wait3A_118 = arith.constant 0 : i32
      %dma_wait3A_119 = tpu.memref_slice %arg14[%add3A_26, %dma_wait3A_118] : memref<10000x64xf32, #tpu.memory_space<vmem_shared>> -> memref<113x64xf32, #tpu.memory_space<vmem_shared>>
      %dma_wait3A_120 = arith.constant 0 : i32
      %dma_wait3A_121 = tpu.memref_slice %arg14[%add3A_26, %dma_wait3A_120] : memref<10000x64xf32, #tpu.memory_space<vmem_shared>> -> memref<113x64xf32, #tpu.memory_space<vmem_shared>>
      %dma_wait3A_122 = arith.constant 0 : i32
      %dma_wait3A_123 = arith.constant 0 : i32
      %dma_wait3A_124 = tpu.memref_slice %arg8[%dma_wait3A_122, %dma_wait3A_123] : memref<128x64xf32, #tpu.memory_space<vmem>> -> memref<113x64xf32, #tpu.memory_space<vmem>>
      tpu.wait_dma2 semaphore(%run_scoped3A : memref<!tpu.dma_semaphore, #tpu.memory_space<semaphore_mem>>) src(%dma_wait3A_124 : memref<113x64xf32, #tpu.memory_space<vmem>>) dst(%dma_wait3A_121 : memref<113x64xf32, #tpu.memory_space<vmem_shared>>)
      tpu.yield
    }) : () -> ()
    %barrier3A = arith.constant 0 : index
    tpu.barrier barrier_id(%barrier3A)
    %mul3A_27 = arith.constant 78 : i32
    %mul3A_28 = arith.muli %add3A, %mul3A_27 : i32
    "tpu.region"() ({
      %run_scoped3A = tpu.sem_alloc : memref<!tpu.dma_semaphore, #tpu.memory_space<semaphore_mem>>
      %dma_start3A = arith.constant 0 : i32
      %dma_start3A_107 = arith.constant 0 : i32
      %dma_start3A_108 = tpu.memref_slice %arg6[%dma_start3A, %dma_start3A_107] : memref<79x128xi32, #tpu.memory_space<vmem>> -> memref<78x128xi32, #tpu.memory_space<vmem>>
      %dma_start3A_109 = arith.constant 0 : i32
      %dma_start3A_110 = tpu.memref_slice %arg3[%mul3A_28, %dma_start3A_109] : memref<2500x128xi32, #tpu.memory_space<hbm>> -> memref<78x128xi32, #tpu.memory_space<hbm>>
      %dma_start3A_111 = arith.constant 0 : i32
      %dma_start3A_112 = arith.constant 0 : i32
      %dma_start3A_113 = tpu.memref_slice %arg6[%dma_start3A_111, %dma_start3A_112] : memref<79x128xi32, #tpu.memory_space<vmem>> -> memref<78x128xi32, #tpu.memory_space<vmem>>
      %dma_start3A_114 = arith.constant 0 : i32
      %dma_start3A_115 = tpu.memref_slice %arg3[%mul3A_28, %dma_start3A_114] : memref<2500x128xi32, #tpu.memory_space<hbm>> -> memref<78x128xi32, #tpu.memory_space<hbm>>
      tpu.enqueue_dma source(%dma_start3A_115 : memref<78x128xi32, #tpu.memory_space<hbm>>) target(%dma_start3A_113 : memref<78x128xi32, #tpu.memory_space<vmem>>) target_semaphore(%run_scoped3A : memref<!tpu.dma_semaphore, #tpu.memory_space<semaphore_mem>>)
      %dma_wait3A = arith.constant 0 : i32
      %dma_wait3A_116 = arith.constant 0 : i32
      %dma_wait3A_117 = tpu.memref_slice %arg6[%dma_wait3A, %dma_wait3A_116] : memref<79x128xi32, #tpu.memory_space<vmem>> -> memref<78x128xi32, #tpu.memory_space<vmem>>
      %dma_wait3A_118 = arith.constant 0 : i32
      %dma_wait3A_119 = tpu.memref_slice %arg3[%mul3A_28, %dma_wait3A_118] : memref<2500x128xi32, #tpu.memory_space<hbm>> -> memref<78x128xi32, #tpu.memory_space<hbm>>
      %dma_wait3A_120 = arith.constant 0 : i32
      %dma_wait3A_121 = arith.constant 0 : i32
      %dma_wait3A_122 = tpu.memref_slice %arg6[%dma_wait3A_120, %dma_wait3A_121] : memref<79x128xi32, #tpu.memory_space<vmem>> -> memref<78x128xi32, #tpu.memory_space<vmem>>
      %dma_wait3A_123 = arith.constant 0 : i32
      %dma_wait3A_124 = tpu.memref_slice %arg3[%mul3A_28, %dma_wait3A_123] : memref<2500x128xi32, #tpu.memory_space<hbm>> -> memref<78x128xi32, #tpu.memory_space<hbm>>
      tpu.wait_dma2 semaphore(%run_scoped3A : memref<!tpu.dma_semaphore, #tpu.memory_space<semaphore_mem>>) src(%dma_wait3A_124 : memref<78x128xi32, #tpu.memory_space<hbm>>) dst(%dma_wait3A_122 : memref<78x128xi32, #tpu.memory_space<vmem>>)
      tpu.yield
    }) : () -> ()
    %mul3A_29 = arith.constant 78 : i32
    %mul3A_30 = arith.muli %add3A, %mul3A_29 : i32
    "tpu.region"() ({
      %run_scoped3A = tpu.sem_alloc : memref<!tpu.dma_semaphore, #tpu.memory_space<semaphore_mem>>
      %dma_start3A = arith.constant 0 : i32
      %dma_start3A_107 = arith.constant 0 : i32
      %dma_start3A_108 = tpu.memref_slice %arg7[%dma_start3A, %dma_start3A_107] : memref<79x128xi32, #tpu.memory_space<vmem>> -> memref<78x128xi32, #tpu.memory_space<vmem>>
      %dma_start3A_109 = arith.constant 0 : i32
      %dma_start3A_110 = tpu.memref_slice %arg4[%mul3A_30, %dma_start3A_109] : memref<2500x128xi32, #tpu.memory_space<hbm>> -> memref<78x128xi32, #tpu.memory_space<hbm>>
      %dma_start3A_111 = arith.constant 0 : i32
      %dma_start3A_112 = arith.constant 0 : i32
      %dma_start3A_113 = tpu.memref_slice %arg7[%dma_start3A_111, %dma_start3A_112] : memref<79x128xi32, #tpu.memory_space<vmem>> -> memref<78x128xi32, #tpu.memory_space<vmem>>
      %dma_start3A_114 = arith.constant 0 : i32
      %dma_start3A_115 = tpu.memref_slice %arg4[%mul3A_30, %dma_start3A_114] : memref<2500x128xi32, #tpu.memory_space<hbm>> -> memref<78x128xi32, #tpu.memory_space<hbm>>
      tpu.enqueue_dma source(%dma_start3A_115 : memref<78x128xi32, #tpu.memory_space<hbm>>) target(%dma_start3A_113 : memref<78x128xi32, #tpu.memory_space<vmem>>) target_semaphore(%run_scoped3A : memref<!tpu.dma_semaphore, #tpu.memory_space<semaphore_mem>>)
      %dma_wait3A = arith.constant 0 : i32
      %dma_wait3A_116 = arith.constant 0 : i32
      %dma_wait3A_117 = tpu.memref_slice %arg7[%dma_wait3A, %dma_wait3A_116] : memref<79x128xi32, #tpu.memory_space<vmem>> -> memref<78x128xi32, #tpu.memory_space<vmem>>
      %dma_wait3A_118 = arith.constant 0 : i32
      %dma_wait3A_119 = tpu.memref_slice %arg4[%mul3A_30, %dma_wait3A_118] : memref<2500x128xi32, #tpu.memory_space<hbm>> -> memref<78x128xi32, #tpu.memory_space<hbm>>
      %dma_wait3A_120 = arith.constant 0 : i32
      %dma_wait3A_121 = arith.constant 0 : i32
      %dma_wait3A_122 = tpu.memref_slice %arg7[%dma_wait3A_120, %dma_wait3A_121] : memref<79x128xi32, #tpu.memory_space<vmem>> -> memref<78x128xi32, #tpu.memory_space<vmem>>
      %dma_wait3A_123 = arith.constant 0 : i32
      %dma_wait3A_124 = tpu.memref_slice %arg4[%mul3A_30, %dma_wait3A_123] : memref<2500x128xi32, #tpu.memory_space<hbm>> -> memref<78x128xi32, #tpu.memory_space<hbm>>
      tpu.wait_dma2 semaphore(%run_scoped3A : memref<!tpu.dma_semaphore, #tpu.memory_space<semaphore_mem>>) src(%dma_wait3A_124 : memref<78x128xi32, #tpu.memory_space<hbm>>) dst(%dma_wait3A_122 : memref<78x128xi32, #tpu.memory_space<vmem>>)
      tpu.yield
    }) : () -> ()
    %lt3A = arith.constant 4 : i32
    %lt3A_31 = arith.cmpi slt, %add3A, %lt3A : i32
    %convert_element_type3A = arith.extui %lt3A_31 : i1 to i32
    %cond3A = arith.constant 0 : i32
    %cond3A_32 = arith.cmpi ne, %convert_element_type3A, %cond3A : i32
    scf.if %cond3A_32 {
      %add3A_107 = arith.constant 2496 : i32
      %add3A_108 = arith.addi %add3A_107, %add3A : i32
      "tpu.region"() ({
        %run_scoped3A = tpu.sem_alloc : memref<!tpu.dma_semaphore, #tpu.memory_space<semaphore_mem>>
        %dma_start3A = arith.constant 78 : i32
        %dma_start3A_111 = arith.constant 0 : i32
        %dma_start3A_112 = tpu.memref_slice %arg6[%dma_start3A, %dma_start3A_111] : memref<79x128xi32, #tpu.memory_space<vmem>> -> memref<1x128xi32, #tpu.memory_space<vmem>>
        %dma_start3A_113 = arith.constant 0 : i32
        %dma_start3A_114 = tpu.memref_slice %arg3[%add3A_108, %dma_start3A_113] : memref<2500x128xi32, #tpu.memory_space<hbm>> -> memref<1x128xi32, #tpu.memory_space<hbm>>
        %dma_start3A_115 = arith.constant 78 : i32
        %dma_start3A_116 = arith.constant 0 : i32
        %dma_start3A_117 = tpu.memref_slice %arg6[%dma_start3A_115, %dma_start3A_116] : memref<79x128xi32, #tpu.memory_space<vmem>> -> memref<1x128xi32, #tpu.memory_space<vmem>>
        %dma_start3A_118 = arith.constant 0 : i32
        %dma_start3A_119 = tpu.memref_slice %arg3[%add3A_108, %dma_start3A_118] : memref<2500x128xi32, #tpu.memory_space<hbm>> -> memref<1x128xi32, #tpu.memory_space<hbm>>
        tpu.enqueue_dma source(%dma_start3A_119 : memref<1x128xi32, #tpu.memory_space<hbm>>) target(%dma_start3A_117 : memref<1x128xi32, #tpu.memory_space<vmem>>) target_semaphore(%run_scoped3A : memref<!tpu.dma_semaphore, #tpu.memory_space<semaphore_mem>>)
        %dma_wait3A = arith.constant 78 : i32
        %dma_wait3A_120 = arith.constant 0 : i32
        %dma_wait3A_121 = tpu.memref_slice %arg6[%dma_wait3A, %dma_wait3A_120] : memref<79x128xi32, #tpu.memory_space<vmem>> -> memref<1x128xi32, #tpu.memory_space<vmem>>
        %dma_wait3A_122 = arith.constant 0 : i32
        %dma_wait3A_123 = tpu.memref_slice %arg3[%add3A_108, %dma_wait3A_122] : memref<2500x128xi32, #tpu.memory_space<hbm>> -> memref<1x128xi32, #tpu.memory_space<hbm>>
        %dma_wait3A_124 = arith.constant 78 : i32
        %dma_wait3A_125 = arith.constant 0 : i32
        %dma_wait3A_126 = tpu.memref_slice %arg6[%dma_wait3A_124, %dma_wait3A_125] : memref<79x128xi32, #tpu.memory_space<vmem>> -> memref<1x128xi32, #tpu.memory_space<vmem>>
        %dma_wait3A_127 = arith.constant 0 : i32
        %dma_wait3A_128 = tpu.memref_slice %arg3[%add3A_108, %dma_wait3A_127] : memref<2500x128xi32, #tpu.memory_space<hbm>> -> memref<1x128xi32, #tpu.memory_space<hbm>>
        tpu.wait_dma2 semaphore(%run_scoped3A : memref<!tpu.dma_semaphore, #tpu.memory_space<semaphore_mem>>) src(%dma_wait3A_128 : memref<1x128xi32, #tpu.memory_space<hbm>>) dst(%dma_wait3A_126 : memref<1x128xi32, #tpu.memory_space<vmem>>)
        tpu.yield
      }) : () -> ()
      %add3A_109 = arith.constant 2496 : i32
      %add3A_110 = arith.addi %add3A_109, %add3A : i32
      "tpu.region"() ({
        %run_scoped3A = tpu.sem_alloc : memref<!tpu.dma_semaphore, #tpu.memory_space<semaphore_mem>>
        %dma_start3A = arith.constant 78 : i32
        %dma_start3A_111 = arith.constant 0 : i32
        %dma_start3A_112 = tpu.memref_slice %arg7[%dma_start3A, %dma_start3A_111] : memref<79x128xi32, #tpu.memory_space<vmem>> -> memref<1x128xi32, #tpu.memory_space<vmem>>
        %dma_start3A_113 = arith.constant 0 : i32
        %dma_start3A_114 = tpu.memref_slice %arg4[%add3A_110, %dma_start3A_113] : memref<2500x128xi32, #tpu.memory_space<hbm>> -> memref<1x128xi32, #tpu.memory_space<hbm>>
        %dma_start3A_115 = arith.constant 78 : i32
        %dma_start3A_116 = arith.constant 0 : i32
        %dma_start3A_117 = tpu.memref_slice %arg7[%dma_start3A_115, %dma_start3A_116] : memref<79x128xi32, #tpu.memory_space<vmem>> -> memref<1x128xi32, #tpu.memory_space<vmem>>
        %dma_start3A_118 = arith.constant 0 : i32
        %dma_start3A_119 = tpu.memref_slice %arg4[%add3A_110, %dma_start3A_118] : memref<2500x128xi32, #tpu.memory_space<hbm>> -> memref<1x128xi32, #tpu.memory_space<hbm>>
        tpu.enqueue_dma source(%dma_start3A_119 : memref<1x128xi32, #tpu.memory_space<hbm>>) target(%dma_start3A_117 : memref<1x128xi32, #tpu.memory_space<vmem>>) target_semaphore(%run_scoped3A : memref<!tpu.dma_semaphore, #tpu.memory_space<semaphore_mem>>)
        %dma_wait3A = arith.constant 78 : i32
        %dma_wait3A_120 = arith.constant 0 : i32
        %dma_wait3A_121 = tpu.memref_slice %arg7[%dma_wait3A, %dma_wait3A_120] : memref<79x128xi32, #tpu.memory_space<vmem>> -> memref<1x128xi32, #tpu.memory_space<vmem>>
        %dma_wait3A_122 = arith.constant 0 : i32
        %dma_wait3A_123 = tpu.memref_slice %arg4[%add3A_110, %dma_wait3A_122] : memref<2500x128xi32, #tpu.memory_space<hbm>> -> memref<1x128xi32, #tpu.memory_space<hbm>>
        %dma_wait3A_124 = arith.constant 78 : i32
        %dma_wait3A_125 = arith.constant 0 : i32
        %dma_wait3A_126 = tpu.memref_slice %arg7[%dma_wait3A_124, %dma_wait3A_125] : memref<79x128xi32, #tpu.memory_space<vmem>> -> memref<1x128xi32, #tpu.memory_space<vmem>>
        %dma_wait3A_127 = arith.constant 0 : i32
        %dma_wait3A_128 = tpu.memref_slice %arg4[%add3A_110, %dma_wait3A_127] : memref<2500x128xi32, #tpu.memory_space<hbm>> -> memref<1x128xi32, #tpu.memory_space<hbm>>
        tpu.wait_dma2 semaphore(%run_scoped3A : memref<!tpu.dma_semaphore, #tpu.memory_space<semaphore_mem>>) src(%dma_wait3A_128 : memref<1x128xi32, #tpu.memory_space<hbm>>) dst(%dma_wait3A_126 : memref<1x128xi32, #tpu.memory_space<vmem>>)
        tpu.yield
      }) : () -> ()
    } else {
    }
    %lt3A_33 = arith.constant 4 : i32
    %lt3A_34 = arith.cmpi slt, %add3A, %lt3A_33 : i32
    %jit3A = arith.constant 79 : i32
    %jit3A_35 = arith.constant 78 : i32
    %select_n3A = arith.select %lt3A_34, %jit3A, %jit3A_35 : i32
    %gt3A = arith.constant 0 : i32
    %gt3A_36 = arith.cmpi sgt, %select_n3A, %gt3A : i32
    %convert_element_type3A_37 = arith.extui %gt3A_36 : i1 to i32
    %cond3A_38 = arith.constant 0 : i32
    %cond3A_39 = arith.cmpi ne, %convert_element_type3A_37, %cond3A_38 : i32
    scf.if %cond3A_39 {
      %dma_start3A = arith.constant 0 : i32
      %dma_start3A_107 = arith.constant 0 : i32
      %dma_start3A_108 = tpu.memref_slice %arg6[%dma_start3A, %dma_start3A_107] : memref<79x128xi32, #tpu.memory_space<vmem>> -> memref<1x128xi32, #tpu.memory_space<vmem>>
      %dma_start3A_109 = tpu.memref_squeeze %dma_start3A_108 : memref<1x128xi32, #tpu.memory_space<vmem>> -> memref<128xi32, #tpu.memory_space<vmem>>
      %dma_start3A_110 = arith.constant 0 : i32
      %dma_start3A_111 = arith.constant 0 : i32
      %dma_start3A_112 = tpu.memref_slice %arg2[%dma_start3A_110, %dma_start3A_111] : memref<10000x64xf32, #tpu.memory_space<hbm>> -> memref<10000x64xf32, #tpu.memory_space<hbm>>
      tpu.enqueue_indirect_dma source(%dma_start3A_112 : memref<10000x64xf32, #tpu.memory_space<hbm>>) target(%arg8 : memref<128x64xf32, #tpu.memory_space<vmem>>) offsets(%dma_start3A_109 : memref<128xi32, #tpu.memory_space<vmem>>) semaphore(%arg15 : memref<!tpu.dma_semaphore, #tpu.memory_space<semaphore_mem>>)
    } else {
    }
    %gt3A_40 = arith.constant 1 : i32
    %gt3A_41 = arith.cmpi sgt, %select_n3A, %gt3A_40 : i32
    %convert_element_type3A_42 = arith.extui %gt3A_41 : i1 to i32
    %cond3A_43 = arith.constant 0 : i32
    %cond3A_44 = arith.cmpi ne, %convert_element_type3A_42, %cond3A_43 : i32
    scf.if %cond3A_44 {
      %dma_start3A = arith.constant 1 : i32
      %dma_start3A_107 = arith.constant 0 : i32
      %dma_start3A_108 = tpu.memref_slice %arg6[%dma_start3A, %dma_start3A_107] : memref<79x128xi32, #tpu.memory_space<vmem>> -> memref<1x128xi32, #tpu.memory_space<vmem>>
      %dma_start3A_109 = tpu.memref_squeeze %dma_start3A_108 : memref<1x128xi32, #tpu.memory_space<vmem>> -> memref<128xi32, #tpu.memory_space<vmem>>
      %dma_start3A_110 = arith.constant 0 : i32
      %dma_start3A_111 = arith.constant 0 : i32
      %dma_start3A_112 = tpu.memref_slice %arg2[%dma_start3A_110, %dma_start3A_111] : memref<10000x64xf32, #tpu.memory_space<hbm>> -> memref<10000x64xf32, #tpu.memory_space<hbm>>
      tpu.enqueue_indirect_dma source(%dma_start3A_112 : memref<10000x64xf32, #tpu.memory_space<hbm>>) target(%arg9 : memref<128x64xf32, #tpu.memory_space<vmem>>) offsets(%dma_start3A_109 : memref<128xi32, #tpu.memory_space<vmem>>) semaphore(%arg16 : memref<!tpu.dma_semaphore, #tpu.memory_space<semaphore_mem>>)
    } else {
    }
    %gt3A_45 = arith.constant 2 : i32
    %gt3A_46 = arith.cmpi sgt, %select_n3A, %gt3A_45 : i32
    %convert_element_type3A_47 = arith.extui %gt3A_46 : i1 to i32
    %cond3A_48 = arith.constant 0 : i32
    %cond3A_49 = arith.cmpi ne, %convert_element_type3A_47, %cond3A_48 : i32
    scf.if %cond3A_49 {
      %dma_start3A = arith.constant 2 : i32
      %dma_start3A_107 = arith.constant 0 : i32
      %dma_start3A_108 = tpu.memref_slice %arg6[%dma_start3A, %dma_start3A_107] : memref<79x128xi32, #tpu.memory_space<vmem>> -> memref<1x128xi32, #tpu.memory_space<vmem>>
      %dma_start3A_109 = tpu.memref_squeeze %dma_start3A_108 : memref<1x128xi32, #tpu.memory_space<vmem>> -> memref<128xi32, #tpu.memory_space<vmem>>
      %dma_start3A_110 = arith.constant 0 : i32
      %dma_start3A_111 = arith.constant 0 : i32
      %dma_start3A_112 = tpu.memref_slice %arg2[%dma_start3A_110, %dma_start3A_111] : memref<10000x64xf32, #tpu.memory_space<hbm>> -> memref<10000x64xf32, #tpu.memory_space<hbm>>
      tpu.enqueue_indirect_dma source(%dma_start3A_112 : memref<10000x64xf32, #tpu.memory_space<hbm>>) target(%arg10 : memref<128x64xf32, #tpu.memory_space<vmem>>) offsets(%dma_start3A_109 : memref<128xi32, #tpu.memory_space<vmem>>) semaphore(%arg17 : memref<!tpu.dma_semaphore, #tpu.memory_space<semaphore_mem>>)
    } else {
    }
    %gt3A_50 = arith.constant 3 : i32
    %gt3A_51 = arith.cmpi sgt, %select_n3A, %gt3A_50 : i32
    %convert_element_type3A_52 = arith.extui %gt3A_51 : i1 to i32
    %cond3A_53 = arith.constant 0 : i32
    %cond3A_54 = arith.cmpi ne, %convert_element_type3A_52, %cond3A_53 : i32
    scf.if %cond3A_54 {
      %dma_start3A = arith.constant 3 : i32
      %dma_start3A_107 = arith.constant 0 : i32
      %dma_start3A_108 = tpu.memref_slice %arg6[%dma_start3A, %dma_start3A_107] : memref<79x128xi32, #tpu.memory_space<vmem>> -> memref<1x128xi32, #tpu.memory_space<vmem>>
      %dma_start3A_109 = tpu.memref_squeeze %dma_start3A_108 : memref<1x128xi32, #tpu.memory_space<vmem>> -> memref<128xi32, #tpu.memory_space<vmem>>
      %dma_start3A_110 = arith.constant 0 : i32
      %dma_start3A_111 = arith.constant 0 : i32
      %dma_start3A_112 = tpu.memref_slice %arg2[%dma_start3A_110, %dma_start3A_111] : memref<10000x64xf32, #tpu.memory_space<hbm>> -> memref<10000x64xf32, #tpu.memory_space<hbm>>
      tpu.enqueue_indirect_dma source(%dma_start3A_112 : memref<10000x64xf32, #tpu.memory_space<hbm>>) target(%arg11 : memref<128x64xf32, #tpu.memory_space<vmem>>) offsets(%dma_start3A_109 : memref<128xi32, #tpu.memory_space<vmem>>) semaphore(%arg18 : memref<!tpu.dma_semaphore, #tpu.memory_space<semaphore_mem>>)
    } else {
    }
    %gt3A_55 = arith.constant 4 : i32
    %gt3A_56 = arith.cmpi sgt, %select_n3A, %gt3A_55 : i32
    %convert_element_type3A_57 = arith.extui %gt3A_56 : i1 to i32
    %cond3A_58 = arith.constant 0 : i32
    %cond3A_59 = arith.cmpi ne, %convert_element_type3A_57, %cond3A_58 : i32
    scf.if %cond3A_59 {
      %dma_start3A = arith.constant 4 : i32
      %dma_start3A_107 = arith.constant 0 : i32
      %dma_start3A_108 = tpu.memref_slice %arg6[%dma_start3A, %dma_start3A_107] : memref<79x128xi32, #tpu.memory_space<vmem>> -> memref<1x128xi32, #tpu.memory_space<vmem>>
      %dma_start3A_109 = tpu.memref_squeeze %dma_start3A_108 : memref<1x128xi32, #tpu.memory_space<vmem>> -> memref<128xi32, #tpu.memory_space<vmem>>
      %dma_start3A_110 = arith.constant 0 : i32
      %dma_start3A_111 = arith.constant 0 : i32
      %dma_start3A_112 = tpu.memref_slice %arg2[%dma_start3A_110, %dma_start3A_111] : memref<10000x64xf32, #tpu.memory_space<hbm>> -> memref<10000x64xf32, #tpu.memory_space<hbm>>
      tpu.enqueue_indirect_dma source(%dma_start3A_112 : memref<10000x64xf32, #tpu.memory_space<hbm>>) target(%arg12 : memref<128x64xf32, #tpu.memory_space<vmem>>) offsets(%dma_start3A_109 : memref<128xi32, #tpu.memory_space<vmem>>) semaphore(%arg19 : memref<!tpu.dma_semaphore, #tpu.memory_space<semaphore_mem>>)
    } else {
    }
    %gt3A_60 = arith.constant 5 : i32
    %gt3A_61 = arith.cmpi sgt, %select_n3A, %gt3A_60 : i32
    %convert_element_type3A_62 = arith.extui %gt3A_61 : i1 to i32
    %cond3A_63 = arith.constant 0 : i32
    %cond3A_64 = arith.cmpi ne, %convert_element_type3A_62, %cond3A_63 : i32
    scf.if %cond3A_64 {
      %dma_start3A = arith.constant 5 : i32
      %dma_start3A_107 = arith.constant 0 : i32
      %dma_start3A_108 = tpu.memref_slice %arg6[%dma_start3A, %dma_start3A_107] : memref<79x128xi32, #tpu.memory_space<vmem>> -> memref<1x128xi32, #tpu.memory_space<vmem>>
      %dma_start3A_109 = tpu.memref_squeeze %dma_start3A_108 : memref<1x128xi32, #tpu.memory_space<vmem>> -> memref<128xi32, #tpu.memory_space<vmem>>
      %dma_start3A_110 = arith.constant 0 : i32
      %dma_start3A_111 = arith.constant 0 : i32
      %dma_start3A_112 = tpu.memref_slice %arg2[%dma_start3A_110, %dma_start3A_111] : memref<10000x64xf32, #tpu.memory_space<hbm>> -> memref<10000x64xf32, #tpu.memory_space<hbm>>
      tpu.enqueue_indirect_dma source(%dma_start3A_112 : memref<10000x64xf32, #tpu.memory_space<hbm>>) target(%arg13 : memref<128x64xf32, #tpu.memory_space<vmem>>) offsets(%dma_start3A_109 : memref<128xi32, #tpu.memory_space<vmem>>) semaphore(%arg20 : memref<!tpu.dma_semaphore, #tpu.memory_space<semaphore_mem>>)
    } else {
    }
    %scan3A_65 = arith.constant 0 : i32
    %scan3A_66 = arith.constant 0 : i32
    %scan3A_67 = arith.constant 14 : i32
    %scan3A_68 = arith.addi %scan3A_66, %scan3A_67 : i32
    %scan3A_69 = arith.constant 1 : i32
    %scan3A_70 = scf.for %scan3A_107 = %scan3A_66 to %scan3A_68 step %scan3A_69 iter_args(%scan3A_108 = %scan3A_65) -> (i32)  : i32 {
      %mul3A_109 = arith.constant 6 : i32
      %mul3A_110 = arith.muli %scan3A_107, %mul3A_109 : i32
      %add3A_111 = arith.constant 0 : i32
      %add3A_112 = arith.addi %mul3A_110, %add3A_111 : i32
      %ge3A = arith.constant 3 : i32
      %ge3A_113 = arith.cmpi sge, %add3A_112, %ge3A : i32
      %add3A_114 = arith.constant 3 : i32
      %add3A_115 = arith.addi %add3A_112, %add3A_114 : i32
      %lt3A_116 = arith.cmpi slt, %add3A_115, %select_n3A : i32
      %and3A = arith.andi %ge3A_113, %lt3A_116 : i1
      %convert_element_type3A_117 = arith.extui %and3A : i1 to i32
      %cond3A_118 = arith.constant 0 : i32
      %cond3A_119 = arith.cmpi ne, %convert_element_type3A_117, %cond3A_118 : i32
      scf.if %cond3A_119 {
        %dma_wait3A = arith.constant 0 : i32
        %dma_wait3A_210 = arith.constant 0 : i32
        %dma_wait3A_211 = tpu.memref_slice %arg7[%dma_wait3A, %dma_wait3A_210] : memref<79x128xi32, #tpu.memory_space<vmem>> -> memref<1x128xi32, #tpu.memory_space<vmem>>
        %dma_wait3A_212 = tpu.memref_squeeze %dma_wait3A_211 : memref<1x128xi32, #tpu.memory_space<vmem>> -> memref<128xi32, #tpu.memory_space<vmem>>
        %dma_wait3A_213 = arith.constant 0 : i32
        %dma_wait3A_214 = arith.constant 0 : i32
        %dma_wait3A_215 = tpu.memref_slice %arg14[%dma_wait3A_213, %dma_wait3A_214] : memref<10000x64xf32, #tpu.memory_space<vmem_shared>> -> memref<10000x64xf32, #tpu.memory_space<vmem_shared>>
        tpu.wait_indirect_dma semaphore(%arg24 : memref<!tpu.dma_semaphore, #tpu.memory_space<semaphore_mem>>) src(%arg11 : memref<128x64xf32, #tpu.memory_space<vmem>>) dst(%dma_wait3A_215 : memref<10000x64xf32, #tpu.memory_space<vmem_shared>>)
        %add3A_216 = arith.constant 3 : i32
        %add3A_217 = arith.addi %add3A_112, %add3A_216 : i32
        %dma_start3A = arith.constant 0 : i32
        %dma_start3A_218 = tpu.memref_slice %arg6[%add3A_217, %dma_start3A] : memref<79x128xi32, #tpu.memory_space<vmem>> -> memref<1x128xi32, #tpu.memory_space<vmem>>
        %dma_start3A_219 = tpu.memref_squeeze %dma_start3A_218 : memref<1x128xi32, #tpu.memory_space<vmem>> -> memref<128xi32, #tpu.memory_space<vmem>>
        %dma_start3A_220 = arith.constant 0 : i32
        %dma_start3A_221 = arith.constant 0 : i32
        %dma_start3A_222 = tpu.memref_slice %arg2[%dma_start3A_220, %dma_start3A_221] : memref<10000x64xf32, #tpu.memory_space<hbm>> -> memref<10000x64xf32, #tpu.memory_space<hbm>>
        tpu.enqueue_indirect_dma source(%dma_start3A_222 : memref<10000x64xf32, #tpu.memory_space<hbm>>) target(%arg11 : memref<128x64xf32, #tpu.memory_space<vmem>>) offsets(%dma_start3A_219 : memref<128xi32, #tpu.memory_space<vmem>>) semaphore(%arg18 : memref<!tpu.dma_semaphore, #tpu.memory_space<semaphore_mem>>)
      } else {
      }
      %lt3A_120 = arith.cmpi slt, %add3A_112, %select_n3A : i32
      %convert_element_type3A_121 = arith.extui %lt3A_120 : i1 to i32
      %cond3A_122 = arith.constant 0 : i32
      %cond3A_123 = arith.cmpi ne, %convert_element_type3A_121, %cond3A_122 : i32
      scf.if %cond3A_123 {
        %dma_wait3A = arith.constant 0 : i32
        %dma_wait3A_210 = tpu.memref_slice %arg6[%add3A_112, %dma_wait3A] : memref<79x128xi32, #tpu.memory_space<vmem>> -> memref<1x128xi32, #tpu.memory_space<vmem>>
        %dma_wait3A_211 = tpu.memref_squeeze %dma_wait3A_210 : memref<1x128xi32, #tpu.memory_space<vmem>> -> memref<128xi32, #tpu.memory_space<vmem>>
        %dma_wait3A_212 = arith.constant 0 : i32
        %dma_wait3A_213 = arith.constant 0 : i32
        %dma_wait3A_214 = tpu.memref_slice %arg2[%dma_wait3A_212, %dma_wait3A_213] : memref<10000x64xf32, #tpu.memory_space<hbm>> -> memref<10000x64xf32, #tpu.memory_space<hbm>>
        tpu.wait_indirect_dma semaphore(%arg15 : memref<!tpu.dma_semaphore, #tpu.memory_space<semaphore_mem>>) src(%dma_wait3A_214 : memref<10000x64xf32, #tpu.memory_space<hbm>>) dst(%arg8 : memref<128x64xf32, #tpu.memory_space<vmem>>)
        %dma_start3A = arith.constant 0 : i32
        %dma_start3A_215 = tpu.memref_slice %arg7[%add3A_112, %dma_start3A] : memref<79x128xi32, #tpu.memory_space<vmem>> -> memref<1x128xi32, #tpu.memory_space<vmem>>
        %dma_start3A_216 = tpu.memref_squeeze %dma_start3A_215 : memref<1x128xi32, #tpu.memory_space<vmem>> -> memref<128xi32, #tpu.memory_space<vmem>>
        %dma_start3A_217 = arith.constant 0 : i32
        %dma_start3A_218 = arith.constant 0 : i32
        %dma_start3A_219 = tpu.memref_slice %arg14[%dma_start3A_217, %dma_start3A_218] : memref<10000x64xf32, #tpu.memory_space<vmem_shared>> -> memref<10000x64xf32, #tpu.memory_space<vmem_shared>>
        tpu.enqueue_indirect_dma source(%arg8 : memref<128x64xf32, #tpu.memory_space<vmem>>) target(%dma_start3A_219 : memref<10000x64xf32, #tpu.memory_space<vmem_shared>>) offsets(%dma_start3A_216 : memref<128xi32, #tpu.memory_space<vmem>>) semaphore(%arg21 : memref<!tpu.dma_semaphore, #tpu.memory_space<semaphore_mem>>) {add = true}
      } else {
      }
      %mul3A_124 = arith.constant 6 : i32
      %mul3A_125 = arith.muli %scan3A_107, %mul3A_124 : i32
      %add3A_126 = arith.constant 1 : i32
      %add3A_127 = arith.addi %mul3A_125, %add3A_126 : i32
      %ge3A_128 = arith.constant 3 : i32
      %ge3A_129 = arith.cmpi sge, %add3A_127, %ge3A_128 : i32
      %add3A_130 = arith.constant 3 : i32
      %add3A_131 = arith.addi %add3A_127, %add3A_130 : i32
      %lt3A_132 = arith.cmpi slt, %add3A_131, %select_n3A : i32
      %and3A_133 = arith.andi %ge3A_129, %lt3A_132 : i1
      %convert_element_type3A_134 = arith.extui %and3A_133 : i1 to i32
      %cond3A_135 = arith.constant 0 : i32
      %cond3A_136 = arith.cmpi ne, %convert_element_type3A_134, %cond3A_135 : i32
      scf.if %cond3A_136 {
        %dma_wait3A = arith.constant 0 : i32
        %dma_wait3A_210 = arith.constant 0 : i32
        %dma_wait3A_211 = tpu.memref_slice %arg7[%dma_wait3A, %dma_wait3A_210] : memref<79x128xi32, #tpu.memory_space<vmem>> -> memref<1x128xi32, #tpu.memory_space<vmem>>
        %dma_wait3A_212 = tpu.memref_squeeze %dma_wait3A_211 : memref<1x128xi32, #tpu.memory_space<vmem>> -> memref<128xi32, #tpu.memory_space<vmem>>
        %dma_wait3A_213 = arith.constant 0 : i32
        %dma_wait3A_214 = arith.constant 0 : i32
        %dma_wait3A_215 = tpu.memref_slice %arg14[%dma_wait3A_213, %dma_wait3A_214] : memref<10000x64xf32, #tpu.memory_space<vmem_shared>> -> memref<10000x64xf32, #tpu.memory_space<vmem_shared>>
        tpu.wait_indirect_dma semaphore(%arg25 : memref<!tpu.dma_semaphore, #tpu.memory_space<semaphore_mem>>) src(%arg12 : memref<128x64xf32, #tpu.memory_space<vmem>>) dst(%dma_wait3A_215 : memref<10000x64xf32, #tpu.memory_space<vmem_shared>>)
        %add3A_216 = arith.constant 3 : i32
        %add3A_217 = arith.addi %add3A_127, %add3A_216 : i32
        %dma_start3A = arith.constant 0 : i32
        %dma_start3A_218 = tpu.memref_slice %arg6[%add3A_217, %dma_start3A] : memref<79x128xi32, #tpu.memory_space<vmem>> -> memref<1x128xi32, #tpu.memory_space<vmem>>
        %dma_start3A_219 = tpu.memref_squeeze %dma_start3A_218 : memref<1x128xi32, #tpu.memory_space<vmem>> -> memref<128xi32, #tpu.memory_space<vmem>>
        %dma_start3A_220 = arith.constant 0 : i32
        %dma_start3A_221 = arith.constant 0 : i32
        %dma_start3A_222 = tpu.memref_slice %arg2[%dma_start3A_220, %dma_start3A_221] : memref<10000x64xf32, #tpu.memory_space<hbm>> -> memref<10000x64xf32, #tpu.memory_space<hbm>>
        tpu.enqueue_indirect_dma source(%dma_start3A_222 : memref<10000x64xf32, #tpu.memory_space<hbm>>) target(%arg12 : memref<128x64xf32, #tpu.memory_space<vmem>>) offsets(%dma_start3A_219 : memref<128xi32, #tpu.memory_space<vmem>>) semaphore(%arg19 : memref<!tpu.dma_semaphore, #tpu.memory_space<semaphore_mem>>)
      } else {
      }
      %lt3A_137 = arith.cmpi slt, %add3A_127, %select_n3A : i32
      %convert_element_type3A_138 = arith.extui %lt3A_137 : i1 to i32
      %cond3A_139 = arith.constant 0 : i32
      %cond3A_140 = arith.cmpi ne, %convert_element_type3A_138, %cond3A_139 : i32
      scf.if %cond3A_140 {
        %dma_wait3A = arith.constant 0 : i32
        %dma_wait3A_210 = tpu.memref_slice %arg6[%add3A_127, %dma_wait3A] : memref<79x128xi32, #tpu.memory_space<vmem>> -> memref<1x128xi32, #tpu.memory_space<vmem>>
        %dma_wait3A_211 = tpu.memref_squeeze %dma_wait3A_210 : memref<1x128xi32, #tpu.memory_space<vmem>> -> memref<128xi32, #tpu.memory_space<vmem>>
        %dma_wait3A_212 = arith.constant 0 : i32
        %dma_wait3A_213 = arith.constant 0 : i32
        %dma_wait3A_214 = tpu.memref_slice %arg2[%dma_wait3A_212, %dma_wait3A_213] : memref<10000x64xf32, #tpu.memory_space<hbm>> -> memref<10000x64xf32, #tpu.memory_space<hbm>>
        tpu.wait_indirect_dma semaphore(%arg16 : memref<!tpu.dma_semaphore, #tpu.memory_space<semaphore_mem>>) src(%dma_wait3A_214 : memref<10000x64xf32, #tpu.memory_space<hbm>>) dst(%arg9 : memref<128x64xf32, #tpu.memory_space<vmem>>)
        %dma_start3A = arith.constant 0 : i32
        %dma_start3A_215 = tpu.memref_slice %arg7[%add3A_127, %dma_start3A] : memref<79x128xi32, #tpu.memory_space<vmem>> -> memref<1x128xi32, #tpu.memory_space<vmem>>
        %dma_start3A_216 = tpu.memref_squeeze %dma_start3A_215 : memref<1x128xi32, #tpu.memory_space<vmem>> -> memref<128xi32, #tpu.memory_space<vmem>>
        %dma_start3A_217 = arith.constant 0 : i32
        %dma_start3A_218 = arith.constant 0 : i32
        %dma_start3A_219 = tpu.memref_slice %arg14[%dma_start3A_217, %dma_start3A_218] : memref<10000x64xf32, #tpu.memory_space<vmem_shared>> -> memref<10000x64xf32, #tpu.memory_space<vmem_shared>>
        tpu.enqueue_indirect_dma source(%arg9 : memref<128x64xf32, #tpu.memory_space<vmem>>) target(%dma_start3A_219 : memref<10000x64xf32, #tpu.memory_space<vmem_shared>>) offsets(%dma_start3A_216 : memref<128xi32, #tpu.memory_space<vmem>>) semaphore(%arg22 : memref<!tpu.dma_semaphore, #tpu.memory_space<semaphore_mem>>) {add = true}
      } else {
      }
      %mul3A_141 = arith.constant 6 : i32
      %mul3A_142 = arith.muli %scan3A_107, %mul3A_141 : i32
      %add3A_143 = arith.constant 2 : i32
      %add3A_144 = arith.addi %mul3A_142, %add3A_143 : i32
      %ge3A_145 = arith.constant 3 : i32
      %ge3A_146 = arith.cmpi sge, %add3A_144, %ge3A_145 : i32
      %add3A_147 = arith.constant 3 : i32
      %add3A_148 = arith.addi %add3A_144, %add3A_147 : i32
      %lt3A_149 = arith.cmpi slt, %add3A_148, %select_n3A : i32
      %and3A_150 = arith.andi %ge3A_146, %lt3A_149 : i1
      %convert_element_type3A_151 = arith.extui %and3A_150 : i1 to i32
      %cond3A_152 = arith.constant 0 : i32
      %cond3A_153 = arith.cmpi ne, %convert_element_type3A_151, %cond3A_152 : i32
      scf.if %cond3A_153 {
        %dma_wait3A = arith.constant 0 : i32
        %dma_wait3A_210 = arith.constant 0 : i32
        %dma_wait3A_211 = tpu.memref_slice %arg7[%dma_wait3A, %dma_wait3A_210] : memref<79x128xi32, #tpu.memory_space<vmem>> -> memref<1x128xi32, #tpu.memory_space<vmem>>
        %dma_wait3A_212 = tpu.memref_squeeze %dma_wait3A_211 : memref<1x128xi32, #tpu.memory_space<vmem>> -> memref<128xi32, #tpu.memory_space<vmem>>
        %dma_wait3A_213 = arith.constant 0 : i32
        %dma_wait3A_214 = arith.constant 0 : i32
        %dma_wait3A_215 = tpu.memref_slice %arg14[%dma_wait3A_213, %dma_wait3A_214] : memref<10000x64xf32, #tpu.memory_space<vmem_shared>> -> memref<10000x64xf32, #tpu.memory_space<vmem_shared>>
        tpu.wait_indirect_dma semaphore(%arg26 : memref<!tpu.dma_semaphore, #tpu.memory_space<semaphore_mem>>) src(%arg13 : memref<128x64xf32, #tpu.memory_space<vmem>>) dst(%dma_wait3A_215 : memref<10000x64xf32, #tpu.memory_space<vmem_shared>>)
        %add3A_216 = arith.constant 3 : i32
        %add3A_217 = arith.addi %add3A_144, %add3A_216 : i32
        %dma_start3A = arith.constant 0 : i32
        %dma_start3A_218 = tpu.memref_slice %arg6[%add3A_217, %dma_start3A] : memref<79x128xi32, #tpu.memory_space<vmem>> -> memref<1x128xi32, #tpu.memory_space<vmem>>
        %dma_start3A_219 = tpu.memref_squeeze %dma_start3A_218 : memref<1x128xi32, #tpu.memory_space<vmem>> -> memref<128xi32, #tpu.memory_space<vmem>>
        %dma_start3A_220 = arith.constant 0 : i32
        %dma_start3A_221 = arith.constant 0 : i32
        %dma_start3A_222 = tpu.memref_slice %arg2[%dma_start3A_220, %dma_start3A_221] : memref<10000x64xf32, #tpu.memory_space<hbm>> -> memref<10000x64xf32, #tpu.memory_space<hbm>>
        tpu.enqueue_indirect_dma source(%dma_start3A_222 : memref<10000x64xf32, #tpu.memory_space<hbm>>) target(%arg13 : memref<128x64xf32, #tpu.memory_space<vmem>>) offsets(%dma_start3A_219 : memref<128xi32, #tpu.memory_space<vmem>>) semaphore(%arg20 : memref<!tpu.dma_semaphore, #tpu.memory_space<semaphore_mem>>)
      } else {
      }
      %lt3A_154 = arith.cmpi slt, %add3A_144, %select_n3A : i32
      %convert_element_type3A_155 = arith.extui %lt3A_154 : i1 to i32
      %cond3A_156 = arith.constant 0 : i32
      %cond3A_157 = arith.cmpi ne, %convert_element_type3A_155, %cond3A_156 : i32
      scf.if %cond3A_157 {
        %dma_wait3A = arith.constant 0 : i32
        %dma_wait3A_210 = tpu.memref_slice %arg6[%add3A_144, %dma_wait3A] : memref<79x128xi32, #tpu.memory_space<vmem>> -> memref<1x128xi32, #tpu.memory_space<vmem>>
        %dma_wait3A_211 = tpu.memref_squeeze %dma_wait3A_210 : memref<1x128xi32, #tpu.memory_space<vmem>> -> memref<128xi32, #tpu.memory_space<vmem>>
        %dma_wait3A_212 = arith.constant 0 : i32
        %dma_wait3A_213 = arith.constant 0 : i32
        %dma_wait3A_214 = tpu.memref_slice %arg2[%dma_wait3A_212, %dma_wait3A_213] : memref<10000x64xf32, #tpu.memory_space<hbm>> -> memref<10000x64xf32, #tpu.memory_space<hbm>>
        tpu.wait_indirect_dma semaphore(%arg17 : memref<!tpu.dma_semaphore, #tpu.memory_space<semaphore_mem>>) src(%dma_wait3A_214 : memref<10000x64xf32, #tpu.memory_space<hbm>>) dst(%arg10 : memref<128x64xf32, #tpu.memory_space<vmem>>)
        %dma_start3A = arith.constant 0 : i32
        %dma_start3A_215 = tpu.memref_slice %arg7[%add3A_144, %dma_start3A] : memref<79x128xi32, #tpu.memory_space<vmem>> -> memref<1x128xi32, #tpu.memory_space<vmem>>
        %dma_start3A_216 = tpu.memref_squeeze %dma_start3A_215 : memref<1x128xi32, #tpu.memory_space<vmem>> -> memref<128xi32, #tpu.memory_space<vmem>>
        %dma_start3A_217 = arith.constant 0 : i32
        %dma_start3A_218 = arith.constant 0 : i32
        %dma_start3A_219 = tpu.memref_slice %arg14[%dma_start3A_217, %dma_start3A_218] : memref<10000x64xf32, #tpu.memory_space<vmem_shared>> -> memref<10000x64xf32, #tpu.memory_space<vmem_shared>>
        tpu.enqueue_indirect_dma source(%arg10 : memref<128x64xf32, #tpu.memory_space<vmem>>) target(%dma_start3A_219 : memref<10000x64xf32, #tpu.memory_space<vmem_shared>>) offsets(%dma_start3A_216 : memref<128xi32, #tpu.memory_space<vmem>>) semaphore(%arg23 : memref<!tpu.dma_semaphore, #tpu.memory_space<semaphore_mem>>) {add = true}
      } else {
      }
      %mul3A_158 = arith.constant 6 : i32
      %mul3A_159 = arith.muli %scan3A_107, %mul3A_158 : i32
      %add3A_160 = arith.constant 3 : i32
      %add3A_161 = arith.addi %mul3A_159, %add3A_160 : i32
      %ge3A_162 = arith.constant 3 : i32
      %ge3A_163 = arith.cmpi sge, %add3A_161, %ge3A_162 : i32
      %add3A_164 = arith.constant 3 : i32
      %add3A_165 = arith.addi %add3A_161, %add3A_164 : i32
      %lt3A_166 = arith.cmpi slt, %add3A_165, %select_n3A : i32
      %and3A_167 = arith.andi %ge3A_163, %lt3A_166 : i1
      %convert_element_type3A_168 = arith.extui %and3A_167 : i1 to i32
      %cond3A_169 = arith.constant 0 : i32
      %cond3A_170 = arith.cmpi ne, %convert_element_type3A_168, %cond3A_169 : i32
      scf.if %cond3A_170 {
        %dma_wait3A = arith.constant 0 : i32
        %dma_wait3A_210 = arith.constant 0 : i32
        %dma_wait3A_211 = tpu.memref_slice %arg7[%dma_wait3A, %dma_wait3A_210] : memref<79x128xi32, #tpu.memory_space<vmem>> -> memref<1x128xi32, #tpu.memory_space<vmem>>
        %dma_wait3A_212 = tpu.memref_squeeze %dma_wait3A_211 : memref<1x128xi32, #tpu.memory_space<vmem>> -> memref<128xi32, #tpu.memory_space<vmem>>
        %dma_wait3A_213 = arith.constant 0 : i32
        %dma_wait3A_214 = arith.constant 0 : i32
        %dma_wait3A_215 = tpu.memref_slice %arg14[%dma_wait3A_213, %dma_wait3A_214] : memref<10000x64xf32, #tpu.memory_space<vmem_shared>> -> memref<10000x64xf32, #tpu.memory_space<vmem_shared>>
        tpu.wait_indirect_dma semaphore(%arg21 : memref<!tpu.dma_semaphore, #tpu.memory_space<semaphore_mem>>) src(%arg8 : memref<128x64xf32, #tpu.memory_space<vmem>>) dst(%dma_wait3A_215 : memref<10000x64xf32, #tpu.memory_space<vmem_shared>>)
        %add3A_216 = arith.constant 3 : i32
        %add3A_217 = arith.addi %add3A_161, %add3A_216 : i32
        %dma_start3A = arith.constant 0 : i32
        %dma_start3A_218 = tpu.memref_slice %arg6[%add3A_217, %dma_start3A] : memref<79x128xi32, #tpu.memory_space<vmem>> -> memref<1x128xi32, #tpu.memory_space<vmem>>
        %dma_start3A_219 = tpu.memref_squeeze %dma_start3A_218 : memref<1x128xi32, #tpu.memory_space<vmem>> -> memref<128xi32, #tpu.memory_space<vmem>>
        %dma_start3A_220 = arith.constant 0 : i32
        %dma_start3A_221 = arith.constant 0 : i32
        %dma_start3A_222 = tpu.memref_slice %arg2[%dma_start3A_220, %dma_start3A_221] : memref<10000x64xf32, #tpu.memory_space<hbm>> -> memref<10000x64xf32, #tpu.memory_space<hbm>>
        tpu.enqueue_indirect_dma source(%dma_start3A_222 : memref<10000x64xf32, #tpu.memory_space<hbm>>) target(%arg8 : memref<128x64xf32, #tpu.memory_space<vmem>>) offsets(%dma_start3A_219 : memref<128xi32, #tpu.memory_space<vmem>>) semaphore(%arg15 : memref<!tpu.dma_semaphore, #tpu.memory_space<semaphore_mem>>)
      } else {
      }
      %lt3A_171 = arith.cmpi slt, %add3A_161, %select_n3A : i32
      %convert_element_type3A_172 = arith.extui %lt3A_171 : i1 to i32
      %cond3A_173 = arith.constant 0 : i32
      %cond3A_174 = arith.cmpi ne, %convert_element_type3A_172, %cond3A_173 : i32
      scf.if %cond3A_174 {
        %dma_wait3A = arith.constant 0 : i32
        %dma_wait3A_210 = tpu.memref_slice %arg6[%add3A_161, %dma_wait3A] : memref<79x128xi32, #tpu.memory_space<vmem>> -> memref<1x128xi32, #tpu.memory_space<vmem>>
        %dma_wait3A_211 = tpu.memref_squeeze %dma_wait3A_210 : memref<1x128xi32, #tpu.memory_space<vmem>> -> memref<128xi32, #tpu.memory_space<vmem>>
        %dma_wait3A_212 = arith.constant 0 : i32
        %dma_wait3A_213 = arith.constant 0 : i32
        %dma_wait3A_214 = tpu.memref_slice %arg2[%dma_wait3A_212, %dma_wait3A_213] : memref<10000x64xf32, #tpu.memory_space<hbm>> -> memref<10000x64xf32, #tpu.memory_space<hbm>>
        tpu.wait_indirect_dma semaphore(%arg18 : memref<!tpu.dma_semaphore, #tpu.memory_space<semaphore_mem>>) src(%dma_wait3A_214 : memref<10000x64xf32, #tpu.memory_space<hbm>>) dst(%arg11 : memref<128x64xf32, #tpu.memory_space<vmem>>)
        %dma_start3A = arith.constant 0 : i32
        %dma_start3A_215 = tpu.memref_slice %arg7[%add3A_161, %dma_start3A] : memref<79x128xi32, #tpu.memory_space<vmem>> -> memref<1x128xi32, #tpu.memory_space<vmem>>
        %dma_start3A_216 = tpu.memref_squeeze %dma_start3A_215 : memref<1x128xi32, #tpu.memory_space<vmem>> -> memref<128xi32, #tpu.memory_space<vmem>>
        %dma_start3A_217 = arith.constant 0 : i32
        %dma_start3A_218 = arith.constant 0 : i32
        %dma_start3A_219 = tpu.memref_slice %arg14[%dma_start3A_217, %dma_start3A_218] : memref<10000x64xf32, #tpu.memory_space<vmem_shared>> -> memref<10000x64xf32, #tpu.memory_space<vmem_shared>>
        tpu.enqueue_indirect_dma source(%arg11 : memref<128x64xf32, #tpu.memory_space<vmem>>) target(%dma_start3A_219 : memref<10000x64xf32, #tpu.memory_space<vmem_shared>>) offsets(%dma_start3A_216 : memref<128xi32, #tpu.memory_space<vmem>>) semaphore(%arg24 : memref<!tpu.dma_semaphore, #tpu.memory_space<semaphore_mem>>) {add = true}
      } else {
      }
      %mul3A_175 = arith.constant 6 : i32
      %mul3A_176 = arith.muli %scan3A_107, %mul3A_175 : i32
      %add3A_177 = arith.constant 4 : i32
      %add3A_178 = arith.addi %mul3A_176, %add3A_177 : i32
      %ge3A_179 = arith.constant 3 : i32
      %ge3A_180 = arith.cmpi sge, %add3A_178, %ge3A_179 : i32
      %add3A_181 = arith.constant 3 : i32
      %add3A_182 = arith.addi %add3A_178, %add3A_181 : i32
      %lt3A_183 = arith.cmpi slt, %add3A_182, %select_n3A : i32
      %and3A_184 = arith.andi %ge3A_180, %lt3A_183 : i1
      %convert_element_type3A_185 = arith.extui %and3A_184 : i1 to i32
      %cond3A_186 = arith.constant 0 : i32
      %cond3A_187 = arith.cmpi ne, %convert_element_type3A_185, %cond3A_186 : i32
      scf.if %cond3A_187 {
        %dma_wait3A = arith.constant 0 : i32
        %dma_wait3A_210 = arith.constant 0 : i32
        %dma_wait3A_211 = tpu.memref_slice %arg7[%dma_wait3A, %dma_wait3A_210] : memref<79x128xi32, #tpu.memory_space<vmem>> -> memref<1x128xi32, #tpu.memory_space<vmem>>
        %dma_wait3A_212 = tpu.memref_squeeze %dma_wait3A_211 : memref<1x128xi32, #tpu.memory_space<vmem>> -> memref<128xi32, #tpu.memory_space<vmem>>
        %dma_wait3A_213 = arith.constant 0 : i32
        %dma_wait3A_214 = arith.constant 0 : i32
        %dma_wait3A_215 = tpu.memref_slice %arg14[%dma_wait3A_213, %dma_wait3A_214] : memref<10000x64xf32, #tpu.memory_space<vmem_shared>> -> memref<10000x64xf32, #tpu.memory_space<vmem_shared>>
        tpu.wait_indirect_dma semaphore(%arg22 : memref<!tpu.dma_semaphore, #tpu.memory_space<semaphore_mem>>) src(%arg9 : memref<128x64xf32, #tpu.memory_space<vmem>>) dst(%dma_wait3A_215 : memref<10000x64xf32, #tpu.memory_space<vmem_shared>>)
        %add3A_216 = arith.constant 3 : i32
        %add3A_217 = arith.addi %add3A_178, %add3A_216 : i32
        %dma_start3A = arith.constant 0 : i32
        %dma_start3A_218 = tpu.memref_slice %arg6[%add3A_217, %dma_start3A] : memref<79x128xi32, #tpu.memory_space<vmem>> -> memref<1x128xi32, #tpu.memory_space<vmem>>
        %dma_start3A_219 = tpu.memref_squeeze %dma_start3A_218 : memref<1x128xi32, #tpu.memory_space<vmem>> -> memref<128xi32, #tpu.memory_space<vmem>>
        %dma_start3A_220 = arith.constant 0 : i32
        %dma_start3A_221 = arith.constant 0 : i32
        %dma_start3A_222 = tpu.memref_slice %arg2[%dma_start3A_220, %dma_start3A_221] : memref<10000x64xf32, #tpu.memory_space<hbm>> -> memref<10000x64xf32, #tpu.memory_space<hbm>>
        tpu.enqueue_indirect_dma source(%dma_start3A_222 : memref<10000x64xf32, #tpu.memory_space<hbm>>) target(%arg9 : memref<128x64xf32, #tpu.memory_space<vmem>>) offsets(%dma_start3A_219 : memref<128xi32, #tpu.memory_space<vmem>>) semaphore(%arg16 : memref<!tpu.dma_semaphore, #tpu.memory_space<semaphore_mem>>)
      } else {
      }
      %lt3A_188 = arith.cmpi slt, %add3A_178, %select_n3A : i32
      %convert_element_type3A_189 = arith.extui %lt3A_188 : i1 to i32
      %cond3A_190 = arith.constant 0 : i32
      %cond3A_191 = arith.cmpi ne, %convert_element_type3A_189, %cond3A_190 : i32
      scf.if %cond3A_191 {
        %dma_wait3A = arith.constant 0 : i32
        %dma_wait3A_210 = tpu.memref_slice %arg6[%add3A_178, %dma_wait3A] : memref<79x128xi32, #tpu.memory_space<vmem>> -> memref<1x128xi32, #tpu.memory_space<vmem>>
        %dma_wait3A_211 = tpu.memref_squeeze %dma_wait3A_210 : memref<1x128xi32, #tpu.memory_space<vmem>> -> memref<128xi32, #tpu.memory_space<vmem>>
        %dma_wait3A_212 = arith.constant 0 : i32
        %dma_wait3A_213 = arith.constant 0 : i32
        %dma_wait3A_214 = tpu.memref_slice %arg2[%dma_wait3A_212, %dma_wait3A_213] : memref<10000x64xf32, #tpu.memory_space<hbm>> -> memref<10000x64xf32, #tpu.memory_space<hbm>>
        tpu.wait_indirect_dma semaphore(%arg19 : memref<!tpu.dma_semaphore, #tpu.memory_space<semaphore_mem>>) src(%dma_wait3A_214 : memref<10000x64xf32, #tpu.memory_space<hbm>>) dst(%arg12 : memref<128x64xf32, #tpu.memory_space<vmem>>)
        %dma_start3A = arith.constant 0 : i32
        %dma_start3A_215 = tpu.memref_slice %arg7[%add3A_178, %dma_start3A] : memref<79x128xi32, #tpu.memory_space<vmem>> -> memref<1x128xi32, #tpu.memory_space<vmem>>
        %dma_start3A_216 = tpu.memref_squeeze %dma_start3A_215 : memref<1x128xi32, #tpu.memory_space<vmem>> -> memref<128xi32, #tpu.memory_space<vmem>>
        %dma_start3A_217 = arith.constant 0 : i32
        %dma_start3A_218 = arith.constant 0 : i32
        %dma_start3A_219 = tpu.memref_slice %arg14[%dma_start3A_217, %dma_start3A_218] : memref<10000x64xf32, #tpu.memory_space<vmem_shared>> -> memref<10000x64xf32, #tpu.memory_space<vmem_shared>>
        tpu.enqueue_indirect_dma source(%arg12 : memref<128x64xf32, #tpu.memory_space<vmem>>) target(%dma_start3A_219 : memref<10000x64xf32, #tpu.memory_space<vmem_shared>>) offsets(%dma_start3A_216 : memref<128xi32, #tpu.memory_space<vmem>>) semaphore(%arg25 : memref<!tpu.dma_semaphore, #tpu.memory_space<semaphore_mem>>) {add = true}
      } else {
      }
      %mul3A_192 = arith.constant 6 : i32
      %mul3A_193 = arith.muli %scan3A_107, %mul3A_192 : i32
      %add3A_194 = arith.constant 5 : i32
      %add3A_195 = arith.addi %mul3A_193, %add3A_194 : i32
      %ge3A_196 = arith.constant 3 : i32
      %ge3A_197 = arith.cmpi sge, %add3A_195, %ge3A_196 : i32
      %add3A_198 = arith.constant 3 : i32
      %add3A_199 = arith.addi %add3A_195, %add3A_198 : i32
      %lt3A_200 = arith.cmpi slt, %add3A_199, %select_n3A : i32
      %and3A_201 = arith.andi %ge3A_197, %lt3A_200 : i1
      %convert_element_type3A_202 = arith.extui %and3A_201 : i1 to i32
      %cond3A_203 = arith.constant 0 : i32
      %cond3A_204 = arith.cmpi ne, %convert_element_type3A_202, %cond3A_203 : i32
      scf.if %cond3A_204 {
        %dma_wait3A = arith.constant 0 : i32
        %dma_wait3A_210 = arith.constant 0 : i32
        %dma_wait3A_211 = tpu.memref_slice %arg7[%dma_wait3A, %dma_wait3A_210] : memref<79x128xi32, #tpu.memory_space<vmem>> -> memref<1x128xi32, #tpu.memory_space<vmem>>
        %dma_wait3A_212 = tpu.memref_squeeze %dma_wait3A_211 : memref<1x128xi32, #tpu.memory_space<vmem>> -> memref<128xi32, #tpu.memory_space<vmem>>
        %dma_wait3A_213 = arith.constant 0 : i32
        %dma_wait3A_214 = arith.constant 0 : i32
        %dma_wait3A_215 = tpu.memref_slice %arg14[%dma_wait3A_213, %dma_wait3A_214] : memref<10000x64xf32, #tpu.memory_space<vmem_shared>> -> memref<10000x64xf32, #tpu.memory_space<vmem_shared>>
        tpu.wait_indirect_dma semaphore(%arg23 : memref<!tpu.dma_semaphore, #tpu.memory_space<semaphore_mem>>) src(%arg10 : memref<128x64xf32, #tpu.memory_space<vmem>>) dst(%dma_wait3A_215 : memref<10000x64xf32, #tpu.memory_space<vmem_shared>>)
        %add3A_216 = arith.constant 3 : i32
        %add3A_217 = arith.addi %add3A_195, %add3A_216 : i32
        %dma_start3A = arith.constant 0 : i32
        %dma_start3A_218 = tpu.memref_slice %arg6[%add3A_217, %dma_start3A] : memref<79x128xi32, #tpu.memory_space<vmem>> -> memref<1x128xi32, #tpu.memory_space<vmem>>
        %dma_start3A_219 = tpu.memref_squeeze %dma_start3A_218 : memref<1x128xi32, #tpu.memory_space<vmem>> -> memref<128xi32, #tpu.memory_space<vmem>>
        %dma_start3A_220 = arith.constant 0 : i32
        %dma_start3A_221 = arith.constant 0 : i32
        %dma_start3A_222 = tpu.memref_slice %arg2[%dma_start3A_220, %dma_start3A_221] : memref<10000x64xf32, #tpu.memory_space<hbm>> -> memref<10000x64xf32, #tpu.memory_space<hbm>>
        tpu.enqueue_indirect_dma source(%dma_start3A_222 : memref<10000x64xf32, #tpu.memory_space<hbm>>) target(%arg10 : memref<128x64xf32, #tpu.memory_space<vmem>>) offsets(%dma_start3A_219 : memref<128xi32, #tpu.memory_space<vmem>>) semaphore(%arg17 : memref<!tpu.dma_semaphore, #tpu.memory_space<semaphore_mem>>)
      } else {
      }
      %lt3A_205 = arith.cmpi slt, %add3A_195, %select_n3A : i32
      %convert_element_type3A_206 = arith.extui %lt3A_205 : i1 to i32
      %cond3A_207 = arith.constant 0 : i32
      %cond3A_208 = arith.cmpi ne, %convert_element_type3A_206, %cond3A_207 : i32
      scf.if %cond3A_208 {
        %dma_wait3A = arith.constant 0 : i32
        %dma_wait3A_210 = tpu.memref_slice %arg6[%add3A_195, %dma_wait3A] : memref<79x128xi32, #tpu.memory_space<vmem>> -> memref<1x128xi32, #tpu.memory_space<vmem>>
        %dma_wait3A_211 = tpu.memref_squeeze %dma_wait3A_210 : memref<1x128xi32, #tpu.memory_space<vmem>> -> memref<128xi32, #tpu.memory_space<vmem>>
        %dma_wait3A_212 = arith.constant 0 : i32
        %dma_wait3A_213 = arith.constant 0 : i32
        %dma_wait3A_214 = tpu.memref_slice %arg2[%dma_wait3A_212, %dma_wait3A_213] : memref<10000x64xf32, #tpu.memory_space<hbm>> -> memref<10000x64xf32, #tpu.memory_space<hbm>>
        tpu.wait_indirect_dma semaphore(%arg20 : memref<!tpu.dma_semaphore, #tpu.memory_space<semaphore_mem>>) src(%dma_wait3A_214 : memref<10000x64xf32, #tpu.memory_space<hbm>>) dst(%arg13 : memref<128x64xf32, #tpu.memory_space<vmem>>)
        %dma_start3A = arith.constant 0 : i32
        %dma_start3A_215 = tpu.memref_slice %arg7[%add3A_195, %dma_start3A] : memref<79x128xi32, #tpu.memory_space<vmem>> -> memref<1x128xi32, #tpu.memory_space<vmem>>
        %dma_start3A_216 = tpu.memref_squeeze %dma_start3A_215 : memref<1x128xi32, #tpu.memory_space<vmem>> -> memref<128xi32, #tpu.memory_space<vmem>>
        %dma_start3A_217 = arith.constant 0 : i32
        %dma_start3A_218 = arith.constant 0 : i32
        %dma_start3A_219 = tpu.memref_slice %arg14[%dma_start3A_217, %dma_start3A_218] : memref<10000x64xf32, #tpu.memory_space<vmem_shared>> -> memref<10000x64xf32, #tpu.memory_space<vmem_shared>>
        tpu.enqueue_indirect_dma source(%arg13 : memref<128x64xf32, #tpu.memory_space<vmem>>) target(%dma_start3A_219 : memref<10000x64xf32, #tpu.memory_space<vmem_shared>>) offsets(%dma_start3A_216 : memref<128xi32, #tpu.memory_space<vmem>>) semaphore(%arg26 : memref<!tpu.dma_semaphore, #tpu.memory_space<semaphore_mem>>) {add = true}
      } else {
      }
      %scan3A_209 = arith.constant 0 : i32
      scf.yield %scan3A_209 : i32
    }
    %scan3A_71 = arith.constant 14 : i32
    %gt3A_72 = arith.constant 0 : i32
    %gt3A_73 = arith.cmpi sgt, %select_n3A, %gt3A_72 : i32
    %convert_element_type3A_74 = arith.extui %gt3A_73 : i1 to i32
    %cond3A_75 = arith.constant 0 : i32
    %cond3A_76 = arith.cmpi ne, %convert_element_type3A_74, %cond3A_75 : i32
    scf.if %cond3A_76 {
      %dma_wait3A = arith.constant 0 : i32
      %dma_wait3A_107 = arith.constant 0 : i32
      %dma_wait3A_108 = tpu.memref_slice %arg7[%dma_wait3A, %dma_wait3A_107] : memref<79x128xi32, #tpu.memory_space<vmem>> -> memref<1x128xi32, #tpu.memory_space<vmem>>
      %dma_wait3A_109 = tpu.memref_squeeze %dma_wait3A_108 : memref<1x128xi32, #tpu.memory_space<vmem>> -> memref<128xi32, #tpu.memory_space<vmem>>
      %dma_wait3A_110 = arith.constant 0 : i32
      %dma_wait3A_111 = arith.constant 0 : i32
      %dma_wait3A_112 = tpu.memref_slice %arg14[%dma_wait3A_110, %dma_wait3A_111] : memref<10000x64xf32, #tpu.memory_space<vmem_shared>> -> memref<10000x64xf32, #tpu.memory_space<vmem_shared>>
      tpu.wait_indirect_dma semaphore(%arg21 : memref<!tpu.dma_semaphore, #tpu.memory_space<semaphore_mem>>) src(%arg8 : memref<128x64xf32, #tpu.memory_space<vmem>>) dst(%dma_wait3A_112 : memref<10000x64xf32, #tpu.memory_space<vmem_shared>>)
    } else {
    }
    %gt3A_77 = arith.constant 1 : i32
    %gt3A_78 = arith.cmpi sgt, %select_n3A, %gt3A_77 : i32
    %convert_element_type3A_79 = arith.extui %gt3A_78 : i1 to i32
    %cond3A_80 = arith.constant 0 : i32
    %cond3A_81 = arith.cmpi ne, %convert_element_type3A_79, %cond3A_80 : i32
    scf.if %cond3A_81 {
      %dma_wait3A = arith.constant 0 : i32
      %dma_wait3A_107 = arith.constant 0 : i32
      %dma_wait3A_108 = tpu.memref_slice %arg7[%dma_wait3A, %dma_wait3A_107] : memref<79x128xi32, #tpu.memory_space<vmem>> -> memref<1x128xi32, #tpu.memory_space<vmem>>
      %dma_wait3A_109 = tpu.memref_squeeze %dma_wait3A_108 : memref<1x128xi32, #tpu.memory_space<vmem>> -> memref<128xi32, #tpu.memory_space<vmem>>
      %dma_wait3A_110 = arith.constant 0 : i32
      %dma_wait3A_111 = arith.constant 0 : i32
      %dma_wait3A_112 = tpu.memref_slice %arg14[%dma_wait3A_110, %dma_wait3A_111] : memref<10000x64xf32, #tpu.memory_space<vmem_shared>> -> memref<10000x64xf32, #tpu.memory_space<vmem_shared>>
      tpu.wait_indirect_dma semaphore(%arg22 : memref<!tpu.dma_semaphore, #tpu.memory_space<semaphore_mem>>) src(%arg9 : memref<128x64xf32, #tpu.memory_space<vmem>>) dst(%dma_wait3A_112 : memref<10000x64xf32, #tpu.memory_space<vmem_shared>>)
    } else {
    }
    %gt3A_82 = arith.constant 2 : i32
    %gt3A_83 = arith.cmpi sgt, %select_n3A, %gt3A_82 : i32
    %convert_element_type3A_84 = arith.extui %gt3A_83 : i1 to i32
    %cond3A_85 = arith.constant 0 : i32
    %cond3A_86 = arith.cmpi ne, %convert_element_type3A_84, %cond3A_85 : i32
    scf.if %cond3A_86 {
      %dma_wait3A = arith.constant 0 : i32
      %dma_wait3A_107 = arith.constant 0 : i32
      %dma_wait3A_108 = tpu.memref_slice %arg7[%dma_wait3A, %dma_wait3A_107] : memref<79x128xi32, #tpu.memory_space<vmem>> -> memref<1x128xi32, #tpu.memory_space<vmem>>
      %dma_wait3A_109 = tpu.memref_squeeze %dma_wait3A_108 : memref<1x128xi32, #tpu.memory_space<vmem>> -> memref<128xi32, #tpu.memory_space<vmem>>
      %dma_wait3A_110 = arith.constant 0 : i32
      %dma_wait3A_111 = arith.constant 0 : i32
      %dma_wait3A_112 = tpu.memref_slice %arg14[%dma_wait3A_110, %dma_wait3A_111] : memref<10000x64xf32, #tpu.memory_space<vmem_shared>> -> memref<10000x64xf32, #tpu.memory_space<vmem_shared>>
      tpu.wait_indirect_dma semaphore(%arg23 : memref<!tpu.dma_semaphore, #tpu.memory_space<semaphore_mem>>) src(%arg10 : memref<128x64xf32, #tpu.memory_space<vmem>>) dst(%dma_wait3A_112 : memref<10000x64xf32, #tpu.memory_space<vmem_shared>>)
    } else {
    }
    %gt3A_87 = arith.constant 3 : i32
    %gt3A_88 = arith.cmpi sgt, %select_n3A, %gt3A_87 : i32
    %convert_element_type3A_89 = arith.extui %gt3A_88 : i1 to i32
    %cond3A_90 = arith.constant 0 : i32
    %cond3A_91 = arith.cmpi ne, %convert_element_type3A_89, %cond3A_90 : i32
    scf.if %cond3A_91 {
      %dma_wait3A = arith.constant 0 : i32
      %dma_wait3A_107 = arith.constant 0 : i32
      %dma_wait3A_108 = tpu.memref_slice %arg7[%dma_wait3A, %dma_wait3A_107] : memref<79x128xi32, #tpu.memory_space<vmem>> -> memref<1x128xi32, #tpu.memory_space<vmem>>
      %dma_wait3A_109 = tpu.memref_squeeze %dma_wait3A_108 : memref<1x128xi32, #tpu.memory_space<vmem>> -> memref<128xi32, #tpu.memory_space<vmem>>
      %dma_wait3A_110 = arith.constant 0 : i32
      %dma_wait3A_111 = arith.constant 0 : i32
      %dma_wait3A_112 = tpu.memref_slice %arg14[%dma_wait3A_110, %dma_wait3A_111] : memref<10000x64xf32, #tpu.memory_space<vmem_shared>> -> memref<10000x64xf32, #tpu.memory_space<vmem_shared>>
      tpu.wait_indirect_dma semaphore(%arg24 : memref<!tpu.dma_semaphore, #tpu.memory_space<semaphore_mem>>) src(%arg11 : memref<128x64xf32, #tpu.memory_space<vmem>>) dst(%dma_wait3A_112 : memref<10000x64xf32, #tpu.memory_space<vmem_shared>>)
    } else {
    }
    %gt3A_92 = arith.constant 4 : i32
    %gt3A_93 = arith.cmpi sgt, %select_n3A, %gt3A_92 : i32
    %convert_element_type3A_94 = arith.extui %gt3A_93 : i1 to i32
    %cond3A_95 = arith.constant 0 : i32
    %cond3A_96 = arith.cmpi ne, %convert_element_type3A_94, %cond3A_95 : i32
    scf.if %cond3A_96 {
      %dma_wait3A = arith.constant 0 : i32
      %dma_wait3A_107 = arith.constant 0 : i32
      %dma_wait3A_108 = tpu.memref_slice %arg7[%dma_wait3A, %dma_wait3A_107] : memref<79x128xi32, #tpu.memory_space<vmem>> -> memref<1x128xi32, #tpu.memory_space<vmem>>
      %dma_wait3A_109 = tpu.memref_squeeze %dma_wait3A_108 : memref<1x128xi32, #tpu.memory_space<vmem>> -> memref<128xi32, #tpu.memory_space<vmem>>
      %dma_wait3A_110 = arith.constant 0 : i32
      %dma_wait3A_111 = arith.constant 0 : i32
      %dma_wait3A_112 = tpu.memref_slice %arg14[%dma_wait3A_110, %dma_wait3A_111] : memref<10000x64xf32, #tpu.memory_space<vmem_shared>> -> memref<10000x64xf32, #tpu.memory_space<vmem_shared>>
      tpu.wait_indirect_dma semaphore(%arg25 : memref<!tpu.dma_semaphore, #tpu.memory_space<semaphore_mem>>) src(%arg12 : memref<128x64xf32, #tpu.memory_space<vmem>>) dst(%dma_wait3A_112 : memref<10000x64xf32, #tpu.memory_space<vmem_shared>>)
    } else {
    }
    %gt3A_97 = arith.constant 5 : i32
    %gt3A_98 = arith.cmpi sgt, %select_n3A, %gt3A_97 : i32
    %convert_element_type3A_99 = arith.extui %gt3A_98 : i1 to i32
    %cond3A_100 = arith.constant 0 : i32
    %cond3A_101 = arith.cmpi ne, %convert_element_type3A_99, %cond3A_100 : i32
    scf.if %cond3A_101 {
      %dma_wait3A = arith.constant 0 : i32
      %dma_wait3A_107 = arith.constant 0 : i32
      %dma_wait3A_108 = tpu.memref_slice %arg7[%dma_wait3A, %dma_wait3A_107] : memref<79x128xi32, #tpu.memory_space<vmem>> -> memref<1x128xi32, #tpu.memory_space<vmem>>
      %dma_wait3A_109 = tpu.memref_squeeze %dma_wait3A_108 : memref<1x128xi32, #tpu.memory_space<vmem>> -> memref<128xi32, #tpu.memory_space<vmem>>
      %dma_wait3A_110 = arith.constant 0 : i32
      %dma_wait3A_111 = arith.constant 0 : i32
      %dma_wait3A_112 = tpu.memref_slice %arg14[%dma_wait3A_110, %dma_wait3A_111] : memref<10000x64xf32, #tpu.memory_space<vmem_shared>> -> memref<10000x64xf32, #tpu.memory_space<vmem_shared>>
      tpu.wait_indirect_dma semaphore(%arg26 : memref<!tpu.dma_semaphore, #tpu.memory_space<semaphore_mem>>) src(%arg13 : memref<128x64xf32, #tpu.memory_space<vmem>>) dst(%dma_wait3A_112 : memref<10000x64xf32, #tpu.memory_space<vmem_shared>>)
    } else {
    }
    %barrier3A_102 = arith.constant 0 : index
    tpu.barrier barrier_id(%barrier3A_102)
    %mul3A_103 = arith.constant 625 : i32
    %mul3A_104 = arith.muli %arg1, %mul3A_103 : i32
    %mul3A_105 = arith.constant 625 : i32
    %mul3A_106 = arith.muli %arg1, %mul3A_105 : i32
    "tpu.region"() ({
      %run_scoped3A = tpu.sem_alloc : memref<!tpu.dma_semaphore, #tpu.memory_space<semaphore_mem>>
      %dma_start3A = arith.constant 0 : i32
      %dma_start3A_107 = tpu.memref_slice %arg5[%arg0, %mul3A_106, %dma_start3A] : memref<2x10000x64xf32, #tpu.memory_space<hbm>> -> memref<1x625x64xf32, #tpu.memory_space<hbm>>
      %dma_start3A_108 = tpu.memref_squeeze %dma_start3A_107 : memref<1x625x64xf32, #tpu.memory_space<hbm>> -> memref<625x64xf32, #tpu.memory_space<hbm>>
      %dma_start3A_109 = arith.constant 0 : i32
      %dma_start3A_110 = tpu.memref_slice %arg14[%mul3A_104, %dma_start3A_109] : memref<10000x64xf32, #tpu.memory_space<vmem_shared>> -> memref<625x64xf32, #tpu.memory_space<vmem_shared>>
      tpu.enqueue_dma source(%dma_start3A_110 : memref<625x64xf32, #tpu.memory_space<vmem_shared>>) target(%dma_start3A_108 : memref<625x64xf32, #tpu.memory_space<hbm>>) target_semaphore(%run_scoped3A : memref<!tpu.dma_semaphore, #tpu.memory_space<semaphore_mem>>)
      %dma_wait3A = arith.constant 0 : i32
      %dma_wait3A_111 = tpu.memref_slice %arg5[%arg0, %mul3A_106, %dma_wait3A] : memref<2x10000x64xf32, #tpu.memory_space<hbm>> -> memref<1x625x64xf32, #tpu.memory_space<hbm>>
      %dma_wait3A_112 = tpu.memref_squeeze %dma_wait3A_111 : memref<1x625x64xf32, #tpu.memory_space<hbm>> -> memref<625x64xf32, #tpu.memory_space<hbm>>
      %dma_wait3A_113 = arith.constant 0 : i32
      %dma_wait3A_114 = tpu.memref_slice %arg14[%mul3A_104, %dma_wait3A_113] : memref<10000x64xf32, #tpu.memory_space<vmem_shared>> -> memref<625x64xf32, #tpu.memory_space<vmem_shared>>
      tpu.wait_dma2 semaphore(%run_scoped3A : memref<!tpu.dma_semaphore, #tpu.memory_space<semaphore_mem>>) src(%dma_wait3A_114 : memref<625x64xf32, #tpu.memory_space<vmem_shared>>) dst(%dma_wait3A_112 : memref<625x64xf32, #tpu.memory_space<hbm>>)
      tpu.yield
    }) : () -> ()
    return
  }
}

#map = affine_map<(d0, d1) -> (0, 0)>
#map1 = affine_map<(d0, d1) -> (0, 0, 0)>
module attributes {stable_mosaic.version = 14 : i64} {
  func.func @_sc_scatter(%arg0: i32, %arg1: i32, %arg2: memref<10000x64xf32, #tpu.memory_space<hbm>>, %arg3: memref<2500x128xi32, #tpu.memory_space<hbm>>, %arg4: memref<2500x128xi32, #tpu.memory_space<hbm>>, %arg5: memref<2x10000x64xf32, #tpu.memory_space<hbm>>, %arg6: memref<79x128xi32, #tpu.memory_space<vmem>>, %arg7: memref<79x128xi32, #tpu.memory_space<vmem>>, %arg8: memref<128x64xf32, #tpu.memory_space<vmem>>, %arg9: memref<128x64xf32, #tpu.memory_space<vmem>>, %arg10: memref<128x64xf32, #tpu.memory_space<vmem>>, %arg11: memref<128x64xf32, #tpu.memory_space<vmem>>, %arg12: memref<128x64xf32, #tpu.memory_space<vmem>>, %arg13: memref<128x64xf32, #tpu.memory_space<vmem>>, %arg14: memref<10000x64xf32, #tpu.memory_space<vmem_shared>>, %arg15: memref<!tpu.dma_semaphore, #tpu.memory_space<semaphore_mem>>, %arg16: memref<!tpu.dma_semaphore, #tpu.memory_space<semaphore_mem>>, %arg17: memref<!tpu.dma_semaphore, #tpu.memory_space<semaphore_mem>>, %arg18: memref<!tpu.dma_semaphore, #tpu.memory_space<semaphore_mem>>, %arg19: memref<!tpu.dma_semaphore, #tpu.memory_space<semaphore_mem>>, %arg20: memref<!tpu.dma_semaphore, #tpu.memory_space<semaphore_mem>>, %arg21: memref<!tpu.dma_semaphore, #tpu.memory_space<semaphore_mem>>, %arg22: memref<!tpu.dma_semaphore, #tpu.memory_space<semaphore_mem>>, %arg23: memref<!tpu.dma_semaphore, #tpu.memory_space<semaphore_mem>>, %arg24: memref<!tpu.dma_semaphore, #tpu.memory_space<semaphore_mem>>, %arg25: memref<!tpu.dma_semaphore, #tpu.memory_space<semaphore_mem>>, %arg26: memref<!tpu.dma_semaphore, #tpu.memory_space<semaphore_mem>>) attributes {dimension_semantics = [#tpu.dimension_semantics<core_parallel>, #tpu.dimension_semantics<subcore_parallel>], iteration_bounds = array<i64: 2, 16>, scalar_prefetch = 0 : i64, scratch_operands = 21 : i64, tpu.core_type = #tpu.core_type<sc_vector_subcore>, window_params = [{transform_indices = #map}, {transform_indices = #map}, {transform_indices = #map}, {transform_indices = #map1}]} {
    %mul3A = arith.constant 2 : i32
    %mul3A_0 = arith.muli %arg1, %mul3A : i32
    %add3A = arith.addi %mul3A_0, %arg0 : i32
    %scan3A = arith.constant 0 : i32
    %scan3A_1 = arith.constant 0 : i32
    %scan3A_2 = arith.constant 512 : i32
    %scan3A_3 = arith.addi %scan3A_1, %scan3A_2 : i32
    %scan3A_4 = arith.constant 1 : i32
    %scan3A_5 = scf.for %scan3A_107 = %scan3A_1 to %scan3A_3 step %scan3A_4 iter_args(%scan3A_108 = %scan3A) -> (i32)  : i32 {
      %broadcast_in_dim3A = arith.constant 0.000000e+00 : f32
      %broadcast_in_dim3A_109 = vector.broadcast %broadcast_in_dim3A : f32 to vector<16xf32>
      %jit3A_110 = arith.constant 4 : i32
      %div3A = arith.divsi %scan3A_107, %jit3A_110 : i32
      %sign3A = arith.constant 0 : i32
      %sign3A_111 = arith.cmpi sgt, %scan3A_107, %sign3A : i32
      %sign3A_112 = arith.extui %sign3A_111 : i1 to i32
      %sign3A_113 = arith.constant 0 : i32
      %sign3A_114 = arith.cmpi slt, %scan3A_107, %sign3A_113 : i32
      %sign3A_115 = arith.extui %sign3A_114 : i1 to i32
      %sign3A_116 = arith.subi %sign3A_112, %sign3A_115 : i32
      %sign3A_117 = arith.constant 0 : i32
      %sign3A_118 = arith.cmpi sgt, %jit3A_110, %sign3A_117 : i32
      %sign3A_119 = arith.extui %sign3A_118 : i1 to i32
      %sign3A_120 = arith.constant 0 : i32
      %sign3A_121 = arith.cmpi slt, %jit3A_110, %sign3A_120 : i32
      %sign3A_122 = arith.extui %sign3A_121 : i1 to i32
      %sign3A_123 = arith.subi %sign3A_119, %sign3A_122 : i32
      %ne3A = arith.cmpi ne, %sign3A_116, %sign3A_123 : i32
      %rem3A = arith.remsi %scan3A_107, %jit3A_110 : i32
      %ne3A_124 = arith.constant 0 : i32
      %ne3A_125 = arith.cmpi ne, %rem3A, %ne3A_124 : i32
      %and3A = arith.andi %ne3A, %ne3A_125 : i1
      %sub3A = arith.constant 1 : i32
      %sub3A_126 = arith.subi %div3A, %sub3A : i32
      %select_n3A_127 = arith.select %and3A, %sub3A_126, %div3A : i32
      %jit3A_128 = arith.constant 4 : i32
      %eq3A = arith.constant 0 : i32
      %eq3A_129 = arith.cmpi eq, %jit3A_128, %eq3A : i32
      %jit3A_130 = arith.constant 1 : i32
      %select_n3A_131 = arith.select %eq3A_129, %jit3A_130, %jit3A_128 : i32
      %rem3A_132 = arith.remsi %scan3A_107, %select_n3A_131 : i32
      %ne3A_133 = arith.constant 0 : i32
      %ne3A_134 = arith.cmpi ne, %rem3A_132, %ne3A_133 : i32
      %lt3A_135 = arith.constant 0 : i32
      %lt3A_136 = arith.cmpi slt, %rem3A_132, %lt3A_135 : i32
      %lt3A_137 = arith.constant 0 : i32
      %lt3A_138 = arith.cmpi slt, %select_n3A_131, %lt3A_137 : i32
      %ne3A_139 = arith.xori %lt3A_136, %lt3A_138 : i1
      %and3A_140 = arith.andi %ne3A_139, %ne3A_134 : i1
      %add3A_141 = arith.addi %rem3A_132, %select_n3A_131 : i32
      %select_n3A_142 = arith.select %and3A_140, %add3A_141, %rem3A_132 : i32
      %mul3A_143 = arith.constant 16 : i32
      %mul3A_144 = arith.muli %select_n3A_142, %mul3A_143 : i32
      %swap3A = arith.index_cast %select_n3A_127 : i32 to index
      %swap3A_145 = arith.index_cast %mul3A_144 : i32 to index
      %swap3A_146 = tpu.vector_load %arg8[%swap3A, %swap3A_145] {strides = array<i32>} : memref<128x64xf32, #tpu.memory_space<vmem>>, vector<16xf32>,
      tpu.vector_store %arg8[%swap3A, %swap3A_145], %broadcast_in_dim3A_109 {strides = array<i32>} : memref<128x64xf32, #tpu.memory_space<vmem>>, vector<16xf32>,
      %scan3A_147 = arith.constant 0 : i32
      scf.yield %scan3A_147 : i32
    }
    %scan3A_6 = arith.constant 512 : i32
    %mul3A_7 = arith.constant 625 : i32
    %mul3A_8 = arith.muli %arg1, %mul3A_7 : i32
    %add3A_9 = arith.constant 0 : i32
    %add3A_10 = arith.addi %mul3A_8, %add3A_9 : i32
    "tpu.region"() ({
      %run_scoped3A = tpu.sem_alloc : memref<!tpu.dma_semaphore, #tpu.memory_space<semaphore_mem>>
      %dma_start3A = arith.constant 0 : i32
      %dma_start3A_107 = tpu.memref_slice %arg14[%add3A_10, %dma_start3A] : memref<10000x64xf32, #tpu.memory_space<vmem_shared>> -> memref<128x64xf32, #tpu.memory_space<vmem_shared>>
      %dma_start3A_108 = arith.constant 0 : i32
      %dma_start3A_109 = tpu.memref_slice %arg14[%add3A_10, %dma_start3A_108] : memref<10000x64xf32, #tpu.memory_space<vmem_shared>> -> memref<128x64xf32, #tpu.memory_space<vmem_shared>>
      tpu.enqueue_dma source(%arg8 : memref<128x64xf32, #tpu.memory_space<vmem>>) target(%dma_start3A_109 : memref<128x64xf32, #tpu.memory_space<vmem_shared>>) target_semaphore(%run_scoped3A : memref<!tpu.dma_semaphore, #tpu.memory_space<semaphore_mem>>)
      %dma_wait3A = arith.constant 0 : i32
      %dma_wait3A_110 = tpu.memref_slice %arg14[%add3A_10, %dma_wait3A] : memref<10000x64xf32, #tpu.memory_space<vmem_shared>> -> memref<128x64xf32, #tpu.memory_space<vmem_shared>>
      %dma_wait3A_111 = arith.constant 0 : i32
      %dma_wait3A_112 = tpu.memref_slice %arg14[%add3A_10, %dma_wait3A_111] : memref<10000x64xf32, #tpu.memory_space<vmem_shared>> -> memref<128x64xf32, #tpu.memory_space<vmem_shared>>
      tpu.wait_dma2 semaphore(%run_scoped3A : memref<!tpu.dma_semaphore, #tpu.memory_space<semaphore_mem>>) src(%arg8 : memref<128x64xf32, #tpu.memory_space<vmem>>) dst(%dma_wait3A_112 : memref<128x64xf32, #tpu.memory_space<vmem_shared>>)
      tpu.yield
    }) : () -> ()
    %mul3A_11 = arith.constant 625 : i32
    %mul3A_12 = arith.muli %arg1, %mul3A_11 : i32
    %add3A_13 = arith.constant 128 : i32
    %add3A_14 = arith.addi %mul3A_12, %add3A_13 : i32
    "tpu.region"() ({
      %run_scoped3A = tpu.sem_alloc : memref<!tpu.dma_semaphore, #tpu.memory_space<semaphore_mem>>
      %dma_start3A = arith.constant 0 : i32
      %dma_start3A_107 = tpu.memref_slice %arg14[%add3A_14, %dma_start3A] : memref<10000x64xf32, #tpu.memory_space<vmem_shared>> -> memref<128x64xf32, #tpu.memory_space<vmem_shared>>
      %dma_start3A_108 = arith.constant 0 : i32
      %dma_start3A_109 = tpu.memref_slice %arg14[%add3A_14, %dma_start3A_108] : memref<10000x64xf32, #tpu.memory_space<vmem_shared>> -> memref<128x64xf32, #tpu.memory_space<vmem_shared>>
      tpu.enqueue_dma source(%arg8 : memref<128x64xf32, #tpu.memory_space<vmem>>) target(%dma_start3A_109 : memref<128x64xf32, #tpu.memory_space<vmem_shared>>) target_semaphore(%run_scoped3A : memref<!tpu.dma_semaphore, #tpu.memory_space<semaphore_mem>>)
      %dma_wait3A = arith.constant 0 : i32
      %dma_wait3A_110 = tpu.memref_slice %arg14[%add3A_14, %dma_wait3A] : memref<10000x64xf32, #tpu.memory_space<vmem_shared>> -> memref<128x64xf32, #tpu.memory_space<vmem_shared>>
      %dma_wait3A_111 = arith.constant 0 : i32
      %dma_wait3A_112 = tpu.memref_slice %arg14[%add3A_14, %dma_wait3A_111] : memref<10000x64xf32, #tpu.memory_space<vmem_shared>> -> memref<128x64xf32, #tpu.memory_space<vmem_shared>>
      tpu.wait_dma2 semaphore(%run_scoped3A : memref<!tpu.dma_semaphore, #tpu.memory_space<semaphore_mem>>) src(%arg8 : memref<128x64xf32, #tpu.memory_space<vmem>>) dst(%dma_wait3A_112 : memref<128x64xf32, #tpu.memory_space<vmem_shared>>)
      tpu.yield
    }) : () -> ()
    %mul3A_15 = arith.constant 625 : i32
    %mul3A_16 = arith.muli %arg1, %mul3A_15 : i32
    %add3A_17 = arith.constant 256 : i32
    %add3A_18 = arith.addi %mul3A_16, %add3A_17 : i32
    "tpu.region"() ({
      %run_scoped3A = tpu.sem_alloc : memref<!tpu.dma_semaphore, #tpu.memory_space<semaphore_mem>>
      %dma_start3A = arith.constant 0 : i32
      %dma_start3A_107 = tpu.memref_slice %arg14[%add3A_18, %dma_start3A] : memref<10000x64xf32, #tpu.memory_space<vmem_shared>> -> memref<128x64xf32, #tpu.memory_space<vmem_shared>>
      %dma_start3A_108 = arith.constant 0 : i32
      %dma_start3A_109 = tpu.memref_slice %arg14[%add3A_18, %dma_start3A_108] : memref<10000x64xf32, #tpu.memory_space<vmem_shared>> -> memref<128x64xf32, #tpu.memory_space<vmem_shared>>
      tpu.enqueue_dma source(%arg8 : memref<128x64xf32, #tpu.memory_space<vmem>>) target(%dma_start3A_109 : memref<128x64xf32, #tpu.memory_space<vmem_shared>>) target_semaphore(%run_scoped3A : memref<!tpu.dma_semaphore, #tpu.memory_space<semaphore_mem>>)
      %dma_wait3A = arith.constant 0 : i32
      %dma_wait3A_110 = tpu.memref_slice %arg14[%add3A_18, %dma_wait3A] : memref<10000x64xf32, #tpu.memory_space<vmem_shared>> -> memref<128x64xf32, #tpu.memory_space<vmem_shared>>
      %dma_wait3A_111 = arith.constant 0 : i32
      %dma_wait3A_112 = tpu.memref_slice %arg14[%add3A_18, %dma_wait3A_111] : memref<10000x64xf32, #tpu.memory_space<vmem_shared>> -> memref<128x64xf32, #tpu.memory_space<vmem_shared>>
      tpu.wait_dma2 semaphore(%run_scoped3A : memref<!tpu.dma_semaphore, #tpu.memory_space<semaphore_mem>>) src(%arg8 : memref<128x64xf32, #tpu.memory_space<vmem>>) dst(%dma_wait3A_112 : memref<128x64xf32, #tpu.memory_space<vmem_shared>>)
      tpu.yield
    }) : () -> ()
    %mul3A_19 = arith.constant 625 : i32
    %mul3A_20 = arith.muli %arg1, %mul3A_19 : i32
    %add3A_21 = arith.constant 384 : i32
    %add3A_22 = arith.addi %mul3A_20, %add3A_21 : i32
    "tpu.region"() ({
      %run_scoped3A = tpu.sem_alloc : memref<!tpu.dma_semaphore, #tpu.memory_space<semaphore_mem>>
      %dma_start3A = arith.constant 0 : i32
      %dma_start3A_107 = tpu.memref_slice %arg14[%add3A_22, %dma_start3A] : memref<10000x64xf32, #tpu.memory_space<vmem_shared>> -> memref<128x64xf32, #tpu.memory_space<vmem_shared>>
      %dma_start3A_108 = arith.constant 0 : i32
      %dma_start3A_109 = tpu.memref_slice %arg14[%add3A_22, %dma_start3A_108] : memref<10000x64xf32, #tpu.memory_space<vmem_shared>> -> memref<128x64xf32, #tpu.memory_space<vmem_shared>>
      tpu.enqueue_dma source(%arg8 : memref<128x64xf32, #tpu.memory_space<vmem>>) target(%dma_start3A_109 : memref<128x64xf32, #tpu.memory_space<vmem_shared>>) target_semaphore(%run_scoped3A : memref<!tpu.dma_semaphore, #tpu.memory_space<semaphore_mem>>)
      %dma_wait3A = arith.constant 0 : i32
      %dma_wait3A_110 = tpu.memref_slice %arg14[%add3A_22, %dma_wait3A] : memref<10000x64xf32, #tpu.memory_space<vmem_shared>> -> memref<128x64xf32, #tpu.memory_space<vmem_shared>>
      %dma_wait3A_111 = arith.constant 0 : i32
      %dma_wait3A_112 = tpu.memref_slice %arg14[%add3A_22, %dma_wait3A_111] : memref<10000x64xf32, #tpu.memory_space<vmem_shared>> -> memref<128x64xf32, #tpu.memory_space<vmem_shared>>
      tpu.wait_dma2 semaphore(%run_scoped3A : memref<!tpu.dma_semaphore, #tpu.memory_space<semaphore_mem>>) src(%arg8 : memref<128x64xf32, #tpu.memory_space<vmem>>) dst(%dma_wait3A_112 : memref<128x64xf32, #tpu.memory_space<vmem_shared>>)
      tpu.yield
    }) : () -> ()
    %mul3A_23 = arith.constant 625 : i32
    %mul3A_24 = arith.muli %arg1, %mul3A_23 : i32
    %add3A_25 = arith.constant 512 : i32
    %add3A_26 = arith.addi %mul3A_24, %add3A_25 : i32
    "tpu.region"() ({
      %run_scoped3A = tpu.sem_alloc : memref<!tpu.dma_semaphore, #tpu.memory_space<semaphore_mem>>
      %dma_start3A = arith.constant 0 : i32
      %dma_start3A_107 = arith.constant 0 : i32
      %dma_start3A_108 = tpu.memref_slice %arg8[%dma_start3A, %dma_start3A_107] : memref<128x64xf32, #tpu.memory_space<vmem>> -> memref<113x64xf32, #tpu.memory_space<vmem>>
      %dma_start3A_109 = arith.constant 0 : i32
      %dma_start3A_110 = tpu.memref_slice %arg14[%add3A_26, %dma_start3A_109] : memref<10000x64xf32, #tpu.memory_space<vmem_shared>> -> memref<113x64xf32, #tpu.memory_space<vmem_shared>>
      %dma_start3A_111 = arith.constant 0 : i32
      %dma_start3A_112 = tpu.memref_slice %arg14[%add3A_26, %dma_start3A_111] : memref<10000x64xf32, #tpu.memory_space<vmem_shared>> -> memref<113x64xf32, #tpu.memory_space<vmem_shared>>
      %dma_start3A_113 = arith.constant 0 : i32
      %dma_start3A_114 = arith.constant 0 : i32
      %dma_start3A_115 = tpu.memref_slice %arg8[%dma_start3A_113, %dma_start3A_114] : memref<128x64xf32, #tpu.memory_space<vmem>> -> memref<113x64xf32, #tpu.memory_space<vmem>>
      tpu.enqueue_dma source(%dma_start3A_115 : memref<113x64xf32, #tpu.memory_space<vmem>>) target(%dma_start3A_112 : memref<113x64xf32, #tpu.memory_space<vmem_shared>>) target_semaphore(%run_scoped3A : memref<!tpu.dma_semaphore, #tpu.memory_space<semaphore_mem>>)
      %dma_wait3A = arith.constant 0 : i32
      %dma_wait3A_116 = arith.constant 0 : i32
      %dma_wait3A_117 = tpu.memref_slice %arg8[%dma_wait3A, %dma_wait3A_116] : memref<128x64xf32, #tpu.memory_space<vmem>> -> memref<113x64xf32, #tpu.memory_space<vmem>>
      %dma_wait3A_118 = arith.constant 0 : i32
      %dma_wait3A_119 = tpu.memref_slice %arg14[%add3A_26, %dma_wait3A_118] : memref<10000x64xf32, #tpu.memory_space<vmem_shared>> -> memref<113x64xf32, #tpu.memory_space<vmem_shared>>
      %dma_wait3A_120 = arith.constant 0 : i32
      %dma_wait3A_121 = tpu.memref_slice %arg14[%add3A_26, %dma_wait3A_120] : memref<10000x64xf32, #tpu.memory_space<vmem_shared>> -> memref<113x64xf32, #tpu.memory_space<vmem_shared>>
      %dma_wait3A_122 = arith.constant 0 : i32
      %dma_wait3A_123 = arith.constant 0 : i32
      %dma_wait3A_124 = tpu.memref_slice %arg8[%dma_wait3A_122, %dma_wait3A_123] : memref<128x64xf32, #tpu.memory_space<vmem>> -> memref<113x64xf32, #tpu.memory_space<vmem>>
      tpu.wait_dma2 semaphore(%run_scoped3A : memref<!tpu.dma_semaphore, #tpu.memory_space<semaphore_mem>>) src(%dma_wait3A_124 : memref<113x64xf32, #tpu.memory_space<vmem>>) dst(%dma_wait3A_121 : memref<113x64xf32, #tpu.memory_space<vmem_shared>>)
      tpu.yield
    }) : () -> ()
    %barrier3A = arith.constant 0 : index
    tpu.barrier barrier_id(%barrier3A)
    %mul3A_27 = arith.constant 78 : i32
    %mul3A_28 = arith.muli %add3A, %mul3A_27 : i32
    "tpu.region"() ({
      %run_scoped3A = tpu.sem_alloc : memref<!tpu.dma_semaphore, #tpu.memory_space<semaphore_mem>>
      %dma_start3A = arith.constant 0 : i32
      %dma_start3A_107 = arith.constant 0 : i32
      %dma_start3A_108 = tpu.memref_slice %arg6[%dma_start3A, %dma_start3A_107] : memref<79x128xi32, #tpu.memory_space<vmem>> -> memref<78x128xi32, #tpu.memory_space<vmem>>
      %dma_start3A_109 = arith.constant 0 : i32
      %dma_start3A_110 = tpu.memref_slice %arg3[%mul3A_28, %dma_start3A_109] : memref<2500x128xi32, #tpu.memory_space<hbm>> -> memref<78x128xi32, #tpu.memory_space<hbm>>
      %dma_start3A_111 = arith.constant 0 : i32
      %dma_start3A_112 = arith.constant 0 : i32
      %dma_start3A_113 = tpu.memref_slice %arg6[%dma_start3A_111, %dma_start3A_112] : memref<79x128xi32, #tpu.memory_space<vmem>> -> memref<78x128xi32, #tpu.memory_space<vmem>>
      %dma_start3A_114 = arith.constant 0 : i32
      %dma_start3A_115 = tpu.memref_slice %arg3[%mul3A_28, %dma_start3A_114] : memref<2500x128xi32, #tpu.memory_space<hbm>> -> memref<78x128xi32, #tpu.memory_space<hbm>>
      tpu.enqueue_dma source(%dma_start3A_115 : memref<78x128xi32, #tpu.memory_space<hbm>>) target(%dma_start3A_113 : memref<78x128xi32, #tpu.memory_space<vmem>>) target_semaphore(%run_scoped3A : memref<!tpu.dma_semaphore, #tpu.memory_space<semaphore_mem>>)
      %dma_wait3A = arith.constant 0 : i32
      %dma_wait3A_116 = arith.constant 0 : i32
      %dma_wait3A_117 = tpu.memref_slice %arg6[%dma_wait3A, %dma_wait3A_116] : memref<79x128xi32, #tpu.memory_space<vmem>> -> memref<78x128xi32, #tpu.memory_space<vmem>>
      %dma_wait3A_118 = arith.constant 0 : i32
      %dma_wait3A_119 = tpu.memref_slice %arg3[%mul3A_28, %dma_wait3A_118] : memref<2500x128xi32, #tpu.memory_space<hbm>> -> memref<78x128xi32, #tpu.memory_space<hbm>>
      %dma_wait3A_120 = arith.constant 0 : i32
      %dma_wait3A_121 = arith.constant 0 : i32
      %dma_wait3A_122 = tpu.memref_slice %arg6[%dma_wait3A_120, %dma_wait3A_121] : memref<79x128xi32, #tpu.memory_space<vmem>> -> memref<78x128xi32, #tpu.memory_space<vmem>>
      %dma_wait3A_123 = arith.constant 0 : i32
      %dma_wait3A_124 = tpu.memref_slice %arg3[%mul3A_28, %dma_wait3A_123] : memref<2500x128xi32, #tpu.memory_space<hbm>> -> memref<78x128xi32, #tpu.memory_space<hbm>>
      tpu.wait_dma2 semaphore(%run_scoped3A : memref<!tpu.dma_semaphore, #tpu.memory_space<semaphore_mem>>) src(%dma_wait3A_124 : memref<78x128xi32, #tpu.memory_space<hbm>>) dst(%dma_wait3A_122 : memref<78x128xi32, #tpu.memory_space<vmem>>)
      tpu.yield
    }) : () -> ()
    %mul3A_29 = arith.constant 78 : i32
    %mul3A_30 = arith.muli %add3A, %mul3A_29 : i32
    "tpu.region"() ({
      %run_scoped3A = tpu.sem_alloc : memref<!tpu.dma_semaphore, #tpu.memory_space<semaphore_mem>>
      %dma_start3A = arith.constant 0 : i32
      %dma_start3A_107 = arith.constant 0 : i32
      %dma_start3A_108 = tpu.memref_slice %arg7[%dma_start3A, %dma_start3A_107] : memref<79x128xi32, #tpu.memory_space<vmem>> -> memref<78x128xi32, #tpu.memory_space<vmem>>
      %dma_start3A_109 = arith.constant 0 : i32
      %dma_start3A_110 = tpu.memref_slice %arg4[%mul3A_30, %dma_start3A_109] : memref<2500x128xi32, #tpu.memory_space<hbm>> -> memref<78x128xi32, #tpu.memory_space<hbm>>
      %dma_start3A_111 = arith.constant 0 : i32
      %dma_start3A_112 = arith.constant 0 : i32
      %dma_start3A_113 = tpu.memref_slice %arg7[%dma_start3A_111, %dma_start3A_112] : memref<79x128xi32, #tpu.memory_space<vmem>> -> memref<78x128xi32, #tpu.memory_space<vmem>>
      %dma_start3A_114 = arith.constant 0 : i32
      %dma_start3A_115 = tpu.memref_slice %arg4[%mul3A_30, %dma_start3A_114] : memref<2500x128xi32, #tpu.memory_space<hbm>> -> memref<78x128xi32, #tpu.memory_space<hbm>>
      tpu.enqueue_dma source(%dma_start3A_115 : memref<78x128xi32, #tpu.memory_space<hbm>>) target(%dma_start3A_113 : memref<78x128xi32, #tpu.memory_space<vmem>>) target_semaphore(%run_scoped3A : memref<!tpu.dma_semaphore, #tpu.memory_space<semaphore_mem>>)
      %dma_wait3A = arith.constant 0 : i32
      %dma_wait3A_116 = arith.constant 0 : i32
      %dma_wait3A_117 = tpu.memref_slice %arg7[%dma_wait3A, %dma_wait3A_116] : memref<79x128xi32, #tpu.memory_space<vmem>> -> memref<78x128xi32, #tpu.memory_space<vmem>>
      %dma_wait3A_118 = arith.constant 0 : i32
      %dma_wait3A_119 = tpu.memref_slice %arg4[%mul3A_30, %dma_wait3A_118] : memref<2500x128xi32, #tpu.memory_space<hbm>> -> memref<78x128xi32, #tpu.memory_space<hbm>>
      %dma_wait3A_120 = arith.constant 0 : i32
      %dma_wait3A_121 = arith.constant 0 : i32
      %dma_wait3A_122 = tpu.memref_slice %arg7[%dma_wait3A_120, %dma_wait3A_121] : memref<79x128xi32, #tpu.memory_space<vmem>> -> memref<78x128xi32, #tpu.memory_space<vmem>>
      %dma_wait3A_123 = arith.constant 0 : i32
      %dma_wait3A_124 = tpu.memref_slice %arg4[%mul3A_30, %dma_wait3A_123] : memref<2500x128xi32, #tpu.memory_space<hbm>> -> memref<78x128xi32, #tpu.memory_space<hbm>>
      tpu.wait_dma2 semaphore(%run_scoped3A : memref<!tpu.dma_semaphore, #tpu.memory_space<semaphore_mem>>) src(%dma_wait3A_124 : memref<78x128xi32, #tpu.memory_space<hbm>>) dst(%dma_wait3A_122 : memref<78x128xi32, #tpu.memory_space<vmem>>)
      tpu.yield
    }) : () -> ()
    %lt3A = arith.constant 4 : i32
    %lt3A_31 = arith.cmpi slt, %add3A, %lt3A : i32
    %convert_element_type3A = arith.extui %lt3A_31 : i1 to i32
    %cond3A = arith.constant 0 : i32
    %cond3A_32 = arith.cmpi ne, %convert_element_type3A, %cond3A : i32
    scf.if %cond3A_32 {
      %add3A_107 = arith.constant 2496 : i32
      %add3A_108 = arith.addi %add3A_107, %add3A : i32
      "tpu.region"() ({
        %run_scoped3A = tpu.sem_alloc : memref<!tpu.dma_semaphore, #tpu.memory_space<semaphore_mem>>
        %dma_start3A = arith.constant 78 : i32
        %dma_start3A_111 = arith.constant 0 : i32
        %dma_start3A_112 = tpu.memref_slice %arg6[%dma_start3A, %dma_start3A_111] : memref<79x128xi32, #tpu.memory_space<vmem>> -> memref<1x128xi32, #tpu.memory_space<vmem>>
        %dma_start3A_113 = arith.constant 0 : i32
        %dma_start3A_114 = tpu.memref_slice %arg3[%add3A_108, %dma_start3A_113] : memref<2500x128xi32, #tpu.memory_space<hbm>> -> memref<1x128xi32, #tpu.memory_space<hbm>>
        %dma_start3A_115 = arith.constant 78 : i32
        %dma_start3A_116 = arith.constant 0 : i32
        %dma_start3A_117 = tpu.memref_slice %arg6[%dma_start3A_115, %dma_start3A_116] : memref<79x128xi32, #tpu.memory_space<vmem>> -> memref<1x128xi32, #tpu.memory_space<vmem>>
        %dma_start3A_118 = arith.constant 0 : i32
        %dma_start3A_119 = tpu.memref_slice %arg3[%add3A_108, %dma_start3A_118] : memref<2500x128xi32, #tpu.memory_space<hbm>> -> memref<1x128xi32, #tpu.memory_space<hbm>>
        tpu.enqueue_dma source(%dma_start3A_119 : memref<1x128xi32, #tpu.memory_space<hbm>>) target(%dma_start3A_117 : memref<1x128xi32, #tpu.memory_space<vmem>>) target_semaphore(%run_scoped3A : memref<!tpu.dma_semaphore, #tpu.memory_space<semaphore_mem>>)
        %dma_wait3A = arith.constant 78 : i32
        %dma_wait3A_120 = arith.constant 0 : i32
        %dma_wait3A_121 = tpu.memref_slice %arg6[%dma_wait3A, %dma_wait3A_120] : memref<79x128xi32, #tpu.memory_space<vmem>> -> memref<1x128xi32, #tpu.memory_space<vmem>>
        %dma_wait3A_122 = arith.constant 0 : i32
        %dma_wait3A_123 = tpu.memref_slice %arg3[%add3A_108, %dma_wait3A_122] : memref<2500x128xi32, #tpu.memory_space<hbm>> -> memref<1x128xi32, #tpu.memory_space<hbm>>
        %dma_wait3A_124 = arith.constant 78 : i32
        %dma_wait3A_125 = arith.constant 0 : i32
        %dma_wait3A_126 = tpu.memref_slice %arg6[%dma_wait3A_124, %dma_wait3A_125] : memref<79x128xi32, #tpu.memory_space<vmem>> -> memref<1x128xi32, #tpu.memory_space<vmem>>
        %dma_wait3A_127 = arith.constant 0 : i32
        %dma_wait3A_128 = tpu.memref_slice %arg3[%add3A_108, %dma_wait3A_127] : memref<2500x128xi32, #tpu.memory_space<hbm>> -> memref<1x128xi32, #tpu.memory_space<hbm>>
        tpu.wait_dma2 semaphore(%run_scoped3A : memref<!tpu.dma_semaphore, #tpu.memory_space<semaphore_mem>>) src(%dma_wait3A_128 : memref<1x128xi32, #tpu.memory_space<hbm>>) dst(%dma_wait3A_126 : memref<1x128xi32, #tpu.memory_space<vmem>>)
        tpu.yield
      }) : () -> ()
      %add3A_109 = arith.constant 2496 : i32
      %add3A_110 = arith.addi %add3A_109, %add3A : i32
      "tpu.region"() ({
        %run_scoped3A = tpu.sem_alloc : memref<!tpu.dma_semaphore, #tpu.memory_space<semaphore_mem>>
        %dma_start3A = arith.constant 78 : i32
        %dma_start3A_111 = arith.constant 0 : i32
        %dma_start3A_112 = tpu.memref_slice %arg7[%dma_start3A, %dma_start3A_111] : memref<79x128xi32, #tpu.memory_space<vmem>> -> memref<1x128xi32, #tpu.memory_space<vmem>>
        %dma_start3A_113 = arith.constant 0 : i32
        %dma_start3A_114 = tpu.memref_slice %arg4[%add3A_110, %dma_start3A_113] : memref<2500x128xi32, #tpu.memory_space<hbm>> -> memref<1x128xi32, #tpu.memory_space<hbm>>
        %dma_start3A_115 = arith.constant 78 : i32
        %dma_start3A_116 = arith.constant 0 : i32
        %dma_start3A_117 = tpu.memref_slice %arg7[%dma_start3A_115, %dma_start3A_116] : memref<79x128xi32, #tpu.memory_space<vmem>> -> memref<1x128xi32, #tpu.memory_space<vmem>>
        %dma_start3A_118 = arith.constant 0 : i32
        %dma_start3A_119 = tpu.memref_slice %arg4[%add3A_110, %dma_start3A_118] : memref<2500x128xi32, #tpu.memory_space<hbm>> -> memref<1x128xi32, #tpu.memory_space<hbm>>
        tpu.enqueue_dma source(%dma_start3A_119 : memref<1x128xi32, #tpu.memory_space<hbm>>) target(%dma_start3A_117 : memref<1x128xi32, #tpu.memory_space<vmem>>) target_semaphore(%run_scoped3A : memref<!tpu.dma_semaphore, #tpu.memory_space<semaphore_mem>>)
        %dma_wait3A = arith.constant 78 : i32
        %dma_wait3A_120 = arith.constant 0 : i32
        %dma_wait3A_121 = tpu.memref_slice %arg7[%dma_wait3A, %dma_wait3A_120] : memref<79x128xi32, #tpu.memory_space<vmem>> -> memref<1x128xi32, #tpu.memory_space<vmem>>
        %dma_wait3A_122 = arith.constant 0 : i32
        %dma_wait3A_123 = tpu.memref_slice %arg4[%add3A_110, %dma_wait3A_122] : memref<2500x128xi32, #tpu.memory_space<hbm>> -> memref<1x128xi32, #tpu.memory_space<hbm>>
        %dma_wait3A_124 = arith.constant 78 : i32
        %dma_wait3A_125 = arith.constant 0 : i32
        %dma_wait3A_126 = tpu.memref_slice %arg7[%dma_wait3A_124, %dma_wait3A_125] : memref<79x128xi32, #tpu.memory_space<vmem>> -> memref<1x128xi32, #tpu.memory_space<vmem>>
        %dma_wait3A_127 = arith.constant 0 : i32
        %dma_wait3A_128 = tpu.memref_slice %arg4[%add3A_110, %dma_wait3A_127] : memref<2500x128xi32, #tpu.memory_space<hbm>> -> memref<1x128xi32, #tpu.memory_space<hbm>>
        tpu.wait_dma2 semaphore(%run_scoped3A : memref<!tpu.dma_semaphore, #tpu.memory_space<semaphore_mem>>) src(%dma_wait3A_128 : memref<1x128xi32, #tpu.memory_space<hbm>>) dst(%dma_wait3A_126 : memref<1x128xi32, #tpu.memory_space<vmem>>)
        tpu.yield
      }) : () -> ()
    } else {
    }
    %lt3A_33 = arith.constant 4 : i32
    %lt3A_34 = arith.cmpi slt, %add3A, %lt3A_33 : i32
    %jit3A = arith.constant 79 : i32
    %jit3A_35 = arith.constant 78 : i32
    %select_n3A = arith.select %lt3A_34, %jit3A, %jit3A_35 : i32
    %gt3A = arith.constant 0 : i32
    %gt3A_36 = arith.cmpi sgt, %select_n3A, %gt3A : i32
    %convert_element_type3A_37 = arith.extui %gt3A_36 : i1 to i32
    %cond3A_38 = arith.constant 0 : i32
    %cond3A_39 = arith.cmpi ne, %convert_element_type3A_37, %cond3A_38 : i32
    scf.if %cond3A_39 {
      %dma_start3A = arith.constant 0 : i32
      %dma_start3A_107 = arith.constant 0 : i32
      %dma_start3A_108 = tpu.memref_slice %arg6[%dma_start3A, %dma_start3A_107] : memref<79x128xi32, #tpu.memory_space<vmem>> -> memref<1x128xi32, #tpu.memory_space<vmem>>
      %dma_start3A_109 = tpu.memref_squeeze %dma_start3A_108 : memref<1x128xi32, #tpu.memory_space<vmem>> -> memref<128xi32, #tpu.memory_space<vmem>>
      %dma_start3A_110 = arith.constant 0 : i32
      %dma_start3A_111 = arith.constant 0 : i32
      %dma_start3A_112 = tpu.memref_slice %arg2[%dma_start3A_110, %dma_start3A_111] : memref<10000x64xf32, #tpu.memory_space<hbm>> -> memref<10000x64xf32, #tpu.memory_space<hbm>>
      tpu.enqueue_indirect_dma source(%dma_start3A_112 : memref<10000x64xf32, #tpu.memory_space<hbm>>) target(%arg8 : memref<128x64xf32, #tpu.memory_space<vmem>>) offsets(%dma_start3A_109 : memref<128xi32, #tpu.memory_space<vmem>>) semaphore(%arg15 : memref<!tpu.dma_semaphore, #tpu.memory_space<semaphore_mem>>)
    } else {
    }
    %gt3A_40 = arith.constant 1 : i32
    %gt3A_41 = arith.cmpi sgt, %select_n3A, %gt3A_40 : i32
    %convert_element_type3A_42 = arith.extui %gt3A_41 : i1 to i32
    %cond3A_43 = arith.constant 0 : i32
    %cond3A_44 = arith.cmpi ne, %convert_element_type3A_42, %cond3A_43 : i32
    scf.if %cond3A_44 {
      %dma_start3A = arith.constant 1 : i32
      %dma_start3A_107 = arith.constant 0 : i32
      %dma_start3A_108 = tpu.memref_slice %arg6[%dma_start3A, %dma_start3A_107] : memref<79x128xi32, #tpu.memory_space<vmem>> -> memref<1x128xi32, #tpu.memory_space<vmem>>
      %dma_start3A_109 = tpu.memref_squeeze %dma_start3A_108 : memref<1x128xi32, #tpu.memory_space<vmem>> -> memref<128xi32, #tpu.memory_space<vmem>>
      %dma_start3A_110 = arith.constant 0 : i32
      %dma_start3A_111 = arith.constant 0 : i32
      %dma_start3A_112 = tpu.memref_slice %arg2[%dma_start3A_110, %dma_start3A_111] : memref<10000x64xf32, #tpu.memory_space<hbm>> -> memref<10000x64xf32, #tpu.memory_space<hbm>>
      tpu.enqueue_indirect_dma source(%dma_start3A_112 : memref<10000x64xf32, #tpu.memory_space<hbm>>) target(%arg9 : memref<128x64xf32, #tpu.memory_space<vmem>>) offsets(%dma_start3A_109 : memref<128xi32, #tpu.memory_space<vmem>>) semaphore(%arg16 : memref<!tpu.dma_semaphore, #tpu.memory_space<semaphore_mem>>)
    } else {
    }
    %gt3A_45 = arith.constant 2 : i32
    %gt3A_46 = arith.cmpi sgt, %select_n3A, %gt3A_45 : i32
    %convert_element_type3A_47 = arith.extui %gt3A_46 : i1 to i32
    %cond3A_48 = arith.constant 0 : i32
    %cond3A_49 = arith.cmpi ne, %convert_element_type3A_47, %cond3A_48 : i32
    scf.if %cond3A_49 {
      %dma_start3A = arith.constant 2 : i32
      %dma_start3A_107 = arith.constant 0 : i32
      %dma_start3A_108 = tpu.memref_slice %arg6[%dma_start3A, %dma_start3A_107] : memref<79x128xi32, #tpu.memory_space<vmem>> -> memref<1x128xi32, #tpu.memory_space<vmem>>
      %dma_start3A_109 = tpu.memref_squeeze %dma_start3A_108 : memref<1x128xi32, #tpu.memory_space<vmem>> -> memref<128xi32, #tpu.memory_space<vmem>>
      %dma_start3A_110 = arith.constant 0 : i32
      %dma_start3A_111 = arith.constant 0 : i32
      %dma_start3A_112 = tpu.memref_slice %arg2[%dma_start3A_110, %dma_start3A_111] : memref<10000x64xf32, #tpu.memory_space<hbm>> -> memref<10000x64xf32, #tpu.memory_space<hbm>>
      tpu.enqueue_indirect_dma source(%dma_start3A_112 : memref<10000x64xf32, #tpu.memory_space<hbm>>) target(%arg10 : memref<128x64xf32, #tpu.memory_space<vmem>>) offsets(%dma_start3A_109 : memref<128xi32, #tpu.memory_space<vmem>>) semaphore(%arg17 : memref<!tpu.dma_semaphore, #tpu.memory_space<semaphore_mem>>)
    } else {
    }
    %gt3A_50 = arith.constant 3 : i32
    %gt3A_51 = arith.cmpi sgt, %select_n3A, %gt3A_50 : i32
    %convert_element_type3A_52 = arith.extui %gt3A_51 : i1 to i32
    %cond3A_53 = arith.constant 0 : i32
    %cond3A_54 = arith.cmpi ne, %convert_element_type3A_52, %cond3A_53 : i32
    scf.if %cond3A_54 {
      %dma_start3A = arith.constant 3 : i32
      %dma_start3A_107 = arith.constant 0 : i32
      %dma_start3A_108 = tpu.memref_slice %arg6[%dma_start3A, %dma_start3A_107] : memref<79x128xi32, #tpu.memory_space<vmem>> -> memref<1x128xi32, #tpu.memory_space<vmem>>
      %dma_start3A_109 = tpu.memref_squeeze %dma_start3A_108 : memref<1x128xi32, #tpu.memory_space<vmem>> -> memref<128xi32, #tpu.memory_space<vmem>>
      %dma_start3A_110 = arith.constant 0 : i32
      %dma_start3A_111 = arith.constant 0 : i32
      %dma_start3A_112 = tpu.memref_slice %arg2[%dma_start3A_110, %dma_start3A_111] : memref<10000x64xf32, #tpu.memory_space<hbm>> -> memref<10000x64xf32, #tpu.memory_space<hbm>>
      tpu.enqueue_indirect_dma source(%dma_start3A_112 : memref<10000x64xf32, #tpu.memory_space<hbm>>) target(%arg11 : memref<128x64xf32, #tpu.memory_space<vmem>>) offsets(%dma_start3A_109 : memref<128xi32, #tpu.memory_space<vmem>>) semaphore(%arg18 : memref<!tpu.dma_semaphore, #tpu.memory_space<semaphore_mem>>)
    } else {
    }
    %gt3A_55 = arith.constant 4 : i32
    %gt3A_56 = arith.cmpi sgt, %select_n3A, %gt3A_55 : i32
    %convert_element_type3A_57 = arith.extui %gt3A_56 : i1 to i32
    %cond3A_58 = arith.constant 0 : i32
    %cond3A_59 = arith.cmpi ne, %convert_element_type3A_57, %cond3A_58 : i32
    scf.if %cond3A_59 {
      %dma_start3A = arith.constant 4 : i32
      %dma_start3A_107 = arith.constant 0 : i32
      %dma_start3A_108 = tpu.memref_slice %arg6[%dma_start3A, %dma_start3A_107] : memref<79x128xi32, #tpu.memory_space<vmem>> -> memref<1x128xi32, #tpu.memory_space<vmem>>
      %dma_start3A_109 = tpu.memref_squeeze %dma_start3A_108 : memref<1x128xi32, #tpu.memory_space<vmem>> -> memref<128xi32, #tpu.memory_space<vmem>>
      %dma_start3A_110 = arith.constant 0 : i32
      %dma_start3A_111 = arith.constant 0 : i32
      %dma_start3A_112 = tpu.memref_slice %arg2[%dma_start3A_110, %dma_start3A_111] : memref<10000x64xf32, #tpu.memory_space<hbm>> -> memref<10000x64xf32, #tpu.memory_space<hbm>>
      tpu.enqueue_indirect_dma source(%dma_start3A_112 : memref<10000x64xf32, #tpu.memory_space<hbm>>) target(%arg12 : memref<128x64xf32, #tpu.memory_space<vmem>>) offsets(%dma_start3A_109 : memref<128xi32, #tpu.memory_space<vmem>>) semaphore(%arg19 : memref<!tpu.dma_semaphore, #tpu.memory_space<semaphore_mem>>)
    } else {
    }
    %gt3A_60 = arith.constant 5 : i32
    %gt3A_61 = arith.cmpi sgt, %select_n3A, %gt3A_60 : i32
    %convert_element_type3A_62 = arith.extui %gt3A_61 : i1 to i32
    %cond3A_63 = arith.constant 0 : i32
    %cond3A_64 = arith.cmpi ne, %convert_element_type3A_62, %cond3A_63 : i32
    scf.if %cond3A_64 {
      %dma_start3A = arith.constant 5 : i32
      %dma_start3A_107 = arith.constant 0 : i32
      %dma_start3A_108 = tpu.memref_slice %arg6[%dma_start3A, %dma_start3A_107] : memref<79x128xi32, #tpu.memory_space<vmem>> -> memref<1x128xi32, #tpu.memory_space<vmem>>
      %dma_start3A_109 = tpu.memref_squeeze %dma_start3A_108 : memref<1x128xi32, #tpu.memory_space<vmem>> -> memref<128xi32, #tpu.memory_space<vmem>>
      %dma_start3A_110 = arith.constant 0 : i32
      %dma_start3A_111 = arith.constant 0 : i32
      %dma_start3A_112 = tpu.memref_slice %arg2[%dma_start3A_110, %dma_start3A_111] : memref<10000x64xf32, #tpu.memory_space<hbm>> -> memref<10000x64xf32, #tpu.memory_space<hbm>>
      tpu.enqueue_indirect_dma source(%dma_start3A_112 : memref<10000x64xf32, #tpu.memory_space<hbm>>) target(%arg13 : memref<128x64xf32, #tpu.memory_space<vmem>>) offsets(%dma_start3A_109 : memref<128xi32, #tpu.memory_space<vmem>>) semaphore(%arg20 : memref<!tpu.dma_semaphore, #tpu.memory_space<semaphore_mem>>)
    } else {
    }
    %scan3A_65 = arith.constant 0 : i32
    %scan3A_66 = arith.constant 0 : i32
    %scan3A_67 = arith.constant 14 : i32
    %scan3A_68 = arith.addi %scan3A_66, %scan3A_67 : i32
    %scan3A_69 = arith.constant 1 : i32
    %scan3A_70 = scf.for %scan3A_107 = %scan3A_66 to %scan3A_68 step %scan3A_69 iter_args(%scan3A_108 = %scan3A_65) -> (i32)  : i32 {
      %mul3A_109 = arith.constant 6 : i32
      %mul3A_110 = arith.muli %scan3A_107, %mul3A_109 : i32
      %add3A_111 = arith.constant 0 : i32
      %add3A_112 = arith.addi %mul3A_110, %add3A_111 : i32
      %ge3A = arith.constant 3 : i32
      %ge3A_113 = arith.cmpi sge, %add3A_112, %ge3A : i32
      %add3A_114 = arith.constant 3 : i32
      %add3A_115 = arith.addi %add3A_112, %add3A_114 : i32
      %lt3A_116 = arith.cmpi slt, %add3A_115, %select_n3A : i32
      %and3A = arith.andi %ge3A_113, %lt3A_116 : i1
      %convert_element_type3A_117 = arith.extui %and3A : i1 to i32
      %cond3A_118 = arith.constant 0 : i32
      %cond3A_119 = arith.cmpi ne, %convert_element_type3A_117, %cond3A_118 : i32
      scf.if %cond3A_119 {
        %dma_wait3A = arith.constant 0 : i32
        %dma_wait3A_210 = arith.constant 0 : i32
        %dma_wait3A_211 = tpu.memref_slice %arg7[%dma_wait3A, %dma_wait3A_210] : memref<79x128xi32, #tpu.memory_space<vmem>> -> memref<1x128xi32, #tpu.memory_space<vmem>>
        %dma_wait3A_212 = tpu.memref_squeeze %dma_wait3A_211 : memref<1x128xi32, #tpu.memory_space<vmem>> -> memref<128xi32, #tpu.memory_space<vmem>>
        %dma_wait3A_213 = arith.constant 0 : i32
        %dma_wait3A_214 = arith.constant 0 : i32
        %dma_wait3A_215 = tpu.memref_slice %arg14[%dma_wait3A_213, %dma_wait3A_214] : memref<10000x64xf32, #tpu.memory_space<vmem_shared>> -> memref<10000x64xf32, #tpu.memory_space<vmem_shared>>
        tpu.wait_indirect_dma semaphore(%arg24 : memref<!tpu.dma_semaphore, #tpu.memory_space<semaphore_mem>>) src(%arg11 : memref<128x64xf32, #tpu.memory_space<vmem>>) dst(%dma_wait3A_215 : memref<10000x64xf32, #tpu.memory_space<vmem_shared>>)
        %add3A_216 = arith.constant 3 : i32
        %add3A_217 = arith.addi %add3A_112, %add3A_216 : i32
        %dma_start3A = arith.constant 0 : i32
        %dma_start3A_218 = tpu.memref_slice %arg6[%add3A_217, %dma_start3A] : memref<79x128xi32, #tpu.memory_space<vmem>> -> memref<1x128xi32, #tpu.memory_space<vmem>>
        %dma_start3A_219 = tpu.memref_squeeze %dma_start3A_218 : memref<1x128xi32, #tpu.memory_space<vmem>> -> memref<128xi32, #tpu.memory_space<vmem>>
        %dma_start3A_220 = arith.constant 0 : i32
        %dma_start3A_221 = arith.constant 0 : i32
        %dma_start3A_222 = tpu.memref_slice %arg2[%dma_start3A_220, %dma_start3A_221] : memref<10000x64xf32, #tpu.memory_space<hbm>> -> memref<10000x64xf32, #tpu.memory_space<hbm>>
        tpu.enqueue_indirect_dma source(%dma_start3A_222 : memref<10000x64xf32, #tpu.memory_space<hbm>>) target(%arg11 : memref<128x64xf32, #tpu.memory_space<vmem>>) offsets(%dma_start3A_219 : memref<128xi32, #tpu.memory_space<vmem>>) semaphore(%arg18 : memref<!tpu.dma_semaphore, #tpu.memory_space<semaphore_mem>>)
      } else {
      }
      %lt3A_120 = arith.cmpi slt, %add3A_112, %select_n3A : i32
      %convert_element_type3A_121 = arith.extui %lt3A_120 : i1 to i32
      %cond3A_122 = arith.constant 0 : i32
      %cond3A_123 = arith.cmpi ne, %convert_element_type3A_121, %cond3A_122 : i32
      scf.if %cond3A_123 {
        %dma_wait3A = arith.constant 0 : i32
        %dma_wait3A_210 = tpu.memref_slice %arg6[%add3A_112, %dma_wait3A] : memref<79x128xi32, #tpu.memory_space<vmem>> -> memref<1x128xi32, #tpu.memory_space<vmem>>
        %dma_wait3A_211 = tpu.memref_squeeze %dma_wait3A_210 : memref<1x128xi32, #tpu.memory_space<vmem>> -> memref<128xi32, #tpu.memory_space<vmem>>
        %dma_wait3A_212 = arith.constant 0 : i32
        %dma_wait3A_213 = arith.constant 0 : i32
        %dma_wait3A_214 = tpu.memref_slice %arg2[%dma_wait3A_212, %dma_wait3A_213] : memref<10000x64xf32, #tpu.memory_space<hbm>> -> memref<10000x64xf32, #tpu.memory_space<hbm>>
        tpu.wait_indirect_dma semaphore(%arg15 : memref<!tpu.dma_semaphore, #tpu.memory_space<semaphore_mem>>) src(%dma_wait3A_214 : memref<10000x64xf32, #tpu.memory_space<hbm>>) dst(%arg8 : memref<128x64xf32, #tpu.memory_space<vmem>>)
        %dma_start3A = arith.constant 0 : i32
        %dma_start3A_215 = tpu.memref_slice %arg7[%add3A_112, %dma_start3A] : memref<79x128xi32, #tpu.memory_space<vmem>> -> memref<1x128xi32, #tpu.memory_space<vmem>>
        %dma_start3A_216 = tpu.memref_squeeze %dma_start3A_215 : memref<1x128xi32, #tpu.memory_space<vmem>> -> memref<128xi32, #tpu.memory_space<vmem>>
        %dma_start3A_217 = arith.constant 0 : i32
        %dma_start3A_218 = arith.constant 0 : i32
        %dma_start3A_219 = tpu.memref_slice %arg14[%dma_start3A_217, %dma_start3A_218] : memref<10000x64xf32, #tpu.memory_space<vmem_shared>> -> memref<10000x64xf32, #tpu.memory_space<vmem_shared>>
        tpu.enqueue_indirect_dma source(%arg8 : memref<128x64xf32, #tpu.memory_space<vmem>>) target(%dma_start3A_219 : memref<10000x64xf32, #tpu.memory_space<vmem_shared>>) offsets(%dma_start3A_216 : memref<128xi32, #tpu.memory_space<vmem>>) semaphore(%arg21 : memref<!tpu.dma_semaphore, #tpu.memory_space<semaphore_mem>>) {add = true}
      } else {
      }
      %mul3A_124 = arith.constant 6 : i32
      %mul3A_125 = arith.muli %scan3A_107, %mul3A_124 : i32
      %add3A_126 = arith.constant 1 : i32
      %add3A_127 = arith.addi %mul3A_125, %add3A_126 : i32
      %ge3A_128 = arith.constant 3 : i32
      %ge3A_129 = arith.cmpi sge, %add3A_127, %ge3A_128 : i32
      %add3A_130 = arith.constant 3 : i32
      %add3A_131 = arith.addi %add3A_127, %add3A_130 : i32
      %lt3A_132 = arith.cmpi slt, %add3A_131, %select_n3A : i32
      %and3A_133 = arith.andi %ge3A_129, %lt3A_132 : i1
      %convert_element_type3A_134 = arith.extui %and3A_133 : i1 to i32
      %cond3A_135 = arith.constant 0 : i32
      %cond3A_136 = arith.cmpi ne, %convert_element_type3A_134, %cond3A_135 : i32
      scf.if %cond3A_136 {
        %dma_wait3A = arith.constant 0 : i32
        %dma_wait3A_210 = arith.constant 0 : i32
        %dma_wait3A_211 = tpu.memref_slice %arg7[%dma_wait3A, %dma_wait3A_210] : memref<79x128xi32, #tpu.memory_space<vmem>> -> memref<1x128xi32, #tpu.memory_space<vmem>>
        %dma_wait3A_212 = tpu.memref_squeeze %dma_wait3A_211 : memref<1x128xi32, #tpu.memory_space<vmem>> -> memref<128xi32, #tpu.memory_space<vmem>>
        %dma_wait3A_213 = arith.constant 0 : i32
        %dma_wait3A_214 = arith.constant 0 : i32
        %dma_wait3A_215 = tpu.memref_slice %arg14[%dma_wait3A_213, %dma_wait3A_214] : memref<10000x64xf32, #tpu.memory_space<vmem_shared>> -> memref<10000x64xf32, #tpu.memory_space<vmem_shared>>
        tpu.wait_indirect_dma semaphore(%arg25 : memref<!tpu.dma_semaphore, #tpu.memory_space<semaphore_mem>>) src(%arg12 : memref<128x64xf32, #tpu.memory_space<vmem>>) dst(%dma_wait3A_215 : memref<10000x64xf32, #tpu.memory_space<vmem_shared>>)
        %add3A_216 = arith.constant 3 : i32
        %add3A_217 = arith.addi %add3A_127, %add3A_216 : i32
        %dma_start3A = arith.constant 0 : i32
        %dma_start3A_218 = tpu.memref_slice %arg6[%add3A_217, %dma_start3A] : memref<79x128xi32, #tpu.memory_space<vmem>> -> memref<1x128xi32, #tpu.memory_space<vmem>>
        %dma_start3A_219 = tpu.memref_squeeze %dma_start3A_218 : memref<1x128xi32, #tpu.memory_space<vmem>> -> memref<128xi32, #tpu.memory_space<vmem>>
        %dma_start3A_220 = arith.constant 0 : i32
        %dma_start3A_221 = arith.constant 0 : i32
        %dma_start3A_222 = tpu.memref_slice %arg2[%dma_start3A_220, %dma_start3A_221] : memref<10000x64xf32, #tpu.memory_space<hbm>> -> memref<10000x64xf32, #tpu.memory_space<hbm>>
        tpu.enqueue_indirect_dma source(%dma_start3A_222 : memref<10000x64xf32, #tpu.memory_space<hbm>>) target(%arg12 : memref<128x64xf32, #tpu.memory_space<vmem>>) offsets(%dma_start3A_219 : memref<128xi32, #tpu.memory_space<vmem>>) semaphore(%arg19 : memref<!tpu.dma_semaphore, #tpu.memory_space<semaphore_mem>>)
      } else {
      }
      %lt3A_137 = arith.cmpi slt, %add3A_127, %select_n3A : i32
      %convert_element_type3A_138 = arith.extui %lt3A_137 : i1 to i32
      %cond3A_139 = arith.constant 0 : i32
      %cond3A_140 = arith.cmpi ne, %convert_element_type3A_138, %cond3A_139 : i32
      scf.if %cond3A_140 {
        %dma_wait3A = arith.constant 0 : i32
        %dma_wait3A_210 = tpu.memref_slice %arg6[%add3A_127, %dma_wait3A] : memref<79x128xi32, #tpu.memory_space<vmem>> -> memref<1x128xi32, #tpu.memory_space<vmem>>
        %dma_wait3A_211 = tpu.memref_squeeze %dma_wait3A_210 : memref<1x128xi32, #tpu.memory_space<vmem>> -> memref<128xi32, #tpu.memory_space<vmem>>
        %dma_wait3A_212 = arith.constant 0 : i32
        %dma_wait3A_213 = arith.constant 0 : i32
        %dma_wait3A_214 = tpu.memref_slice %arg2[%dma_wait3A_212, %dma_wait3A_213] : memref<10000x64xf32, #tpu.memory_space<hbm>> -> memref<10000x64xf32, #tpu.memory_space<hbm>>
        tpu.wait_indirect_dma semaphore(%arg16 : memref<!tpu.dma_semaphore, #tpu.memory_space<semaphore_mem>>) src(%dma_wait3A_214 : memref<10000x64xf32, #tpu.memory_space<hbm>>) dst(%arg9 : memref<128x64xf32, #tpu.memory_space<vmem>>)
        %dma_start3A = arith.constant 0 : i32
        %dma_start3A_215 = tpu.memref_slice %arg7[%add3A_127, %dma_start3A] : memref<79x128xi32, #tpu.memory_space<vmem>> -> memref<1x128xi32, #tpu.memory_space<vmem>>
        %dma_start3A_216 = tpu.memref_squeeze %dma_start3A_215 : memref<1x128xi32, #tpu.memory_space<vmem>> -> memref<128xi32, #tpu.memory_space<vmem>>
        %dma_start3A_217 = arith.constant 0 : i32
        %dma_start3A_218 = arith.constant 0 : i32
        %dma_start3A_219 = tpu.memref_slice %arg14[%dma_start3A_217, %dma_start3A_218] : memref<10000x64xf32, #tpu.memory_space<vmem_shared>> -> memref<10000x64xf32, #tpu.memory_space<vmem_shared>>
        tpu.enqueue_indirect_dma source(%arg9 : memref<128x64xf32, #tpu.memory_space<vmem>>) target(%dma_start3A_219 : memref<10000x64xf32, #tpu.memory_space<vmem_shared>>) offsets(%dma_start3A_216 : memref<128xi32, #tpu.memory_space<vmem>>) semaphore(%arg22 : memref<!tpu.dma_semaphore, #tpu.memory_space<semaphore_mem>>) {add = true}
      } else {
      }
      %mul3A_141 = arith.constant 6 : i32
      %mul3A_142 = arith.muli %scan3A_107, %mul3A_141 : i32
      %add3A_143 = arith.constant 2 : i32
      %add3A_144 = arith.addi %mul3A_142, %add3A_143 : i32
      %ge3A_145 = arith.constant 3 : i32
      %ge3A_146 = arith.cmpi sge, %add3A_144, %ge3A_145 : i32
      %add3A_147 = arith.constant 3 : i32
      %add3A_148 = arith.addi %add3A_144, %add3A_147 : i32
      %lt3A_149 = arith.cmpi slt, %add3A_148, %select_n3A : i32
      %and3A_150 = arith.andi %ge3A_146, %lt3A_149 : i1
      %convert_element_type3A_151 = arith.extui %and3A_150 : i1 to i32
      %cond3A_152 = arith.constant 0 : i32
      %cond3A_153 = arith.cmpi ne, %convert_element_type3A_151, %cond3A_152 : i32
      scf.if %cond3A_153 {
        %dma_wait3A = arith.constant 0 : i32
        %dma_wait3A_210 = arith.constant 0 : i32
        %dma_wait3A_211 = tpu.memref_slice %arg7[%dma_wait3A, %dma_wait3A_210] : memref<79x128xi32, #tpu.memory_space<vmem>> -> memref<1x128xi32, #tpu.memory_space<vmem>>
        %dma_wait3A_212 = tpu.memref_squeeze %dma_wait3A_211 : memref<1x128xi32, #tpu.memory_space<vmem>> -> memref<128xi32, #tpu.memory_space<vmem>>
        %dma_wait3A_213 = arith.constant 0 : i32
        %dma_wait3A_214 = arith.constant 0 : i32
        %dma_wait3A_215 = tpu.memref_slice %arg14[%dma_wait3A_213, %dma_wait3A_214] : memref<10000x64xf32, #tpu.memory_space<vmem_shared>> -> memref<10000x64xf32, #tpu.memory_space<vmem_shared>>
        tpu.wait_indirect_dma semaphore(%arg26 : memref<!tpu.dma_semaphore, #tpu.memory_space<semaphore_mem>>) src(%arg13 : memref<128x64xf32, #tpu.memory_space<vmem>>) dst(%dma_wait3A_215 : memref<10000x64xf32, #tpu.memory_space<vmem_shared>>)
        %add3A_216 = arith.constant 3 : i32
        %add3A_217 = arith.addi %add3A_144, %add3A_216 : i32
        %dma_start3A = arith.constant 0 : i32
        %dma_start3A_218 = tpu.memref_slice %arg6[%add3A_217, %dma_start3A] : memref<79x128xi32, #tpu.memory_space<vmem>> -> memref<1x128xi32, #tpu.memory_space<vmem>>
        %dma_start3A_219 = tpu.memref_squeeze %dma_start3A_218 : memref<1x128xi32, #tpu.memory_space<vmem>> -> memref<128xi32, #tpu.memory_space<vmem>>
        %dma_start3A_220 = arith.constant 0 : i32
        %dma_start3A_221 = arith.constant 0 : i32
        %dma_start3A_222 = tpu.memref_slice %arg2[%dma_start3A_220, %dma_start3A_221] : memref<10000x64xf32, #tpu.memory_space<hbm>> -> memref<10000x64xf32, #tpu.memory_space<hbm>>
        tpu.enqueue_indirect_dma source(%dma_start3A_222 : memref<10000x64xf32, #tpu.memory_space<hbm>>) target(%arg13 : memref<128x64xf32, #tpu.memory_space<vmem>>) offsets(%dma_start3A_219 : memref<128xi32, #tpu.memory_space<vmem>>) semaphore(%arg20 : memref<!tpu.dma_semaphore, #tpu.memory_space<semaphore_mem>>)
      } else {
      }
      %lt3A_154 = arith.cmpi slt, %add3A_144, %select_n3A : i32
      %convert_element_type3A_155 = arith.extui %lt3A_154 : i1 to i32
      %cond3A_156 = arith.constant 0 : i32
      %cond3A_157 = arith.cmpi ne, %convert_element_type3A_155, %cond3A_156 : i32
      scf.if %cond3A_157 {
        %dma_wait3A = arith.constant 0 : i32
        %dma_wait3A_210 = tpu.memref_slice %arg6[%add3A_144, %dma_wait3A] : memref<79x128xi32, #tpu.memory_space<vmem>> -> memref<1x128xi32, #tpu.memory_space<vmem>>
        %dma_wait3A_211 = tpu.memref_squeeze %dma_wait3A_210 : memref<1x128xi32, #tpu.memory_space<vmem>> -> memref<128xi32, #tpu.memory_space<vmem>>
        %dma_wait3A_212 = arith.constant 0 : i32
        %dma_wait3A_213 = arith.constant 0 : i32
        %dma_wait3A_214 = tpu.memref_slice %arg2[%dma_wait3A_212, %dma_wait3A_213] : memref<10000x64xf32, #tpu.memory_space<hbm>> -> memref<10000x64xf32, #tpu.memory_space<hbm>>
        tpu.wait_indirect_dma semaphore(%arg17 : memref<!tpu.dma_semaphore, #tpu.memory_space<semaphore_mem>>) src(%dma_wait3A_214 : memref<10000x64xf32, #tpu.memory_space<hbm>>) dst(%arg10 : memref<128x64xf32, #tpu.memory_space<vmem>>)
        %dma_start3A = arith.constant 0 : i32
        %dma_start3A_215 = tpu.memref_slice %arg7[%add3A_144, %dma_start3A] : memref<79x128xi32, #tpu.memory_space<vmem>> -> memref<1x128xi32, #tpu.memory_space<vmem>>
        %dma_start3A_216 = tpu.memref_squeeze %dma_start3A_215 : memref<1x128xi32, #tpu.memory_space<vmem>> -> memref<128xi32, #tpu.memory_space<vmem>>
        %dma_start3A_217 = arith.constant 0 : i32
        %dma_start3A_218 = arith.constant 0 : i32
        %dma_start3A_219 = tpu.memref_slice %arg14[%dma_start3A_217, %dma_start3A_218] : memref<10000x64xf32, #tpu.memory_space<vmem_shared>> -> memref<10000x64xf32, #tpu.memory_space<vmem_shared>>
        tpu.enqueue_indirect_dma source(%arg10 : memref<128x64xf32, #tpu.memory_space<vmem>>) target(%dma_start3A_219 : memref<10000x64xf32, #tpu.memory_space<vmem_shared>>) offsets(%dma_start3A_216 : memref<128xi32, #tpu.memory_space<vmem>>) semaphore(%arg23 : memref<!tpu.dma_semaphore, #tpu.memory_space<semaphore_mem>>) {add = true}
      } else {
      }
      %mul3A_158 = arith.constant 6 : i32
      %mul3A_159 = arith.muli %scan3A_107, %mul3A_158 : i32
      %add3A_160 = arith.constant 3 : i32
      %add3A_161 = arith.addi %mul3A_159, %add3A_160 : i32
      %ge3A_162 = arith.constant 3 : i32
      %ge3A_163 = arith.cmpi sge, %add3A_161, %ge3A_162 : i32
      %add3A_164 = arith.constant 3 : i32
      %add3A_165 = arith.addi %add3A_161, %add3A_164 : i32
      %lt3A_166 = arith.cmpi slt, %add3A_165, %select_n3A : i32
      %and3A_167 = arith.andi %ge3A_163, %lt3A_166 : i1
      %convert_element_type3A_168 = arith.extui %and3A_167 : i1 to i32
      %cond3A_169 = arith.constant 0 : i32
      %cond3A_170 = arith.cmpi ne, %convert_element_type3A_168, %cond3A_169 : i32
      scf.if %cond3A_170 {
        %dma_wait3A = arith.constant 0 : i32
        %dma_wait3A_210 = arith.constant 0 : i32
        %dma_wait3A_211 = tpu.memref_slice %arg7[%dma_wait3A, %dma_wait3A_210] : memref<79x128xi32, #tpu.memory_space<vmem>> -> memref<1x128xi32, #tpu.memory_space<vmem>>
        %dma_wait3A_212 = tpu.memref_squeeze %dma_wait3A_211 : memref<1x128xi32, #tpu.memory_space<vmem>> -> memref<128xi32, #tpu.memory_space<vmem>>
        %dma_wait3A_213 = arith.constant 0 : i32
        %dma_wait3A_214 = arith.constant 0 : i32
        %dma_wait3A_215 = tpu.memref_slice %arg14[%dma_wait3A_213, %dma_wait3A_214] : memref<10000x64xf32, #tpu.memory_space<vmem_shared>> -> memref<10000x64xf32, #tpu.memory_space<vmem_shared>>
        tpu.wait_indirect_dma semaphore(%arg21 : memref<!tpu.dma_semaphore, #tpu.memory_space<semaphore_mem>>) src(%arg8 : memref<128x64xf32, #tpu.memory_space<vmem>>) dst(%dma_wait3A_215 : memref<10000x64xf32, #tpu.memory_space<vmem_shared>>)
        %add3A_216 = arith.constant 3 : i32
        %add3A_217 = arith.addi %add3A_161, %add3A_216 : i32
        %dma_start3A = arith.constant 0 : i32
        %dma_start3A_218 = tpu.memref_slice %arg6[%add3A_217, %dma_start3A] : memref<79x128xi32, #tpu.memory_space<vmem>> -> memref<1x128xi32, #tpu.memory_space<vmem>>
        %dma_start3A_219 = tpu.memref_squeeze %dma_start3A_218 : memref<1x128xi32, #tpu.memory_space<vmem>> -> memref<128xi32, #tpu.memory_space<vmem>>
        %dma_start3A_220 = arith.constant 0 : i32
        %dma_start3A_221 = arith.constant 0 : i32
        %dma_start3A_222 = tpu.memref_slice %arg2[%dma_start3A_220, %dma_start3A_221] : memref<10000x64xf32, #tpu.memory_space<hbm>> -> memref<10000x64xf32, #tpu.memory_space<hbm>>
        tpu.enqueue_indirect_dma source(%dma_start3A_222 : memref<10000x64xf32, #tpu.memory_space<hbm>>) target(%arg8 : memref<128x64xf32, #tpu.memory_space<vmem>>) offsets(%dma_start3A_219 : memref<128xi32, #tpu.memory_space<vmem>>) semaphore(%arg15 : memref<!tpu.dma_semaphore, #tpu.memory_space<semaphore_mem>>)
      } else {
      }
      %lt3A_171 = arith.cmpi slt, %add3A_161, %select_n3A : i32
      %convert_element_type3A_172 = arith.extui %lt3A_171 : i1 to i32
      %cond3A_173 = arith.constant 0 : i32
      %cond3A_174 = arith.cmpi ne, %convert_element_type3A_172, %cond3A_173 : i32
      scf.if %cond3A_174 {
        %dma_wait3A = arith.constant 0 : i32
        %dma_wait3A_210 = tpu.memref_slice %arg6[%add3A_161, %dma_wait3A] : memref<79x128xi32, #tpu.memory_space<vmem>> -> memref<1x128xi32, #tpu.memory_space<vmem>>
        %dma_wait3A_211 = tpu.memref_squeeze %dma_wait3A_210 : memref<1x128xi32, #tpu.memory_space<vmem>> -> memref<128xi32, #tpu.memory_space<vmem>>
        %dma_wait3A_212 = arith.constant 0 : i32
        %dma_wait3A_213 = arith.constant 0 : i32
        %dma_wait3A_214 = tpu.memref_slice %arg2[%dma_wait3A_212, %dma_wait3A_213] : memref<10000x64xf32, #tpu.memory_space<hbm>> -> memref<10000x64xf32, #tpu.memory_space<hbm>>
        tpu.wait_indirect_dma semaphore(%arg18 : memref<!tpu.dma_semaphore, #tpu.memory_space<semaphore_mem>>) src(%dma_wait3A_214 : memref<10000x64xf32, #tpu.memory_space<hbm>>) dst(%arg11 : memref<128x64xf32, #tpu.memory_space<vmem>>)
        %dma_start3A = arith.constant 0 : i32
        %dma_start3A_215 = tpu.memref_slice %arg7[%add3A_161, %dma_start3A] : memref<79x128xi32, #tpu.memory_space<vmem>> -> memref<1x128xi32, #tpu.memory_space<vmem>>
        %dma_start3A_216 = tpu.memref_squeeze %dma_start3A_215 : memref<1x128xi32, #tpu.memory_space<vmem>> -> memref<128xi32, #tpu.memory_space<vmem>>
        %dma_start3A_217 = arith.constant 0 : i32
        %dma_start3A_218 = arith.constant 0 : i32
        %dma_start3A_219 = tpu.memref_slice %arg14[%dma_start3A_217, %dma_start3A_218] : memref<10000x64xf32, #tpu.memory_space<vmem_shared>> -> memref<10000x64xf32, #tpu.memory_space<vmem_shared>>
        tpu.enqueue_indirect_dma source(%arg11 : memref<128x64xf32, #tpu.memory_space<vmem>>) target(%dma_start3A_219 : memref<10000x64xf32, #tpu.memory_space<vmem_shared>>) offsets(%dma_start3A_216 : memref<128xi32, #tpu.memory_space<vmem>>) semaphore(%arg24 : memref<!tpu.dma_semaphore, #tpu.memory_space<semaphore_mem>>) {add = true}
      } else {
      }
      %mul3A_175 = arith.constant 6 : i32
      %mul3A_176 = arith.muli %scan3A_107, %mul3A_175 : i32
      %add3A_177 = arith.constant 4 : i32
      %add3A_178 = arith.addi %mul3A_176, %add3A_177 : i32
      %ge3A_179 = arith.constant 3 : i32
      %ge3A_180 = arith.cmpi sge, %add3A_178, %ge3A_179 : i32
      %add3A_181 = arith.constant 3 : i32
      %add3A_182 = arith.addi %add3A_178, %add3A_181 : i32
      %lt3A_183 = arith.cmpi slt, %add3A_182, %select_n3A : i32
      %and3A_184 = arith.andi %ge3A_180, %lt3A_183 : i1
      %convert_element_type3A_185 = arith.extui %and3A_184 : i1 to i32
      %cond3A_186 = arith.constant 0 : i32
      %cond3A_187 = arith.cmpi ne, %convert_element_type3A_185, %cond3A_186 : i32
      scf.if %cond3A_187 {
        %dma_wait3A = arith.constant 0 : i32
        %dma_wait3A_210 = arith.constant 0 : i32
        %dma_wait3A_211 = tpu.memref_slice %arg7[%dma_wait3A, %dma_wait3A_210] : memref<79x128xi32, #tpu.memory_space<vmem>> -> memref<1x128xi32, #tpu.memory_space<vmem>>
        %dma_wait3A_212 = tpu.memref_squeeze %dma_wait3A_211 : memref<1x128xi32, #tpu.memory_space<vmem>> -> memref<128xi32, #tpu.memory_space<vmem>>
        %dma_wait3A_213 = arith.constant 0 : i32
        %dma_wait3A_214 = arith.constant 0 : i32
        %dma_wait3A_215 = tpu.memref_slice %arg14[%dma_wait3A_213, %dma_wait3A_214] : memref<10000x64xf32, #tpu.memory_space<vmem_shared>> -> memref<10000x64xf32, #tpu.memory_space<vmem_shared>>
        tpu.wait_indirect_dma semaphore(%arg22 : memref<!tpu.dma_semaphore, #tpu.memory_space<semaphore_mem>>) src(%arg9 : memref<128x64xf32, #tpu.memory_space<vmem>>) dst(%dma_wait3A_215 : memref<10000x64xf32, #tpu.memory_space<vmem_shared>>)
        %add3A_216 = arith.constant 3 : i32
        %add3A_217 = arith.addi %add3A_178, %add3A_216 : i32
        %dma_start3A = arith.constant 0 : i32
        %dma_start3A_218 = tpu.memref_slice %arg6[%add3A_217, %dma_start3A] : memref<79x128xi32, #tpu.memory_space<vmem>> -> memref<1x128xi32, #tpu.memory_space<vmem>>
        %dma_start3A_219 = tpu.memref_squeeze %dma_start3A_218 : memref<1x128xi32, #tpu.memory_space<vmem>> -> memref<128xi32, #tpu.memory_space<vmem>>
        %dma_start3A_220 = arith.constant 0 : i32
        %dma_start3A_221 = arith.constant 0 : i32
        %dma_start3A_222 = tpu.memref_slice %arg2[%dma_start3A_220, %dma_start3A_221] : memref<10000x64xf32, #tpu.memory_space<hbm>> -> memref<10000x64xf32, #tpu.memory_space<hbm>>
        tpu.enqueue_indirect_dma source(%dma_start3A_222 : memref<10000x64xf32, #tpu.memory_space<hbm>>) target(%arg9 : memref<128x64xf32, #tpu.memory_space<vmem>>) offsets(%dma_start3A_219 : memref<128xi32, #tpu.memory_space<vmem>>) semaphore(%arg16 : memref<!tpu.dma_semaphore, #tpu.memory_space<semaphore_mem>>)
      } else {
      }
      %lt3A_188 = arith.cmpi slt, %add3A_178, %select_n3A : i32
      %convert_element_type3A_189 = arith.extui %lt3A_188 : i1 to i32
      %cond3A_190 = arith.constant 0 : i32
      %cond3A_191 = arith.cmpi ne, %convert_element_type3A_189, %cond3A_190 : i32
      scf.if %cond3A_191 {
        %dma_wait3A = arith.constant 0 : i32
        %dma_wait3A_210 = tpu.memref_slice %arg6[%add3A_178, %dma_wait3A] : memref<79x128xi32, #tpu.memory_space<vmem>> -> memref<1x128xi32, #tpu.memory_space<vmem>>
        %dma_wait3A_211 = tpu.memref_squeeze %dma_wait3A_210 : memref<1x128xi32, #tpu.memory_space<vmem>> -> memref<128xi32, #tpu.memory_space<vmem>>
        %dma_wait3A_212 = arith.constant 0 : i32
        %dma_wait3A_213 = arith.constant 0 : i32
        %dma_wait3A_214 = tpu.memref_slice %arg2[%dma_wait3A_212, %dma_wait3A_213] : memref<10000x64xf32, #tpu.memory_space<hbm>> -> memref<10000x64xf32, #tpu.memory_space<hbm>>
        tpu.wait_indirect_dma semaphore(%arg19 : memref<!tpu.dma_semaphore, #tpu.memory_space<semaphore_mem>>) src(%dma_wait3A_214 : memref<10000x64xf32, #tpu.memory_space<hbm>>) dst(%arg12 : memref<128x64xf32, #tpu.memory_space<vmem>>)
        %dma_start3A = arith.constant 0 : i32
        %dma_start3A_215 = tpu.memref_slice %arg7[%add3A_178, %dma_start3A] : memref<79x128xi32, #tpu.memory_space<vmem>> -> memref<1x128xi32, #tpu.memory_space<vmem>>
        %dma_start3A_216 = tpu.memref_squeeze %dma_start3A_215 : memref<1x128xi32, #tpu.memory_space<vmem>> -> memref<128xi32, #tpu.memory_space<vmem>>
        %dma_start3A_217 = arith.constant 0 : i32
        %dma_start3A_218 = arith.constant 0 : i32
        %dma_start3A_219 = tpu.memref_slice %arg14[%dma_start3A_217, %dma_start3A_218] : memref<10000x64xf32, #tpu.memory_space<vmem_shared>> -> memref<10000x64xf32, #tpu.memory_space<vmem_shared>>
        tpu.enqueue_indirect_dma source(%arg12 : memref<128x64xf32, #tpu.memory_space<vmem>>) target(%dma_start3A_219 : memref<10000x64xf32, #tpu.memory_space<vmem_shared>>) offsets(%dma_start3A_216 : memref<128xi32, #tpu.memory_space<vmem>>) semaphore(%arg25 : memref<!tpu.dma_semaphore, #tpu.memory_space<semaphore_mem>>) {add = true}
      } else {
      }
      %mul3A_192 = arith.constant 6 : i32
      %mul3A_193 = arith.muli %scan3A_107, %mul3A_192 : i32
      %add3A_194 = arith.constant 5 : i32
      %add3A_195 = arith.addi %mul3A_193, %add3A_194 : i32
      %ge3A_196 = arith.constant 3 : i32
      %ge3A_197 = arith.cmpi sge, %add3A_195, %ge3A_196 : i32
      %add3A_198 = arith.constant 3 : i32
      %add3A_199 = arith.addi %add3A_195, %add3A_198 : i32
      %lt3A_200 = arith.cmpi slt, %add3A_199, %select_n3A : i32
      %and3A_201 = arith.andi %ge3A_197, %lt3A_200 : i1
      %convert_element_type3A_202 = arith.extui %and3A_201 : i1 to i32
      %cond3A_203 = arith.constant 0 : i32
      %cond3A_204 = arith.cmpi ne, %convert_element_type3A_202, %cond3A_203 : i32
      scf.if %cond3A_204 {
        %dma_wait3A = arith.constant 0 : i32
        %dma_wait3A_210 = arith.constant 0 : i32
        %dma_wait3A_211 = tpu.memref_slice %arg7[%dma_wait3A, %dma_wait3A_210] : memref<79x128xi32, #tpu.memory_space<vmem>> -> memref<1x128xi32, #tpu.memory_space<vmem>>
        %dma_wait3A_212 = tpu.memref_squeeze %dma_wait3A_211 : memref<1x128xi32, #tpu.memory_space<vmem>> -> memref<128xi32, #tpu.memory_space<vmem>>
        %dma_wait3A_213 = arith.constant 0 : i32
        %dma_wait3A_214 = arith.constant 0 : i32
        %dma_wait3A_215 = tpu.memref_slice %arg14[%dma_wait3A_213, %dma_wait3A_214] : memref<10000x64xf32, #tpu.memory_space<vmem_shared>> -> memref<10000x64xf32, #tpu.memory_space<vmem_shared>>
        tpu.wait_indirect_dma semaphore(%arg23 : memref<!tpu.dma_semaphore, #tpu.memory_space<semaphore_mem>>) src(%arg10 : memref<128x64xf32, #tpu.memory_space<vmem>>) dst(%dma_wait3A_215 : memref<10000x64xf32, #tpu.memory_space<vmem_shared>>)
        %add3A_216 = arith.constant 3 : i32
        %add3A_217 = arith.addi %add3A_195, %add3A_216 : i32
        %dma_start3A = arith.constant 0 : i32
        %dma_start3A_218 = tpu.memref_slice %arg6[%add3A_217, %dma_start3A] : memref<79x128xi32, #tpu.memory_space<vmem>> -> memref<1x128xi32, #tpu.memory_space<vmem>>
        %dma_start3A_219 = tpu.memref_squeeze %dma_start3A_218 : memref<1x128xi32, #tpu.memory_space<vmem>> -> memref<128xi32, #tpu.memory_space<vmem>>
        %dma_start3A_220 = arith.constant 0 : i32
        %dma_start3A_221 = arith.constant 0 : i32
        %dma_start3A_222 = tpu.memref_slice %arg2[%dma_start3A_220, %dma_start3A_221] : memref<10000x64xf32, #tpu.memory_space<hbm>> -> memref<10000x64xf32, #tpu.memory_space<hbm>>
        tpu.enqueue_indirect_dma source(%dma_start3A_222 : memref<10000x64xf32, #tpu.memory_space<hbm>>) target(%arg10 : memref<128x64xf32, #tpu.memory_space<vmem>>) offsets(%dma_start3A_219 : memref<128xi32, #tpu.memory_space<vmem>>) semaphore(%arg17 : memref<!tpu.dma_semaphore, #tpu.memory_space<semaphore_mem>>)
      } else {
      }
      %lt3A_205 = arith.cmpi slt, %add3A_195, %select_n3A : i32
      %convert_element_type3A_206 = arith.extui %lt3A_205 : i1 to i32
      %cond3A_207 = arith.constant 0 : i32
      %cond3A_208 = arith.cmpi ne, %convert_element_type3A_206, %cond3A_207 : i32
      scf.if %cond3A_208 {
        %dma_wait3A = arith.constant 0 : i32
        %dma_wait3A_210 = tpu.memref_slice %arg6[%add3A_195, %dma_wait3A] : memref<79x128xi32, #tpu.memory_space<vmem>> -> memref<1x128xi32, #tpu.memory_space<vmem>>
        %dma_wait3A_211 = tpu.memref_squeeze %dma_wait3A_210 : memref<1x128xi32, #tpu.memory_space<vmem>> -> memref<128xi32, #tpu.memory_space<vmem>>
        %dma_wait3A_212 = arith.constant 0 : i32
        %dma_wait3A_213 = arith.constant 0 : i32
        %dma_wait3A_214 = tpu.memref_slice %arg2[%dma_wait3A_212, %dma_wait3A_213] : memref<10000x64xf32, #tpu.memory_space<hbm>> -> memref<10000x64xf32, #tpu.memory_space<hbm>>
        tpu.wait_indirect_dma semaphore(%arg20 : memref<!tpu.dma_semaphore, #tpu.memory_space<semaphore_mem>>) src(%dma_wait3A_214 : memref<10000x64xf32, #tpu.memory_space<hbm>>) dst(%arg13 : memref<128x64xf32, #tpu.memory_space<vmem>>)
        %dma_start3A = arith.constant 0 : i32
        %dma_start3A_215 = tpu.memref_slice %arg7[%add3A_195, %dma_start3A] : memref<79x128xi32, #tpu.memory_space<vmem>> -> memref<1x128xi32, #tpu.memory_space<vmem>>
        %dma_start3A_216 = tpu.memref_squeeze %dma_start3A_215 : memref<1x128xi32, #tpu.memory_space<vmem>> -> memref<128xi32, #tpu.memory_space<vmem>>
        %dma_start3A_217 = arith.constant 0 : i32
        %dma_start3A_218 = arith.constant 0 : i32
        %dma_start3A_219 = tpu.memref_slice %arg14[%dma_start3A_217, %dma_start3A_218] : memref<10000x64xf32, #tpu.memory_space<vmem_shared>> -> memref<10000x64xf32, #tpu.memory_space<vmem_shared>>
        tpu.enqueue_indirect_dma source(%arg13 : memref<128x64xf32, #tpu.memory_space<vmem>>) target(%dma_start3A_219 : memref<10000x64xf32, #tpu.memory_space<vmem_shared>>) offsets(%dma_start3A_216 : memref<128xi32, #tpu.memory_space<vmem>>) semaphore(%arg26 : memref<!tpu.dma_semaphore, #tpu.memory_space<semaphore_mem>>) {add = true}
      } else {
      }
      %scan3A_209 = arith.constant 0 : i32
      scf.yield %scan3A_209 : i32
    }
    %scan3A_71 = arith.constant 14 : i32
    %gt3A_72 = arith.constant 0 : i32
    %gt3A_73 = arith.cmpi sgt, %select_n3A, %gt3A_72 : i32
    %convert_element_type3A_74 = arith.extui %gt3A_73 : i1 to i32
    %cond3A_75 = arith.constant 0 : i32
    %cond3A_76 = arith.cmpi ne, %convert_element_type3A_74, %cond3A_75 : i32
    scf.if %cond3A_76 {
      %dma_wait3A = arith.constant 0 : i32
      %dma_wait3A_107 = arith.constant 0 : i32
      %dma_wait3A_108 = tpu.memref_slice %arg7[%dma_wait3A, %dma_wait3A_107] : memref<79x128xi32, #tpu.memory_space<vmem>> -> memref<1x128xi32, #tpu.memory_space<vmem>>
      %dma_wait3A_109 = tpu.memref_squeeze %dma_wait3A_108 : memref<1x128xi32, #tpu.memory_space<vmem>> -> memref<128xi32, #tpu.memory_space<vmem>>
      %dma_wait3A_110 = arith.constant 0 : i32
      %dma_wait3A_111 = arith.constant 0 : i32
      %dma_wait3A_112 = tpu.memref_slice %arg14[%dma_wait3A_110, %dma_wait3A_111] : memref<10000x64xf32, #tpu.memory_space<vmem_shared>> -> memref<10000x64xf32, #tpu.memory_space<vmem_shared>>
      tpu.wait_indirect_dma semaphore(%arg21 : memref<!tpu.dma_semaphore, #tpu.memory_space<semaphore_mem>>) src(%arg8 : memref<128x64xf32, #tpu.memory_space<vmem>>) dst(%dma_wait3A_112 : memref<10000x64xf32, #tpu.memory_space<vmem_shared>>)
    } else {
    }
    %gt3A_77 = arith.constant 1 : i32
    %gt3A_78 = arith.cmpi sgt, %select_n3A, %gt3A_77 : i32
    %convert_element_type3A_79 = arith.extui %gt3A_78 : i1 to i32
    %cond3A_80 = arith.constant 0 : i32
    %cond3A_81 = arith.cmpi ne, %convert_element_type3A_79, %cond3A_80 : i32
    scf.if %cond3A_81 {
      %dma_wait3A = arith.constant 0 : i32
      %dma_wait3A_107 = arith.constant 0 : i32
      %dma_wait3A_108 = tpu.memref_slice %arg7[%dma_wait3A, %dma_wait3A_107] : memref<79x128xi32, #tpu.memory_space<vmem>> -> memref<1x128xi32, #tpu.memory_space<vmem>>
      %dma_wait3A_109 = tpu.memref_squeeze %dma_wait3A_108 : memref<1x128xi32, #tpu.memory_space<vmem>> -> memref<128xi32, #tpu.memory_space<vmem>>
      %dma_wait3A_110 = arith.constant 0 : i32
      %dma_wait3A_111 = arith.constant 0 : i32
      %dma_wait3A_112 = tpu.memref_slice %arg14[%dma_wait3A_110, %dma_wait3A_111] : memref<10000x64xf32, #tpu.memory_space<vmem_shared>> -> memref<10000x64xf32, #tpu.memory_space<vmem_shared>>
      tpu.wait_indirect_dma semaphore(%arg22 : memref<!tpu.dma_semaphore, #tpu.memory_space<semaphore_mem>>) src(%arg9 : memref<128x64xf32, #tpu.memory_space<vmem>>) dst(%dma_wait3A_112 : memref<10000x64xf32, #tpu.memory_space<vmem_shared>>)
    } else {
    }
    %gt3A_82 = arith.constant 2 : i32
    %gt3A_83 = arith.cmpi sgt, %select_n3A, %gt3A_82 : i32
    %convert_element_type3A_84 = arith.extui %gt3A_83 : i1 to i32
    %cond3A_85 = arith.constant 0 : i32
    %cond3A_86 = arith.cmpi ne, %convert_element_type3A_84, %cond3A_85 : i32
    scf.if %cond3A_86 {
      %dma_wait3A = arith.constant 0 : i32
      %dma_wait3A_107 = arith.constant 0 : i32
      %dma_wait3A_108 = tpu.memref_slice %arg7[%dma_wait3A, %dma_wait3A_107] : memref<79x128xi32, #tpu.memory_space<vmem>> -> memref<1x128xi32, #tpu.memory_space<vmem>>
      %dma_wait3A_109 = tpu.memref_squeeze %dma_wait3A_108 : memref<1x128xi32, #tpu.memory_space<vmem>> -> memref<128xi32, #tpu.memory_space<vmem>>
      %dma_wait3A_110 = arith.constant 0 : i32
      %dma_wait3A_111 = arith.constant 0 : i32
      %dma_wait3A_112 = tpu.memref_slice %arg14[%dma_wait3A_110, %dma_wait3A_111] : memref<10000x64xf32, #tpu.memory_space<vmem_shared>> -> memref<10000x64xf32, #tpu.memory_space<vmem_shared>>
      tpu.wait_indirect_dma semaphore(%arg23 : memref<!tpu.dma_semaphore, #tpu.memory_space<semaphore_mem>>) src(%arg10 : memref<128x64xf32, #tpu.memory_space<vmem>>) dst(%dma_wait3A_112 : memref<10000x64xf32, #tpu.memory_space<vmem_shared>>)
    } else {
    }
    %gt3A_87 = arith.constant 3 : i32
    %gt3A_88 = arith.cmpi sgt, %select_n3A, %gt3A_87 : i32
    %convert_element_type3A_89 = arith.extui %gt3A_88 : i1 to i32
    %cond3A_90 = arith.constant 0 : i32
    %cond3A_91 = arith.cmpi ne, %convert_element_type3A_89, %cond3A_90 : i32
    scf.if %cond3A_91 {
      %dma_wait3A = arith.constant 0 : i32
      %dma_wait3A_107 = arith.constant 0 : i32
      %dma_wait3A_108 = tpu.memref_slice %arg7[%dma_wait3A, %dma_wait3A_107] : memref<79x128xi32, #tpu.memory_space<vmem>> -> memref<1x128xi32, #tpu.memory_space<vmem>>
      %dma_wait3A_109 = tpu.memref_squeeze %dma_wait3A_108 : memref<1x128xi32, #tpu.memory_space<vmem>> -> memref<128xi32, #tpu.memory_space<vmem>>
      %dma_wait3A_110 = arith.constant 0 : i32
      %dma_wait3A_111 = arith.constant 0 : i32
      %dma_wait3A_112 = tpu.memref_slice %arg14[%dma_wait3A_110, %dma_wait3A_111] : memref<10000x64xf32, #tpu.memory_space<vmem_shared>> -> memref<10000x64xf32, #tpu.memory_space<vmem_shared>>
      tpu.wait_indirect_dma semaphore(%arg24 : memref<!tpu.dma_semaphore, #tpu.memory_space<semaphore_mem>>) src(%arg11 : memref<128x64xf32, #tpu.memory_space<vmem>>) dst(%dma_wait3A_112 : memref<10000x64xf32, #tpu.memory_space<vmem_shared>>)
    } else {
    }
    %gt3A_92 = arith.constant 4 : i32
    %gt3A_93 = arith.cmpi sgt, %select_n3A, %gt3A_92 : i32
    %convert_element_type3A_94 = arith.extui %gt3A_93 : i1 to i32
    %cond3A_95 = arith.constant 0 : i32
    %cond3A_96 = arith.cmpi ne, %convert_element_type3A_94, %cond3A_95 : i32
    scf.if %cond3A_96 {
      %dma_wait3A = arith.constant 0 : i32
      %dma_wait3A_107 = arith.constant 0 : i32
      %dma_wait3A_108 = tpu.memref_slice %arg7[%dma_wait3A, %dma_wait3A_107] : memref<79x128xi32, #tpu.memory_space<vmem>> -> memref<1x128xi32, #tpu.memory_space<vmem>>
      %dma_wait3A_109 = tpu.memref_squeeze %dma_wait3A_108 : memref<1x128xi32, #tpu.memory_space<vmem>> -> memref<128xi32, #tpu.memory_space<vmem>>
      %dma_wait3A_110 = arith.constant 0 : i32
      %dma_wait3A_111 = arith.constant 0 : i32
      %dma_wait3A_112 = tpu.memref_slice %arg14[%dma_wait3A_110, %dma_wait3A_111] : memref<10000x64xf32, #tpu.memory_space<vmem_shared>> -> memref<10000x64xf32, #tpu.memory_space<vmem_shared>>
      tpu.wait_indirect_dma semaphore(%arg25 : memref<!tpu.dma_semaphore, #tpu.memory_space<semaphore_mem>>) src(%arg12 : memref<128x64xf32, #tpu.memory_space<vmem>>) dst(%dma_wait3A_112 : memref<10000x64xf32, #tpu.memory_space<vmem_shared>>)
    } else {
    }
    %gt3A_97 = arith.constant 5 : i32
    %gt3A_98 = arith.cmpi sgt, %select_n3A, %gt3A_97 : i32
    %convert_element_type3A_99 = arith.extui %gt3A_98 : i1 to i32
    %cond3A_100 = arith.constant 0 : i32
    %cond3A_101 = arith.cmpi ne, %convert_element_type3A_99, %cond3A_100 : i32
    scf.if %cond3A_101 {
      %dma_wait3A = arith.constant 0 : i32
      %dma_wait3A_107 = arith.constant 0 : i32
      %dma_wait3A_108 = tpu.memref_slice %arg7[%dma_wait3A, %dma_wait3A_107] : memref<79x128xi32, #tpu.memory_space<vmem>> -> memref<1x128xi32, #tpu.memory_space<vmem>>
      %dma_wait3A_109 = tpu.memref_squeeze %dma_wait3A_108 : memref<1x128xi32, #tpu.memory_space<vmem>> -> memref<128xi32, #tpu.memory_space<vmem>>
      %dma_wait3A_110 = arith.constant 0 : i32
      %dma_wait3A_111 = arith.constant 0 : i32
      %dma_wait3A_112 = tpu.memref_slice %arg14[%dma_wait3A_110, %dma_wait3A_111] : memref<10000x64xf32, #tpu.memory_space<vmem_shared>> -> memref<10000x64xf32, #tpu.memory_space<vmem_shared>>
      tpu.wait_indirect_dma semaphore(%arg26 : memref<!tpu.dma_semaphore, #tpu.memory_space<semaphore_mem>>) src(%arg13 : memref<128x64xf32, #tpu.memory_space<vmem>>) dst(%dma_wait3A_112 : memref<10000x64xf32, #tpu.memory_space<vmem_shared>>)
    } else {
    }
    %barrier3A_102 = arith.constant 0 : index
    tpu.barrier barrier_id(%barrier3A_102)
    %mul3A_103 = arith.constant 625 : i32
    %mul3A_104 = arith.muli %arg1, %mul3A_103 : i32
    %mul3A_105 = arith.constant 625 : i32
    %mul3A_106 = arith.muli %arg1, %mul3A_105 : i32
    "tpu.region"() ({
      %run_scoped3A = tpu.sem_alloc : memref<!tpu.dma_semaphore, #tpu.memory_space<semaphore_mem>>
      %dma_start3A = arith.constant 0 : i32
      %dma_start3A_107 = tpu.memref_slice %arg5[%arg0, %mul3A_106, %dma_start3A] : memref<2x10000x64xf32, #tpu.memory_space<hbm>> -> memref<1x625x64xf32, #tpu.memory_space<hbm>>
      %dma_start3A_108 = tpu.memref_squeeze %dma_start3A_107 : memref<1x625x64xf32, #tpu.memory_space<hbm>> -> memref<625x64xf32, #tpu.memory_space<hbm>>
      %dma_start3A_109 = arith.constant 0 : i32
      %dma_start3A_110 = tpu.memref_slice %arg14[%mul3A_104, %dma_start3A_109] : memref<10000x64xf32, #tpu.memory_space<vmem_shared>> -> memref<625x64xf32, #tpu.memory_space<vmem_shared>>
      tpu.enqueue_dma source(%dma_start3A_110 : memref<625x64xf32, #tpu.memory_space<vmem_shared>>) target(%dma_start3A_108 : memref<625x64xf32, #tpu.memory_space<hbm>>) target_semaphore(%run_scoped3A : memref<!tpu.dma_semaphore, #tpu.memory_space<semaphore_mem>>)
      %dma_wait3A = arith.constant 0 : i32
      %dma_wait3A_111 = tpu.memref_slice %arg5[%arg0, %mul3A_106, %dma_wait3A] : memref<2x10000x64xf32, #tpu.memory_space<hbm>> -> memref<1x625x64xf32, #tpu.memory_space<hbm>>
      %dma_wait3A_112 = tpu.memref_squeeze %dma_wait3A_111 : memref<1x625x64xf32, #tpu.memory_space<hbm>> -> memref<625x64xf32, #tpu.memory_space<hbm>>
      %dma_wait3A_113 = arith.constant 0 : i32
      %dma_wait3A_114 = tpu.memref_slice %arg14[%mul3A_104, %dma_wait3A_113] : memref<10000x64xf32, #tpu.memory_space<vmem_shared>> -> memref<625x64xf32, #tpu.memory_space<vmem_shared>>
      tpu.wait_dma2 semaphore(%run_scoped3A : memref<!tpu.dma_semaphore, #tpu.memory_space<semaphore_mem>>) src(%dma_wait3A_114 : memref<625x64xf32, #tpu.memory_space<vmem_shared>>) dst(%dma_wait3A_112 : memref<625x64xf32, #tpu.memory_space<hbm>>)
      tpu.yield
    }) : () -> ()
    return
  }
}

#map = affine_map<(d0, d1) -> (0, 0)>
module attributes {stable_mosaic.version = 14 : i64} {
  func.func @_sc_deg_sel(%arg0: i32, %arg1: i32, %arg2: memref<2500x128xi32, #tpu.memory_space<hbm>>, %arg3: memref<2x5000xf32, #tpu.memory_space<hbm>>, %arg4: memref<2x32xi32, #tpu.memory_space<hbm>>, %arg5: memref<2x10240xf32, #tpu.memory_space<hbm>>, %arg6: memref<2x32xi32, #tpu.memory_space<hbm>>, %arg7: memref<79x128xi32, #tpu.memory_space<vmem>>, %arg8: memref<128xf32, #tpu.memory_space<vmem>>, %arg9: memref<640xf32, #tpu.memory_space<vmem>>, %arg10: memref<5008xf32, #tpu.memory_space<vmem>>, %arg11: memref<5008xi32, #tpu.memory_space<vmem>>, %arg12: memref<32xi32, #tpu.memory_space<vmem>>, %arg13: memref<32xi32, #tpu.memory_space<vmem>>, %arg14: memref<10240xf32, #tpu.memory_space<vmem_shared>>, %arg15: memref<!tpu.dma_semaphore, #tpu.memory_space<semaphore_mem>>) attributes {dimension_semantics = [#tpu.dimension_semantics<core_parallel>, #tpu.dimension_semantics<subcore_parallel>], iteration_bounds = array<i64: 2, 16>, scalar_prefetch = 0 : i64, scratch_operands = 9 : i64, tpu.core_type = #tpu.core_type<sc_vector_subcore>, window_params = [{transform_indices = #map}, {transform_indices = #map}, {transform_indices = #map}, {transform_indices = #map}, {transform_indices = #map}]} {
    %mul3A = arith.constant 2 : i32
    %mul3A_0 = arith.muli %arg1, %mul3A : i32
    %add3A = arith.addi %mul3A_0, %arg0 : i32
    %scan3A = arith.constant 0 : i32
    %scan3A_1 = arith.constant 0 : i32
    %scan3A_2 = arith.constant 40 : i32
    %scan3A_3 = arith.addi %scan3A_1, %scan3A_2 : i32
    %scan3A_4 = arith.constant 1 : i32
    %scan3A_5 = scf.for %scan3A_63 = %scan3A_1 to %scan3A_3 step %scan3A_4 iter_args(%scan3A_64 = %scan3A) -> (i32)  : i32 {
      %broadcast_in_dim3A_65 = arith.constant 0.000000e+00 : f32
      %broadcast_in_dim3A_66 = vector.broadcast %broadcast_in_dim3A_65 : f32 to vector<16xf32>
      %mul3A_67 = arith.constant 16 : i32
      %mul3A_68 = arith.muli %scan3A_63, %mul3A_67 : i32
      %swap3A_69 = arith.index_cast %mul3A_68 : i32 to index
      %swap3A_70 = tpu.vector_load %arg9[%swap3A_69] {strides = array<i32>} : memref<640xf32, #tpu.memory_space<vmem>>, vector<16xf32>,
      tpu.vector_store %arg9[%swap3A_69], %broadcast_in_dim3A_66 {strides = array<i32>} : memref<640xf32, #tpu.memory_space<vmem>>, vector<16xf32>,
      %scan3A_71 = arith.constant 0 : i32
      scf.yield %scan3A_71 : i32
    }
    %scan3A_6 = arith.constant 40 : i32
    %broadcast_in_dim3A = arith.constant 1.000000e+00 : f32
    %broadcast_in_dim3A_7 = vector.broadcast %broadcast_in_dim3A : f32 to vector<16xf32>
    %swap3A = arith.constant 0 : index
    %swap3A_8 = tpu.vector_load %arg8[%swap3A] {strides = array<i32>} : memref<128xf32, #tpu.memory_space<vmem>>, vector<16xf32>,
    tpu.vector_store %arg8[%swap3A], %broadcast_in_dim3A_7 {strides = array<i32>} : memref<128xf32, #tpu.memory_space<vmem>>, vector<16xf32>,
    %broadcast_in_dim3A_9 = arith.constant 1.000000e+00 : f32
    %broadcast_in_dim3A_10 = vector.broadcast %broadcast_in_dim3A_9 : f32 to vector<16xf32>
    %swap3A_11 = arith.constant 16 : index
    %swap3A_12 = tpu.vector_load %arg8[%swap3A_11] {strides = array<i32>} : memref<128xf32, #tpu.memory_space<vmem>>, vector<16xf32>,
    tpu.vector_store %arg8[%swap3A_11], %broadcast_in_dim3A_10 {strides = array<i32>} : memref<128xf32, #tpu.memory_space<vmem>>, vector<16xf32>,
    %broadcast_in_dim3A_13 = arith.constant 1.000000e+00 : f32
    %broadcast_in_dim3A_14 = vector.broadcast %broadcast_in_dim3A_13 : f32 to vector<16xf32>
    %swap3A_15 = arith.constant 32 : index
    %swap3A_16 = tpu.vector_load %arg8[%swap3A_15] {strides = array<i32>} : memref<128xf32, #tpu.memory_space<vmem>>, vector<16xf32>,
    tpu.vector_store %arg8[%swap3A_15], %broadcast_in_dim3A_14 {strides = array<i32>} : memref<128xf32, #tpu.memory_space<vmem>>, vector<16xf32>,
    %broadcast_in_dim3A_17 = arith.constant 1.000000e+00 : f32
    %broadcast_in_dim3A_18 = vector.broadcast %broadcast_in_dim3A_17 : f32 to vector<16xf32>
    %swap3A_19 = arith.constant 48 : index
    %swap3A_20 = tpu.vector_load %arg8[%swap3A_19] {strides = array<i32>} : memref<128xf32, #tpu.memory_space<vmem>>, vector<16xf32>,
    tpu.vector_store %arg8[%swap3A_19], %broadcast_in_dim3A_18 {strides = array<i32>} : memref<128xf32, #tpu.memory_space<vmem>>, vector<16xf32>,
    %broadcast_in_dim3A_21 = arith.constant 1.000000e+00 : f32
    %broadcast_in_dim3A_22 = vector.broadcast %broadcast_in_dim3A_21 : f32 to vector<16xf32>
    %swap3A_23 = arith.constant 64 : index
    %swap3A_24 = tpu.vector_load %arg8[%swap3A_23] {strides = array<i32>} : memref<128xf32, #tpu.memory_space<vmem>>, vector<16xf32>,
    tpu.vector_store %arg8[%swap3A_23], %broadcast_in_dim3A_22 {strides = array<i32>} : memref<128xf32, #tpu.memory_space<vmem>>, vector<16xf32>,
    %broadcast_in_dim3A_25 = arith.constant 1.000000e+00 : f32
    %broadcast_in_dim3A_26 = vector.broadcast %broadcast_in_dim3A_25 : f32 to vector<16xf32>
    %swap3A_27 = arith.constant 80 : index
    %swap3A_28 = tpu.vector_load %arg8[%swap3A_27] {strides = array<i32>} : memref<128xf32, #tpu.memory_space<vmem>>, vector<16xf32>,
    tpu.vector_store %arg8[%swap3A_27], %broadcast_in_dim3A_26 {strides = array<i32>} : memref<128xf32, #tpu.memory_space<vmem>>, vector<16xf32>,
    %broadcast_in_dim3A_29 = arith.constant 1.000000e+00 : f32
    %broadcast_in_dim3A_30 = vector.broadcast %broadcast_in_dim3A_29 : f32 to vector<16xf32>
    %swap3A_31 = arith.constant 96 : index
    %swap3A_32 = tpu.vector_load %arg8[%swap3A_31] {strides = array<i32>} : memref<128xf32, #tpu.memory_space<vmem>>, vector<16xf32>,
    tpu.vector_store %arg8[%swap3A_31], %broadcast_in_dim3A_30 {strides = array<i32>} : memref<128xf32, #tpu.memory_space<vmem>>, vector<16xf32>,
    %broadcast_in_dim3A_33 = arith.constant 1.000000e+00 : f32
    %broadcast_in_dim3A_34 = vector.broadcast %broadcast_in_dim3A_33 : f32 to vector<16xf32>
    %swap3A_35 = arith.constant 112 : index
    %swap3A_36 = tpu.vector_load %arg8[%swap3A_35] {strides = array<i32>} : memref<128xf32, #tpu.memory_space<vmem>>, vector<16xf32>,
    tpu.vector_store %arg8[%swap3A_35], %broadcast_in_dim3A_34 {strides = array<i32>} : memref<128xf32, #tpu.memory_space<vmem>>, vector<16xf32>,
    %mul3A_37 = arith.constant 640 : i32
    %mul3A_38 = arith.muli %arg1, %mul3A_37 : i32
    "tpu.region"() ({
      %run_scoped3A = tpu.sem_alloc : memref<!tpu.dma_semaphore, #tpu.memory_space<semaphore_mem>>
      %dma_start3A = tpu.memref_slice %arg14[%mul3A_38] : memref<10240xf32, #tpu.memory_space<vmem_shared>> -> memref<640xf32, #tpu.memory_space<vmem_shared>>
      %dma_start3A_63 = tpu.memref_slice %arg14[%mul3A_38] : memref<10240xf32, #tpu.memory_space<vmem_shared>> -> memref<640xf32, #tpu.memory_space<vmem_shared>>
      tpu.enqueue_dma source(%arg9 : memref<640xf32, #tpu.memory_space<vmem>>) target(%dma_start3A_63 : memref<640xf32, #tpu.memory_space<vmem_shared>>) target_semaphore(%run_scoped3A : memref<!tpu.dma_semaphore, #tpu.memory_space<semaphore_mem>>)
      %dma_wait3A = tpu.memref_slice %arg14[%mul3A_38] : memref<10240xf32, #tpu.memory_space<vmem_shared>> -> memref<640xf32, #tpu.memory_space<vmem_shared>>
      %dma_wait3A_64 = tpu.memref_slice %arg14[%mul3A_38] : memref<10240xf32, #tpu.memory_space<vmem_shared>> -> memref<640xf32, #tpu.memory_space<vmem_shared>>
      tpu.wait_dma2 semaphore(%run_scoped3A : memref<!tpu.dma_semaphore, #tpu.memory_space<semaphore_mem>>) src(%arg9 : memref<640xf32, #tpu.memory_space<vmem>>) dst(%dma_wait3A_64 : memref<640xf32, #tpu.memory_space<vmem_shared>>)
      tpu.yield
    }) : () -> ()
    %barrier3A = arith.constant 0 : index
    tpu.barrier barrier_id(%barrier3A)
    %mul3A_39 = arith.constant 78 : i32
    %mul3A_40 = arith.muli %add3A, %mul3A_39 : i32
    "tpu.region"() ({
      %run_scoped3A = tpu.sem_alloc : memref<!tpu.dma_semaphore, #tpu.memory_space<semaphore_mem>>
      %dma_start3A = arith.constant 0 : i32
      %dma_start3A_63 = arith.constant 0 : i32
      %dma_start3A_64 = tpu.memref_slice %arg7[%dma_start3A, %dma_start3A_63] : memref<79x128xi32, #tpu.memory_space<vmem>> -> memref<78x128xi32, #tpu.memory_space<vmem>>
      %dma_start3A_65 = arith.constant 0 : i32
      %dma_start3A_66 = tpu.memref_slice %arg2[%mul3A_40, %dma_start3A_65] : memref<2500x128xi32, #tpu.memory_space<hbm>> -> memref<78x128xi32, #tpu.memory_space<hbm>>
      %dma_start3A_67 = arith.constant 0 : i32
      %dma_start3A_68 = arith.constant 0 : i32
      %dma_start3A_69 = tpu.memref_slice %arg7[%dma_start3A_67, %dma_start3A_68] : memref<79x128xi32, #tpu.memory_space<vmem>> -> memref<78x128xi32, #tpu.memory_space<vmem>>
      %dma_start3A_70 = arith.constant 0 : i32
      %dma_start3A_71 = tpu.memref_slice %arg2[%mul3A_40, %dma_start3A_70] : memref<2500x128xi32, #tpu.memory_space<hbm>> -> memref<78x128xi32, #tpu.memory_space<hbm>>
      tpu.enqueue_dma source(%dma_start3A_71 : memref<78x128xi32, #tpu.memory_space<hbm>>) target(%dma_start3A_69 : memref<78x128xi32, #tpu.memory_space<vmem>>) target_semaphore(%run_scoped3A : memref<!tpu.dma_semaphore, #tpu.memory_space<semaphore_mem>>)
      %dma_wait3A = arith.constant 0 : i32
      %dma_wait3A_72 = arith.constant 0 : i32
      %dma_wait3A_73 = tpu.memref_slice %arg7[%dma_wait3A, %dma_wait3A_72] : memref<79x128xi32, #tpu.memory_space<vmem>> -> memref<78x128xi32, #tpu.memory_space<vmem>>
      %dma_wait3A_74 = arith.constant 0 : i32
      %dma_wait3A_75 = tpu.memref_slice %arg2[%mul3A_40, %dma_wait3A_74] : memref<2500x128xi32, #tpu.memory_space<hbm>> -> memref<78x128xi32, #tpu.memory_space<hbm>>
      %dma_wait3A_76 = arith.constant 0 : i32
      %dma_wait3A_77 = arith.constant 0 : i32
      %dma_wait3A_78 = tpu.memref_slice %arg7[%dma_wait3A_76, %dma_wait3A_77] : memref<79x128xi32, #tpu.memory_space<vmem>> -> memref<78x128xi32, #tpu.memory_space<vmem>>
      %dma_wait3A_79 = arith.constant 0 : i32
      %dma_wait3A_80 = tpu.memref_slice %arg2[%mul3A_40, %dma_wait3A_79] : memref<2500x128xi32, #tpu.memory_space<hbm>> -> memref<78x128xi32, #tpu.memory_space<hbm>>
      tpu.wait_dma2 semaphore(%run_scoped3A : memref<!tpu.dma_semaphore, #tpu.memory_space<semaphore_mem>>) src(%dma_wait3A_80 : memref<78x128xi32, #tpu.memory_space<hbm>>) dst(%dma_wait3A_78 : memref<78x128xi32, #tpu.memory_space<vmem>>)
      tpu.yield
    }) : () -> ()
    %lt3A = arith.constant 4 : i32
    %lt3A_41 = arith.cmpi slt, %add3A, %lt3A : i32
    %convert_element_type3A = arith.extui %lt3A_41 : i1 to i32
    %cond3A = arith.constant 0 : i32
    %cond3A_42 = arith.cmpi ne, %convert_element_type3A, %cond3A : i32
    scf.if %cond3A_42 {
      %add3A_63 = arith.constant 2496 : i32
      %add3A_64 = arith.addi %add3A_63, %add3A : i32
      "tpu.region"() ({
        %run_scoped3A = tpu.sem_alloc : memref<!tpu.dma_semaphore, #tpu.memory_space<semaphore_mem>>
        %dma_start3A = arith.constant 78 : i32
        %dma_start3A_65 = arith.constant 0 : i32
        %dma_start3A_66 = tpu.memref_slice %arg7[%dma_start3A, %dma_start3A_65] : memref<79x128xi32, #tpu.memory_space<vmem>> -> memref<1x128xi32, #tpu.memory_space<vmem>>
        %dma_start3A_67 = arith.constant 0 : i32
        %dma_start3A_68 = tpu.memref_slice %arg2[%add3A_64, %dma_start3A_67] : memref<2500x128xi32, #tpu.memory_space<hbm>> -> memref<1x128xi32, #tpu.memory_space<hbm>>
        %dma_start3A_69 = arith.constant 78 : i32
        %dma_start3A_70 = arith.constant 0 : i32
        %dma_start3A_71 = tpu.memref_slice %arg7[%dma_start3A_69, %dma_start3A_70] : memref<79x128xi32, #tpu.memory_space<vmem>> -> memref<1x128xi32, #tpu.memory_space<vmem>>
        %dma_start3A_72 = arith.constant 0 : i32
        %dma_start3A_73 = tpu.memref_slice %arg2[%add3A_64, %dma_start3A_72] : memref<2500x128xi32, #tpu.memory_space<hbm>> -> memref<1x128xi32, #tpu.memory_space<hbm>>
        tpu.enqueue_dma source(%dma_start3A_73 : memref<1x128xi32, #tpu.memory_space<hbm>>) target(%dma_start3A_71 : memref<1x128xi32, #tpu.memory_space<vmem>>) target_semaphore(%run_scoped3A : memref<!tpu.dma_semaphore, #tpu.memory_space<semaphore_mem>>)
        %dma_wait3A = arith.constant 78 : i32
        %dma_wait3A_74 = arith.constant 0 : i32
        %dma_wait3A_75 = tpu.memref_slice %arg7[%dma_wait3A, %dma_wait3A_74] : memref<79x128xi32, #tpu.memory_space<vmem>> -> memref<1x128xi32, #tpu.memory_space<vmem>>
        %dma_wait3A_76 = arith.constant 0 : i32
        %dma_wait3A_77 = tpu.memref_slice %arg2[%add3A_64, %dma_wait3A_76] : memref<2500x128xi32, #tpu.memory_space<hbm>> -> memref<1x128xi32, #tpu.memory_space<hbm>>
        %dma_wait3A_78 = arith.constant 78 : i32
        %dma_wait3A_79 = arith.constant 0 : i32
        %dma_wait3A_80 = tpu.memref_slice %arg7[%dma_wait3A_78, %dma_wait3A_79] : memref<79x128xi32, #tpu.memory_space<vmem>> -> memref<1x128xi32, #tpu.memory_space<vmem>>
        %dma_wait3A_81 = arith.constant 0 : i32
        %dma_wait3A_82 = tpu.memref_slice %arg2[%add3A_64, %dma_wait3A_81] : memref<2500x128xi32, #tpu.memory_space<hbm>> -> memref<1x128xi32, #tpu.memory_space<hbm>>
        tpu.wait_dma2 semaphore(%run_scoped3A : memref<!tpu.dma_semaphore, #tpu.memory_space<semaphore_mem>>) src(%dma_wait3A_82 : memref<1x128xi32, #tpu.memory_space<hbm>>) dst(%dma_wait3A_80 : memref<1x128xi32, #tpu.memory_space<vmem>>)
        tpu.yield
      }) : () -> ()
    } else {
    }
    %lt3A_43 = arith.constant 4 : i32
    %lt3A_44 = arith.cmpi slt, %add3A, %lt3A_43 : i32
    %jit3A = arith.constant 79 : i32
    %jit3A_45 = arith.constant 78 : i32
    %select_n3A = arith.select %lt3A_44, %jit3A, %jit3A_45 : i32
    %scan3A_46 = arith.constant 0 : i32
    %scan3A_47 = arith.constant 0 : i32
    %scan3A_48 = arith.constant 10 : i32
    %scan3A_49 = arith.addi %scan3A_47, %scan3A_48 : i32
    %scan3A_50 = arith.constant 1 : i32
    %scan3A_51 = scf.for %scan3A_63 = %scan3A_47 to %scan3A_49 step %scan3A_50 iter_args(%scan3A_64 = %scan3A_46) -> (i32)  : i32 {
      %mul3A_65 = arith.constant 8 : i32
      %mul3A_66 = arith.muli %scan3A_63, %mul3A_65 : i32
      %add3A_67 = arith.constant 0 : i32
      %add3A_68 = arith.addi %mul3A_66, %add3A_67 : i32
      %lt3A_69 = arith.cmpi slt, %add3A_68, %select_n3A : i32
      %convert_element_type3A_70 = arith.extui %lt3A_69 : i1 to i32
      %cond3A_71 = arith.constant 0 : i32
      %cond3A_72 = arith.cmpi ne, %convert_element_type3A_70, %cond3A_71 : i32
      scf.if %cond3A_72 {
        %mul3A_194 = arith.constant 8 : i32
        %mul3A_195 = arith.muli %scan3A_63, %mul3A_194 : i32
        %add3A_196 = arith.constant 0 : i32
        %add3A_197 = arith.addi %mul3A_195, %add3A_196 : i32
        %dma_start3A = arith.constant 0 : i32
        %dma_start3A_198 = tpu.memref_slice %arg7[%add3A_197, %dma_start3A] : memref<79x128xi32, #tpu.memory_space<vmem>> -> memref<1x128xi32, #tpu.memory_space<vmem>>
        %dma_start3A_199 = tpu.memref_squeeze %dma_start3A_198 : memref<1x128xi32, #tpu.memory_space<vmem>> -> memref<128xi32, #tpu.memory_space<vmem>>
        %dma_start3A_200 = arith.constant 0 : i32
        %dma_start3A_201 = tpu.memref_slice %arg14[%dma_start3A_200] : memref<10240xf32, #tpu.memory_space<vmem_shared>> -> memref<10240xf32, #tpu.memory_space<vmem_shared>>
        tpu.enqueue_indirect_dma source(%arg8 : memref<128xf32, #tpu.memory_space<vmem>>) target(%dma_start3A_201 : memref<10240xf32, #tpu.memory_space<vmem_shared>>) offsets(%dma_start3A_199 : memref<128xi32, #tpu.memory_space<vmem>>) semaphore(%arg15 : memref<!tpu.dma_semaphore, #tpu.memory_space<semaphore_mem>>) {add = true}
      } else {
      }
      %mul3A_73 = arith.constant 8 : i32
      %mul3A_74 = arith.muli %scan3A_63, %mul3A_73 : i32
      %add3A_75 = arith.constant 1 : i32
      %add3A_76 = arith.addi %mul3A_74, %add3A_75 : i32
      %lt3A_77 = arith.cmpi slt, %add3A_76, %select_n3A : i32
      %convert_element_type3A_78 = arith.extui %lt3A_77 : i1 to i32
      %cond3A_79 = arith.constant 0 : i32
      %cond3A_80 = arith.cmpi ne, %convert_element_type3A_78, %cond3A_79 : i32
      scf.if %cond3A_80 {
        %mul3A_194 = arith.constant 8 : i32
        %mul3A_195 = arith.muli %scan3A_63, %mul3A_194 : i32
        %add3A_196 = arith.constant 1 : i32
        %add3A_197 = arith.addi %mul3A_195, %add3A_196 : i32
        %dma_start3A = arith.constant 0 : i32
        %dma_start3A_198 = tpu.memref_slice %arg7[%add3A_197, %dma_start3A] : memref<79x128xi32, #tpu.memory_space<vmem>> -> memref<1x128xi32, #tpu.memory_space<vmem>>
        %dma_start3A_199 = tpu.memref_squeeze %dma_start3A_198 : memref<1x128xi32, #tpu.memory_space<vmem>> -> memref<128xi32, #tpu.memory_space<vmem>>
        %dma_start3A_200 = arith.constant 0 : i32
        %dma_start3A_201 = tpu.memref_slice %arg14[%dma_start3A_200] : memref<10240xf32, #tpu.memory_space<vmem_shared>> -> memref<10240xf32, #tpu.memory_space<vmem_shared>>
        tpu.enqueue_indirect_dma source(%arg8 : memref<128xf32, #tpu.memory_space<vmem>>) target(%dma_start3A_201 : memref<10240xf32, #tpu.memory_space<vmem_shared>>) offsets(%dma_start3A_199 : memref<128xi32, #tpu.memory_space<vmem>>) semaphore(%arg15 : memref<!tpu.dma_semaphore, #tpu.memory_space<semaphore_mem>>) {add = true}
      } else {
      }
      %mul3A_81 = arith.constant 8 : i32
      %mul3A_82 = arith.muli %scan3A_63, %mul3A_81 : i32
      %add3A_83 = arith.constant 2 : i32
      %add3A_84 = arith.addi %mul3A_82, %add3A_83 : i32
      %lt3A_85 = arith.cmpi slt, %add3A_84, %select_n3A : i32
      %convert_element_type3A_86 = arith.extui %lt3A_85 : i1 to i32
      %cond3A_87 = arith.constant 0 : i32
      %cond3A_88 = arith.cmpi ne, %convert_element_type3A_86, %cond3A_87 : i32
      scf.if %cond3A_88 {
        %mul3A_194 = arith.constant 8 : i32
        %mul3A_195 = arith.muli %scan3A_63, %mul3A_194 : i32
        %add3A_196 = arith.constant 2 : i32
        %add3A_197 = arith.addi %mul3A_195, %add3A_196 : i32
        %dma_start3A = arith.constant 0 : i32
        %dma_start3A_198 = tpu.memref_slice %arg7[%add3A_197, %dma_start3A] : memref<79x128xi32, #tpu.memory_space<vmem>> -> memref<1x128xi32, #tpu.memory_space<vmem>>
        %dma_start3A_199 = tpu.memref_squeeze %dma_start3A_198 : memref<1x128xi32, #tpu.memory_space<vmem>> -> memref<128xi32, #tpu.memory_space<vmem>>
        %dma_start3A_200 = arith.constant 0 : i32
        %dma_start3A_201 = tpu.memref_slice %arg14[%dma_start3A_200] : memref<10240xf32, #tpu.memory_space<vmem_shared>> -> memref<10240xf32, #tpu.memory_space<vmem_shared>>
        tpu.enqueue_indirect_dma source(%arg8 : memref<128xf32, #tpu.memory_space<vmem>>) target(%dma_start3A_201 : memref<10240xf32, #tpu.memory_space<vmem_shared>>) offsets(%dma_start3A_199 : memref<128xi32, #tpu.memory_space<vmem>>) semaphore(%arg15 : memref<!tpu.dma_semaphore, #tpu.memory_space<semaphore_mem>>) {add = true}
      } else {
      }
      %mul3A_89 = arith.constant 8 : i32
      %mul3A_90 = arith.muli %scan3A_63, %mul3A_89 : i32
      %add3A_91 = arith.constant 3 : i32
      %add3A_92 = arith.addi %mul3A_90, %add3A_91 : i32
      %lt3A_93 = arith.cmpi slt, %add3A_92, %select_n3A : i32
      %convert_element_type3A_94 = arith.extui %lt3A_93 : i1 to i32
      %cond3A_95 = arith.constant 0 : i32
      %cond3A_96 = arith.cmpi ne, %convert_element_type3A_94, %cond3A_95 : i32
      scf.if %cond3A_96 {
        %mul3A_194 = arith.constant 8 : i32
        %mul3A_195 = arith.muli %scan3A_63, %mul3A_194 : i32
        %add3A_196 = arith.constant 3 : i32
        %add3A_197 = arith.addi %mul3A_195, %add3A_196 : i32
        %dma_start3A = arith.constant 0 : i32
        %dma_start3A_198 = tpu.memref_slice %arg7[%add3A_197, %dma_start3A] : memref<79x128xi32, #tpu.memory_space<vmem>> -> memref<1x128xi32, #tpu.memory_space<vmem>>
        %dma_start3A_199 = tpu.memref_squeeze %dma_start3A_198 : memref<1x128xi32, #tpu.memory_space<vmem>> -> memref<128xi32, #tpu.memory_space<vmem>>
        %dma_start3A_200 = arith.constant 0 : i32
        %dma_start3A_201 = tpu.memref_slice %arg14[%dma_start3A_200] : memref<10240xf32, #tpu.memory_space<vmem_shared>> -> memref<10240xf32, #tpu.memory_space<vmem_shared>>
        tpu.enqueue_indirect_dma source(%arg8 : memref<128xf32, #tpu.memory_space<vmem>>) target(%dma_start3A_201 : memref<10240xf32, #tpu.memory_space<vmem_shared>>) offsets(%dma_start3A_199 : memref<128xi32, #tpu.memory_space<vmem>>) semaphore(%arg15 : memref<!tpu.dma_semaphore, #tpu.memory_space<semaphore_mem>>) {add = true}
      } else {
      }
      %mul3A_97 = arith.constant 8 : i32
      %mul3A_98 = arith.muli %scan3A_63, %mul3A_97 : i32
      %add3A_99 = arith.constant 4 : i32
      %add3A_100 = arith.addi %mul3A_98, %add3A_99 : i32
      %lt3A_101 = arith.cmpi slt, %add3A_100, %select_n3A : i32
      %convert_element_type3A_102 = arith.extui %lt3A_101 : i1 to i32
      %cond3A_103 = arith.constant 0 : i32
      %cond3A_104 = arith.cmpi ne, %convert_element_type3A_102, %cond3A_103 : i32
      scf.if %cond3A_104 {
        %mul3A_194 = arith.constant 8 : i32
        %mul3A_195 = arith.muli %scan3A_63, %mul3A_194 : i32
        %add3A_196 = arith.constant 4 : i32
        %add3A_197 = arith.addi %mul3A_195, %add3A_196 : i32
        %dma_start3A = arith.constant 0 : i32
        %dma_start3A_198 = tpu.memref_slice %arg7[%add3A_197, %dma_start3A] : memref<79x128xi32, #tpu.memory_space<vmem>> -> memref<1x128xi32, #tpu.memory_space<vmem>>
        %dma_start3A_199 = tpu.memref_squeeze %dma_start3A_198 : memref<1x128xi32, #tpu.memory_space<vmem>> -> memref<128xi32, #tpu.memory_space<vmem>>
        %dma_start3A_200 = arith.constant 0 : i32
        %dma_start3A_201 = tpu.memref_slice %arg14[%dma_start3A_200] : memref<10240xf32, #tpu.memory_space<vmem_shared>> -> memref<10240xf32, #tpu.memory_space<vmem_shared>>
        tpu.enqueue_indirect_dma source(%arg8 : memref<128xf32, #tpu.memory_space<vmem>>) target(%dma_start3A_201 : memref<10240xf32, #tpu.memory_space<vmem_shared>>) offsets(%dma_start3A_199 : memref<128xi32, #tpu.memory_space<vmem>>) semaphore(%arg15 : memref<!tpu.dma_semaphore, #tpu.memory_space<semaphore_mem>>) {add = true}
      } else {
      }
      %mul3A_105 = arith.constant 8 : i32
      %mul3A_106 = arith.muli %scan3A_63, %mul3A_105 : i32
      %add3A_107 = arith.constant 5 : i32
      %add3A_108 = arith.addi %mul3A_106, %add3A_107 : i32
      %lt3A_109 = arith.cmpi slt, %add3A_108, %select_n3A : i32
      %convert_element_type3A_110 = arith.extui %lt3A_109 : i1 to i32
      %cond3A_111 = arith.constant 0 : i32
      %cond3A_112 = arith.cmpi ne, %convert_element_type3A_110, %cond3A_111 : i32
      scf.if %cond3A_112 {
        %mul3A_194 = arith.constant 8 : i32
        %mul3A_195 = arith.muli %scan3A_63, %mul3A_194 : i32
        %add3A_196 = arith.constant 5 : i32
        %add3A_197 = arith.addi %mul3A_195, %add3A_196 : i32
        %dma_start3A = arith.constant 0 : i32
        %dma_start3A_198 = tpu.memref_slice %arg7[%add3A_197, %dma_start3A] : memref<79x128xi32, #tpu.memory_space<vmem>> -> memref<1x128xi32, #tpu.memory_space<vmem>>
        %dma_start3A_199 = tpu.memref_squeeze %dma_start3A_198 : memref<1x128xi32, #tpu.memory_space<vmem>> -> memref<128xi32, #tpu.memory_space<vmem>>
        %dma_start3A_200 = arith.constant 0 : i32
        %dma_start3A_201 = tpu.memref_slice %arg14[%dma_start3A_200] : memref<10240xf32, #tpu.memory_space<vmem_shared>> -> memref<10240xf32, #tpu.memory_space<vmem_shared>>
        tpu.enqueue_indirect_dma source(%arg8 : memref<128xf32, #tpu.memory_space<vmem>>) target(%dma_start3A_201 : memref<10240xf32, #tpu.memory_space<vmem_shared>>) offsets(%dma_start3A_199 : memref<128xi32, #tpu.memory_space<vmem>>) semaphore(%arg15 : memref<!tpu.dma_semaphore, #tpu.memory_space<semaphore_mem>>) {add = true}
      } else {
      }
      %mul3A_113 = arith.constant 8 : i32
      %mul3A_114 = arith.muli %scan3A_63, %mul3A_113 : i32
      %add3A_115 = arith.constant 6 : i32
      %add3A_116 = arith.addi %mul3A_114, %add3A_115 : i32
      %lt3A_117 = arith.cmpi slt, %add3A_116, %select_n3A : i32
      %convert_element_type3A_118 = arith.extui %lt3A_117 : i1 to i32
      %cond3A_119 = arith.constant 0 : i32
      %cond3A_120 = arith.cmpi ne, %convert_element_type3A_118, %cond3A_119 : i32
      scf.if %cond3A_120 {
        %mul3A_194 = arith.constant 8 : i32
        %mul3A_195 = arith.muli %scan3A_63, %mul3A_194 : i32
        %add3A_196 = arith.constant 6 : i32
        %add3A_197 = arith.addi %mul3A_195, %add3A_196 : i32
        %dma_start3A = arith.constant 0 : i32
        %dma_start3A_198 = tpu.memref_slice %arg7[%add3A_197, %dma_start3A] : memref<79x128xi32, #tpu.memory_space<vmem>> -> memref<1x128xi32, #tpu.memory_space<vmem>>
        %dma_start3A_199 = tpu.memref_squeeze %dma_start3A_198 : memref<1x128xi32, #tpu.memory_space<vmem>> -> memref<128xi32, #tpu.memory_space<vmem>>
        %dma_start3A_200 = arith.constant 0 : i32
        %dma_start3A_201 = tpu.memref_slice %arg14[%dma_start3A_200] : memref<10240xf32, #tpu.memory_space<vmem_shared>> -> memref<10240xf32, #tpu.memory_space<vmem_shared>>
        tpu.enqueue_indirect_dma source(%arg8 : memref<128xf32, #tpu.memory_space<vmem>>) target(%dma_start3A_201 : memref<10240xf32, #tpu.memory_space<vmem_shared>>) offsets(%dma_start3A_199 : memref<128xi32, #tpu.memory_space<vmem>>) semaphore(%arg15 : memref<!tpu.dma_semaphore, #tpu.memory_space<semaphore_mem>>) {add = true}
      } else {
      }
      %mul3A_121 = arith.constant 8 : i32
      %mul3A_122 = arith.muli %scan3A_63, %mul3A_121 : i32
      %add3A_123 = arith.constant 7 : i32
      %add3A_124 = arith.addi %mul3A_122, %add3A_123 : i32
      %lt3A_125 = arith.cmpi slt, %add3A_124, %select_n3A : i32
      %convert_element_type3A_126 = arith.extui %lt3A_125 : i1 to i32
      %cond3A_127 = arith.constant 0 : i32
      %cond3A_128 = arith.cmpi ne, %convert_element_type3A_126, %cond3A_127 : i32
      scf.if %cond3A_128 {
        %mul3A_194 = arith.constant 8 : i32
        %mul3A_195 = arith.muli %scan3A_63, %mul3A_194 : i32
        %add3A_196 = arith.constant 7 : i32
        %add3A_197 = arith.addi %mul3A_195, %add3A_196 : i32
        %dma_start3A = arith.constant 0 : i32
        %dma_start3A_198 = tpu.memref_slice %arg7[%add3A_197, %dma_start3A] : memref<79x128xi32, #tpu.memory_space<vmem>> -> memref<1x128xi32, #tpu.memory_space<vmem>>
        %dma_start3A_199 = tpu.memref_squeeze %dma_start3A_198 : memref<1x128xi32, #tpu.memory_space<vmem>> -> memref<128xi32, #tpu.memory_space<vmem>>
        %dma_start3A_200 = arith.constant 0 : i32
        %dma_start3A_201 = tpu.memref_slice %arg14[%dma_start3A_200] : memref<10240xf32, #tpu.memory_space<vmem_shared>> -> memref<10240xf32, #tpu.memory_space<vmem_shared>>
        tpu.enqueue_indirect_dma source(%arg8 : memref<128xf32, #tpu.memory_space<vmem>>) target(%dma_start3A_201 : memref<10240xf32, #tpu.memory_space<vmem_shared>>) offsets(%dma_start3A_199 : memref<128xi32, #tpu.memory_space<vmem>>) semaphore(%arg15 : memref<!tpu.dma_semaphore, #tpu.memory_space<semaphore_mem>>) {add = true}
      } else {
      }
      %mul3A_129 = arith.constant 8 : i32
      %mul3A_130 = arith.muli %scan3A_63, %mul3A_129 : i32
      %add3A_131 = arith.constant 0 : i32
      %add3A_132 = arith.addi %mul3A_130, %add3A_131 : i32
      %lt3A_133 = arith.cmpi slt, %add3A_132, %select_n3A : i32
      %convert_element_type3A_134 = arith.extui %lt3A_133 : i1 to i32
      %cond3A_135 = arith.constant 0 : i32
      %cond3A_136 = arith.cmpi ne, %convert_element_type3A_134, %cond3A_135 : i32
      scf.if %cond3A_136 {
        %dma_wait3A = arith.constant 0 : i32
        %dma_wait3A_194 = arith.constant 0 : i32
        %dma_wait3A_195 = tpu.memref_slice %arg7[%dma_wait3A, %dma_wait3A_194] : memref<79x128xi32, #tpu.memory_space<vmem>> -> memref<1x128xi32, #tpu.memory_space<vmem>>
        %dma_wait3A_196 = tpu.memref_squeeze %dma_wait3A_195 : memref<1x128xi32, #tpu.memory_space<vmem>> -> memref<128xi32, #tpu.memory_space<vmem>>
        %dma_wait3A_197 = arith.constant 0 : i32
        %dma_wait3A_198 = tpu.memref_slice %arg14[%dma_wait3A_197] : memref<10240xf32, #tpu.memory_space<vmem_shared>> -> memref<10240xf32, #tpu.memory_space<vmem_shared>>
        tpu.wait_indirect_dma semaphore(%arg15 : memref<!tpu.dma_semaphore, #tpu.memory_space<semaphore_mem>>) src(%arg8 : memref<128xf32, #tpu.memory_space<vmem>>) dst(%dma_wait3A_198 : memref<10240xf32, #tpu.memory_space<vmem_shared>>)
      } else {
      }
      %mul3A_137 = arith.constant 8 : i32
      %mul3A_138 = arith.muli %scan3A_63, %mul3A_137 : i32
      %add3A_139 = arith.constant 1 : i32
      %add3A_140 = arith.addi %mul3A_138, %add3A_139 : i32
      %lt3A_141 = arith.cmpi slt, %add3A_140, %select_n3A : i32
      %convert_element_type3A_142 = arith.extui %lt3A_141 : i1 to i32
      %cond3A_143 = arith.constant 0 : i32
      %cond3A_144 = arith.cmpi ne, %convert_element_type3A_142, %cond3A_143 : i32
      scf.if %cond3A_144 {
        %dma_wait3A = arith.constant 0 : i32
        %dma_wait3A_194 = arith.constant 0 : i32
        %dma_wait3A_195 = tpu.memref_slice %arg7[%dma_wait3A, %dma_wait3A_194] : memref<79x128xi32, #tpu.memory_space<vmem>> -> memref<1x128xi32, #tpu.memory_space<vmem>>
        %dma_wait3A_196 = tpu.memref_squeeze %dma_wait3A_195 : memref<1x128xi32, #tpu.memory_space<vmem>> -> memref<128xi32, #tpu.memory_space<vmem>>
        %dma_wait3A_197 = arith.constant 0 : i32
        %dma_wait3A_198 = tpu.memref_slice %arg14[%dma_wait3A_197] : memref<10240xf32, #tpu.memory_space<vmem_shared>> -> memref<10240xf32, #tpu.memory_space<vmem_shared>>
        tpu.wait_indirect_dma semaphore(%arg15 : memref<!tpu.dma_semaphore, #tpu.memory_space<semaphore_mem>>) src(%arg8 : memref<128xf32, #tpu.memory_space<vmem>>) dst(%dma_wait3A_198 : memref<10240xf32, #tpu.memory_space<vmem_shared>>)
      } else {
      }
      %mul3A_145 = arith.constant 8 : i32
      %mul3A_146 = arith.muli %scan3A_63, %mul3A_145 : i32
      %add3A_147 = arith.constant 2 : i32
      %add3A_148 = arith.addi %mul3A_146, %add3A_147 : i32
      %lt3A_149 = arith.cmpi slt, %add3A_148, %select_n3A : i32
      %convert_element_type3A_150 = arith.extui %lt3A_149 : i1 to i32
      %cond3A_151 = arith.constant 0 : i32
      %cond3A_152 = arith.cmpi ne, %convert_element_type3A_150, %cond3A_151 : i32
      scf.if %cond3A_152 {
        %dma_wait3A = arith.constant 0 : i32
        %dma_wait3A_194 = arith.constant 0 : i32
        %dma_wait3A_195 = tpu.memref_slice %arg7[%dma_wait3A, %dma_wait3A_194] : memref<79x128xi32, #tpu.memory_space<vmem>> -> memref<1x128xi32, #tpu.memory_space<vmem>>
        %dma_wait3A_196 = tpu.memref_squeeze %dma_wait3A_195 : memref<1x128xi32, #tpu.memory_space<vmem>> -> memref<128xi32, #tpu.memory_space<vmem>>
        %dma_wait3A_197 = arith.constant 0 : i32
        %dma_wait3A_198 = tpu.memref_slice %arg14[%dma_wait3A_197] : memref<10240xf32, #tpu.memory_space<vmem_shared>> -> memref<10240xf32, #tpu.memory_space<vmem_shared>>
        tpu.wait_indirect_dma semaphore(%arg15 : memref<!tpu.dma_semaphore, #tpu.memory_space<semaphore_mem>>) src(%arg8 : memref<128xf32, #tpu.memory_space<vmem>>) dst(%dma_wait3A_198 : memref<10240xf32, #tpu.memory_space<vmem_shared>>)
      } else {
      }
      %mul3A_153 = arith.constant 8 : i32
      %mul3A_154 = arith.muli %scan3A_63, %mul3A_153 : i32
      %add3A_155 = arith.constant 3 : i32
      %add3A_156 = arith.addi %mul3A_154, %add3A_155 : i32
      %lt3A_157 = arith.cmpi slt, %add3A_156, %select_n3A : i32
      %convert_element_type3A_158 = arith.extui %lt3A_157 : i1 to i32
      %cond3A_159 = arith.constant 0 : i32
      %cond3A_160 = arith.cmpi ne, %convert_element_type3A_158, %cond3A_159 : i32
      scf.if %cond3A_160 {
        %dma_wait3A = arith.constant 0 : i32
        %dma_wait3A_194 = arith.constant 0 : i32
        %dma_wait3A_195 = tpu.memref_slice %arg7[%dma_wait3A, %dma_wait3A_194] : memref<79x128xi32, #tpu.memory_space<vmem>> -> memref<1x128xi32, #tpu.memory_space<vmem>>
        %dma_wait3A_196 = tpu.memref_squeeze %dma_wait3A_195 : memref<1x128xi32, #tpu.memory_space<vmem>> -> memref<128xi32, #tpu.memory_space<vmem>>
        %dma_wait3A_197 = arith.constant 0 : i32
        %dma_wait3A_198 = tpu.memref_slice %arg14[%dma_wait3A_197] : memref<10240xf32, #tpu.memory_space<vmem_shared>> -> memref<10240xf32, #tpu.memory_space<vmem_shared>>
        tpu.wait_indirect_dma semaphore(%arg15 : memref<!tpu.dma_semaphore, #tpu.memory_space<semaphore_mem>>) src(%arg8 : memref<128xf32, #tpu.memory_space<vmem>>) dst(%dma_wait3A_198 : memref<10240xf32, #tpu.memory_space<vmem_shared>>)
      } else {
      }
      %mul3A_161 = arith.constant 8 : i32
      %mul3A_162 = arith.muli %scan3A_63, %mul3A_161 : i32
      %add3A_163 = arith.constant 4 : i32
      %add3A_164 = arith.addi %mul3A_162, %add3A_163 : i32
      %lt3A_165 = arith.cmpi slt, %add3A_164, %select_n3A : i32
      %convert_element_type3A_166 = arith.extui %lt3A_165 : i1 to i32
      %cond3A_167 = arith.constant 0 : i32
      %cond3A_168 = arith.cmpi ne, %convert_element_type3A_166, %cond3A_167 : i32
      scf.if %cond3A_168 {
        %dma_wait3A = arith.constant 0 : i32
        %dma_wait3A_194 = arith.constant 0 : i32
        %dma_wait3A_195 = tpu.memref_slice %arg7[%dma_wait3A, %dma_wait3A_194] : memref<79x128xi32, #tpu.memory_space<vmem>> -> memref<1x128xi32, #tpu.memory_space<vmem>>
        %dma_wait3A_196 = tpu.memref_squeeze %dma_wait3A_195 : memref<1x128xi32, #tpu.memory_space<vmem>> -> memref<128xi32, #tpu.memory_space<vmem>>
        %dma_wait3A_197 = arith.constant 0 : i32
        %dma_wait3A_198 = tpu.memref_slice %arg14[%dma_wait3A_197] : memref<10240xf32, #tpu.memory_space<vmem_shared>> -> memref<10240xf32, #tpu.memory_space<vmem_shared>>
        tpu.wait_indirect_dma semaphore(%arg15 : memref<!tpu.dma_semaphore, #tpu.memory_space<semaphore_mem>>) src(%arg8 : memref<128xf32, #tpu.memory_space<vmem>>) dst(%dma_wait3A_198 : memref<10240xf32, #tpu.memory_space<vmem_shared>>)
      } else {
      }
      %mul3A_169 = arith.constant 8 : i32
      %mul3A_170 = arith.muli %scan3A_63, %mul3A_169 : i32
      %add3A_171 = arith.constant 5 : i32
      %add3A_172 = arith.addi %mul3A_170, %add3A_171 : i32
      %lt3A_173 = arith.cmpi slt, %add3A_172, %select_n3A : i32
      %convert_element_type3A_174 = arith.extui %lt3A_173 : i1 to i32
      %cond3A_175 = arith.constant 0 : i32
      %cond3A_176 = arith.cmpi ne, %convert_element_type3A_174, %cond3A_175 : i32
      scf.if %cond3A_176 {
        %dma_wait3A = arith.constant 0 : i32
        %dma_wait3A_194 = arith.constant 0 : i32
        %dma_wait3A_195 = tpu.memref_slice %arg7[%dma_wait3A, %dma_wait3A_194] : memref<79x128xi32, #tpu.memory_space<vmem>> -> memref<1x128xi32, #tpu.memory_space<vmem>>
        %dma_wait3A_196 = tpu.memref_squeeze %dma_wait3A_195 : memref<1x128xi32, #tpu.memory_space<vmem>> -> memref<128xi32, #tpu.memory_space<vmem>>
        %dma_wait3A_197 = arith.constant 0 : i32
        %dma_wait3A_198 = tpu.memref_slice %arg14[%dma_wait3A_197] : memref<10240xf32, #tpu.memory_space<vmem_shared>> -> memref<10240xf32, #tpu.memory_space<vmem_shared>>
        tpu.wait_indirect_dma semaphore(%arg15 : memref<!tpu.dma_semaphore, #tpu.memory_space<semaphore_mem>>) src(%arg8 : memref<128xf32, #tpu.memory_space<vmem>>) dst(%dma_wait3A_198 : memref<10240xf32, #tpu.memory_space<vmem_shared>>)
      } else {
      }
      %mul3A_177 = arith.constant 8 : i32
      %mul3A_178 = arith.muli %scan3A_63, %mul3A_177 : i32
      %add3A_179 = arith.constant 6 : i32
      %add3A_180 = arith.addi %mul3A_178, %add3A_179 : i32
      %lt3A_181 = arith.cmpi slt, %add3A_180, %select_n3A : i32
      %convert_element_type3A_182 = arith.extui %lt3A_181 : i1 to i32
      %cond3A_183 = arith.constant 0 : i32
      %cond3A_184 = arith.cmpi ne, %convert_element_type3A_182, %cond3A_183 : i32
      scf.if %cond3A_184 {
        %dma_wait3A = arith.constant 0 : i32
        %dma_wait3A_194 = arith.constant 0 : i32
        %dma_wait3A_195 = tpu.memref_slice %arg7[%dma_wait3A, %dma_wait3A_194] : memref<79x128xi32, #tpu.memory_space<vmem>> -> memref<1x128xi32, #tpu.memory_space<vmem>>
        %dma_wait3A_196 = tpu.memref_squeeze %dma_wait3A_195 : memref<1x128xi32, #tpu.memory_space<vmem>> -> memref<128xi32, #tpu.memory_space<vmem>>
        %dma_wait3A_197 = arith.constant 0 : i32
        %dma_wait3A_198 = tpu.memref_slice %arg14[%dma_wait3A_197] : memref<10240xf32, #tpu.memory_space<vmem_shared>> -> memref<10240xf32, #tpu.memory_space<vmem_shared>>
        tpu.wait_indirect_dma semaphore(%arg15 : memref<!tpu.dma_semaphore, #tpu.memory_space<semaphore_mem>>) src(%arg8 : memref<128xf32, #tpu.memory_space<vmem>>) dst(%dma_wait3A_198 : memref<10240xf32, #tpu.memory_space<vmem_shared>>)
      } else {
      }
      %mul3A_185 = arith.constant 8 : i32
      %mul3A_186 = arith.muli %scan3A_63, %mul3A_185 : i32
      %add3A_187 = arith.constant 7 : i32
      %add3A_188 = arith.addi %mul3A_186, %add3A_187 : i32
      %lt3A_189 = arith.cmpi slt, %add3A_188, %select_n3A : i32
      %convert_element_type3A_190 = arith.extui %lt3A_189 : i1 to i32
      %cond3A_191 = arith.constant 0 : i32
      %cond3A_192 = arith.cmpi ne, %convert_element_type3A_190, %cond3A_191 : i32
      scf.if %cond3A_192 {
        %dma_wait3A = arith.constant 0 : i32
        %dma_wait3A_194 = arith.constant 0 : i32
        %dma_wait3A_195 = tpu.memref_slice %arg7[%dma_wait3A, %dma_wait3A_194] : memref<79x128xi32, #tpu.memory_space<vmem>> -> memref<1x128xi32, #tpu.memory_space<vmem>>
        %dma_wait3A_196 = tpu.memref_squeeze %dma_wait3A_195 : memref<1x128xi32, #tpu.memory_space<vmem>> -> memref<128xi32, #tpu.memory_space<vmem>>
        %dma_wait3A_197 = arith.constant 0 : i32
        %dma_wait3A_198 = tpu.memref_slice %arg14[%dma_wait3A_197] : memref<10240xf32, #tpu.memory_space<vmem_shared>> -> memref<10240xf32, #tpu.memory_space<vmem_shared>>
        tpu.wait_indirect_dma semaphore(%arg15 : memref<!tpu.dma_semaphore, #tpu.memory_space<semaphore_mem>>) src(%arg8 : memref<128xf32, #tpu.memory_space<vmem>>) dst(%dma_wait3A_198 : memref<10240xf32, #tpu.memory_space<vmem_shared>>)
      } else {
      }
      %scan3A_193 = arith.constant 0 : i32
      scf.yield %scan3A_193 : i32
    }
    %scan3A_52 = arith.constant 10 : i32
    %lt3A_53 = arith.constant 2 : i32
    %lt3A_54 = arith.cmpi slt, %add3A, %lt3A_53 : i32
    %convert_element_type3A_55 = arith.extui %lt3A_54 : i1 to i32
    %cond3A_56 = arith.constant 0 : i32
    %cond3A_57 = arith.cmpi ne, %convert_element_type3A_55, %cond3A_56 : i32
    scf.if %cond3A_57 {
      %scan3A_63 = arith.constant 0 : i32
      %scan3A_64 = arith.constant 0 : i32
      %scan3A_65 = arith.constant 313 : i32
      %scan3A_66 = arith.addi %scan3A_64, %scan3A_65 : i32
      %scan3A_67 = arith.constant 1 : i32
      %scan3A_68 = scf.for %scan3A_85 = %scan3A_64 to %scan3A_66 step %scan3A_67 iter_args(%scan3A_86 = %scan3A_63) -> (i32)  : i32 {
        %broadcast_in_dim3A_87 = arith.constant 0 : i32
        %broadcast_in_dim3A_88 = vector.broadcast %broadcast_in_dim3A_87 : i32 to vector<16xi32>
        %mul3A_89 = arith.constant 16 : i32
        %mul3A_90 = arith.muli %scan3A_85, %mul3A_89 : i32
        %swap3A_91 = arith.index_cast %mul3A_90 : i32 to index
        %swap3A_92 = tpu.vector_load %arg11[%swap3A_91] {strides = array<i32>} : memref<5008xi32, #tpu.memory_space<vmem>>, vector<16xi32>,
        tpu.vector_store %arg11[%swap3A_91], %broadcast_in_dim3A_88 {strides = array<i32>} : memref<5008xi32, #tpu.memory_space<vmem>>, vector<16xi32>,
        %broadcast_in_dim3A_93 = arith.constant 0.000000e+00 : f32
        %broadcast_in_dim3A_94 = vector.broadcast %broadcast_in_dim3A_93 : f32 to vector<16xf32>
        %mul3A_95 = arith.constant 16 : i32
        %mul3A_96 = arith.muli %scan3A_85, %mul3A_95 : i32
        %swap3A_97 = arith.index_cast %mul3A_96 : i32 to index
        %swap3A_98 = tpu.vector_load %arg10[%swap3A_97] {strides = array<i32>} : memref<5008xf32, #tpu.memory_space<vmem>>, vector<16xf32>,
        tpu.vector_store %arg10[%swap3A_97], %broadcast_in_dim3A_94 {strides = array<i32>} : memref<5008xf32, #tpu.memory_space<vmem>>, vector<16xf32>,
        %scan3A_99 = arith.constant 0 : i32
        scf.yield %scan3A_99 : i32
      }
      %scan3A_69 = arith.constant 313 : i32
      "tpu.region"() ({
        %run_scoped3A = tpu.sem_alloc : memref<!tpu.dma_semaphore, #tpu.memory_space<semaphore_mem>>
        %dma_start3A = arith.constant 0 : i32
        %dma_start3A_85 = tpu.memref_slice %arg10[%dma_start3A] : memref<5008xf32, #tpu.memory_space<vmem>> -> memref<5000xf32, #tpu.memory_space<vmem>>
        %dma_start3A_86 = arith.constant 0 : i32
        %dma_start3A_87 = tpu.memref_slice %arg3[%add3A, %dma_start3A_86] : memref<2x5000xf32, #tpu.memory_space<hbm>> -> memref<1x5000xf32, #tpu.memory_space<hbm>>
        %dma_start3A_88 = tpu.memref_squeeze %dma_start3A_87 : memref<1x5000xf32, #tpu.memory_space<hbm>> -> memref<5000xf32, #tpu.memory_space<hbm>>
        %dma_start3A_89 = arith.constant 0 : i32
        %dma_start3A_90 = tpu.memref_slice %arg10[%dma_start3A_89] : memref<5008xf32, #tpu.memory_space<vmem>> -> memref<5000xf32, #tpu.memory_space<vmem>>
        %dma_start3A_91 = arith.constant 0 : i32
        %dma_start3A_92 = tpu.memref_slice %arg3[%add3A, %dma_start3A_91] : memref<2x5000xf32, #tpu.memory_space<hbm>> -> memref<1x5000xf32, #tpu.memory_space<hbm>>
        %dma_start3A_93 = tpu.memref_squeeze %dma_start3A_92 : memref<1x5000xf32, #tpu.memory_space<hbm>> -> memref<5000xf32, #tpu.memory_space<hbm>>
        tpu.enqueue_dma source(%dma_start3A_93 : memref<5000xf32, #tpu.memory_space<hbm>>) target(%dma_start3A_90 : memref<5000xf32, #tpu.memory_space<vmem>>) target_semaphore(%run_scoped3A : memref<!tpu.dma_semaphore, #tpu.memory_space<semaphore_mem>>)
        %dma_wait3A = arith.constant 0 : i32
        %dma_wait3A_94 = tpu.memref_slice %arg10[%dma_wait3A] : memref<5008xf32, #tpu.memory_space<vmem>> -> memref<5000xf32, #tpu.memory_space<vmem>>
        %dma_wait3A_95 = arith.constant 0 : i32
        %dma_wait3A_96 = tpu.memref_slice %arg3[%add3A, %dma_wait3A_95] : memref<2x5000xf32, #tpu.memory_space<hbm>> -> memref<1x5000xf32, #tpu.memory_space<hbm>>
        %dma_wait3A_97 = tpu.memref_squeeze %dma_wait3A_96 : memref<1x5000xf32, #tpu.memory_space<hbm>> -> memref<5000xf32, #tpu.memory_space<hbm>>
        %dma_wait3A_98 = arith.constant 0 : i32
        %dma_wait3A_99 = tpu.memref_slice %arg10[%dma_wait3A_98] : memref<5008xf32, #tpu.memory_space<vmem>> -> memref<5000xf32, #tpu.memory_space<vmem>>
        %dma_wait3A_100 = arith.constant 0 : i32
        %dma_wait3A_101 = tpu.memref_slice %arg3[%add3A, %dma_wait3A_100] : memref<2x5000xf32, #tpu.memory_space<hbm>> -> memref<1x5000xf32, #tpu.memory_space<hbm>>
        %dma_wait3A_102 = tpu.memref_squeeze %dma_wait3A_101 : memref<1x5000xf32, #tpu.memory_space<hbm>> -> memref<5000xf32, #tpu.memory_space<hbm>>
        tpu.wait_dma2 semaphore(%run_scoped3A : memref<!tpu.dma_semaphore, #tpu.memory_space<semaphore_mem>>) src(%dma_wait3A_102 : memref<5000xf32, #tpu.memory_space<hbm>>) dst(%dma_wait3A_99 : memref<5000xf32, #tpu.memory_space<vmem>>)
        tpu.yield
      }) : () -> ()
      "tpu.region"() ({
        %run_scoped3A = tpu.sem_alloc : memref<!tpu.dma_semaphore, #tpu.memory_space<semaphore_mem>>
        %dma_start3A = arith.constant 0 : i32
        %dma_start3A_85 = tpu.memref_slice %arg4[%add3A, %dma_start3A] : memref<2x32xi32, #tpu.memory_space<hbm>> -> memref<1x32xi32, #tpu.memory_space<hbm>>
        %dma_start3A_86 = tpu.memref_squeeze %dma_start3A_85 : memref<1x32xi32, #tpu.memory_space<hbm>> -> memref<32xi32, #tpu.memory_space<hbm>>
        %dma_start3A_87 = arith.constant 0 : i32
        %dma_start3A_88 = tpu.memref_slice %arg4[%add3A, %dma_start3A_87] : memref<2x32xi32, #tpu.memory_space<hbm>> -> memref<1x32xi32, #tpu.memory_space<hbm>>
        %dma_start3A_89 = tpu.memref_squeeze %dma_start3A_88 : memref<1x32xi32, #tpu.memory_space<hbm>> -> memref<32xi32, #tpu.memory_space<hbm>>
        tpu.enqueue_dma source(%dma_start3A_89 : memref<32xi32, #tpu.memory_space<hbm>>) target(%arg12 : memref<32xi32, #tpu.memory_space<vmem>>) target_semaphore(%run_scoped3A : memref<!tpu.dma_semaphore, #tpu.memory_space<semaphore_mem>>)
        %dma_wait3A = arith.constant 0 : i32
        %dma_wait3A_90 = tpu.memref_slice %arg4[%add3A, %dma_wait3A] : memref<2x32xi32, #tpu.memory_space<hbm>> -> memref<1x32xi32, #tpu.memory_space<hbm>>
        %dma_wait3A_91 = tpu.memref_squeeze %dma_wait3A_90 : memref<1x32xi32, #tpu.memory_space<hbm>> -> memref<32xi32, #tpu.memory_space<hbm>>
        %dma_wait3A_92 = arith.constant 0 : i32
        %dma_wait3A_93 = tpu.memref_slice %arg4[%add3A, %dma_wait3A_92] : memref<2x32xi32, #tpu.memory_space<hbm>> -> memref<1x32xi32, #tpu.memory_space<hbm>>
        %dma_wait3A_94 = tpu.memref_squeeze %dma_wait3A_93 : memref<1x32xi32, #tpu.memory_space<hbm>> -> memref<32xi32, #tpu.memory_space<hbm>>
        tpu.wait_dma2 semaphore(%run_scoped3A : memref<!tpu.dma_semaphore, #tpu.memory_space<semaphore_mem>>) src(%dma_wait3A_94 : memref<32xi32, #tpu.memory_space<hbm>>) dst(%arg12 : memref<32xi32, #tpu.memory_space<vmem>>)
        tpu.yield
      }) : () -> ()
      %scan3A_70 = arith.constant 0 : i32
      %scan3A_71 = arith.constant 0 : i32
      %scan3A_72 = arith.constant 313 : i32
      %scan3A_73 = arith.addi %scan3A_71, %scan3A_72 : i32
      %scan3A_74 = arith.constant 1 : i32
      %scan3A_75 = scf.for %scan3A_85 = %scan3A_71 to %scan3A_73 step %scan3A_74 iter_args(%scan3A_86 = %scan3A_70) -> (i32)  : i32 {
        %mul3A_87 = arith.constant 16 : i32
        %mul3A_88 = arith.muli %scan3A_85, %mul3A_87 : i32
        %get3A_89 = arith.index_cast %mul3A_88 : i32 to index
        %get3A_90 = tpu.vector_load %arg10[%get3A_89] {strides = array<i32>} : memref<5008xf32, #tpu.memory_space<vmem>>, vector<16xf32>,
        %ne3A = arith.constant 0.000000e+00 : f32
        %ne3A_91 = vector.broadcast %ne3A : f32 to vector<16xf32>
        %ne3A_92 = arith.cmpf one, %get3A_90, %ne3A_91 : vector<16xf32>
        %jit3A_93 = arith.constant 1 : i32
        %jit3A_94 = arith.constant 0 : i32
        %broadcast_in_dim3A_95 = vector.broadcast %jit3A_93 : i32 to vector<16xi32>
        %broadcast_in_dim3A_96 = vector.broadcast %jit3A_94 : i32 to vector<16xi32>
        %select_n3A_97 = arith.select %ne3A_92, %broadcast_in_dim3A_95, %broadcast_in_dim3A_96 : vector<16xi1>, vector<16xi32>
        %broadcast_in_dim3A_98 = arith.constant true
        %broadcast_in_dim3A_99 = vector.broadcast %broadcast_in_dim3A_98 : i1 to vector<16xi1>
        %masked_cumsum3A = tpu.scan <sum>, %select_n3A_97 masked %broadcast_in_dim3A_99 : vector<16xi32>, vector<16xi1> -> vector<16xi32>
        %add3A_100 = vector.broadcast %scan3A_86 : i32 to vector<16xi32>
        %add3A_101 = arith.addi %masked_cumsum3A, %add3A_100 : vector<16xi32>
        %sub3A = arith.constant 1 : i32
        %sub3A_102 = vector.broadcast %sub3A : i32 to vector<16xi32>
        %sub3A_103 = arith.subi %add3A_101, %sub3A_102 : vector<16xi32>
        %max3A = arith.constant 0 : i32
        %max3A_104 = vector.broadcast %max3A : i32 to vector<16xi32>
        %max3A_105 = arith.maxsi %sub3A_103, %max3A_104 : vector<16xi32>
        %iota3A = tpu.iota {dimensions = array<i32: 0>} : vector<16xi32>
        %mul3A_106 = arith.constant 16 : i32
        %mul3A_107 = arith.muli %scan3A_85, %mul3A_106 : i32
        %add3A_108 = vector.broadcast %mul3A_107 : i32 to vector<16xi32>
        %add3A_109 = arith.addi %iota3A, %add3A_108 : vector<16xi32>
        tpu.vector_store_idx %arg11[%max3A_105], %add3A_109 masked %ne3A_92 : memref<5008xi32, #tpu.memory_space<vmem>>[vector<16xi32>], vector<16xi32>, vector<16xi1>
        %reduce_max3A = arith.constant true
        %reduce_max3A_110 = vector.broadcast %reduce_max3A : i1 to vector<16xi1>
        %reduce_max3A_111 = arith.constant -2147483648 : i32
        %reduce_max3A_112 = vector.broadcast %reduce_max3A_111 : i32 to vector<16xi32>
        %reduce_max3A_113 = arith.xori %add3A_101, %reduce_max3A_112 : vector<16xi32>
        %reduce_max3A_114 = tpu.scan <max>, %reduce_max3A_113 masked %reduce_max3A_110 : vector<16xi32>, vector<16xi1> -> vector<16xi32>
        %reduce_max3A_115 = arith.xori %reduce_max3A_114, %reduce_max3A_112 : vector<16xi32>
        %reduce_max3A_116 = vector.extract %reduce_max3A_115[15] : i32 from vector<16xi32>
        scf.yield %reduce_max3A_116 : i32
      }
      %scan3A_76 = arith.constant 313 : i32
      %get3A = arith.constant 0 : index
      %get3A_77 = tpu.vector_load %arg12[%get3A] {strides = array<i32>} : memref<32xi32, #tpu.memory_space<vmem>>, vector<16xi32>,
      %gather3A = tpu.vector_load_idx %arg11[%get3A_77] : memref<5008xi32, #tpu.memory_space<vmem>>[vector<16xi32>], vector<16xi32>,
      %swap3A_78 = arith.constant 0 : index
      %swap3A_79 = tpu.vector_load %arg13[%swap3A_78] {strides = array<i32>} : memref<32xi32, #tpu.memory_space<vmem>>, vector<16xi32>,
      tpu.vector_store %arg13[%swap3A_78], %gather3A {strides = array<i32>} : memref<32xi32, #tpu.memory_space<vmem>>, vector<16xi32>,
      %get3A_80 = arith.constant 16 : index
      %get3A_81 = tpu.vector_load %arg12[%get3A_80] {strides = array<i32>} : memref<32xi32, #tpu.memory_space<vmem>>, vector<16xi32>,
      %gather3A_82 = tpu.vector_load_idx %arg11[%get3A_81] : memref<5008xi32, #tpu.memory_space<vmem>>[vector<16xi32>], vector<16xi32>,
      %swap3A_83 = arith.constant 16 : index
      %swap3A_84 = tpu.vector_load %arg13[%swap3A_83] {strides = array<i32>} : memref<32xi32, #tpu.memory_space<vmem>>, vector<16xi32>,
      tpu.vector_store %arg13[%swap3A_83], %gather3A_82 {strides = array<i32>} : memref<32xi32, #tpu.memory_space<vmem>>, vector<16xi32>,
      "tpu.region"() ({
        %run_scoped3A = tpu.sem_alloc : memref<!tpu.dma_semaphore, #tpu.memory_space<semaphore_mem>>
        %dma_start3A = arith.constant 0 : i32
        %dma_start3A_85 = tpu.memref_slice %arg6[%add3A, %dma_start3A] : memref<2x32xi32, #tpu.memory_space<hbm>> -> memref<1x32xi32, #tpu.memory_space<hbm>>
        %dma_start3A_86 = tpu.memref_squeeze %dma_start3A_85 : memref<1x32xi32, #tpu.memory_space<hbm>> -> memref<32xi32, #tpu.memory_space<hbm>>
        %dma_start3A_87 = arith.constant 0 : i32
        %dma_start3A_88 = tpu.memref_slice %arg6[%add3A, %dma_start3A_87] : memref<2x32xi32, #tpu.memory_space<hbm>> -> memref<1x32xi32, #tpu.memory_space<hbm>>
        %dma_start3A_89 = tpu.memref_squeeze %dma_start3A_88 : memref<1x32xi32, #tpu.memory_space<hbm>> -> memref<32xi32, #tpu.memory_space<hbm>>
        tpu.enqueue_dma source(%arg13 : memref<32xi32, #tpu.memory_space<vmem>>) target(%dma_start3A_89 : memref<32xi32, #tpu.memory_space<hbm>>) target_semaphore(%run_scoped3A : memref<!tpu.dma_semaphore, #tpu.memory_space<semaphore_mem>>)
        %dma_wait3A = arith.constant 0 : i32
        %dma_wait3A_90 = tpu.memref_slice %arg6[%add3A, %dma_wait3A] : memref<2x32xi32, #tpu.memory_space<hbm>> -> memref<1x32xi32, #tpu.memory_space<hbm>>
        %dma_wait3A_91 = tpu.memref_squeeze %dma_wait3A_90 : memref<1x32xi32, #tpu.memory_space<hbm>> -> memref<32xi32, #tpu.memory_space<hbm>>
        %dma_wait3A_92 = arith.constant 0 : i32
        %dma_wait3A_93 = tpu.memref_slice %arg6[%add3A, %dma_wait3A_92] : memref<2x32xi32, #tpu.memory_space<hbm>> -> memref<1x32xi32, #tpu.memory_space<hbm>>
        %dma_wait3A_94 = tpu.memref_squeeze %dma_wait3A_93 : memref<1x32xi32, #tpu.memory_space<hbm>> -> memref<32xi32, #tpu.memory_space<hbm>>
        tpu.wait_dma2 semaphore(%run_scoped3A : memref<!tpu.dma_semaphore, #tpu.memory_space<semaphore_mem>>) src(%arg13 : memref<32xi32, #tpu.memory_space<vmem>>) dst(%dma_wait3A_94 : memref<32xi32, #tpu.memory_space<hbm>>)
        tpu.yield
      }) : () -> ()
    } else {
    }
    %barrier3A_58 = arith.constant 0 : index
    tpu.barrier barrier_id(%barrier3A_58)
    %mul3A_59 = arith.constant 640 : i32
    %mul3A_60 = arith.muli %arg1, %mul3A_59 : i32
    %mul3A_61 = arith.constant 640 : i32
    %mul3A_62 = arith.muli %arg1, %mul3A_61 : i32
    "tpu.region"() ({
      %run_scoped3A = tpu.sem_alloc : memref<!tpu.dma_semaphore, #tpu.memory_space<semaphore_mem>>
      %dma_start3A = tpu.memref_slice %arg5[%arg0, %mul3A_62] : memref<2x10240xf32, #tpu.memory_space<hbm>> -> memref<1x640xf32, #tpu.memory_space<hbm>>
      %dma_start3A_63 = tpu.memref_squeeze %dma_start3A : memref<1x640xf32, #tpu.memory_space<hbm>> -> memref<640xf32, #tpu.memory_space<hbm>>
      %dma_start3A_64 = tpu.memref_slice %arg14[%mul3A_60] : memref<10240xf32, #tpu.memory_space<vmem_shared>> -> memref<640xf32, #tpu.memory_space<vmem_shared>>
      tpu.enqueue_dma source(%dma_start3A_64 : memref<640xf32, #tpu.memory_space<vmem_shared>>) target(%dma_start3A_63 : memref<640xf32, #tpu.memory_space<hbm>>) target_semaphore(%run_scoped3A : memref<!tpu.dma_semaphore, #tpu.memory_space<semaphore_mem>>)
      %dma_wait3A = tpu.memref_slice %arg5[%arg0, %mul3A_62] : memref<2x10240xf32, #tpu.memory_space<hbm>> -> memref<1x640xf32, #tpu.memory_space<hbm>>
      %dma_wait3A_65 = tpu.memref_squeeze %dma_wait3A : memref<1x640xf32, #tpu.memory_space<hbm>> -> memref<640xf32, #tpu.memory_space<hbm>>
      %dma_wait3A_66 = tpu.memref_slice %arg14[%mul3A_60] : memref<10240xf32, #tpu.memory_space<vmem_shared>> -> memref<640xf32, #tpu.memory_space<vmem_shared>>
      tpu.wait_dma2 semaphore(%run_scoped3A : memref<!tpu.dma_semaphore, #tpu.memory_space<semaphore_mem>>) src(%dma_wait3A_66 : memref<640xf32, #tpu.memory_space<vmem_shared>>) dst(%dma_wait3A_65 : memref<640xf32, #tpu.memory_space<hbm>>)
      tpu.yield
    }) : () -> ()
    return
  }
}

module attributes {stable_mosaic.version = 14 : i64} {
  func.func @_tc_g1_body(%arg0: i32, %arg1: memref<1000x128xf32, #tpu.memory_space<vmem>>, %arg2: memref<128x64xf32, #tpu.memory_space<vmem>>, %arg3: memref<1000x2xf32, #tpu.memory_space<vmem>>, %arg4: memref<1000x64xf32, #tpu.memory_space<vmem>>) attributes {dimension_semantics = [#tpu.dimension_semantics<arbitrary>], iteration_bounds = array<i64: 10>, scalar_prefetch = 0 : i64, scratch_operands = 0 : i64, tpu.core_type = #tpu.core_type<tc>, window_params = [{transform_indices = @transform_0, window_bounds = array<i64: 1000, 128>}, {pipeline_mode = #tpu.pipeline_mode<synchronous>, transform_indices = @transform_1, window_bounds = array<i64: 128, 64>}, {transform_indices = @transform_2, window_bounds = array<i64: 1000, 2>}, {transform_indices = @transform_3, window_bounds = array<i64: 1000, 64>}]} {
    %get3A = arith.constant 0 : index
    %get3A_0 = arith.constant 0 : index
    %get3A_1 = vector.load %arg3[%get3A, %get3A_0] : memref<1000x2xf32, #tpu.memory_space<vmem>>, vector<1000x1xf32>
    %get3A_2 = vector.shape_cast %get3A_1 : vector<1000x1xf32> to vector<1000xf32>
    %get3A_3 = arith.constant 0 : index
    %get3A_4 = arith.constant 1 : index
    %get3A_5 = vector.load %arg3[%get3A_3, %get3A_4] : memref<1000x2xf32, #tpu.memory_space<vmem>>, vector<1000x1xf32>
    %get3A_6 = vector.shape_cast %get3A_5 : vector<1000x1xf32> to vector<1000xf32>
    %add3A = arith.addf %get3A_2, %get3A_6 : vector<1000xf32>
    %add3A_7 = arith.constant 1.000000e+00 : f32
    %add3A_8 = vector.broadcast %add3A_7 : f32 to vector<1000xf32>
    %add3A_9 = arith.addf %add3A, %add3A_8 : vector<1000xf32>
    %rsqrt3A = math.rsqrt %add3A_9 : vector<1000xf32>
    %get3A_10 = arith.constant 0 : index
    %get3A_11 = arith.constant 0 : index
    %get3A_12 = vector.load %arg1[%get3A_10, %get3A_11] : memref<1000x128xf32, #tpu.memory_space<vmem>>, vector<1000x128xf32>
    %get3A_13 = arith.constant 0 : index
    %get3A_14 = arith.constant 0 : index
    %get3A_15 = vector.load %arg2[%get3A_13, %get3A_14] : memref<128x64xf32, #tpu.memory_space<vmem>>, vector<128x64xf32>
    %dot_general3A = arith.constant dense<0.000000e+00> : vector<1000x64xf32>
    %dot_general3A_16 = tpu.matmul %get3A_12, %get3A_15, %dot_general3A {dimension_numbers = #tpu.dot_dimension_numbers<[1], [0], [0], [1], [0, 0, 1, 1], [], []>, transpose_lhs_hint = false} : vector<1000x128xf32>, vector<128x64xf32>, vector<1000x64xf32> -> vector<1000x64xf32>
    %broadcast_in_dim3A = vector.shape_cast %rsqrt3A : vector<1000xf32> to vector<1000x1xf32>
    %mul3A = vector.broadcast %broadcast_in_dim3A : vector<1000x1xf32> to vector<1000x64xf32>
    %mul3A_17 = arith.mulf %mul3A, %dot_general3A_16 : vector<1000x64xf32>
    %swap3A = arith.constant 0 : index
    %swap3A_18 = arith.constant 0 : index
    %swap3A_19 = vector.load %arg4[%swap3A, %swap3A_18] : memref<1000x64xf32, #tpu.memory_space<vmem>>, vector<1000x64xf32>
    tpu.vector_store %arg4[%swap3A, %swap3A_18], %mul3A_17 {strides = array<i32>} : memref<1000x64xf32, #tpu.memory_space<vmem>>, vector<1000x64xf32>,
    return
  }
  func.func @transform_0(%arg0: i32) -> (i32, i32) {
    %c0_i32 = arith.constant 0 : i32
    %c0_i32_0 = arith.constant 0 : i32
    return %arg0, %c0_i32 : i32, i32
  }
  func.func @transform_1(%arg0: i32) -> (i32, i32) {
    %c0_i32 = arith.constant 0 : i32
    %c0_i32_0 = arith.constant 0 : i32
    %c0_i32_1 = arith.constant 0 : i32
    return %c0_i32, %c0_i32_0 : i32, i32
  }
  func.func @transform_2(%arg0: i32) -> (i32, i32) {
    %c0_i32 = arith.constant 0 : i32
    %c0_i32_0 = arith.constant 0 : i32
    return %arg0, %c0_i32 : i32, i32
  }
  func.func @transform_3(%arg0: i32) -> (i32, i32) {
    %c0_i32 = arith.constant 0 : i32
    %c0_i32_0 = arith.constant 0 : i32
    return %arg0, %c0_i32 : i32, i32
  }
}

module attributes {stable_mosaic.version = 14 : i64} {
  func.func @_tc_g2_body(%arg0: i32, %arg1: memref<2x1000x64xf32, #tpu.memory_space<vmem>>, %arg2: memref<1000x64xf32, #tpu.memory_space<vmem>>, %arg3: memref<1000x2xf32, #tpu.memory_space<vmem>>, %arg4: memref<1x64xf32, #tpu.memory_space<vmem>>, %arg5: memref<64x64xf32, #tpu.memory_space<vmem>>, %arg6: memref<1000x64xf32, #tpu.memory_space<vmem>>) attributes {dimension_semantics = [#tpu.dimension_semantics<arbitrary>], iteration_bounds = array<i64: 10>, scalar_prefetch = 0 : i64, scratch_operands = 0 : i64, tpu.core_type = #tpu.core_type<tc>, window_params = [{transform_indices = @transform_0, window_bounds = array<i64: 2, 1000, 64>}, {transform_indices = @transform_1, window_bounds = array<i64: 1000, 64>}, {transform_indices = @transform_2, window_bounds = array<i64: 1000, 2>}, {pipeline_mode = #tpu.pipeline_mode<synchronous>, transform_indices = @transform_3, window_bounds = array<i64: 1, 64>}, {pipeline_mode = #tpu.pipeline_mode<synchronous>, transform_indices = @transform_4, window_bounds = array<i64: 64, 64>}, {transform_indices = @transform_5, window_bounds = array<i64: 1000, 64>}]} {
    %get3A = arith.constant 0 : index
    %get3A_0 = arith.constant 0 : index
    %get3A_1 = vector.load %arg3[%get3A, %get3A_0] : memref<1000x2xf32, #tpu.memory_space<vmem>>, vector<1000x1xf32>
    %get3A_2 = vector.shape_cast %get3A_1 : vector<1000x1xf32> to vector<1000xf32>
    %get3A_3 = arith.constant 0 : index
    %get3A_4 = arith.constant 1 : index
    %get3A_5 = vector.load %arg3[%get3A_3, %get3A_4] : memref<1000x2xf32, #tpu.memory_space<vmem>>, vector<1000x1xf32>
    %get3A_6 = vector.shape_cast %get3A_5 : vector<1000x1xf32> to vector<1000xf32>
    %add3A = arith.addf %get3A_2, %get3A_6 : vector<1000xf32>
    %add3A_7 = arith.constant 1.000000e+00 : f32
    %add3A_8 = vector.broadcast %add3A_7 : f32 to vector<1000xf32>
    %add3A_9 = arith.addf %add3A, %add3A_8 : vector<1000xf32>
    %rsqrt3A = math.rsqrt %add3A_9 : vector<1000xf32>
    %broadcast_in_dim3A = vector.shape_cast %rsqrt3A : vector<1000xf32> to vector<1000x1xf32>
    %get3A_10 = arith.constant 0 : index
    %get3A_11 = arith.constant 0 : index
    %get3A_12 = arith.constant 0 : index
    %get3A_13 = vector.load %arg1[%get3A_10, %get3A_11, %get3A_12] : memref<2x1000x64xf32, #tpu.memory_space<vmem>>, vector<1x1000x64xf32>
    %get3A_14 = vector.shape_cast %get3A_13 : vector<1x1000x64xf32> to vector<1000x64xf32>
    %get3A_15 = arith.constant 1 : index
    %get3A_16 = arith.constant 0 : index
    %get3A_17 = arith.constant 0 : index
    %get3A_18 = vector.load %arg1[%get3A_15, %get3A_16, %get3A_17] : memref<2x1000x64xf32, #tpu.memory_space<vmem>>, vector<1x1000x64xf32>
    %get3A_19 = vector.shape_cast %get3A_18 : vector<1x1000x64xf32> to vector<1000x64xf32>
    %add3A_20 = arith.addf %get3A_14, %get3A_19 : vector<1000x64xf32>
    %get3A_21 = arith.constant 0 : index
    %get3A_22 = arith.constant 0 : index
    %get3A_23 = vector.load %arg2[%get3A_21, %get3A_22] : memref<1000x64xf32, #tpu.memory_space<vmem>>, vector<1000x64xf32>
    %add3A_24 = arith.addf %add3A_20, %get3A_23 : vector<1000x64xf32>
    %mul3A = vector.broadcast %broadcast_in_dim3A : vector<1000x1xf32> to vector<1000x64xf32>
    %mul3A_25 = arith.mulf %mul3A, %add3A_24 : vector<1000x64xf32>
    %get3A_26 = arith.constant 0 : index
    %get3A_27 = arith.constant 0 : index
    %get3A_28 = vector.load %arg4[%get3A_26, %get3A_27] : memref<1x64xf32, #tpu.memory_space<vmem>>, vector<1x64xf32>
    %add3A_29 = vector.broadcast %get3A_28 : vector<1x64xf32> to vector<1000x64xf32>
    %add3A_30 = arith.addf %mul3A_25, %add3A_29 : vector<1000x64xf32>
    %gt3A = arith.constant 0.000000e+00 : f32
    %gt3A_31 = vector.broadcast %gt3A : f32 to vector<1000x64xf32>
    %gt3A_32 = arith.cmpf ogt, %add3A_30, %gt3A_31 : vector<1000x64xf32>
    %exp3A = math.exp %add3A_30 : vector<1000x64xf32>
    %sub3A = arith.constant 1.000000e+00 : f32
    %sub3A_33 = vector.broadcast %sub3A : f32 to vector<1000x64xf32>
    %sub3A_34 = arith.subf %exp3A, %sub3A_33 : vector<1000x64xf32>
    %mul3A_35 = arith.constant 1.67326319 : f32
    %mul3A_36 = vector.broadcast %mul3A_35 : f32 to vector<1000x64xf32>
    %mul3A_37 = arith.mulf %mul3A_36, %sub3A_34 : vector<1000x64xf32>
    %select_n3A = arith.select %gt3A_32, %add3A_30, %mul3A_37 : vector<1000x64xi1>, vector<1000x64xf32>
    %mul3A_38 = arith.constant 1.05070102 : f32
    %mul3A_39 = vector.broadcast %mul3A_38 : f32 to vector<1000x64xf32>
    %mul3A_40 = arith.mulf %mul3A_39, %select_n3A : vector<1000x64xf32>
    %get3A_41 = arith.constant 0 : index
    %get3A_42 = arith.constant 0 : index
    %get3A_43 = vector.load %arg5[%get3A_41, %get3A_42] : memref<64x64xf32, #tpu.memory_space<vmem>>, vector<64x64xf32>
    %dot_general3A = arith.constant dense<0.000000e+00> : vector<1000x64xf32>
    %dot_general3A_44 = tpu.matmul %mul3A_40, %get3A_43, %dot_general3A {dimension_numbers = #tpu.dot_dimension_numbers<[1], [0], [0], [1], [0, 0, 1, 1], [], []>, transpose_lhs_hint = false} : vector<1000x64xf32>, vector<64x64xf32>, vector<1000x64xf32> -> vector<1000x64xf32>
    %broadcast_in_dim3A_45 = vector.shape_cast %rsqrt3A : vector<1000xf32> to vector<1000x1xf32>
    %mul3A_46 = vector.broadcast %broadcast_in_dim3A_45 : vector<1000x1xf32> to vector<1000x64xf32>
    %mul3A_47 = arith.mulf %mul3A_46, %dot_general3A_44 : vector<1000x64xf32>
    %swap3A = arith.constant 0 : index
    %swap3A_48 = arith.constant 0 : index
    %swap3A_49 = vector.load %arg6[%swap3A, %swap3A_48] : memref<1000x64xf32, #tpu.memory_space<vmem>>, vector<1000x64xf32>
    tpu.vector_store %arg6[%swap3A, %swap3A_48], %mul3A_47 {strides = array<i32>} : memref<1000x64xf32, #tpu.memory_space<vmem>>, vector<1000x64xf32>,
    return
  }
  func.func @transform_0(%arg0: i32) -> (i32, i32, i32) {
    %c0_i32 = arith.constant 0 : i32
    %c0_i32_0 = arith.constant 0 : i32
    %c0_i32_1 = arith.constant 0 : i32
    return %c0_i32, %arg0, %c0_i32_0 : i32, i32, i32
  }
  func.func @transform_1(%arg0: i32) -> (i32, i32) {
    %c0_i32 = arith.constant 0 : i32
    %c0_i32_0 = arith.constant 0 : i32
    return %arg0, %c0_i32 : i32, i32
  }
  func.func @transform_2(%arg0: i32) -> (i32, i32) {
    %c0_i32 = arith.constant 0 : i32
    %c0_i32_0 = arith.constant 0 : i32
    return %arg0, %c0_i32 : i32, i32
  }
  func.func @transform_3(%arg0: i32) -> (i32, i32) {
    %c0_i32 = arith.constant 0 : i32
    %c0_i32_0 = arith.constant 0 : i32
    %c0_i32_1 = arith.constant 0 : i32
    return %c0_i32, %c0_i32_0 : i32, i32
  }
  func.func @transform_4(%arg0: i32) -> (i32, i32) {
    %c0_i32 = arith.constant 0 : i32
    %c0_i32_0 = arith.constant 0 : i32
    %c0_i32_1 = arith.constant 0 : i32
    return %c0_i32, %c0_i32_0 : i32, i32
  }
  func.func @transform_5(%arg0: i32) -> (i32, i32) {
    %c0_i32 = arith.constant 0 : i32
    %c0_i32_0 = arith.constant 0 : i32
    return %arg0, %c0_i32 : i32, i32
  }
}

module attributes {stable_mosaic.version = 14 : i64} {
  func.func @_tc_final_body(%arg0: memref<2x10000x64xf32, #tpu.memory_space<vmem>>, %arg1: memref<10000x64xf32, #tpu.memory_space<vmem>>, %arg2: memref<10240x2xf32, #tpu.memory_space<vmem>>, %arg3: memref<1x64xf32, #tpu.memory_space<vmem>>, %arg4: memref<2x32xi32, #tpu.memory_space<vmem>>, %arg5: memref<64x64xf32, #tpu.memory_space<vmem>>, %arg6: memref<1x64xf32, #tpu.memory_space<vmem>>, %arg7: memref<64x64xf32, #tpu.memory_space<vmem>>, %arg8: memref<1x64xf32, #tpu.memory_space<vmem>>, %arg9: memref<64x64xf32, #tpu.memory_space<vmem>>, %arg10: memref<1x64xf32, #tpu.memory_space<vmem>>, %arg11: memref<64x64xf32, #tpu.memory_space<vmem>>, %arg12: memref<1x64xf32, #tpu.memory_space<vmem>>, %arg13: memref<32x64x32xf32, #tpu.memory_space<vmem>>, %arg14: memref<1x32xf32, #tpu.memory_space<vmem>>, %arg15: memref<2x32xf32, #tpu.memory_space<vmem>>) attributes {dimension_semantics = [], scalar_prefetch = 0 : i64, scratch_operands = 0 : i64, tpu.core_type = #tpu.core_type<tc>} {
    %get3A = arith.constant 0 : index
    %get3A_0 = arith.constant 0 : index
    %get3A_1 = vector.load %arg2[%get3A, %get3A_0] : memref<10240x2xf32, #tpu.memory_space<vmem>>, vector<10000x1xf32>
    %get3A_2 = vector.shape_cast %get3A_1 : vector<10000x1xf32> to vector<10000xf32>
    %get3A_3 = arith.constant 0 : index
    %get3A_4 = arith.constant 1 : index
    %get3A_5 = vector.load %arg2[%get3A_3, %get3A_4] : memref<10240x2xf32, #tpu.memory_space<vmem>>, vector<10000x1xf32>
    %get3A_6 = vector.shape_cast %get3A_5 : vector<10000x1xf32> to vector<10000xf32>
    %add3A = arith.addf %get3A_2, %get3A_6 : vector<10000xf32>
    %add3A_7 = arith.constant 1.000000e+00 : f32
    %add3A_8 = vector.broadcast %add3A_7 : f32 to vector<10000xf32>
    %add3A_9 = arith.addf %add3A, %add3A_8 : vector<10000xf32>
    %rsqrt3A = math.rsqrt %add3A_9 : vector<10000xf32>
    %get3A_10 = arith.constant 0 : index
    %get3A_11 = arith.constant 0 : index
    %get3A_12 = arith.constant 0 : index
    %get3A_13 = vector.load %arg0[%get3A_10, %get3A_11, %get3A_12] : memref<2x10000x64xf32, #tpu.memory_space<vmem>>, vector<1x10000x64xf32>
    %get3A_14 = vector.shape_cast %get3A_13 : vector<1x10000x64xf32> to vector<10000x64xf32>
    %get3A_15 = arith.constant 1 : index
    %get3A_16 = arith.constant 0 : index
    %get3A_17 = arith.constant 0 : index
    %get3A_18 = vector.load %arg0[%get3A_15, %get3A_16, %get3A_17] : memref<2x10000x64xf32, #tpu.memory_space<vmem>>, vector<1x10000x64xf32>
    %get3A_19 = vector.shape_cast %get3A_18 : vector<1x10000x64xf32> to vector<10000x64xf32>
    %add3A_20 = arith.addf %get3A_14, %get3A_19 : vector<10000x64xf32>
    %get3A_21 = arith.constant 0 : index
    %get3A_22 = arith.constant 0 : index
    %get3A_23 = vector.load %arg1[%get3A_21, %get3A_22] : memref<10000x64xf32, #tpu.memory_space<vmem>>, vector<10000x64xf32>
    %add3A_24 = arith.addf %add3A_20, %get3A_23 : vector<10000x64xf32>
    %broadcast_in_dim3A = vector.shape_cast %rsqrt3A : vector<10000xf32> to vector<10000x1xf32>
    %mul3A = vector.broadcast %broadcast_in_dim3A : vector<10000x1xf32> to vector<10000x64xf32>
    %mul3A_25 = arith.mulf %mul3A, %add3A_24 : vector<10000x64xf32>
    %get3A_26 = arith.constant 0 : index
    %get3A_27 = arith.constant 0 : index
    %get3A_28 = vector.load %arg3[%get3A_26, %get3A_27] : memref<1x64xf32, #tpu.memory_space<vmem>>, vector<1x64xf32>
    %add3A_29 = vector.broadcast %get3A_28 : vector<1x64xf32> to vector<10000x64xf32>
    %add3A_30 = arith.addf %mul3A_25, %add3A_29 : vector<10000x64xf32>
    %gt3A = arith.constant 0.000000e+00 : f32
    %gt3A_31 = vector.broadcast %gt3A : f32 to vector<10000x64xf32>
    %gt3A_32 = arith.cmpf ogt, %add3A_30, %gt3A_31 : vector<10000x64xf32>
    %exp3A = math.exp %add3A_30 : vector<10000x64xf32>
    %sub3A = arith.constant 1.000000e+00 : f32
    %sub3A_33 = vector.broadcast %sub3A : f32 to vector<10000x64xf32>
    %sub3A_34 = arith.subf %exp3A, %sub3A_33 : vector<10000x64xf32>
    %mul3A_35 = arith.constant 1.67326319 : f32
    %mul3A_36 = vector.broadcast %mul3A_35 : f32 to vector<10000x64xf32>
    %mul3A_37 = arith.mulf %mul3A_36, %sub3A_34 : vector<10000x64xf32>
    %select_n3A = arith.select %gt3A_32, %add3A_30, %mul3A_37 : vector<10000x64xi1>, vector<10000x64xf32>
    %mul3A_38 = arith.constant 1.05070102 : f32
    %mul3A_39 = vector.broadcast %mul3A_38 : f32 to vector<10000x64xf32>
    %mul3A_40 = arith.mulf %mul3A_39, %select_n3A : vector<10000x64xf32>
    %slice3A = vector.extract_strided_slice %mul3A_40 {offsets = [0, 0], sizes = [5000, 64], strides = [1, 1]} : vector<10000x64xf32> to vector<5000x64xf32>
    %get3A_41 = arith.constant 0 : index
    %get3A_42 = arith.constant 0 : index
    %get3A_43 = vector.load %arg4[%get3A_41, %get3A_42] : memref<2x32xi32, #tpu.memory_space<vmem>>, vector<1x32xi32>
    %get3A_44 = vector.shape_cast %get3A_43 : vector<1x32xi32> to vector<32xi32>
    %iota3A = tpu.iota {dimensions = array<i32: 1>} : vector<32x5000xi32>
    %broadcast_in_dim3A_45 = vector.shape_cast %get3A_44 : vector<32xi32> to vector<32x1xi32>
    %eq3A = vector.broadcast %broadcast_in_dim3A_45 : vector<32x1xi32> to vector<32x5000xi32>
    %eq3A_46 = arith.cmpi eq, %iota3A, %eq3A : vector<32x5000xi32>
    %convert_element_type3A = arith.extui %eq3A_46 : vector<32x5000xi1> to vector<32x5000xi32>
    %convert_element_type3A_47 = arith.sitofp %convert_element_type3A : vector<32x5000xi32> to vector<32x5000xf32>
    %dot_general3A = arith.constant dense<0.000000e+00> : vector<32x64xf32>
    %dot_general3A_48 = tpu.matmul %convert_element_type3A_47, %slice3A, %dot_general3A {dimension_numbers = #tpu.dot_dimension_numbers<[1], [0], [0], [1], [0, 0, 1, 1], [], []>, transpose_lhs_hint = false} : vector<32x5000xf32>, vector<5000x64xf32>, vector<32x64xf32> -> vector<32x64xf32>
    %get3A_49 = arith.constant 0 : index
    %get3A_50 = arith.constant 0 : index
    %get3A_51 = vector.load %arg5[%get3A_49, %get3A_50] : memref<64x64xf32, #tpu.memory_space<vmem>>, vector<64x64xf32>
    %dot_general3A_52 = arith.constant dense<0.000000e+00> : vector<32x64xf32>
    %dot_general3A_53 = tpu.matmul %dot_general3A_48, %get3A_51, %dot_general3A_52 {dimension_numbers = #tpu.dot_dimension_numbers<[1], [0], [0], [1], [0, 0, 1, 1], [], []>, transpose_lhs_hint = false} : vector<32x64xf32>, vector<64x64xf32>, vector<32x64xf32> -> vector<32x64xf32>
    %get3A_54 = arith.constant 0 : index
    %get3A_55 = arith.constant 0 : index
    %get3A_56 = vector.load %arg6[%get3A_54, %get3A_55] : memref<1x64xf32, #tpu.memory_space<vmem>>, vector<1x64xf32>
    %add3A_57 = vector.broadcast %get3A_56 : vector<1x64xf32> to vector<32x64xf32>
    %add3A_58 = arith.addf %dot_general3A_53, %add3A_57 : vector<32x64xf32>
    %get3A_59 = arith.constant 0 : index
    %get3A_60 = arith.constant 0 : index
    %get3A_61 = vector.load %arg7[%get3A_59, %get3A_60] : memref<64x64xf32, #tpu.memory_space<vmem>>, vector<64x64xf32>
    %dot_general3A_62 = arith.constant dense<0.000000e+00> : vector<5000x64xf32>
    %dot_general3A_63 = tpu.matmul %slice3A, %get3A_61, %dot_general3A_62 {dimension_numbers = #tpu.dot_dimension_numbers<[1], [0], [0], [1], [0, 0, 1, 1], [], []>, transpose_lhs_hint = false} : vector<5000x64xf32>, vector<64x64xf32>, vector<5000x64xf32> -> vector<5000x64xf32>
    %get3A_64 = arith.constant 0 : index
    %get3A_65 = arith.constant 0 : index
    %get3A_66 = vector.load %arg8[%get3A_64, %get3A_65] : memref<1x64xf32, #tpu.memory_space<vmem>>, vector<1x64xf32>
    %add3A_67 = vector.broadcast %get3A_66 : vector<1x64xf32> to vector<5000x64xf32>
    %add3A_68 = arith.addf %dot_general3A_63, %add3A_67 : vector<5000x64xf32>
    %get3A_69 = arith.constant 0 : index
    %get3A_70 = arith.constant 0 : index
    %get3A_71 = vector.load %arg9[%get3A_69, %get3A_70] : memref<64x64xf32, #tpu.memory_space<vmem>>, vector<64x64xf32>
    %dot_general3A_72 = arith.constant dense<0.000000e+00> : vector<5000x64xf32>
    %dot_general3A_73 = tpu.matmul %slice3A, %get3A_71, %dot_general3A_72 {dimension_numbers = #tpu.dot_dimension_numbers<[1], [0], [0], [1], [0, 0, 1, 1], [], []>, transpose_lhs_hint = false} : vector<5000x64xf32>, vector<64x64xf32>, vector<5000x64xf32> -> vector<5000x64xf32>
    %get3A_74 = arith.constant 0 : index
    %get3A_75 = arith.constant 0 : index
    %get3A_76 = vector.load %arg10[%get3A_74, %get3A_75] : memref<1x64xf32, #tpu.memory_space<vmem>>, vector<1x64xf32>
    %add3A_77 = vector.broadcast %get3A_76 : vector<1x64xf32> to vector<5000x64xf32>
    %add3A_78 = arith.addf %dot_general3A_73, %add3A_77 : vector<5000x64xf32>
    %dot_general3A_79 = arith.constant dense<0.000000e+00> : vector<32x5000xf32>
    %dot_general3A_80 = tpu.matmul %add3A_58, %add3A_68, %dot_general3A_79 {dimension_numbers = #tpu.dot_dimension_numbers<[1], [1], [0], [0], [0, 0, 1, 0], [], []>, transpose_lhs_hint = false} : vector<32x64xf32>, vector<5000x64xf32>, vector<32x5000xf32> -> vector<32x5000xf32>
    %div3A = arith.constant 8.000000e+00 : f32
    %div3A_81 = vector.broadcast %div3A : f32 to vector<32x5000xf32>
    %div3A_82 = arith.divf %dot_general3A_80, %div3A_81 : vector<32x5000xf32>
    %reduce_max3A = arith.constant dense<0xFF800000> : vector<32xf32>
    %reduce_max3A_83 = vector.multi_reduction <maximumf>, %div3A_82, %reduce_max3A [1] : vector<32x5000xf32> to vector<32xf32>
    %broadcast_in_dim3A_84 = vector.shape_cast %reduce_max3A_83 : vector<32xf32> to vector<32x1xf32>
    %sub3A_85 = vector.broadcast %broadcast_in_dim3A_84 : vector<32x1xf32> to vector<32x5000xf32>
    %sub3A_86 = arith.subf %div3A_82, %sub3A_85 : vector<32x5000xf32>
    %exp3A_87 = math.exp %sub3A_86 : vector<32x5000xf32>
    %reduce_sum3A = arith.constant dense<0.000000e+00> : vector<32xf32>
    %reduce_sum3A_88 = vector.multi_reduction <add>, %exp3A_87, %reduce_sum3A [1] : vector<32x5000xf32> to vector<32xf32>
    %broadcast_in_dim3A_89 = vector.shape_cast %reduce_sum3A_88 : vector<32xf32> to vector<32x1xf32>
    %div3A_90 = vector.broadcast %broadcast_in_dim3A_89 : vector<32x1xf32> to vector<32x5000xf32>
    %div3A_91 = arith.divf %exp3A_87, %div3A_90 : vector<32x5000xf32>
    %dot_general3A_92 = arith.constant dense<0.000000e+00> : vector<32x64xf32>
    %dot_general3A_93 = tpu.matmul %div3A_91, %add3A_78, %dot_general3A_92 {dimension_numbers = #tpu.dot_dimension_numbers<[1], [0], [0], [1], [0, 0, 1, 1], [], []>, transpose_lhs_hint = false} : vector<32x5000xf32>, vector<5000x64xf32>, vector<32x64xf32> -> vector<32x64xf32>
    %get3A_94 = arith.constant 0 : index
    %get3A_95 = arith.constant 0 : index
    %get3A_96 = vector.load %arg11[%get3A_94, %get3A_95] : memref<64x64xf32, #tpu.memory_space<vmem>>, vector<64x64xf32>
    %dot_general3A_97 = arith.constant dense<0.000000e+00> : vector<32x64xf32>
    %dot_general3A_98 = tpu.matmul %dot_general3A_93, %get3A_96, %dot_general3A_97 {dimension_numbers = #tpu.dot_dimension_numbers<[1], [0], [0], [1], [0, 0, 1, 1], [], []>, transpose_lhs_hint = false} : vector<32x64xf32>, vector<64x64xf32>, vector<32x64xf32> -> vector<32x64xf32>
    %get3A_99 = arith.constant 0 : index
    %get3A_100 = arith.constant 0 : index
    %get3A_101 = vector.load %arg12[%get3A_99, %get3A_100] : memref<1x64xf32, #tpu.memory_space<vmem>>, vector<1x64xf32>
    %add3A_102 = vector.broadcast %get3A_101 : vector<1x64xf32> to vector<32x64xf32>
    %add3A_103 = arith.addf %dot_general3A_98, %add3A_102 : vector<32x64xf32>
    %gt3A_104 = arith.constant 0.000000e+00 : f32
    %gt3A_105 = vector.broadcast %gt3A_104 : f32 to vector<32x64xf32>
    %gt3A_106 = arith.cmpf ogt, %add3A_103, %gt3A_105 : vector<32x64xf32>
    %exp3A_107 = math.exp %add3A_103 : vector<32x64xf32>
    %sub3A_108 = arith.constant 1.000000e+00 : f32
    %sub3A_109 = vector.broadcast %sub3A_108 : f32 to vector<32x64xf32>
    %sub3A_110 = arith.subf %exp3A_107, %sub3A_109 : vector<32x64xf32>
    %mul3A_111 = arith.constant 1.67326319 : f32
    %mul3A_112 = vector.broadcast %mul3A_111 : f32 to vector<32x64xf32>
    %mul3A_113 = arith.mulf %mul3A_112, %sub3A_110 : vector<32x64xf32>
    %select_n3A_114 = arith.select %gt3A_106, %add3A_103, %mul3A_113 : vector<32x64xi1>, vector<32x64xf32>
    %mul3A_115 = arith.constant 1.05070102 : f32
    %mul3A_116 = vector.broadcast %mul3A_115 : f32 to vector<32x64xf32>
    %mul3A_117 = arith.mulf %mul3A_116, %select_n3A_114 : vector<32x64xf32>
    %broadcast_in_dim3A_118 = vector.shape_cast %mul3A_117 : vector<32x64xf32> to vector<32x64x1xf32>
    %get3A_119 = arith.constant 0 : index
    %get3A_120 = arith.constant 0 : index
    %get3A_121 = arith.constant 0 : index
    %get3A_122 = vector.load %arg13[%get3A_119, %get3A_120, %get3A_121] : memref<32x64x32xf32, #tpu.memory_space<vmem>>, vector<32x64x32xf32>
    %mul3A_123 = vector.broadcast %broadcast_in_dim3A_118 : vector<32x64x1xf32> to vector<32x64x32xf32>
    %mul3A_124 = arith.mulf %mul3A_123, %get3A_122 : vector<32x64x32xf32>
    %reduce_sum3A_125 = arith.constant dense<0.000000e+00> : vector<32xf32>
    %reduce_sum3A_126 = vector.multi_reduction <add>, %mul3A_124, %reduce_sum3A_125 [0, 1] : vector<32x64x32xf32> to vector<32xf32>
    %get3A_127 = arith.constant 0 : index
    %get3A_128 = arith.constant 0 : index
    %get3A_129 = vector.load %arg14[%get3A_127, %get3A_128] : memref<1x32xf32, #tpu.memory_space<vmem>>, vector<1x32xf32>
    %get3A_130 = vector.shape_cast %get3A_129 : vector<1x32xf32> to vector<32xf32>
    %add3A_131 = arith.addf %reduce_sum3A_126, %get3A_130 : vector<32xf32>
    %slice3A_132 = vector.extract_strided_slice %mul3A_40 {offsets = [5000, 0], sizes = [5000, 64], strides = [1, 1]} : vector<10000x64xf32> to vector<5000x64xf32>
    %get3A_133 = arith.constant 1 : index
    %get3A_134 = arith.constant 0 : index
    %get3A_135 = vector.load %arg4[%get3A_133, %get3A_134] : memref<2x32xi32, #tpu.memory_space<vmem>>, vector<1x32xi32>
    %get3A_136 = vector.shape_cast %get3A_135 : vector<1x32xi32> to vector<32xi32>
    %iota3A_137 = tpu.iota {dimensions = array<i32: 1>} : vector<32x5000xi32>
    %broadcast_in_dim3A_138 = vector.shape_cast %get3A_136 : vector<32xi32> to vector<32x1xi32>
    %eq3A_139 = vector.broadcast %broadcast_in_dim3A_138 : vector<32x1xi32> to vector<32x5000xi32>
    %eq3A_140 = arith.cmpi eq, %iota3A_137, %eq3A_139 : vector<32x5000xi32>
    %convert_element_type3A_141 = arith.extui %eq3A_140 : vector<32x5000xi1> to vector<32x5000xi32>
    %convert_element_type3A_142 = arith.sitofp %convert_element_type3A_141 : vector<32x5000xi32> to vector<32x5000xf32>
    %dot_general3A_143 = arith.constant dense<0.000000e+00> : vector<32x64xf32>
    %dot_general3A_144 = tpu.matmul %convert_element_type3A_142, %slice3A_132, %dot_general3A_143 {dimension_numbers = #tpu.dot_dimension_numbers<[1], [0], [0], [1], [0, 0, 1, 1], [], []>, transpose_lhs_hint = false} : vector<32x5000xf32>, vector<5000x64xf32>, vector<32x64xf32> -> vector<32x64xf32>
    %get3A_145 = arith.constant 0 : index
    %get3A_146 = arith.constant 0 : index
    %get3A_147 = vector.load %arg5[%get3A_145, %get3A_146] : memref<64x64xf32, #tpu.memory_space<vmem>>, vector<64x64xf32>
    %dot_general3A_148 = arith.constant dense<0.000000e+00> : vector<32x64xf32>
    %dot_general3A_149 = tpu.matmul %dot_general3A_144, %get3A_147, %dot_general3A_148 {dimension_numbers = #tpu.dot_dimension_numbers<[1], [0], [0], [1], [0, 0, 1, 1], [], []>, transpose_lhs_hint = false} : vector<32x64xf32>, vector<64x64xf32>, vector<32x64xf32> -> vector<32x64xf32>
    %get3A_150 = arith.constant 0 : index
    %get3A_151 = arith.constant 0 : index
    %get3A_152 = vector.load %arg6[%get3A_150, %get3A_151] : memref<1x64xf32, #tpu.memory_space<vmem>>, vector<1x64xf32>
    %add3A_153 = vector.broadcast %get3A_152 : vector<1x64xf32> to vector<32x64xf32>
    %add3A_154 = arith.addf %dot_general3A_149, %add3A_153 : vector<32x64xf32>
    %get3A_155 = arith.constant 0 : index
    %get3A_156 = arith.constant 0 : index
    %get3A_157 = vector.load %arg7[%get3A_155, %get3A_156] : memref<64x64xf32, #tpu.memory_space<vmem>>, vector<64x64xf32>
    %dot_general3A_158 = arith.constant dense<0.000000e+00> : vector<5000x64xf32>
    %dot_general3A_159 = tpu.matmul %slice3A_132, %get3A_157, %dot_general3A_158 {dimension_numbers = #tpu.dot_dimension_numbers<[1], [0], [0], [1], [0, 0, 1, 1], [], []>, transpose_lhs_hint = false} : vector<5000x64xf32>, vector<64x64xf32>, vector<5000x64xf32> -> vector<5000x64xf32>
    %get3A_160 = arith.constant 0 : index
    %get3A_161 = arith.constant 0 : index
    %get3A_162 = vector.load %arg8[%get3A_160, %get3A_161] : memref<1x64xf32, #tpu.memory_space<vmem>>, vector<1x64xf32>
    %add3A_163 = vector.broadcast %get3A_162 : vector<1x64xf32> to vector<5000x64xf32>
    %add3A_164 = arith.addf %dot_general3A_159, %add3A_163 : vector<5000x64xf32>
    %get3A_165 = arith.constant 0 : index
    %get3A_166 = arith.constant 0 : index
    %get3A_167 = vector.load %arg9[%get3A_165, %get3A_166] : memref<64x64xf32, #tpu.memory_space<vmem>>, vector<64x64xf32>
    %dot_general3A_168 = arith.constant dense<0.000000e+00> : vector<5000x64xf32>
    %dot_general3A_169 = tpu.matmul %slice3A_132, %get3A_167, %dot_general3A_168 {dimension_numbers = #tpu.dot_dimension_numbers<[1], [0], [0], [1], [0, 0, 1, 1], [], []>, transpose_lhs_hint = false} : vector<5000x64xf32>, vector<64x64xf32>, vector<5000x64xf32> -> vector<5000x64xf32>
    %get3A_170 = arith.constant 0 : index
    %get3A_171 = arith.constant 0 : index
    %get3A_172 = vector.load %arg10[%get3A_170, %get3A_171] : memref<1x64xf32, #tpu.memory_space<vmem>>, vector<1x64xf32>
    %add3A_173 = vector.broadcast %get3A_172 : vector<1x64xf32> to vector<5000x64xf32>
    %add3A_174 = arith.addf %dot_general3A_169, %add3A_173 : vector<5000x64xf32>
    %dot_general3A_175 = arith.constant dense<0.000000e+00> : vector<32x5000xf32>
    %dot_general3A_176 = tpu.matmul %add3A_154, %add3A_164, %dot_general3A_175 {dimension_numbers = #tpu.dot_dimension_numbers<[1], [1], [0], [0], [0, 0, 1, 0], [], []>, transpose_lhs_hint = false} : vector<32x64xf32>, vector<5000x64xf32>, vector<32x5000xf32> -> vector<32x5000xf32>
    %div3A_177 = arith.constant 8.000000e+00 : f32
    %div3A_178 = vector.broadcast %div3A_177 : f32 to vector<32x5000xf32>
    %div3A_179 = arith.divf %dot_general3A_176, %div3A_178 : vector<32x5000xf32>
    %reduce_max3A_180 = arith.constant dense<0xFF800000> : vector<32xf32>
    %reduce_max3A_181 = vector.multi_reduction <maximumf>, %div3A_179, %reduce_max3A_180 [1] : vector<32x5000xf32> to vector<32xf32>
    %broadcast_in_dim3A_182 = vector.shape_cast %reduce_max3A_181 : vector<32xf32> to vector<32x1xf32>
    %sub3A_183 = vector.broadcast %broadcast_in_dim3A_182 : vector<32x1xf32> to vector<32x5000xf32>
    %sub3A_184 = arith.subf %div3A_179, %sub3A_183 : vector<32x5000xf32>
    %exp3A_185 = math.exp %sub3A_184 : vector<32x5000xf32>
    %reduce_sum3A_186 = arith.constant dense<0.000000e+00> : vector<32xf32>
    %reduce_sum3A_187 = vector.multi_reduction <add>, %exp3A_185, %reduce_sum3A_186 [1] : vector<32x5000xf32> to vector<32xf32>
    %broadcast_in_dim3A_188 = vector.shape_cast %reduce_sum3A_187 : vector<32xf32> to vector<32x1xf32>
    %div3A_189 = vector.broadcast %broadcast_in_dim3A_188 : vector<32x1xf32> to vector<32x5000xf32>
    %div3A_190 = arith.divf %exp3A_185, %div3A_189 : vector<32x5000xf32>
    %dot_general3A_191 = arith.constant dense<0.000000e+00> : vector<32x64xf32>
    %dot_general3A_192 = tpu.matmul %div3A_190, %add3A_174, %dot_general3A_191 {dimension_numbers = #tpu.dot_dimension_numbers<[1], [0], [0], [1], [0, 0, 1, 1], [], []>, transpose_lhs_hint = false} : vector<32x5000xf32>, vector<5000x64xf32>, vector<32x64xf32> -> vector<32x64xf32>
    %get3A_193 = arith.constant 0 : index
    %get3A_194 = arith.constant 0 : index
    %get3A_195 = vector.load %arg11[%get3A_193, %get3A_194] : memref<64x64xf32, #tpu.memory_space<vmem>>, vector<64x64xf32>
    %dot_general3A_196 = arith.constant dense<0.000000e+00> : vector<32x64xf32>
    %dot_general3A_197 = tpu.matmul %dot_general3A_192, %get3A_195, %dot_general3A_196 {dimension_numbers = #tpu.dot_dimension_numbers<[1], [0], [0], [1], [0, 0, 1, 1], [], []>, transpose_lhs_hint = false} : vector<32x64xf32>, vector<64x64xf32>, vector<32x64xf32> -> vector<32x64xf32>
    %get3A_198 = arith.constant 0 : index
    %get3A_199 = arith.constant 0 : index
    %get3A_200 = vector.load %arg12[%get3A_198, %get3A_199] : memref<1x64xf32, #tpu.memory_space<vmem>>, vector<1x64xf32>
    %add3A_201 = vector.broadcast %get3A_200 : vector<1x64xf32> to vector<32x64xf32>
    %add3A_202 = arith.addf %dot_general3A_197, %add3A_201 : vector<32x64xf32>
    %gt3A_203 = arith.constant 0.000000e+00 : f32
    %gt3A_204 = vector.broadcast %gt3A_203 : f32 to vector<32x64xf32>
    %gt3A_205 = arith.cmpf ogt, %add3A_202, %gt3A_204 : vector<32x64xf32>
    %exp3A_206 = math.exp %add3A_202 : vector<32x64xf32>
    %sub3A_207 = arith.constant 1.000000e+00 : f32
    %sub3A_208 = vector.broadcast %sub3A_207 : f32 to vector<32x64xf32>
    %sub3A_209 = arith.subf %exp3A_206, %sub3A_208 : vector<32x64xf32>
    %mul3A_210 = arith.constant 1.67326319 : f32
    %mul3A_211 = vector.broadcast %mul3A_210 : f32 to vector<32x64xf32>
    %mul3A_212 = arith.mulf %mul3A_211, %sub3A_209 : vector<32x64xf32>
    %select_n3A_213 = arith.select %gt3A_205, %add3A_202, %mul3A_212 : vector<32x64xi1>, vector<32x64xf32>
    %mul3A_214 = arith.constant 1.05070102 : f32
    %mul3A_215 = vector.broadcast %mul3A_214 : f32 to vector<32x64xf32>
    %mul3A_216 = arith.mulf %mul3A_215, %select_n3A_213 : vector<32x64xf32>
    %broadcast_in_dim3A_217 = vector.shape_cast %mul3A_216 : vector<32x64xf32> to vector<32x64x1xf32>
    %get3A_218 = arith.constant 0 : index
    %get3A_219 = arith.constant 0 : index
    %get3A_220 = arith.constant 0 : index
    %get3A_221 = vector.load %arg13[%get3A_218, %get3A_219, %get3A_220] : memref<32x64x32xf32, #tpu.memory_space<vmem>>, vector<32x64x32xf32>
    %mul3A_222 = vector.broadcast %broadcast_in_dim3A_217 : vector<32x64x1xf32> to vector<32x64x32xf32>
    %mul3A_223 = arith.mulf %mul3A_222, %get3A_221 : vector<32x64x32xf32>
    %reduce_sum3A_224 = arith.constant dense<0.000000e+00> : vector<32xf32>
    %reduce_sum3A_225 = vector.multi_reduction <add>, %mul3A_223, %reduce_sum3A_224 [0, 1] : vector<32x64x32xf32> to vector<32xf32>
    %get3A_226 = arith.constant 0 : index
    %get3A_227 = arith.constant 0 : index
    %get3A_228 = vector.load %arg14[%get3A_226, %get3A_227] : memref<1x32xf32, #tpu.memory_space<vmem>>, vector<1x32xf32>
    %get3A_229 = vector.shape_cast %get3A_228 : vector<1x32xf32> to vector<32xf32>
    %add3A_230 = arith.addf %reduce_sum3A_225, %get3A_229 : vector<32xf32>
    %stack3A = vector.shape_cast %add3A_131 : vector<32xf32> to vector<1x32xf32>
    %stack3A_231 = vector.shape_cast %add3A_230 : vector<32xf32> to vector<1x32xf32>
    %stack3A_232 = tpu.concatenate %stack3A, %stack3A_231 in 0 : vector<1x32xf32>, vector<1x32xf32> -> vector<2x32xf32>
    %swap3A = arith.constant 0 : index
    %swap3A_233 = arith.constant 0 : index
    %swap3A_234 = vector.load %arg15[%swap3A, %swap3A_233] : memref<2x32xf32, #tpu.memory_space<vmem>>, vector<2x32xf32>
    tpu.vector_store %arg15[%swap3A, %swap3A_233], %stack3A_232 {strides = array<i32>} : memref<2x32xf32, #tpu.memory_space<vmem>>, vector<2x32xf32>,
    return
  }
}

</mosaic_0001>

<sc_bundles>
// kernel: kernel.11.cloned.1.call-start
scs
__scs_entry_jumppad:
0x0: {  	(pc) =	sbr.rel $0x88, $3  }
0x1: {  	(tag) =	ssettag $0x0;
	lr =	simm.s32 $0x1  }
0x2: {  	[smem:$0x3F90] =	sst lr;
	_ =	strace $0xD0000000  }
0x3: {  	_ = 	snop  }
0x4: {  	_ = 	snop  }
0x5: {  	_ = 	snop  }
0x6: {  	_ = 	snop  }
0x7: {  	_ = 	snop  }
__scs_overlays_trampoline_lowered:
0x8: {  	[smem:$0x3F9F] =	sst s0  }
0x9: {  	[smem:$0x3FA0] =	sst s1  }
0xa: {  	[smem:$0x3FA1] =	sst s2  }
0xb: {  	[smem:$0x3FA2] =	sst s3  }
0xc: {  	[smem:$0x3FA3] =	sst s4  }
0xd: {  	[smem:$0x3FA4] =	sst s5  }
0xe: {  	[smem:$0x3FA5] =	sst s6  }
0xf: {  	[smem:$0x3FA6] =	sst s7  }
0x10: {  	[smem:$0x3FA7] =	sst s8  }
0x11: {  	[smem:$0x3FA8] =	sst s9;
	s0 =	simm.s32 @!p0 $0x0  }
0x12: {  	s1 =	sld [smem:$0x3F8E];
	s0 =	simm.s32 @p0 $0x1  }
0x13: {  	[smem:$0x3FA9] =	sst s0;
	s0 =	simm.s32 @!p1 $0x0  }
0x14: {  	s2 =	sld [smem:$0x3F8D];
	s0 =	simm.s32 @p1 $0x1  }
0x15: {  	[smem:$0x3FAA] =	sst s0;
	s0 =	simm.s32 @!p2 $0x0  }
0x16: {  	s3 =	sld [smem:$0x3FDB];
	s0 =	simm.s32 @p2 $0x1  }
0x17: {  	s4 =	simm.s32 $0x1BF5;
	[smem:$0x3FAC] =	sst s0  }
0x18: {  	s0 =	sld [smem:$0x3F8F];
	_ =	swait.ge [sflag:s4], $0x0  }
0x19: {  	s7 =	sld [smem:$0x3F90]  }
0x1a: {  	s8 =	sadd.s32 $0xFFFFE003, lr  }
0x1b: {  	s9 =	sadd.s32 $0xFFFFFEF7, lr;
	s5 =	simm.s32 $0xFFFFFFFF;
	p2 =	slt.u32 s8, $0xFFFFF086  }
0x1c: {  	p1 =	slt.u32 s9, $0xF7A;
	s5 =	simm.s32 @!p2 $0x0  }
0x1d: {  	s5 =	simm.s32 @p1 $0x1;
	p0 =	seq.s32 s7, s2  }
0x1e: {  	s7 =	smul.u32 @!p0 $0xF7A, s2;
	p2 =	seq.s32 @!p0 s5, $0x0  }
0x1f: {  	s9 =	smul.u32 $0xF7A, s1;
	s8 =	simm.s32 @!p0 $0x1BF5;
	p2 =	por !p2, p0  }
0x20: {  	[sflag:s8] =	ssyncset.s32 @!p0 $0xFFFFF086;
	s6 =	sadd.s32 @!p0 s3, s7;
	s7 =	simm.s32 @!p0 $0x108  }
0x21: {  	s3 =	sadd.s32 s3, s9;
	s6 =	sadd.s32 @!p0 $0x88, s6;
	s7 =	simm.s32 @p2 $0x1082  }
0x22: {  	[simem:s7], [sflag:s8] =	dma.local @!p0 [hbm:s6], $0xF7A  }
0x23: {  	s9 =	sor.u32 $0xD0000000, s2;
	s6 =	simm.s32 $0x108;
	_ =	swait.ge @!p0 [sflag:s8], $0x0  }
0x24: {  	s3 =	sadd.s32 $0x88, s3;
	s6 =	simm.s32 @!p1 $0x1082;
	[sflag:s4] =	ssyncset.s32 $0xFFFFF086  }
0x25: {  	[simem:s6], [sflag:s4] =	dma.local [hbm:s3], $0xF7A  }
0x26: {  	[smem:$0x3F90] =	sst s1;
	(tag) =	ssettag s2;
	_ =	strace s9  }
0x27: {  	s1 =	sld [smem:$0x3FA0]  }
0x28: {  	s2 =	sld [smem:$0x3FA1]  }
0x29: {  	s4 =	sld [smem:$0x3FA3]  }
0x2a: {  	p0 =	seq.s32 s5, $0x0;
	s5 =	sld [smem:$0x3FA4]  }
0x2b: {  	s6 =	sld [smem:$0x3FA5]  }
0x2c: {  	s7 =	sld [smem:$0x3FA6]  }
0x2d: {  	s3 =	simm.s32 $0x108;
	s8 =	sld [smem:$0x3FA7]  }
0x2e: {  	s3 =	simm.s32 @!p0 $0x1082;
	s9 =	sld [smem:$0x3FA8]  }
0x2f: {  	lr =	sadd.s32 s0, s3;
	s0 =	sld [smem:$0x3F9F]  }
0x30: {  	s3 =	sld [smem:$0x3FA2]  }
0x31: {  	[smem:$0x3FAB] =	sst s10  }
0x32: {  	s10 =	sld [smem:$0x3FA9];
	_ =	sdelay $0x3  }
0x33: {  	p0 =	seq.s32 s10, $0x1;
	s10 =	sld [smem:$0x3FAB];
	_ =	sdelay $0x3  }
0x34: {  	[smem:$0x3FAB] =	sst s10  }
0x35: {  	s10 =	sld [smem:$0x3FAA];
	_ =	sdelay $0x3  }
0x36: {  	p1 =	seq.s32 s10, $0x1;
	s10 =	sld [smem:$0x3FAB];
	_ =	sdelay $0x3  }
0x37: {  	[smem:$0x3FAB] =	sst s10  }
0x38: {  	s10 =	sld [smem:$0x3FAC]  }
0x39: {  	_ = 	snop;
	(pc) =	sbr.ind lr, $3  }
0x3a: {  	_ = 	snop  }
0x3b: {  	_ = 	snop  }
0x3c: {  	p2 =	seq.s32 s10, $0x1;
	s10 =	sld [smem:$0x3FAB]  }
0x3d: {  	_ =	shalt  }
0x3e: {  	_ =	shalt  }
0x3f: {  	_ =	shalt  }
0x40: {  	_ =	shalt  }
0x41: {  	_ =	shalt  }
0x42: {  	_ =	shalt  }
0x43: {  	_ =	shalt  }
0x44: {  	_ =	shalt  }
0x45: {  	_ =	shalt  }
0x46: {  	_ =	shalt  }
0x47: {  	_ =	shalt  }
0x48: {  	_ =	shalt  }
0x49: {  	_ =	shalt  }
0x4a: {  	_ =	shalt  }
0x4b: {  	_ =	shalt  }
0x4c: {  	_ =	shalt  }
0x4d: {  	_ =	shalt  }
0x4e: {  	_ =	shalt  }
0x4f: {  	_ =	shalt  }
0x50: {  	_ =	shalt  }
0x51: {  	_ =	shalt  }
0x52: {  	_ =	shalt  }
0x53: {  	_ =	shalt  }
0x54: {  	_ =	shalt  }
0x55: {  	_ =	shalt  }
0x56: {  	_ =	shalt  }
0x57: {  	_ =	shalt  }
0x58: {  	_ =	shalt  }
0x59: {  	_ =	shalt  }
0x5a: {  	_ =	shalt  }
0x5b: {  	_ =	shalt  }
0x5c: {  	_ =	shalt  }
0x5d: {  	_ =	shalt  }
0x5e: {  	_ =	shalt  }
0x5f: {  	_ =	shalt  }
0x60: {  	_ =	shalt  }
0x61: {  	_ =	shalt  }
0x62: {  	_ =	shalt  }
0x63: {  	_ =	shalt  }
0x64: {  	_ =	shalt  }
0x65: {  	_ =	shalt  }
0x66: {  	_ =	shalt  }
0x67: {  	_ =	shalt  }
0x68: {  	_ =	shalt  }
0x69: {  	_ =	shalt  }
0x6a: {  	_ =	shalt  }
0x6b: {  	_ =	shalt  }
0x6c: {  	_ =	shalt  }
0x6d: {  	_ =	shalt  }
0x6e: {  	_ =	shalt  }
0x6f: {  	_ =	shalt  }
0x70: {  	_ =	shalt  }
0x71: {  	_ =	shalt  }
0x72: {  	_ =	shalt  }
0x73: {  	_ =	shalt  }
0x74: {  	_ =	shalt  }
0x75: {  	_ =	shalt  }
0x76: {  	_ =	shalt  }
0x77: {  	_ =	shalt  }
0x78: {  	_ =	shalt  }
0x79: {  	_ =	shalt  }
0x7a: {  	_ =	shalt  }
0x7b: {  	_ =	shalt  }
0x7c: {  	_ =	shalt  }
0x7d: {  	_ =	shalt  }
0x7e: {  	_ =	shalt  }
0x7f: {  	_ =	shalt  }
0x80: {  	_ =	shalt  }
0x81: {  	_ =	shalt  }
0x82: {  	_ =	shalt  }
0x83: {  	_ =	shalt  }
0x84: {  	_ =	shalt  }
0x85: {  	_ =	shalt  }
0x86: {  	_ =	shalt  }
0x87: {  	_ =	shalt  }
.Lfunc_end0:
.L_simem_size_0:
called_computation.1_lowered:
.L_overlay_start_0:
0x88: {  	s2 =	sld [smem:$0x3FD9]  }
0x89: {  	s3 =	sld [smem:$0x3FFE];
	_ =	sdelay $0x1  }
0x8a: {  	s1 =	srdreg.scid  }
0x8b: {  	s0 =	sand.u32 $0x1, s1  }
0x8c: {  	s16 =	sshll.u32 s0, $0xA;
	s2 =	sadd.s32 s3, s2  }
0x8d: {  	s2 =	sadd.s32 s2, s16  }
0x8e: {  	[smem:$0x3FB7] =	sst s2  }
0x8f: {  	_ = 	snop  }
0x90: {  	(tm) =	ssettm $0x1  }
0x91: {  	s17 =	sld [smem:$0x3FFB];
	_ =	sdelay $0x3  }
0x92: {  	_ =	strace s17  }
0x93: {  	s2 =	sld [smem:$0x3FFC];
	_ =	sdelay $0x3  }
0x94: {  	_ =	strace s2  }
0x95: {  	s2 =	sld [smem:$0x3FFD];
	_ =	sdelay $0x3  }
0x96: {  	_ =	strace s2  }
0x97: {  	_ =	strace $0x8FFFFFFF  }
0x98: {  	s18 =	sld [smem:$0x3FDB];
	_ =	sdelay $0x1  }
0x99: {  	s19 =	simm.s32 $_scs_section_size  }
0x9a: {  	s4 =	simm.s32 $_size__tile_overlayer_lowered;
	s5 =	simm.s32 $_tile_overlayer_lowered  }
0x9b: {  	s22 =	simm.s32 $0x1BFF;
	s21 =	sshll.u32 s5, $0x1;
	s2 =	sadd.s32 s19, s18  }
0x9c: {  	s6 =	simm.s32 $0x0;
	s20 =	sshll.u32 s4, $0x1;
	s4 =	sadd.s32 s21, s2  }
0x9d: {  	[timem:s6], [sflag:s22] =	dma.local [hbm:s4], s20  }
0x9e: {  	_ =	swait.ge [sflag:s22], s20  }
0x9f: {  	s3 =	ssub.s32 $0x0, s20;
	[sflag:s22] =	ssyncset.done $0x0  }
0xa0: {  	[sflag:s22] =	ssyncadd.s32 s3;
	_ =	sdelay $0x1  }
0xa1: {  	s23 =	simm.s32 $0x1B8B  }
0xa2: {  	_ =	swait.ge [sflag:s23], $0x1  }
0xa3: {  	[sflag:s23] =	ssyncset.done $0x0  }
0xa4: {  	s25 =	simm.s32 $0x1B8E;
	s24 =	sld [smem:$0x3FFE];
	[sflag:s23] =	ssyncadd.s32 $0xFFFFFFFF  }
0xa5: {  	s26 =	simm.s32 $execute0_lowered;
	[smem:$0x3FD2] =	sst s25  }
0xa6: {  	s4 =	sshll.u32 s26, $0x1;
	_ =	strace $0x80000049;
	[dreg:$0x1] =	wrdreg $0xFFFFFFFF  }
0xa7: {  	s28 =	simm.s32 $_size_execute0_lowered;
	s2 =	sadd.s32 s2, s4;
	[dreg:$0x0] =	wrdreg $0x0  }
0xa8: {  	s4 =	sshll.u32 s28, $0x1;
	[dreg:$0x2] =	wrdreg s2  }
0xa9: {  	[dreg:$0x3] =	wrdreg s4  }
0xaa: {  	[dreg:$0x4] =	wrdreg $0xC0  }
0xab: {  	_ =	task [dreg:s6], $0x5FFFF  }
0xac: {  	[dreg:$0x1] =	wrdreg $0xFFFFFFFF  }
0xad: {  	[dreg:$0x0] =	wrdreg $0x60  }
0xae: {  	[dreg:$0x2] =	wrdreg s24  }
0xaf: {  	[dreg:$0x3] =	wrdreg $0x10F000  }
0xb0: {  	[dreg:$0x4] =	wrdreg $0x9  }
0xb1: {  	_ =	task.clear_ibuf [dreg:s6], $0x5FFFF;
	_ =	strace $0x90000049  }
0xb2: {  	s29 =	simm.s32 $0x9;
	_ =	strace $0x8000004B  }
0xb3: {  	_ =	swait.ge [sflag:s29], $0x1  }
0xb4: {  	[sflag:s29] =	ssyncadd.s32 $0xFFFFFFFF  }
0xb5: {  	_ =	strace $0x9000004B  }
0xb6: {  	_ =	sfence  }
0xb7: {  	s30 =	sld [smem:$0x0];
	_ =	sdelay $0x2  }
0xb8: {  	s31 =	sshll.u32 s1, $0xD;
	s1 =	sshrl.u32 s1, $0x2  }
0xb9: {  	s3 =	sand.u32 $0x4000, s31;
	s1 =	sadd.s32 s1, s30  }
0xba: {  	s0 =	sor.u32 s3, s0;
	s1 =	sshll.u32 s1, $0x11  }
0xbb: {  	s0 =	sor.u32 s1, s0  }
0xbc: {  	s0 =	sadd.s32 $0x8F2B, s0  }
0xbd: {  	[sflag:s0] =	ssyncadd.remote.s32 $0x1  }
0xbe: {  	_ =	sfence.sel $0xFFFF  }
0xbf: {  	[dreg:$0x0] =	wrdreg $0xFFFFFFFF;
	(pc) =	sbr.abs _section_cstart, $3  }
0xc0: {  	[dreg:$0x1] =	wrdreg $0xFFFFFFFF  }
0xc1: {  	_ =	task.clear_ibuf [dreg:s6], $0x2FFFF;
	_ =	strace $0x9FFFFFFF  }
0xc2: {  	(tm) =	ssettm $0x7FFFFFFF  }
0xc3: {  	_ =	shalt  }
tec
execute0_lowered:
.L_overlay_start_1:
0x0: {  	(tag) =	ssettag $0x1  }
0x1: {  	s0 =	rddreg [dreg:$0x0]  }
0x2: {  	s2 =	rddreg [dreg:$0x1];
	s1 =	srdreg.scid  }
0x3: {  	s10 =	stileid.u32;
	s3 =	simm.s32 $0x0;
	s16 =	simm.s32 $0x4F00  }
0x4: {  	s17 =	simm.s32 $0xD;
	s19 =	simm.s32 $0x80;
	s30 =	simm.s32 $0x7  }
0x5: {  	s31 =	simm.s32 $0x8;
	s18 =	simm.s32 $0xA;
	s20 =	simm.s32 $0xB  }
0x6: {  	s21 =	simm.s32 $0xC;
	s22 =	simm.s32 $0x0;
	s1 =	sand.u32 $0x1, s1  }
0x7: {  	s5 =	smul.u32 $0x9C40, s10;
	[smem:$0x7FF] =	sst s3;
	s4 =	sadd.s32 $0x17200, s0  }
0x8: {  	s12 =	sadd.s32 $0x2400, s0;
	s7 =	smul.u32 $0x27100, s10;
	s13 =	sadd.s32 $0xC200, s0  }
0x9: {  	s24 =	sshll.u32 s10, $0x1;
	p0 =	sgt.u32 s10, $0x1;
	s6 =	smul.u32 $0x9C400, s1  }
0xa: {  	_ =	strace $0x8000004A;
	s8 =	ssub.s32 $0x2, s1;
	s1 =	sor.u32 s1, s24  }
0xb: {  	s23 =	sshrl.u32 s8, $0x1;
	s7 =	sshrl.u32 s7, $0x2;
	s11 =	smul.u32 $0x4E0, s1  }
0xc: {  	s1 =	sshll.u32 s1, $0x4;
	s6 =	sadd.s32 s5, s6;
	s9 =	sadd.s32 s7, s2  }
0xd: {  	s5 =	sadd.s32 s5, s2;
	s1 =	sor.u32 $0x9C00, s1;
	s6 =	sshrl.u32 s6, $0x3  }
0xe: {  	s7 =	sadd.s32 $0x2000, s9;
	s25 =	sadd.s32 $0x4000, s9;
	s26 =	sadd.s32 $0x6000, s9  }
0xf: {  	s28 =	sadd.s32 $0x8000, s9;
	s29 =	sadd.s32 s12, s11;
	[dreg:$0x3] =	wrdreg s7  }
0x10: {  	s11 =	sadd.s32 s13, s11;
	s12 =	sadd.s32 s12, s1;
	[dreg:$0x4] =	wrdreg s25  }
0x11: {  	s13 =	sadd.s32 s13, s1;
	s0 =	sadd.s32 s6, s0;
	[dreg:$0x5] =	wrdreg s26  }
0x12: {  	[dreg:$0x6] =	wrdreg s28;
	s14 =	sadd.s32 $0x2AC00, s0;
	s0 =	simm.s32 @!p0 $0x0  }
0x13: {  	s6 =	ssub.s32 s8, s23;
	[dreg:$0x7] =	wrdreg s29;
	s0 =	simm.s32 @p0 $0x1  }
0x14: {  	v0 =	vimm.f32 $0.0e+00;
	s15 =	smax.u32 s6, $0x1;
	[smem:$0x7FD] =	sst s0;
	s0 =	simm.s32 $0x9  }
.LBB2_1:
0x15: {  	s1 =	sand.u32 $0x7F00, s3  }
0x16: {  	s6 =	sand.u32 $0x30, s3;
	s1 =	sshrl.u32 s1, $0x2  }
0x17: {  	s23 =	simm.s32 $0x40;
	s24 =	simm.s32 $0x0;
	s1 =	sor.u32 s6, s1  }
.LBB2_2:
0x18: {  	p0 =	sne.s32 s23, $0x7FC0  }
0x19: {  	[tilespmem:s1+$0x4F00] =	vst v0;
	s24 =	sadd.s32 $0x10, s24;
	s1 =	smov.u32 s23;
	s23 =	sadd.s32 $0x40, s23  }
.Ltmp0:
0x1a: {  	(pc) =	sbr.rel @p0 .LBB2_2-.Ltmp0, $4  }
0x1b: {  	_ = 	snop  }
0x1c: {  	s1 =	sand.u32 $0x7F00, s1  }
0x1d: {  	s6 =	sand.u32 $0x30, s24;
	s1 =	sshrl.u32 s1, $0x2  }
0x1e: {  	s1 =	sor.u32 s6, s1  }
0x1f: {  	[tilespmem:s1+$0x4F00] =	vst v0  }
0x20: {  	[spmem:s5] =	stream.linear.scatter [tilespmem:s16], [sflag:$0xD], $0x2000, $0x38;
	[tilespmem:$0x1AB40] =	vst v63  }
0x21: {  	_ =	swait.ge [sflag:s17], $0x2000  }
0x22: {  	[sflag:s17] =	ssyncset.done $0x0  }
0x23: {  	s7 =	rddreg [dreg:$0x3];
	[sflag:s17] =	ssyncadd.s32 $0xFFFFE000  }
0x24: {  	[spmem:s7] =	stream.linear.scatter [tilespmem:s16], [sflag:$0xD], $0x2000, $0x38;
	[tilespmem:$0x1AB40] =	vst v63  }
0x25: {  	_ =	swait.ge [sflag:s17], $0x2000  }
0x26: {  	[sflag:s17] =	ssyncset.done $0x0  }
0x27: {  	s8 =	rddreg [dreg:$0x4];
	[sflag:s17] =	ssyncadd.s32 $0xFFFFE000  }
0x28: {  	[spmem:s8] =	stream.linear.scatter [tilespmem:s16], [sflag:$0xD], $0x2000, $0x38;
	[tilespmem:$0x1AB40] =	vst v63  }
0x29: {  	_ =	swait.ge [sflag:s17], $0x2000  }
0x2a: {  	[sflag:s17] =	ssyncset.done $0x0  }
0x2b: {  	s9 =	rddreg [dreg:$0x5];
	[sflag:s17] =	ssyncadd.s32 $0xFFFFE000  }
0x2c: {  	[spmem:s9] =	stream.linear.scatter [tilespmem:s16], [sflag:$0xD], $0x2000, $0x38;
	[tilespmem:$0x1AB40] =	vst v63  }
0x2d: {  	_ =	swait.ge [sflag:s17], $0x2000  }
0x2e: {  	[sflag:s17] =	ssyncset.done $0x0  }
0x2f: {  	s10 =	rddreg [dreg:$0x6];
	[sflag:s17] =	ssyncadd.s32 $0xFFFFE000  }
0x30: {  	[spmem:s10] =	stream.linear.scatter [tilespmem:s16], [sflag:$0xD], $0x1C40, $0x38;
	[tilespmem:$0x1AB40] =	vst v63  }
0x31: {  	_ =	swait.ge [sflag:s17], $0x1C40  }
0x32: {  	[sflag:s17] =	ssyncset.done $0x0  }
0x33: {  	[sflag:s17] =	ssyncadd.s32 $0xFFFFE3C0  }
0x34: {  	[bflag:$0x0] =	sbarrier.arrive $0xFFFF  }
0x35: {  	s23 =	rddreg [dreg:$0x7]  }
0x36: {  	[tilespmem:s3], [sflag:$0xD] =	stream.linear.gather [hbm4b:s23+s3], $0x2700, $0x38;
	[tilespmem:$0x1AB40] =	vst v63  }
0x37: {  	_ =	swait.ge [sflag:s17], $0x2700  }
0x38: {  	[sflag:s17] =	ssyncset.done $0x0  }
0x39: {  	s24 =	simm.s32 $0x2780;
	[sflag:s17] =	ssyncadd.s32 $0xFFFFD900  }
0x3a: {  	[tilespmem:s24], [sflag:$0xD] =	stream.linear.gather [hbm4b:s11+s3], $0x2700, $0x38;
	[tilespmem:$0x1AB40] =	vst v63  }
0x3b: {  	_ =	swait.ge [sflag:s17], $0x2700  }
0x3c: {  	s25 =	sld [smem:$0x7FD];
	_ =	sdelay $0x2  }
0x3d: {  	[sflag:s17] =	ssyncset.done $0x0;
	p0 =	seq.s32 s25, $0x1  }
0x3e: {  	[sflag:s17] =	ssyncadd.s32 $0xFFFFD900;
	s1 =	simm.s32 @!p0 $0x0;
	s6 =	simm.s32 @!p0 $0x2700  }
0x3f: {  	[tilespmem:s6], [sflag:$0xD] =	stream.linear.gather @!p0 [hbm4b:s12+s1], $0x80, $0x38;
	[tilespmem:$0x1AB40] =	vst v63  }
0x40: {  	s6 =	simm.s32 @!p0 $0xD  }
0x41: {  	_ =	swait.ge @!p0 [sflag:s6], $0x80  }
0x42: {  	[sflag:s6] =	ssyncset.done @!p0 $0x0  }
0x43: {  	s23 =	simm.s32 @!p0 $0x4E80;
	[sflag:s6] =	ssyncadd.s32 @!p0 $0xFFFFFF80  }
0x44: {  	[tilespmem:s23], [sflag:$0xD] =	stream.linear.gather @!p0 [hbm4b:s13+s1], $0x80, $0x38;
	[tilespmem:$0x1AB40] =	vst v63  }
0x45: {  	_ =	swait.ge @!p0 [sflag:s6], $0x80  }
0x46: {  	[sflag:s6] =	ssyncset.done @!p0 $0x0  }
0x47: {  	s26 =	simm.s32 $0x0;
	[sflag:s6] =	ssyncadd.s32 @!p0 $0xFFFFFF80  }
0x48: {  	[tilespmem:s16], [sflag:$0x1] =	stream.indirect.gather [hbm4b:s4+s19], $0x40, s26, s19, $0xb8;
	[tilespmem:$0x1AB40] =	vst v63  }
0x49: {  	s6 =	simm.s32 $0x6F00  }
0x4a: {  	[tilespmem:s6], [sflag:$0x2] =	stream.indirect.gather [hbm4b:s4+s19], $0x40, s19, s19, $0xb8;
	[tilespmem:$0x1AB40] =	vst v63  }
0x4b: {  	s7 =	simm.s32 $0x100;
	s8 =	simm.s32 $0x8F00  }
0x4c: {  	[tilespmem:s8], [sflag:$0x3] =	stream.indirect.gather [hbm4b:s4+s19], $0x40, s7, s19, $0xb8;
	[tilespmem:$0x1AB40] =	vst v63  }
0x4d: {  	s9 =	simm.s32 $0x180;
	s10 =	simm.s32 $0xAF00  }
0x4e: {  	[tilespmem:s10], [sflag:$0x4] =	stream.indirect.gather [hbm4b:s4+s19], $0x40, s9, s19, $0xb8;
	[tilespmem:$0x1AB40] =	vst v63  }
0x4f: {  	s24 =	simm.s32 $0xCF00;
	s23 =	simm.s32 $0x200  }
0x50: {  	[tilespmem:s24], [sflag:$0x5] =	stream.indirect.gather [hbm4b:s4+s19], $0x40, s23, s19, $0xb8;
	[tilespmem:$0x1AB40] =	vst v63  }
0x51: {  	p1 =	por $0x1, $0x1;
	s23 =	simm.s32 @!p0 $0x4F  }
0x52: {  	s25 =	simm.s32 $0x280;
	s26 =	simm.s32 $0xEF00;
	s23 =	simm.s32 @p0 $0x4E  }
0x53: {  	[tilespmem:s26], [sflag:$0x6] =	stream.indirect.gather [hbm4b:s4+s19], $0x40, s25, s19, $0xb8;
	[tilespmem:$0x1AB40] =	vst v63  }
0x54: {  	p0 =	sle.u32 @!p1 s23, $0x3  }
0x55: {  	p0 =	por p0, p1  }
0x56: {  	s1 =	simm.s32 @!p0 $0xA  }
0x57: {  	_ =	swait.ge @!p0 [sflag:s1], $0x2000  }
0x58: {  	p2 =	sle.u32 s23, $0x0;
	s6 =	simm.s32 @!p0 $0x180;
	[sflag:s1] =	ssyncset.done @!p0 $0x0  }
0x59: {  	s24 =	simm.s32 @!p0 $0xAF00;
	[sflag:s1] =	ssyncadd.s32 @!p0 $0xFFFFE000;
	s1 =	simm.s32 @!p0 $0x80  }
0x5a: {  	[tilespmem:s24], [sflag:$0x4] =	stream.indirect.gather @!p0 [hbm4b:s4+s1], $0x40, s6, s1, $0xb8;
	[tilespmem:$0x1AB40] =	vst v63  }
0x5b: {  	s1 =	simm.s32 @!p2 $0x1  }
0x5c: {  	s25 =	simm.s32 @!p2 $0x80;
	p0 =	sle.u32 @!p1 s23, $0x4;
	_ =	swait.ge @!p2 [sflag:s1], $0x2000  }
0x5d: {  	s6 =	simm.s32 @!p2 $0x4F00;
	p0 =	por p0, p1;
	[sflag:s1] =	ssyncset.done @!p2 $0x0  }
0x5e: {  	s24 =	simm.s32 @!p2 $0x2780;
	[sflag:s1] =	ssyncadd.s32 @!p2 $0xFFFFE000;
	s1 =	simm.s32 @!p0 $0xB  }
0x5f: {  	[spmem:s2] =	stream.indirect.scatter.add.f32 @!p2 [tilespmem:s6], [sflag:$0x7], $0x40, s24, s25, $0xb8;
	[tilespmem:$0x1AB40] =	vst v63  }
0x60: {  	s6 =	simm.s32 @!p0 $0xCF00;
	_ =	swait.ge @!p0 [sflag:s1], $0x2000  }
0x61: {  	s24 =	simm.s32 @!p0 $0x200;
	p2 =	sle.u32 s23, $0x1;
	[sflag:s1] =	ssyncset.done @!p0 $0x0  }
0x62: {  	s25 =	simm.s32 @!p0 $0x80;
	[sflag:s1] =	ssyncadd.s32 @!p0 $0xFFFFE000;
	s1 =	simm.s32 @!p2 $0x2  }
0x63: {  	[tilespmem:s6], [sflag:$0x5] =	stream.indirect.gather @!p0 [hbm4b:s4+s25], $0x40, s24, s25, $0xb8;
	[tilespmem:$0x1AB40] =	vst v63  }
0x64: {  	p0 =	sle.u32 @!p1 s23, $0x5;
	s6 =	simm.s32 @!p2 $0x2800;
	_ =	swait.ge @!p2 [sflag:s1], $0x2000  }
0x65: {  	s24 =	simm.s32 @!p2 $0x6F00;
	p0 =	por p0, p1;
	[sflag:s1] =	ssyncset.done @!p2 $0x0  }
0x66: {  	s25 =	simm.s32 @!p2 $0x80;
	[sflag:s1] =	ssyncadd.s32 @!p2 $0xFFFFE000;
	s1 =	simm.s32 @!p0 $0xC  }
0x67: {  	[spmem:s2] =	stream.indirect.scatter.add.f32 @!p2 [tilespmem:s24], [sflag:$0x8], $0x40, s6, s25, $0xb8;
	[tilespmem:$0x1AB40] =	vst v63  }
0x68: {  	_ =	swait.ge @!p0 [sflag:s1], $0x2000  }
0x69: {  	s6 =	simm.s32 @!p0 $0xEF00;
	[sflag:s1] =	ssyncset.done @!p0 $0x0  }
0x6a: {  	s24 =	simm.s32 @!p0 $0x280;
	s25 =	simm.s32 @!p0 $0x80;
	[sflag:s1] =	ssyncadd.s32 @!p0 $0xFFFFE000  }
0x6b: {  	[tilespmem:s6], [sflag:$0x6] =	stream.indirect.gather @!p0 [hbm4b:s4+s25], $0x40, s24, s25, $0xb8;
	[tilespmem:$0x1AB40] =	vst v63  }
0x6c: {  	p0 =	sle.u32 s23, $0x2  }
0x6d: {  	s1 =	simm.s32 @!p0 $0x3  }
0x6e: {  	_ =	swait.ge @!p0 [sflag:s1], $0x2000  }
0x6f: {  	s6 =	simm.s32 @!p0 $0x2880;
	[sflag:s1] =	ssyncset.done @!p0 $0x0  }
0x70: {  	s24 =	simm.s32 @!p0 $0x8F00;
	s25 =	simm.s32 @!p0 $0x80;
	[sflag:s1] =	ssyncadd.s32 @!p0 $0xFFFFE000  }
0x71: {  	[spmem:s2] =	stream.indirect.scatter.add.f32 @!p0 [tilespmem:s24], [sflag:$0x9], $0x40, s6, s25, $0xb8;
	[tilespmem:$0x1AB40] =	vst v63  }
0x72: {  	p0 =	sle.u32 s23, $0x6  }
0x73: {  	s1 =	simm.s32 @!p0 $0x7  }
0x74: {  	_ =	swait.ge @!p0 [sflag:s1], $0x2000  }
0x75: {  	s6 =	simm.s32 @!p0 $0x300;
	[sflag:s1] =	ssyncset.done @!p0 $0x0  }
0x76: {  	s24 =	simm.s32 @!p0 $0x4F00;
	s25 =	simm.s32 @!p0 $0x80;
	[sflag:s1] =	ssyncadd.s32 @!p0 $0xFFFFE000  }
0x77: {  	[tilespmem:s24], [sflag:$0x1] =	stream.indirect.gather @!p0 [hbm4b:s4+s25], $0x40, s6, s25, $0xb8;
	[tilespmem:$0x1AB40] =	vst v63  }
0x78: {  	p0 =	sle.u32 s23, $0x3  }
0x79: {  	s1 =	simm.s32 @!p0 $0x4  }
0x7a: {  	_ =	swait.ge @!p0 [sflag:s1], $0x2000  }
0x7b: {  	s6 =	simm.s32 @!p0 $0xAF00;
	[sflag:s1] =	ssyncset.done @!p0 $0x0  }
0x7c: {  	s24 =	simm.s32 @!p0 $0x2900;
	s25 =	simm.s32 @!p0 $0x80;
	[sflag:s1] =	ssyncadd.s32 @!p0 $0xFFFFE000  }
0x7d: {  	[spmem:s2] =	stream.indirect.scatter.add.f32 @!p0 [tilespmem:s6], [sflag:$0xA], $0x40, s24, s25, $0xb8;
	[tilespmem:$0x1AB40] =	vst v63  }
0x7e: {  	p0 =	sle.u32 s23, $0x7  }
0x7f: {  	s1 =	simm.s32 @!p0 $0x8  }
0x80: {  	_ =	swait.ge @!p0 [sflag:s1], $0x2000  }
0x81: {  	s6 =	simm.s32 @!p0 $0x380;
	[sflag:s1] =	ssyncset.done @!p0 $0x0  }
0x82: {  	s24 =	simm.s32 @!p0 $0x6F00;
	s25 =	simm.s32 @!p0 $0x80;
	[sflag:s1] =	ssyncadd.s32 @!p0 $0xFFFFE000  }
0x83: {  	[tilespmem:s24], [sflag:$0x2] =	stream.indirect.gather @!p0 [hbm4b:s4+s25], $0x40, s6, s25, $0xb8;
	[tilespmem:$0x1AB40] =	vst v63  }
0x84: {  	p0 =	sle.u32 s23, $0x4  }
0x85: {  	s1 =	simm.s32 @!p0 $0x5  }
0x86: {  	_ =	swait.ge @!p0 [sflag:s1], $0x2000  }
0x87: {  	s6 =	simm.s32 @!p0 $0xCF00;
	[sflag:s1] =	ssyncset.done @!p0 $0x0  }
0x88: {  	s24 =	simm.s32 @!p0 $0x2980;
	s25 =	simm.s32 @!p0 $0x80;
	[sflag:s1] =	ssyncadd.s32 @!p0 $0xFFFFE000  }
0x89: {  	[spmem:s2] =	stream.indirect.scatter.add.f32 @!p0 [tilespmem:s6], [sflag:$0xB], $0x40, s24, s25, $0xb8;
	[tilespmem:$0x1AB40] =	vst v63  }
0x8a: {  	p0 =	sle.u32 s23, $0x8  }
0x8b: {  	p2 =	sle.u32 s23, $0x5;
	s1 =	simm.s32 @!p0 $0x9  }
0x8c: {  	s28 =	simm.s32 @!p2 $0x6;
	_ =	swait.ge @!p0 [sflag:s1], $0x2000  }
0x8d: {  	s29 =	simm.s32 @!p2 $0x2A00;
	s6 =	simm.s32 @!p0 $0x80;
	[sflag:s1] =	ssyncset.done @!p0 $0x0  }
0x8e: {  	s24 =	simm.s32 @!p0 $0x400;
	s25 =	simm.s32 @!p0 $0x8F00;
	[sflag:s1] =	ssyncadd.s32 @!p0 $0xFFFFE000  }
0x8f: {  	[tilespmem:s25], [sflag:$0x3] =	stream.indirect.gather @!p0 [hbm4b:s4+s6], $0x40, s24, s6, $0xb8;
	[tilespmem:$0x1AB40] =	vst v63  }
0x90: {  	s1 =	simm.s32 @!p2 $0x80;
	s24 =	simm.s32 $0x8;
	_ =	swait.ge @!p2 [sflag:s28], $0x2000  }
0x91: {  	s25 =	simm.s32 $0xC00;
	s6 =	simm.s32 @!p2 $0xEF00;
	[sflag:s28] =	ssyncset.done @!p2 $0x0  }
.LBB2_4:
0x92: {  	[sflag:s28] =	ssyncadd.s32 @!p2 $0xFFFFE000;
	s26 =	smov.u32 s25;
	s25 =	sadd.s32 $0xC00, s25  }
0x93: {  	[spmem:s2] =	stream.indirect.scatter.add.f32 @!p2 [tilespmem:s6], [sflag:$0xC], $0x40, s29, s1, $0xb8;
	[tilespmem:$0x1AB40] =	vst v63  }
0x94: {  	p0 =	sne.s32 s25, $0xA800  }
0x95: {  	s24 =	sadd.s32 $0x6, s24;
	s1 =	simm.s32 @!p0 $0x0  }
0x96: {  	s28 =	sadd.s32 $0xFFFFFFFD, s24;
	s1 =	simm.s32 @p0 $0x1  }
0x97: {  	p5 =	seq.s32 s26, $0x0;
	[smem:$0x7FC] =	sst s1;
	s1 =	sadd.s32 $0xFFFFFFFB, s24  }
0x98: {  	s6 =	sadd.s32 $0xFFFFFFFC, s24;
	s7 =	sadd.s32 $0xFFFFFFF8, s24;
	p0 =	sge.u32 @!p5 s1, s23  }
0x99: {  	p6 =	sge.u32 @!p5 s6, s23;
	p4 =	sge.u32 @!p5 s28, s23;
	p1 =	por p0, p5  }
0x9a: {  	p2 =	sge.u32 s6, s23;
	p3 =	sge.u32 s1, s23;
	s1 =	simm.s32 @!p1 $0xA  }
0x9b: {  	p4 =	por p4, p5;
	p0 =	sge.u32 s7, s23;
	_ =	swait.ge @!p1 [sflag:s1], $0x2000  }
0x9c: {  	s6 =	sshra.s32 @!p1 s26, $0x2;
	s8 =	simm.s32 @!p1 $0xAF00;
	[sflag:s1] =	ssyncset.done @!p1 $0x0  }
0x9d: {  	s6 =	sadd.s32 @!p1 $0x180, s6;
	[sflag:s1] =	ssyncadd.s32 @!p1 $0xFFFFE000;
	s1 =	simm.s32 @!p1 $0x80  }
0x9e: {  	[tilespmem:s8], [sflag:$0x4] =	stream.indirect.gather @!p1 [hbm4b:s4+s1], $0x40, s6, s1, $0xb8;
	[tilespmem:$0x1AB40] =	vst v63  }
0x9f: {  	p5 =	por p6, p5;
	s7 =	simm.s32 @!p0 $0x4F00;
	s1 =	simm.s32 @!p0 $0x1  }
0xa0: {  	s9 =	simm.s32 @!p5 $0xCF00;
	s10 =	sshra.s32 @!p5 s26, $0x2;
	_ =	swait.ge @!p0 [sflag:s1], $0x2000  }
0xa1: {  	s6 =	sshra.s32 @!p0 s26, $0x2;
	s8 =	simm.s32 @!p0 $0x80;
	[sflag:s1] =	ssyncset.done @!p0 $0x0  }
0xa2: {  	s6 =	sadd.s32 @!p0 $0x2780, s6;
	[sflag:s1] =	ssyncadd.s32 @!p0 $0xFFFFE000;
	s1 =	simm.s32 @!p5 $0xB  }
0xa3: {  	[spmem:s2] =	stream.indirect.scatter.add.f32 @!p0 [tilespmem:s7], [sflag:$0x7], $0x40, s6, s8, $0xb8;
	[tilespmem:$0x1AB40] =	vst v63  }
0xa4: {  	s6 =	sadd.s32 $0xFFFFFFF9, s24;
	s7 =	sadd.s32 @!p5 $0x200, s10;
	_ =	swait.ge @!p5 [sflag:s1], $0x2000  }
0xa5: {  	s8 =	simm.s32 @!p5 $0x80;
	p0 =	sge.u32 s6, s23;
	[sflag:s1] =	ssyncset.done @!p5 $0x0  }
0xa6: {  	s6 =	sshra.s32 @!p0 s26, $0x2;
	[sflag:s1] =	ssyncadd.s32 @!p5 $0xFFFFE000;
	s1 =	simm.s32 @!p0 $0x2  }
0xa7: {  	[tilespmem:s9], [sflag:$0x5] =	stream.indirect.gather @!p5 [hbm4b:s4+s8], $0x40, s7, s8, $0xb8;
	[tilespmem:$0x1AB40] =	vst v63  }
0xa8: {  	s10 =	sshra.s32 @!p4 s26, $0x2;
	s6 =	sadd.s32 @!p0 $0x2800, s6;
	_ =	swait.ge @!p0 [sflag:s1], $0x2000  }
0xa9: {  	s7 =	simm.s32 @!p0 $0x6F00;
	s8 =	simm.s32 @!p0 $0x80;
	[sflag:s1] =	ssyncset.done @!p0 $0x0  }
0xaa: {  	s9 =	simm.s32 @!p4 $0xEF00;
	[sflag:s1] =	ssyncadd.s32 @!p0 $0xFFFFE000;
	s1 =	simm.s32 @!p4 $0xC  }
0xab: {  	[spmem:s2] =	stream.indirect.scatter.add.f32 @!p0 [tilespmem:s7], [sflag:$0x8], $0x40, s6, s8, $0xb8;
	[tilespmem:$0x1AB40] =	vst v63  }
0xac: {  	s6 =	sadd.s32 $0xFFFFFFFA, s24;
	s7 =	sadd.s32 @!p4 $0x280, s10;
	_ =	swait.ge @!p4 [sflag:s1], $0x2000  }
0xad: {  	s8 =	simm.s32 @!p4 $0x80;
	p0 =	sge.u32 s6, s23;
	[sflag:s1] =	ssyncset.done @!p4 $0x0  }
0xae: {  	s6 =	sshra.s32 @!p0 s26, $0x2;
	[sflag:s1] =	ssyncadd.s32 @!p4 $0xFFFFE000;
	s1 =	simm.s32 @!p0 $0x3  }
0xaf: {  	[tilespmem:s9], [sflag:$0x6] =	stream.indirect.gather @!p4 [hbm4b:s4+s8], $0x40, s7, s8, $0xb8;
	[tilespmem:$0x1AB40] =	vst v63  }
0xb0: {  	s29 =	sadd.s32 $0xFFFFFFFE, s24;
	s6 =	sadd.s32 @!p0 $0x2880, s6;
	_ =	swait.ge @!p0 [sflag:s1], $0x2000  }
0xb1: {  	s7 =	simm.s32 @!p0 $0x8F00;
	p4 =	sge.u32 s29, s23;
	[sflag:s1] =	ssyncset.done @!p0 $0x0  }
0xb2: {  	s8 =	simm.s32 @!p0 $0x80;
	[sflag:s1] =	ssyncadd.s32 @!p0 $0xFFFFE000;
	s1 =	simm.s32 @!p4 $0x7  }
0xb3: {  	[spmem:s2] =	stream.indirect.scatter.add.f32 @!p0 [tilespmem:s7], [sflag:$0x9], $0x40, s6, s8, $0xb8;
	[tilespmem:$0x1AB40] =	vst v63  }
0xb4: {  	s10 =	sshra.s32 @!p3 s26, $0x2;
	s9 =	sshra.s32 @!p4 s26, $0x2;
	_ =	swait.ge @!p4 [sflag:s1], $0x2000  }
0xb5: {  	s6 =	sadd.s32 @!p4 $0x300, s9;
	s7 =	simm.s32 @!p4 $0x4F00;
	[sflag:s1] =	ssyncset.done @!p4 $0x0  }
0xb6: {  	s8 =	simm.s32 @!p4 $0x80;
	[sflag:s1] =	ssyncadd.s32 @!p4 $0xFFFFE000;
	s1 =	simm.s32 @!p3 $0x4  }
0xb7: {  	[tilespmem:s7], [sflag:$0x1] =	stream.indirect.gather @!p4 [hbm4b:s4+s8], $0x40, s6, s8, $0xb8;
	[tilespmem:$0x1AB40] =	vst v63  }
0xb8: {  	s6 =	sadd.s32 @!p3 $0x2900, s10;
	s10 =	sadd.s32 $0xFFFFFFFF, s24;
	_ =	swait.ge @!p3 [sflag:s1], $0x2000  }
0xb9: {  	s9 =	simm.s32 @!p3 $0xAF00;
	p0 =	sge.u32 s10, s23;
	[sflag:s1] =	ssyncset.done @!p3 $0x0  }
0xba: {  	s8 =	simm.s32 @!p3 $0x80;
	[sflag:s1] =	ssyncadd.s32 @!p3 $0xFFFFE000;
	s1 =	simm.s32 @!p0 $0x8  }
0xbb: {  	[spmem:s2] =	stream.indirect.scatter.add.f32 @!p3 [tilespmem:s9], [sflag:$0xA], $0x40, s6, s8, $0xb8;
	[tilespmem:$0x1AB40] =	vst v63  }
0xbc: {  	s7 =	sshra.s32 @!p0 s26, $0x2;
	_ =	swait.ge @!p0 [sflag:s1], $0x2000  }
0xbd: {  	s6 =	sadd.s32 @!p0 $0x380, s7;
	s7 =	simm.s32 @!p0 $0x6F00;
	[sflag:s1] =	ssyncset.done @!p0 $0x0  }
0xbe: {  	s8 =	simm.s32 @!p0 $0x80;
	[sflag:s1] =	ssyncadd.s32 @!p0 $0xFFFFE000;
	s1 =	simm.s32 @!p2 $0x5  }
0xbf: {  	[tilespmem:s7], [sflag:$0x2] =	stream.indirect.gather @!p0 [hbm4b:s4+s8], $0x40, s6, s8, $0xb8;
	[tilespmem:$0x1AB40] =	vst v63  }
0xc0: {  	s10 =	sshra.s32 @!p2 s26, $0x2;
	s9 =	simm.s32 @!p2 $0xCF00;
	_ =	swait.ge @!p2 [sflag:s1], $0x2000  }
0xc1: {  	p3 =	sge.u32 s24, s23;
	s6 =	sadd.s32 @!p2 $0x2980, s10;
	[sflag:s1] =	ssyncset.done @!p2 $0x0  }
0xc2: {  	s7 =	simm.s32 @!p2 $0x80;
	[sflag:s1] =	ssyncadd.s32 @!p2 $0xFFFFE000;
	s1 =	simm.s32 @!p3 $0x9  }
0xc3: {  	[spmem:s2] =	stream.indirect.scatter.add.f32 @!p2 [tilespmem:s9], [sflag:$0xB], $0x40, s6, s7, $0xb8;
	[tilespmem:$0x1AB40] =	vst v63  }
0xc4: {  	s8 =	simm.s32 @!p3 $0x80;
	s10 =	sshra.s32 @!p3 s26, $0x2;
	_ =	swait.ge @!p3 [sflag:s1], $0x2000  }
0xc5: {  	s6 =	sadd.s32 @!p3 $0x400, s10;
	p2 =	sge.u32 s28, s23;
	[sflag:s1] =	ssyncset.done @!p3 $0x0  }
0xc6: {  	s7 =	simm.s32 @!p3 $0x8F00;
	s28 =	simm.s32 @!p2 $0x6;
	[sflag:s1] =	ssyncadd.s32 @!p3 $0xFFFFE000  }
0xc7: {  	[tilespmem:s7], [sflag:$0x3] =	stream.indirect.gather @!p3 [hbm4b:s4+s8], $0x40, s6, s8, $0xb8;
	[tilespmem:$0x1AB40] =	vst v63  }
0xc8: {  	_ =	swait.ge @!p2 [sflag:s28], $0x2000  }
0xc9: {  	s1 =	sshra.s32 @!p2 s26, $0x2;
	s26 =	sld [smem:$0x7FC];
	_ =	sdelay $0x2  }
0xca: {  	p0 =	seq.s32 s26, $0x1  }
.Ltmp1:
0xcb: {  	_ = 	snop;
	(pc) =	sbr.rel @p0 .LBB2_4-.Ltmp1, $3  }
0xcc: {  	_ =	sdelay $0x1  }
0xcd: {  	s29 =	sadd.s32 @!p2 $0x2A00, s1  }
0xce: {  	s1 =	simm.s32 @!p2 $0x80;
	s6 =	simm.s32 @!p2 $0xEF00;
	[sflag:s28] =	ssyncset.done @!p2 $0x0  }
0xcf: {  	[sflag:s28] =	ssyncadd.s32 @!p2 $0xFFFFE000  }
0xd0: {  	[spmem:s2] =	stream.indirect.scatter.add.f32 @!p2 [tilespmem:s6], [sflag:$0xC], $0x40, s29, s1, $0xb8;
	[tilespmem:$0x1AB40] =	vst v63  }
0xd1: {  	_ =	swait.ge [sflag:s30], $0x2000  }
0xd2: {  	[sflag:s30] =	ssyncset.done $0x0  }
0xd3: {  	[sflag:s30] =	ssyncadd.s32 $0xFFFFE000  }
0xd4: {  	_ =	swait.ge [sflag:s31], $0x2000  }
0xd5: {  	[sflag:s31] =	ssyncset.done $0x0  }
0xd6: {  	[sflag:s31] =	ssyncadd.s32 $0xFFFFE000  }
0xd7: {  	_ =	swait.ge [sflag:s0], $0x2000  }
0xd8: {  	[sflag:s0] =	ssyncset.done $0x0  }
0xd9: {  	[sflag:s0] =	ssyncadd.s32 $0xFFFFE000  }
0xda: {  	_ =	swait.ge [sflag:s18], $0x2000  }
0xdb: {  	[sflag:s18] =	ssyncset.done $0x0  }
0xdc: {  	[sflag:s18] =	ssyncadd.s32 $0xFFFFE000  }
0xdd: {  	_ =	swait.ge [sflag:s20], $0x2000  }
0xde: {  	[sflag:s20] =	ssyncset.done $0x0  }
0xdf: {  	[sflag:s20] =	ssyncadd.s32 $0xFFFFE000  }
0xe0: {  	s28 =	stileid.u32;
	_ =	swait.ge [sflag:s21], $0x2000  }
0xe1: {  	s22 =	sadd.s32 $0x1, s22;
	s1 =	sshll.u32 s28, $0x6;
	[sflag:s21] =	ssyncset.done $0x0  }
0xe2: {  	s29 =	sshrl.u32 s5, $0x3;
	p0 =	sne.s32 s22, s15;
	[sflag:s21] =	ssyncadd.s32 $0xFFFFE000  }
.Ltmp2:
0xe3: {  	s1 =	sor.u32 $0x1C0D, s1;
	[bflag:$0x0] =	sbarrier.arrive $0xFFFF;
	(pc) =	sbr.rel @p0 .LBB2_1-.Ltmp2, $4  }
0xe4: {  	[hbm:s14], [sflag:s1] =	dma.local [spmem:s29], $0x1388  }
0xe5: {  	_ =	swait.ge [sflag:s17], $0x1388  }
0xe6: {  	[sflag:s17] =	ssyncset.done $0x0  }
0xe7: {  	[sflag:s17] =	ssyncadd.s32 $0xFFFFEC78  }
0xe8: {  	_ =	sfence.sel $0x180000  }
0xe9: {  	[bflag:$0x0] =	sbarrier.arrive $0xFFFF  }
0xea: {  	_ =	strace $0x9000004A  }
0xeb: {  	s0 =	stileid.u32;
	[bflag:$0x2] =	sbarrier.arrive $0xFFFF  }
0xec: {  	p0 =	sne.s32 s0, $0x0;
	s0 =	rddreg [dreg:$0x2]  }
0xed: {  	s0 =	sadd.s32 @!p0 $0x100000, s0  }
0xee: {  	[sflag:s0] =	ssyncadd.tile.s32 @!p0 $0x1;
	_ =	shalt  }
.Lfunc_end2:
_tile_overlayer_lowered:
.L_overlay_start_2:
0xef: {  	(tag) =	ssettag $0x2  }
0xf0: {  	s0 =	rddreg [dreg:$0x0];
	s2 =	stileid.u32  }
0xf1: {  	s1 =	rddreg [dreg:$0x1];
	p0 =	sne.s32 s2, $0x0  }
0xf2: {  	s3 =	rddreg [dreg:$0x2];
	[bflag:$0x3] =	sbarrier.arrive $0xFFFF;
	s2 =	simm.s32 @!p0 $0x1C0D  }
0xf3: {  	[timem:s3], [sflag:s2] =	dma.local @!p0 [hbm:s0], s1  }
0xf4: {  	s0 =	simm.s32 @!p0 $0xD  }
0xf5: {  	_ =	swait.ge @!p0 [sflag:s0], s1  }
0xf6: {  	s1 =	ssub.s32 @!p0 $0x0, s1;
	[sflag:s0] =	ssyncset.done @!p0 $0x0  }
0xf7: {  	[sflag:s0] =	ssyncadd.s32 @!p0 s1  }
0xf8: {  	[bflag:$0x3] =	sbarrier.arrive $0xFFFF  }
0xf9: {  	_ =	shalt  }

// kernel: kernel.14.cloned.1.call-start
scs
__scs_entry_jumppad:
0x0: {  	(pc) =	sbr.rel $0x88, $3  }
0x1: {  	(tag) =	ssettag $0x0;
	lr =	simm.s32 $0x1  }
0x2: {  	[smem:$0x3F90] =	sst lr;
	_ =	strace $0xD0000000  }
0x3: {  	_ = 	snop  }
0x4: {  	_ = 	snop  }
0x5: {  	_ = 	snop  }
0x6: {  	_ = 	snop  }
0x7: {  	_ = 	snop  }
__scs_overlays_trampoline_lowered:
0x8: {  	[smem:$0x3F9F] =	sst s0  }
0x9: {  	[smem:$0x3FA0] =	sst s1  }
0xa: {  	[smem:$0x3FA1] =	sst s2  }
0xb: {  	[smem:$0x3FA2] =	sst s3  }
0xc: {  	[smem:$0x3FA3] =	sst s4  }
0xd: {  	[smem:$0x3FA4] =	sst s5  }
0xe: {  	[smem:$0x3FA5] =	sst s6  }
0xf: {  	[smem:$0x3FA6] =	sst s7  }
0x10: {  	[smem:$0x3FA7] =	sst s8  }
0x11: {  	[smem:$0x3FA8] =	sst s9;
	s0 =	simm.s32 @!p0 $0x0  }
0x12: {  	s1 =	sld [smem:$0x3F8E];
	s0 =	simm.s32 @p0 $0x1  }
0x13: {  	[smem:$0x3FA9] =	sst s0;
	s0 =	simm.s32 @!p1 $0x0  }
0x14: {  	s2 =	sld [smem:$0x3F8D];
	s0 =	simm.s32 @p1 $0x1  }
0x15: {  	[smem:$0x3FAA] =	sst s0;
	s0 =	simm.s32 @!p2 $0x0  }
0x16: {  	s3 =	sld [smem:$0x3FDB];
	s0 =	simm.s32 @p2 $0x1  }
0x17: {  	s4 =	simm.s32 $0x1BF5;
	[smem:$0x3FAC] =	sst s0  }
0x18: {  	s0 =	sld [smem:$0x3F8F];
	_ =	swait.ge [sflag:s4], $0x0  }
0x19: {  	s7 =	sld [smem:$0x3F90]  }
0x1a: {  	s8 =	sadd.s32 $0xFFFFE003, lr  }
0x1b: {  	s9 =	sadd.s32 $0xFFFFFEF7, lr;
	s5 =	simm.s32 $0xFFFFFFFF;
	p2 =	slt.u32 s8, $0xFFFFF086  }
0x1c: {  	p1 =	slt.u32 s9, $0xF7A;
	s5 =	simm.s32 @!p2 $0x0  }
0x1d: {  	s5 =	simm.s32 @p1 $0x1;
	p0 =	seq.s32 s7, s2  }
0x1e: {  	s7 =	smul.u32 @!p0 $0xF7A, s2;
	p2 =	seq.s32 @!p0 s5, $0x0  }
0x1f: {  	s9 =	smul.u32 $0xF7A, s1;
	s8 =	simm.s32 @!p0 $0x1BF5;
	p2 =	por !p2, p0  }
0x20: {  	[sflag:s8] =	ssyncset.s32 @!p0 $0xFFFFF086;
	s6 =	sadd.s32 @!p0 s3, s7;
	s7 =	simm.s32 @!p0 $0x108  }
0x21: {  	s3 =	sadd.s32 s3, s9;
	s6 =	sadd.s32 @!p0 $0x88, s6;
	s7 =	simm.s32 @p2 $0x1082  }
0x22: {  	[simem:s7], [sflag:s8] =	dma.local @!p0 [hbm:s6], $0xF7A  }
0x23: {  	s9 =	sor.u32 $0xD0000000, s2;
	s6 =	simm.s32 $0x108;
	_ =	swait.ge @!p0 [sflag:s8], $0x0  }
0x24: {  	s3 =	sadd.s32 $0x88, s3;
	s6 =	simm.s32 @!p1 $0x1082;
	[sflag:s4] =	ssyncset.s32 $0xFFFFF086  }
0x25: {  	[simem:s6], [sflag:s4] =	dma.local [hbm:s3], $0xF7A  }
0x26: {  	[smem:$0x3F90] =	sst s1;
	(tag) =	ssettag s2;
	_ =	strace s9  }
0x27: {  	s1 =	sld [smem:$0x3FA0]  }
0x28: {  	s2 =	sld [smem:$0x3FA1]  }
0x29: {  	s4 =	sld [smem:$0x3FA3]  }
0x2a: {  	p0 =	seq.s32 s5, $0x0;
	s5 =	sld [smem:$0x3FA4]  }
0x2b: {  	s6 =	sld [smem:$0x3FA5]  }
0x2c: {  	s7 =	sld [smem:$0x3FA6]  }
0x2d: {  	s3 =	simm.s32 $0x108;
	s8 =	sld [smem:$0x3FA7]  }
0x2e: {  	s3 =	simm.s32 @!p0 $0x1082;
	s9 =	sld [smem:$0x3FA8]  }
0x2f: {  	lr =	sadd.s32 s0, s3;
	s0 =	sld [smem:$0x3F9F]  }
0x30: {  	s3 =	sld [smem:$0x3FA2]  }
0x31: {  	[smem:$0x3FAB] =	sst s10  }
0x32: {  	s10 =	sld [smem:$0x3FA9];
	_ =	sdelay $0x3  }
0x33: {  	p0 =	seq.s32 s10, $0x1;
	s10 =	sld [smem:$0x3FAB];
	_ =	sdelay $0x3  }
0x34: {  	[smem:$0x3FAB] =	sst s10  }
0x35: {  	s10 =	sld [smem:$0x3FAA];
	_ =	sdelay $0x3  }
0x36: {  	p1 =	seq.s32 s10, $0x1;
	s10 =	sld [smem:$0x3FAB];
	_ =	sdelay $0x3  }
0x37: {  	[smem:$0x3FAB] =	sst s10  }
0x38: {  	s10 =	sld [smem:$0x3FAC]  }
0x39: {  	_ = 	snop;
	(pc) =	sbr.ind lr, $3  }
0x3a: {  	_ = 	snop  }
0x3b: {  	_ = 	snop  }
0x3c: {  	p2 =	seq.s32 s10, $0x1;
	s10 =	sld [smem:$0x3FAB]  }
0x3d: {  	_ =	shalt  }
0x3e: {  	_ =	shalt  }
0x3f: {  	_ =	shalt  }
0x40: {  	_ =	shalt  }
0x41: {  	_ =	shalt  }
0x42: {  	_ =	shalt  }
0x43: {  	_ =	shalt  }
0x44: {  	_ =	shalt  }
0x45: {  	_ =	shalt  }
0x46: {  	_ =	shalt  }
0x47: {  	_ =	shalt  }
0x48: {  	_ =	shalt  }
0x49: {  	_ =	shalt  }
0x4a: {  	_ =	shalt  }
0x4b: {  	_ =	shalt  }
0x4c: {  	_ =	shalt  }
0x4d: {  	_ =	shalt  }
0x4e: {  	_ =	shalt  }
0x4f: {  	_ =	shalt  }
0x50: {  	_ =	shalt  }
0x51: {  	_ =	shalt  }
0x52: {  	_ =	shalt  }
0x53: {  	_ =	shalt  }
0x54: {  	_ =	shalt  }
0x55: {  	_ =	shalt  }
0x56: {  	_ =	shalt  }
0x57: {  	_ =	shalt  }
0x58: {  	_ =	shalt  }
0x59: {  	_ =	shalt  }
0x5a: {  	_ =	shalt  }
0x5b: {  	_ =	shalt  }
0x5c: {  	_ =	shalt  }
0x5d: {  	_ =	shalt  }
0x5e: {  	_ =	shalt  }
0x5f: {  	_ =	shalt  }
0x60: {  	_ =	shalt  }
0x61: {  	_ =	shalt  }
0x62: {  	_ =	shalt  }
0x63: {  	_ =	shalt  }
0x64: {  	_ =	shalt  }
0x65: {  	_ =	shalt  }
0x66: {  	_ =	shalt  }
0x67: {  	_ =	shalt  }
0x68: {  	_ =	shalt  }
0x69: {  	_ =	shalt  }
0x6a: {  	_ =	shalt  }
0x6b: {  	_ =	shalt  }
0x6c: {  	_ =	shalt  }
0x6d: {  	_ =	shalt  }
0x6e: {  	_ =	shalt  }
0x6f: {  	_ =	shalt  }
0x70: {  	_ =	shalt  }
0x71: {  	_ =	shalt  }
0x72: {  	_ =	shalt  }
0x73: {  	_ =	shalt  }
0x74: {  	_ =	shalt  }
0x75: {  	_ =	shalt  }
0x76: {  	_ =	shalt  }
0x77: {  	_ =	shalt  }
0x78: {  	_ =	shalt  }
0x79: {  	_ =	shalt  }
0x7a: {  	_ =	shalt  }
0x7b: {  	_ =	shalt  }
0x7c: {  	_ =	shalt  }
0x7d: {  	_ =	shalt  }
0x7e: {  	_ =	shalt  }
0x7f: {  	_ =	shalt  }
0x80: {  	_ =	shalt  }
0x81: {  	_ =	shalt  }
0x82: {  	_ =	shalt  }
0x83: {  	_ =	shalt  }
0x84: {  	_ =	shalt  }
0x85: {  	_ =	shalt  }
0x86: {  	_ =	shalt  }
0x87: {  	_ =	shalt  }
.Lfunc_end0:
.L_simem_size_0:
called_computation.2_lowered:
.L_overlay_start_0:
0x88: {  	s2 =	sld [smem:$0x3FD9]  }
0x89: {  	s3 =	sld [smem:$0x3FFE];
	_ =	sdelay $0x1  }
0x8a: {  	s1 =	srdreg.scid  }
0x8b: {  	s0 =	sand.u32 $0x1, s1  }
0x8c: {  	s16 =	sshll.u32 s0, $0xA;
	s2 =	sadd.s32 s3, s2  }
0x8d: {  	s2 =	sadd.s32 s2, s16  }
0x8e: {  	[smem:$0x3FB7] =	sst s2  }
0x8f: {  	_ = 	snop  }
0x90: {  	(tm) =	ssettm $0x1  }
0x91: {  	s17 =	sld [smem:$0x3FFB];
	_ =	sdelay $0x3  }
0x92: {  	_ =	strace s17  }
0x93: {  	s2 =	sld [smem:$0x3FFC];
	_ =	sdelay $0x3  }
0x94: {  	_ =	strace s2  }
0x95: {  	s2 =	sld [smem:$0x3FFD];
	_ =	sdelay $0x3  }
0x96: {  	_ =	strace s2  }
0x97: {  	_ =	strace $0x8FFFFFFF  }
0x98: {  	s18 =	sld [smem:$0x3FDB];
	_ =	sdelay $0x1  }
0x99: {  	s19 =	simm.s32 $_scs_section_size  }
0x9a: {  	s4 =	simm.s32 $_size__tile_overlayer_lowered;
	s5 =	simm.s32 $_tile_overlayer_lowered  }
0x9b: {  	s22 =	simm.s32 $0x1BFF;
	s21 =	sshll.u32 s5, $0x1;
	s2 =	sadd.s32 s19, s18  }
0x9c: {  	s6 =	simm.s32 $0x0;
	s20 =	sshll.u32 s4, $0x1;
	s4 =	sadd.s32 s21, s2  }
0x9d: {  	[timem:s6], [sflag:s22] =	dma.local [hbm:s4], s20  }
0x9e: {  	_ =	swait.ge [sflag:s22], s20  }
0x9f: {  	s3 =	ssub.s32 $0x0, s20;
	[sflag:s22] =	ssyncset.done $0x0  }
0xa0: {  	[sflag:s22] =	ssyncadd.s32 s3;
	_ =	sdelay $0x1  }
0xa1: {  	s23 =	simm.s32 $0x1B8B  }
0xa2: {  	_ =	swait.ge [sflag:s23], $0x1  }
0xa3: {  	[sflag:s23] =	ssyncset.done $0x0  }
0xa4: {  	s25 =	simm.s32 $0x1B8E;
	s24 =	sld [smem:$0x3FFE];
	[sflag:s23] =	ssyncadd.s32 $0xFFFFFFFF  }
0xa5: {  	s26 =	simm.s32 $execute0_lowered;
	[smem:$0x3FD2] =	sst s25  }
0xa6: {  	s4 =	sshll.u32 s26, $0x1;
	_ =	strace $0x8000004C;
	[dreg:$0x1] =	wrdreg $0xFFFFFFFF  }
0xa7: {  	s28 =	simm.s32 $_size_execute0_lowered;
	s2 =	sadd.s32 s2, s4;
	[dreg:$0x0] =	wrdreg $0x0  }
0xa8: {  	s4 =	sshll.u32 s28, $0x1;
	[dreg:$0x2] =	wrdreg s2  }
0xa9: {  	[dreg:$0x3] =	wrdreg s4  }
0xaa: {  	[dreg:$0x4] =	wrdreg $0xC0  }
0xab: {  	_ =	task [dreg:s6], $0x5FFFF  }
0xac: {  	[dreg:$0x1] =	wrdreg $0xFFFFFFFF  }
0xad: {  	[dreg:$0x0] =	wrdreg $0x60  }
0xae: {  	[dreg:$0x2] =	wrdreg s24  }
0xaf: {  	[dreg:$0x3] =	wrdreg $0x10F000  }
0xb0: {  	[dreg:$0x4] =	wrdreg $0x9  }
0xb1: {  	_ =	task.clear_ibuf [dreg:s6], $0x5FFFF;
	_ =	strace $0x9000004C  }
0xb2: {  	s29 =	simm.s32 $0x9;
	_ =	strace $0x8000004E  }
0xb3: {  	_ =	swait.ge [sflag:s29], $0x1  }
0xb4: {  	[sflag:s29] =	ssyncadd.s32 $0xFFFFFFFF  }
0xb5: {  	_ =	strace $0x9000004E  }
0xb6: {  	_ =	sfence  }
0xb7: {  	s30 =	sld [smem:$0x0];
	_ =	sdelay $0x2  }
0xb8: {  	s31 =	sshll.u32 s1, $0xD;
	s1 =	sshrl.u32 s1, $0x2  }
0xb9: {  	s3 =	sand.u32 $0x4000, s31;
	s1 =	sadd.s32 s1, s30  }
0xba: {  	s0 =	sor.u32 s3, s0;
	s1 =	sshll.u32 s1, $0x11  }
0xbb: {  	s0 =	sor.u32 s1, s0  }
0xbc: {  	s0 =	sadd.s32 $0x8F2B, s0  }
0xbd: {  	[sflag:s0] =	ssyncadd.remote.s32 $0x1  }
0xbe: {  	_ =	sfence.sel $0xFFFF  }
0xbf: {  	[dreg:$0x0] =	wrdreg $0xFFFFFFFF;
	(pc) =	sbr.abs _section_cstart, $3  }
0xc0: {  	[dreg:$0x1] =	wrdreg $0xFFFFFFFF  }
0xc1: {  	_ =	task.clear_ibuf [dreg:s6], $0x2FFFF;
	_ =	strace $0x9FFFFFFF  }
0xc2: {  	(tm) =	ssettm $0x7FFFFFFF  }
0xc3: {  	_ =	shalt  }
tec
execute0_lowered:
.L_overlay_start_1:
0x0: {  	(tag) =	ssettag $0x1  }
0x1: {  	s0 =	rddreg [dreg:$0x0]  }
0x2: {  	s2 =	rddreg [dreg:$0x1];
	s1 =	srdreg.scid  }
0x3: {  	s10 =	stileid.u32;
	s3 =	simm.s32 $0x0;
	s16 =	simm.s32 $0x4F00  }
0x4: {  	s17 =	simm.s32 $0xD;
	s19 =	simm.s32 $0x80;
	s30 =	simm.s32 $0x7  }
0x5: {  	s31 =	simm.s32 $0x8;
	s18 =	simm.s32 $0xA;
	s20 =	simm.s32 $0xB  }
0x6: {  	s21 =	simm.s32 $0xC;
	s22 =	simm.s32 $0x0;
	s1 =	sand.u32 $0x1, s1  }
0x7: {  	s5 =	smul.u32 $0x9C40, s10;
	[smem:$0x7FF] =	sst s3;
	s4 =	sadd.s32 $0x17200, s0  }
0x8: {  	s12 =	sadd.s32 $0x2400, s0;
	s7 =	smul.u32 $0x27100, s10;
	s13 =	sadd.s32 $0xC200, s0  }
0x9: {  	s24 =	sshll.u32 s10, $0x1;
	p0 =	sgt.u32 s10, $0x1;
	s6 =	smul.u32 $0x9C400, s1  }
0xa: {  	_ =	strace $0x8000004D;
	s8 =	ssub.s32 $0x2, s1;
	s1 =	sor.u32 s1, s24  }
0xb: {  	s23 =	sshrl.u32 s8, $0x1;
	s7 =	sshrl.u32 s7, $0x2;
	s11 =	smul.u32 $0x4E0, s1  }
0xc: {  	s1 =	sshll.u32 s1, $0x4;
	s6 =	sadd.s32 s5, s6;
	s9 =	sadd.s32 s7, s2  }
0xd: {  	s5 =	sadd.s32 s5, s2;
	s1 =	sor.u32 $0x9C00, s1;
	s6 =	sshrl.u32 s6, $0x3  }
0xe: {  	s7 =	sadd.s32 $0x2000, s9;
	s25 =	sadd.s32 $0x4000, s9;
	s26 =	sadd.s32 $0x6000, s9  }
0xf: {  	s28 =	sadd.s32 $0x8000, s9;
	s29 =	sadd.s32 s12, s11;
	[dreg:$0x3] =	wrdreg s7  }
0x10: {  	s11 =	sadd.s32 s13, s11;
	s12 =	sadd.s32 s12, s1;
	[dreg:$0x4] =	wrdreg s25  }
0x11: {  	s13 =	sadd.s32 s13, s1;
	s0 =	sadd.s32 s6, s0;
	[dreg:$0x5] =	wrdreg s26  }
0x12: {  	[dreg:$0x6] =	wrdreg s28;
	s14 =	sadd.s32 $0x2AC00, s0;
	s0 =	simm.s32 @!p0 $0x0  }
0x13: {  	s6 =	ssub.s32 s8, s23;
	[dreg:$0x7] =	wrdreg s29;
	s0 =	simm.s32 @p0 $0x1  }
0x14: {  	v0 =	vimm.f32 $0.0e+00;
	s15 =	smax.u32 s6, $0x1;
	[smem:$0x7FD] =	sst s0;
	s0 =	simm.s32 $0x9  }
.LBB2_1:
0x15: {  	s1 =	sand.u32 $0x7F00, s3  }
0x16: {  	s6 =	sand.u32 $0x30, s3;
	s1 =	sshrl.u32 s1, $0x2  }
0x17: {  	s23 =	simm.s32 $0x40;
	s24 =	simm.s32 $0x0;
	s1 =	sor.u32 s6, s1  }
.LBB2_2:
0x18: {  	p0 =	sne.s32 s23, $0x7FC0  }
0x19: {  	[tilespmem:s1+$0x4F00] =	vst v0;
	s24 =	sadd.s32 $0x10, s24;
	s1 =	smov.u32 s23;
	s23 =	sadd.s32 $0x40, s23  }
.Ltmp0:
0x1a: {  	(pc) =	sbr.rel @p0 .LBB2_2-.Ltmp0, $4  }
0x1b: {  	_ = 	snop  }
0x1c: {  	s1 =	sand.u32 $0x7F00, s1  }
0x1d: {  	s6 =	sand.u32 $0x30, s24;
	s1 =	sshrl.u32 s1, $0x2  }
0x1e: {  	s1 =	sor.u32 s6, s1  }
0x1f: {  	[tilespmem:s1+$0x4F00] =	vst v0  }
0x20: {  	[spmem:s5] =	stream.linear.scatter [tilespmem:s16], [sflag:$0xD], $0x2000, $0x38;
	[tilespmem:$0x1AB40] =	vst v63  }
0x21: {  	_ =	swait.ge [sflag:s17], $0x2000  }
0x22: {  	[sflag:s17] =	ssyncset.done $0x0  }
0x23: {  	s7 =	rddreg [dreg:$0x3];
	[sflag:s17] =	ssyncadd.s32 $0xFFFFE000  }
0x24: {  	[spmem:s7] =	stream.linear.scatter [tilespmem:s16], [sflag:$0xD], $0x2000, $0x38;
	[tilespmem:$0x1AB40] =	vst v63  }
0x25: {  	_ =	swait.ge [sflag:s17], $0x2000  }
0x26: {  	[sflag:s17] =	ssyncset.done $0x0  }
0x27: {  	s8 =	rddreg [dreg:$0x4];
	[sflag:s17] =	ssyncadd.s32 $0xFFFFE000  }
0x28: {  	[spmem:s8] =	stream.linear.scatter [tilespmem:s16], [sflag:$0xD], $0x2000, $0x38;
	[tilespmem:$0x1AB40] =	vst v63  }
0x29: {  	_ =	swait.ge [sflag:s17], $0x2000  }
0x2a: {  	[sflag:s17] =	ssyncset.done $0x0  }
0x2b: {  	s9 =	rddreg [dreg:$0x5];
	[sflag:s17] =	ssyncadd.s32 $0xFFFFE000  }
0x2c: {  	[spmem:s9] =	stream.linear.scatter [tilespmem:s16], [sflag:$0xD], $0x2000, $0x38;
	[tilespmem:$0x1AB40] =	vst v63  }
0x2d: {  	_ =	swait.ge [sflag:s17], $0x2000  }
0x2e: {  	[sflag:s17] =	ssyncset.done $0x0  }
0x2f: {  	s10 =	rddreg [dreg:$0x6];
	[sflag:s17] =	ssyncadd.s32 $0xFFFFE000  }
0x30: {  	[spmem:s10] =	stream.linear.scatter [tilespmem:s16], [sflag:$0xD], $0x1C40, $0x38;
	[tilespmem:$0x1AB40] =	vst v63  }
0x31: {  	_ =	swait.ge [sflag:s17], $0x1C40  }
0x32: {  	[sflag:s17] =	ssyncset.done $0x0  }
0x33: {  	[sflag:s17] =	ssyncadd.s32 $0xFFFFE3C0  }
0x34: {  	[bflag:$0x0] =	sbarrier.arrive $0xFFFF  }
0x35: {  	s23 =	rddreg [dreg:$0x7]  }
0x36: {  	[tilespmem:s3], [sflag:$0xD] =	stream.linear.gather [hbm4b:s23+s3], $0x2700, $0x38;
	[tilespmem:$0x1AB40] =	vst v63  }
0x37: {  	_ =	swait.ge [sflag:s17], $0x2700  }
0x38: {  	[sflag:s17] =	ssyncset.done $0x0  }
0x39: {  	s24 =	simm.s32 $0x2780;
	[sflag:s17] =	ssyncadd.s32 $0xFFFFD900  }
0x3a: {  	[tilespmem:s24], [sflag:$0xD] =	stream.linear.gather [hbm4b:s11+s3], $0x2700, $0x38;
	[tilespmem:$0x1AB40] =	vst v63  }
0x3b: {  	_ =	swait.ge [sflag:s17], $0x2700  }
0x3c: {  	s25 =	sld [smem:$0x7FD];
	_ =	sdelay $0x2  }
0x3d: {  	[sflag:s17] =	ssyncset.done $0x0;
	p0 =	seq.s32 s25, $0x1  }
0x3e: {  	[sflag:s17] =	ssyncadd.s32 $0xFFFFD900;
	s1 =	simm.s32 @!p0 $0x0;
	s6 =	simm.s32 @!p0 $0x2700  }
0x3f: {  	[tilespmem:s6], [sflag:$0xD] =	stream.linear.gather @!p0 [hbm4b:s12+s1], $0x80, $0x38;
	[tilespmem:$0x1AB40] =	vst v63  }
0x40: {  	s6 =	simm.s32 @!p0 $0xD  }
0x41: {  	_ =	swait.ge @!p0 [sflag:s6], $0x80  }
0x42: {  	[sflag:s6] =	ssyncset.done @!p0 $0x0  }
0x43: {  	s23 =	simm.s32 @!p0 $0x4E80;
	[sflag:s6] =	ssyncadd.s32 @!p0 $0xFFFFFF80  }
0x44: {  	[tilespmem:s23], [sflag:$0xD] =	stream.linear.gather @!p0 [hbm4b:s13+s1], $0x80, $0x38;
	[tilespmem:$0x1AB40] =	vst v63  }
0x45: {  	_ =	swait.ge @!p0 [sflag:s6], $0x80  }
0x46: {  	[sflag:s6] =	ssyncset.done @!p0 $0x0  }
0x47: {  	s26 =	simm.s32 $0x0;
	[sflag:s6] =	ssyncadd.s32 @!p0 $0xFFFFFF80  }
0x48: {  	[tilespmem:s16], [sflag:$0x1] =	stream.indirect.gather [hbm4b:s4+s19], $0x40, s26, s19, $0xb8;
	[tilespmem:$0x1AB40] =	vst v63  }
0x49: {  	s6 =	simm.s32 $0x6F00  }
0x4a: {  	[tilespmem:s6], [sflag:$0x2] =	stream.indirect.gather [hbm4b:s4+s19], $0x40, s19, s19, $0xb8;
	[tilespmem:$0x1AB40] =	vst v63  }
0x4b: {  	s7 =	simm.s32 $0x100;
	s8 =	simm.s32 $0x8F00  }
0x4c: {  	[tilespmem:s8], [sflag:$0x3] =	stream.indirect.gather [hbm4b:s4+s19], $0x40, s7, s19, $0xb8;
	[tilespmem:$0x1AB40] =	vst v63  }
0x4d: {  	s9 =	simm.s32 $0x180;
	s10 =	simm.s32 $0xAF00  }
0x4e: {  	[tilespmem:s10], [sflag:$0x4] =	stream.indirect.gather [hbm4b:s4+s19], $0x40, s9, s19, $0xb8;
	[tilespmem:$0x1AB40] =	vst v63  }
0x4f: {  	s24 =	simm.s32 $0xCF00;
	s23 =	simm.s32 $0x200  }
0x50: {  	[tilespmem:s24], [sflag:$0x5] =	stream.indirect.gather [hbm4b:s4+s19], $0x40, s23, s19, $0xb8;
	[tilespmem:$0x1AB40] =	vst v63  }
0x51: {  	p1 =	por $0x1, $0x1;
	s23 =	simm.s32 @!p0 $0x4F  }
0x52: {  	s25 =	simm.s32 $0x280;
	s26 =	simm.s32 $0xEF00;
	s23 =	simm.s32 @p0 $0x4E  }
0x53: {  	[tilespmem:s26], [sflag:$0x6] =	stream.indirect.gather [hbm4b:s4+s19], $0x40, s25, s19, $0xb8;
	[tilespmem:$0x1AB40] =	vst v63  }
0x54: {  	p0 =	sle.u32 @!p1 s23, $0x3  }
0x55: {  	p0 =	por p0, p1  }
0x56: {  	s1 =	simm.s32 @!p0 $0xA  }
0x57: {  	_ =	swait.ge @!p0 [sflag:s1], $0x2000  }
0x58: {  	p2 =	sle.u32 s23, $0x0;
	s6 =	simm.s32 @!p0 $0x180;
	[sflag:s1] =	ssyncset.done @!p0 $0x0  }
0x59: {  	s24 =	simm.s32 @!p0 $0xAF00;
	[sflag:s1] =	ssyncadd.s32 @!p0 $0xFFFFE000;
	s1 =	simm.s32 @!p0 $0x80  }
0x5a: {  	[tilespmem:s24], [sflag:$0x4] =	stream.indirect.gather @!p0 [hbm4b:s4+s1], $0x40, s6, s1, $0xb8;
	[tilespmem:$0x1AB40] =	vst v63  }
0x5b: {  	s1 =	simm.s32 @!p2 $0x1  }
0x5c: {  	s25 =	simm.s32 @!p2 $0x80;
	p0 =	sle.u32 @!p1 s23, $0x4;
	_ =	swait.ge @!p2 [sflag:s1], $0x2000  }
0x5d: {  	s6 =	simm.s32 @!p2 $0x4F00;
	p0 =	por p0, p1;
	[sflag:s1] =	ssyncset.done @!p2 $0x0  }
0x5e: {  	s24 =	simm.s32 @!p2 $0x2780;
	[sflag:s1] =	ssyncadd.s32 @!p2 $0xFFFFE000;
	s1 =	simm.s32 @!p0 $0xB  }
0x5f: {  	[spmem:s2] =	stream.indirect.scatter.add.f32 @!p2 [tilespmem:s6], [sflag:$0x7], $0x40, s24, s25, $0xb8;
	[tilespmem:$0x1AB40] =	vst v63  }
0x60: {  	s6 =	simm.s32 @!p0 $0xCF00;
	_ =	swait.ge @!p0 [sflag:s1], $0x2000  }
0x61: {  	s24 =	simm.s32 @!p0 $0x200;
	p2 =	sle.u32 s23, $0x1;
	[sflag:s1] =	ssyncset.done @!p0 $0x0  }
0x62: {  	s25 =	simm.s32 @!p0 $0x80;
	[sflag:s1] =	ssyncadd.s32 @!p0 $0xFFFFE000;
	s1 =	simm.s32 @!p2 $0x2  }
0x63: {  	[tilespmem:s6], [sflag:$0x5] =	stream.indirect.gather @!p0 [hbm4b:s4+s25], $0x40, s24, s25, $0xb8;
	[tilespmem:$0x1AB40] =	vst v63  }
0x64: {  	p0 =	sle.u32 @!p1 s23, $0x5;
	s6 =	simm.s32 @!p2 $0x2800;
	_ =	swait.ge @!p2 [sflag:s1], $0x2000  }
0x65: {  	s24 =	simm.s32 @!p2 $0x6F00;
	p0 =	por p0, p1;
	[sflag:s1] =	ssyncset.done @!p2 $0x0  }
0x66: {  	s25 =	simm.s32 @!p2 $0x80;
	[sflag:s1] =	ssyncadd.s32 @!p2 $0xFFFFE000;
	s1 =	simm.s32 @!p0 $0xC  }
0x67: {  	[spmem:s2] =	stream.indirect.scatter.add.f32 @!p2 [tilespmem:s24], [sflag:$0x8], $0x40, s6, s25, $0xb8;
	[tilespmem:$0x1AB40] =	vst v63  }
0x68: {  	_ =	swait.ge @!p0 [sflag:s1], $0x2000  }
0x69: {  	s6 =	simm.s32 @!p0 $0xEF00;
	[sflag:s1] =	ssyncset.done @!p0 $0x0  }
0x6a: {  	s24 =	simm.s32 @!p0 $0x280;
	s25 =	simm.s32 @!p0 $0x80;
	[sflag:s1] =	ssyncadd.s32 @!p0 $0xFFFFE000  }
0x6b: {  	[tilespmem:s6], [sflag:$0x6] =	stream.indirect.gather @!p0 [hbm4b:s4+s25], $0x40, s24, s25, $0xb8;
	[tilespmem:$0x1AB40] =	vst v63  }
0x6c: {  	p0 =	sle.u32 s23, $0x2  }
0x6d: {  	s1 =	simm.s32 @!p0 $0x3  }
0x6e: {  	_ =	swait.ge @!p0 [sflag:s1], $0x2000  }
0x6f: {  	s6 =	simm.s32 @!p0 $0x2880;
	[sflag:s1] =	ssyncset.done @!p0 $0x0  }
0x70: {  	s24 =	simm.s32 @!p0 $0x8F00;
	s25 =	simm.s32 @!p0 $0x80;
	[sflag:s1] =	ssyncadd.s32 @!p0 $0xFFFFE000  }
0x71: {  	[spmem:s2] =	stream.indirect.scatter.add.f32 @!p0 [tilespmem:s24], [sflag:$0x9], $0x40, s6, s25, $0xb8;
	[tilespmem:$0x1AB40] =	vst v63  }
0x72: {  	p0 =	sle.u32 s23, $0x6  }
0x73: {  	s1 =	simm.s32 @!p0 $0x7  }
0x74: {  	_ =	swait.ge @!p0 [sflag:s1], $0x2000  }
0x75: {  	s6 =	simm.s32 @!p0 $0x300;
	[sflag:s1] =	ssyncset.done @!p0 $0x0  }
0x76: {  	s24 =	simm.s32 @!p0 $0x4F00;
	s25 =	simm.s32 @!p0 $0x80;
	[sflag:s1] =	ssyncadd.s32 @!p0 $0xFFFFE000  }
0x77: {  	[tilespmem:s24], [sflag:$0x1] =	stream.indirect.gather @!p0 [hbm4b:s4+s25], $0x40, s6, s25, $0xb8;
	[tilespmem:$0x1AB40] =	vst v63  }
0x78: {  	p0 =	sle.u32 s23, $0x3  }
0x79: {  	s1 =	simm.s32 @!p0 $0x4  }
0x7a: {  	_ =	swait.ge @!p0 [sflag:s1], $0x2000  }
0x7b: {  	s6 =	simm.s32 @!p0 $0xAF00;
	[sflag:s1] =	ssyncset.done @!p0 $0x0  }
0x7c: {  	s24 =	simm.s32 @!p0 $0x2900;
	s25 =	simm.s32 @!p0 $0x80;
	[sflag:s1] =	ssyncadd.s32 @!p0 $0xFFFFE000  }
0x7d: {  	[spmem:s2] =	stream.indirect.scatter.add.f32 @!p0 [tilespmem:s6], [sflag:$0xA], $0x40, s24, s25, $0xb8;
	[tilespmem:$0x1AB40] =	vst v63  }
0x7e: {  	p0 =	sle.u32 s23, $0x7  }
0x7f: {  	s1 =	simm.s32 @!p0 $0x8  }
0x80: {  	_ =	swait.ge @!p0 [sflag:s1], $0x2000  }
0x81: {  	s6 =	simm.s32 @!p0 $0x380;
	[sflag:s1] =	ssyncset.done @!p0 $0x0  }
0x82: {  	s24 =	simm.s32 @!p0 $0x6F00;
	s25 =	simm.s32 @!p0 $0x80;
	[sflag:s1] =	ssyncadd.s32 @!p0 $0xFFFFE000  }
0x83: {  	[tilespmem:s24], [sflag:$0x2] =	stream.indirect.gather @!p0 [hbm4b:s4+s25], $0x40, s6, s25, $0xb8;
	[tilespmem:$0x1AB40] =	vst v63  }
0x84: {  	p0 =	sle.u32 s23, $0x4  }
0x85: {  	s1 =	simm.s32 @!p0 $0x5  }
0x86: {  	_ =	swait.ge @!p0 [sflag:s1], $0x2000  }
0x87: {  	s6 =	simm.s32 @!p0 $0xCF00;
	[sflag:s1] =	ssyncset.done @!p0 $0x0  }
0x88: {  	s24 =	simm.s32 @!p0 $0x2980;
	s25 =	simm.s32 @!p0 $0x80;
	[sflag:s1] =	ssyncadd.s32 @!p0 $0xFFFFE000  }
0x89: {  	[spmem:s2] =	stream.indirect.scatter.add.f32 @!p0 [tilespmem:s6], [sflag:$0xB], $0x40, s24, s25, $0xb8;
	[tilespmem:$0x1AB40] =	vst v63  }
0x8a: {  	p0 =	sle.u32 s23, $0x8  }
0x8b: {  	p2 =	sle.u32 s23, $0x5;
	s1 =	simm.s32 @!p0 $0x9  }
0x8c: {  	s28 =	simm.s32 @!p2 $0x6;
	_ =	swait.ge @!p0 [sflag:s1], $0x2000  }
0x8d: {  	s29 =	simm.s32 @!p2 $0x2A00;
	s6 =	simm.s32 @!p0 $0x80;
	[sflag:s1] =	ssyncset.done @!p0 $0x0  }
0x8e: {  	s24 =	simm.s32 @!p0 $0x400;
	s25 =	simm.s32 @!p0 $0x8F00;
	[sflag:s1] =	ssyncadd.s32 @!p0 $0xFFFFE000  }
0x8f: {  	[tilespmem:s25], [sflag:$0x3] =	stream.indirect.gather @!p0 [hbm4b:s4+s6], $0x40, s24, s6, $0xb8;
	[tilespmem:$0x1AB40] =	vst v63  }
0x90: {  	s1 =	simm.s32 @!p2 $0x80;
	s24 =	simm.s32 $0x8;
	_ =	swait.ge @!p2 [sflag:s28], $0x2000  }
0x91: {  	s25 =	simm.s32 $0xC00;
	s6 =	simm.s32 @!p2 $0xEF00;
	[sflag:s28] =	ssyncset.done @!p2 $0x0  }
.LBB2_4:
0x92: {  	[sflag:s28] =	ssyncadd.s32 @!p2 $0xFFFFE000;
	s26 =	smov.u32 s25;
	s25 =	sadd.s32 $0xC00, s25  }
0x93: {  	[spmem:s2] =	stream.indirect.scatter.add.f32 @!p2 [tilespmem:s6], [sflag:$0xC], $0x40, s29, s1, $0xb8;
	[tilespmem:$0x1AB40] =	vst v63  }
0x94: {  	p0 =	sne.s32 s25, $0xA800  }
0x95: {  	s24 =	sadd.s32 $0x6, s24;
	s1 =	simm.s32 @!p0 $0x0  }
0x96: {  	s28 =	sadd.s32 $0xFFFFFFFD, s24;
	s1 =	simm.s32 @p0 $0x1  }
0x97: {  	p5 =	seq.s32 s26, $0x0;
	[smem:$0x7FC] =	sst s1;
	s1 =	sadd.s32 $0xFFFFFFFB, s24  }
0x98: {  	s6 =	sadd.s32 $0xFFFFFFFC, s24;
	s7 =	sadd.s32 $0xFFFFFFF8, s24;
	p0 =	sge.u32 @!p5 s1, s23  }
0x99: {  	p6 =	sge.u32 @!p5 s6, s23;
	p4 =	sge.u32 @!p5 s28, s23;
	p1 =	por p0, p5  }
0x9a: {  	p2 =	sge.u32 s6, s23;
	p3 =	sge.u32 s1, s23;
	s1 =	simm.s32 @!p1 $0xA  }
0x9b: {  	p4 =	por p4, p5;
	p0 =	sge.u32 s7, s23;
	_ =	swait.ge @!p1 [sflag:s1], $0x2000  }
0x9c: {  	s6 =	sshra.s32 @!p1 s26, $0x2;
	s8 =	simm.s32 @!p1 $0xAF00;
	[sflag:s1] =	ssyncset.done @!p1 $0x0  }
0x9d: {  	s6 =	sadd.s32 @!p1 $0x180, s6;
	[sflag:s1] =	ssyncadd.s32 @!p1 $0xFFFFE000;
	s1 =	simm.s32 @!p1 $0x80  }
0x9e: {  	[tilespmem:s8], [sflag:$0x4] =	stream.indirect.gather @!p1 [hbm4b:s4+s1], $0x40, s6, s1, $0xb8;
	[tilespmem:$0x1AB40] =	vst v63  }
0x9f: {  	p5 =	por p6, p5;
	s7 =	simm.s32 @!p0 $0x4F00;
	s1 =	simm.s32 @!p0 $0x1  }
0xa0: {  	s9 =	simm.s32 @!p5 $0xCF00;
	s10 =	sshra.s32 @!p5 s26, $0x2;
	_ =	swait.ge @!p0 [sflag:s1], $0x2000  }
0xa1: {  	s6 =	sshra.s32 @!p0 s26, $0x2;
	s8 =	simm.s32 @!p0 $0x80;
	[sflag:s1] =	ssyncset.done @!p0 $0x0  }
0xa2: {  	s6 =	sadd.s32 @!p0 $0x2780, s6;
	[sflag:s1] =	ssyncadd.s32 @!p0 $0xFFFFE000;
	s1 =	simm.s32 @!p5 $0xB  }
0xa3: {  	[spmem:s2] =	stream.indirect.scatter.add.f32 @!p0 [tilespmem:s7], [sflag:$0x7], $0x40, s6, s8, $0xb8;
	[tilespmem:$0x1AB40] =	vst v63  }
0xa4: {  	s6 =	sadd.s32 $0xFFFFFFF9, s24;
	s7 =	sadd.s32 @!p5 $0x200, s10;
	_ =	swait.ge @!p5 [sflag:s1], $0x2000  }
0xa5: {  	s8 =	simm.s32 @!p5 $0x80;
	p0 =	sge.u32 s6, s23;
	[sflag:s1] =	ssyncset.done @!p5 $0x0  }
0xa6: {  	s6 =	sshra.s32 @!p0 s26, $0x2;
	[sflag:s1] =	ssyncadd.s32 @!p5 $0xFFFFE000;
	s1 =	simm.s32 @!p0 $0x2  }
0xa7: {  	[tilespmem:s9], [sflag:$0x5] =	stream.indirect.gather @!p5 [hbm4b:s4+s8], $0x40, s7, s8, $0xb8;
	[tilespmem:$0x1AB40] =	vst v63  }
0xa8: {  	s10 =	sshra.s32 @!p4 s26, $0x2;
	s6 =	sadd.s32 @!p0 $0x2800, s6;
	_ =	swait.ge @!p0 [sflag:s1], $0x2000  }
0xa9: {  	s7 =	simm.s32 @!p0 $0x6F00;
	s8 =	simm.s32 @!p0 $0x80;
	[sflag:s1] =	ssyncset.done @!p0 $0x0  }
0xaa: {  	s9 =	simm.s32 @!p4 $0xEF00;
	[sflag:s1] =	ssyncadd.s32 @!p0 $0xFFFFE000;
	s1 =	simm.s32 @!p4 $0xC  }
0xab: {  	[spmem:s2] =	stream.indirect.scatter.add.f32 @!p0 [tilespmem:s7], [sflag:$0x8], $0x40, s6, s8, $0xb8;
	[tilespmem:$0x1AB40] =	vst v63  }
0xac: {  	s6 =	sadd.s32 $0xFFFFFFFA, s24;
	s7 =	sadd.s32 @!p4 $0x280, s10;
	_ =	swait.ge @!p4 [sflag:s1], $0x2000  }
0xad: {  	s8 =	simm.s32 @!p4 $0x80;
	p0 =	sge.u32 s6, s23;
	[sflag:s1] =	ssyncset.done @!p4 $0x0  }
0xae: {  	s6 =	sshra.s32 @!p0 s26, $0x2;
	[sflag:s1] =	ssyncadd.s32 @!p4 $0xFFFFE000;
	s1 =	simm.s32 @!p0 $0x3  }
0xaf: {  	[tilespmem:s9], [sflag:$0x6] =	stream.indirect.gather @!p4 [hbm4b:s4+s8], $0x40, s7, s8, $0xb8;
	[tilespmem:$0x1AB40] =	vst v63  }
0xb0: {  	s29 =	sadd.s32 $0xFFFFFFFE, s24;
	s6 =	sadd.s32 @!p0 $0x2880, s6;
	_ =	swait.ge @!p0 [sflag:s1], $0x2000  }
0xb1: {  	s7 =	simm.s32 @!p0 $0x8F00;
	p4 =	sge.u32 s29, s23;
	[sflag:s1] =	ssyncset.done @!p0 $0x0  }
0xb2: {  	s8 =	simm.s32 @!p0 $0x80;
	[sflag:s1] =	ssyncadd.s32 @!p0 $0xFFFFE000;
	s1 =	simm.s32 @!p4 $0x7  }
0xb3: {  	[spmem:s2] =	stream.indirect.scatter.add.f32 @!p0 [tilespmem:s7], [sflag:$0x9], $0x40, s6, s8, $0xb8;
	[tilespmem:$0x1AB40] =	vst v63  }
0xb4: {  	s10 =	sshra.s32 @!p3 s26, $0x2;
	s9 =	sshra.s32 @!p4 s26, $0x2;
	_ =	swait.ge @!p4 [sflag:s1], $0x2000  }
0xb5: {  	s6 =	sadd.s32 @!p4 $0x300, s9;
	s7 =	simm.s32 @!p4 $0x4F00;
	[sflag:s1] =	ssyncset.done @!p4 $0x0  }
0xb6: {  	s8 =	simm.s32 @!p4 $0x80;
	[sflag:s1] =	ssyncadd.s32 @!p4 $0xFFFFE000;
	s1 =	simm.s32 @!p3 $0x4  }
0xb7: {  	[tilespmem:s7], [sflag:$0x1] =	stream.indirect.gather @!p4 [hbm4b:s4+s8], $0x40, s6, s8, $0xb8;
	[tilespmem:$0x1AB40] =	vst v63  }
0xb8: {  	s6 =	sadd.s32 @!p3 $0x2900, s10;
	s10 =	sadd.s32 $0xFFFFFFFF, s24;
	_ =	swait.ge @!p3 [sflag:s1], $0x2000  }
0xb9: {  	s9 =	simm.s32 @!p3 $0xAF00;
	p0 =	sge.u32 s10, s23;
	[sflag:s1] =	ssyncset.done @!p3 $0x0  }
0xba: {  	s8 =	simm.s32 @!p3 $0x80;
	[sflag:s1] =	ssyncadd.s32 @!p3 $0xFFFFE000;
	s1 =	simm.s32 @!p0 $0x8  }
0xbb: {  	[spmem:s2] =	stream.indirect.scatter.add.f32 @!p3 [tilespmem:s9], [sflag:$0xA], $0x40, s6, s8, $0xb8;
	[tilespmem:$0x1AB40] =	vst v63  }
0xbc: {  	s7 =	sshra.s32 @!p0 s26, $0x2;
	_ =	swait.ge @!p0 [sflag:s1], $0x2000  }
0xbd: {  	s6 =	sadd.s32 @!p0 $0x380, s7;
	s7 =	simm.s32 @!p0 $0x6F00;
	[sflag:s1] =	ssyncset.done @!p0 $0x0  }
0xbe: {  	s8 =	simm.s32 @!p0 $0x80;
	[sflag:s1] =	ssyncadd.s32 @!p0 $0xFFFFE000;
	s1 =	simm.s32 @!p2 $0x5  }
0xbf: {  	[tilespmem:s7], [sflag:$0x2] =	stream.indirect.gather @!p0 [hbm4b:s4+s8], $0x40, s6, s8, $0xb8;
	[tilespmem:$0x1AB40] =	vst v63  }
0xc0: {  	s10 =	sshra.s32 @!p2 s26, $0x2;
	s9 =	simm.s32 @!p2 $0xCF00;
	_ =	swait.ge @!p2 [sflag:s1], $0x2000  }
0xc1: {  	p3 =	sge.u32 s24, s23;
	s6 =	sadd.s32 @!p2 $0x2980, s10;
	[sflag:s1] =	ssyncset.done @!p2 $0x0  }
0xc2: {  	s7 =	simm.s32 @!p2 $0x80;
	[sflag:s1] =	ssyncadd.s32 @!p2 $0xFFFFE000;
	s1 =	simm.s32 @!p3 $0x9  }
0xc3: {  	[spmem:s2] =	stream.indirect.scatter.add.f32 @!p2 [tilespmem:s9], [sflag:$0xB], $0x40, s6, s7, $0xb8;
	[tilespmem:$0x1AB40] =	vst v63  }
0xc4: {  	s8 =	simm.s32 @!p3 $0x80;
	s10 =	sshra.s32 @!p3 s26, $0x2;
	_ =	swait.ge @!p3 [sflag:s1], $0x2000  }
0xc5: {  	s6 =	sadd.s32 @!p3 $0x400, s10;
	p2 =	sge.u32 s28, s23;
	[sflag:s1] =	ssyncset.done @!p3 $0x0  }
0xc6: {  	s7 =	simm.s32 @!p3 $0x8F00;
	s28 =	simm.s32 @!p2 $0x6;
	[sflag:s1] =	ssyncadd.s32 @!p3 $0xFFFFE000  }
0xc7: {  	[tilespmem:s7], [sflag:$0x3] =	stream.indirect.gather @!p3 [hbm4b:s4+s8], $0x40, s6, s8, $0xb8;
	[tilespmem:$0x1AB40] =	vst v63  }
0xc8: {  	_ =	swait.ge @!p2 [sflag:s28], $0x2000  }
0xc9: {  	s1 =	sshra.s32 @!p2 s26, $0x2;
	s26 =	sld [smem:$0x7FC];
	_ =	sdelay $0x2  }
0xca: {  	p0 =	seq.s32 s26, $0x1  }
.Ltmp1:
0xcb: {  	_ = 	snop;
	(pc) =	sbr.rel @p0 .LBB2_4-.Ltmp1, $3  }
0xcc: {  	_ =	sdelay $0x1  }
0xcd: {  	s29 =	sadd.s32 @!p2 $0x2A00, s1  }
0xce: {  	s1 =	simm.s32 @!p2 $0x80;
	s6 =	simm.s32 @!p2 $0xEF00;
	[sflag:s28] =	ssyncset.done @!p2 $0x0  }
0xcf: {  	[sflag:s28] =	ssyncadd.s32 @!p2 $0xFFFFE000  }
0xd0: {  	[spmem:s2] =	stream.indirect.scatter.add.f32 @!p2 [tilespmem:s6], [sflag:$0xC], $0x40, s29, s1, $0xb8;
	[tilespmem:$0x1AB40] =	vst v63  }
0xd1: {  	_ =	swait.ge [sflag:s30], $0x2000  }
0xd2: {  	[sflag:s30] =	ssyncset.done $0x0  }
0xd3: {  	[sflag:s30] =	ssyncadd.s32 $0xFFFFE000  }
0xd4: {  	_ =	swait.ge [sflag:s31], $0x2000  }
0xd5: {  	[sflag:s31] =	ssyncset.done $0x0  }
0xd6: {  	[sflag:s31] =	ssyncadd.s32 $0xFFFFE000  }
0xd7: {  	_ =	swait.ge [sflag:s0], $0x2000  }
0xd8: {  	[sflag:s0] =	ssyncset.done $0x0  }
0xd9: {  	[sflag:s0] =	ssyncadd.s32 $0xFFFFE000  }
0xda: {  	_ =	swait.ge [sflag:s18], $0x2000  }
0xdb: {  	[sflag:s18] =	ssyncset.done $0x0  }
0xdc: {  	[sflag:s18] =	ssyncadd.s32 $0xFFFFE000  }
0xdd: {  	_ =	swait.ge [sflag:s20], $0x2000  }
0xde: {  	[sflag:s20] =	ssyncset.done $0x0  }
0xdf: {  	[sflag:s20] =	ssyncadd.s32 $0xFFFFE000  }
0xe0: {  	s28 =	stileid.u32;
	_ =	swait.ge [sflag:s21], $0x2000  }
0xe1: {  	s22 =	sadd.s32 $0x1, s22;
	s1 =	sshll.u32 s28, $0x6;
	[sflag:s21] =	ssyncset.done $0x0  }
0xe2: {  	s29 =	sshrl.u32 s5, $0x3;
	p0 =	sne.s32 s22, s15;
	[sflag:s21] =	ssyncadd.s32 $0xFFFFE000  }
.Ltmp2:
0xe3: {  	s1 =	sor.u32 $0x1C0D, s1;
	[bflag:$0x0] =	sbarrier.arrive $0xFFFF;
	(pc) =	sbr.rel @p0 .LBB2_1-.Ltmp2, $4  }
0xe4: {  	[hbm:s14], [sflag:s1] =	dma.local [spmem:s29], $0x1388  }
0xe5: {  	_ =	swait.ge [sflag:s17], $0x1388  }
0xe6: {  	[sflag:s17] =	ssyncset.done $0x0  }
0xe7: {  	[sflag:s17] =	ssyncadd.s32 $0xFFFFEC78  }
0xe8: {  	_ =	sfence.sel $0x180000  }
0xe9: {  	[bflag:$0x0] =	sbarrier.arrive $0xFFFF  }
0xea: {  	_ =	strace $0x9000004D  }
0xeb: {  	s0 =	stileid.u32;
	[bflag:$0x2] =	sbarrier.arrive $0xFFFF  }
0xec: {  	p0 =	sne.s32 s0, $0x0;
	s0 =	rddreg [dreg:$0x2]  }
0xed: {  	s0 =	sadd.s32 @!p0 $0x100000, s0  }
0xee: {  	[sflag:s0] =	ssyncadd.tile.s32 @!p0 $0x1;
	_ =	shalt  }
.Lfunc_end2:
_tile_overlayer_lowered:
.L_overlay_start_2:
0xef: {  	(tag) =	ssettag $0x2  }
0xf0: {  	s0 =	rddreg [dreg:$0x0];
	s2 =	stileid.u32  }
0xf1: {  	s1 =	rddreg [dreg:$0x1];
	p0 =	sne.s32 s2, $0x0  }
0xf2: {  	s3 =	rddreg [dreg:$0x2];
	[bflag:$0x3] =	sbarrier.arrive $0xFFFF;
	s2 =	simm.s32 @!p0 $0x1C0D  }
0xf3: {  	[timem:s3], [sflag:s2] =	dma.local @!p0 [hbm:s0], s1  }
0xf4: {  	s0 =	simm.s32 @!p0 $0xD  }
0xf5: {  	_ =	swait.ge @!p0 [sflag:s0], s1  }
0xf6: {  	s1 =	ssub.s32 @!p0 $0x0, s1;
	[sflag:s0] =	ssyncset.done @!p0 $0x0  }
0xf7: {  	[sflag:s0] =	ssyncadd.s32 @!p0 s1  }
0xf8: {  	[bflag:$0x3] =	sbarrier.arrive $0xFFFF  }
0xf9: {  	_ =	shalt  }

// kernel: kernel.8.cloned.1.call-start
scs
__scs_entry_jumppad:
0x0: {  	(pc) =	sbr.rel $0x88, $3  }
0x1: {  	(tag) =	ssettag $0x0;
	lr =	simm.s32 $0x1  }
0x2: {  	[smem:$0x3F90] =	sst lr;
	_ =	strace $0xD0000000  }
0x3: {  	_ = 	snop  }
0x4: {  	_ = 	snop  }
0x5: {  	_ = 	snop  }
0x6: {  	_ = 	snop  }
0x7: {  	_ = 	snop  }
__scs_overlays_trampoline_lowered:
0x8: {  	[smem:$0x3F9F] =	sst s0  }
0x9: {  	[smem:$0x3FA0] =	sst s1  }
0xa: {  	[smem:$0x3FA1] =	sst s2  }
0xb: {  	[smem:$0x3FA2] =	sst s3  }
0xc: {  	[smem:$0x3FA3] =	sst s4  }
0xd: {  	[smem:$0x3FA4] =	sst s5  }
0xe: {  	[smem:$0x3FA5] =	sst s6  }
0xf: {  	[smem:$0x3FA6] =	sst s7  }
0x10: {  	[smem:$0x3FA7] =	sst s8  }
0x11: {  	[smem:$0x3FA8] =	sst s9;
	s0 =	simm.s32 @!p0 $0x0  }
0x12: {  	s1 =	sld [smem:$0x3F8E];
	s0 =	simm.s32 @p0 $0x1  }
0x13: {  	[smem:$0x3FA9] =	sst s0;
	s0 =	simm.s32 @!p1 $0x0  }
0x14: {  	s2 =	sld [smem:$0x3F8D];
	s0 =	simm.s32 @p1 $0x1  }
0x15: {  	[smem:$0x3FAA] =	sst s0;
	s0 =	simm.s32 @!p2 $0x0  }
0x16: {  	s3 =	sld [smem:$0x3FDB];
	s0 =	simm.s32 @p2 $0x1  }
0x17: {  	s4 =	simm.s32 $0x1BF5;
	[smem:$0x3FAC] =	sst s0  }
0x18: {  	s0 =	sld [smem:$0x3F8F];
	_ =	swait.ge [sflag:s4], $0x0  }
0x19: {  	s7 =	sld [smem:$0x3F90]  }
0x1a: {  	s8 =	sadd.s32 $0xFFFFE003, lr  }
0x1b: {  	s9 =	sadd.s32 $0xFFFFFEF7, lr;
	s5 =	simm.s32 $0xFFFFFFFF;
	p2 =	slt.u32 s8, $0xFFFFF086  }
0x1c: {  	p1 =	slt.u32 s9, $0xF7A;
	s5 =	simm.s32 @!p2 $0x0  }
0x1d: {  	s5 =	simm.s32 @p1 $0x1;
	p0 =	seq.s32 s7, s2  }
0x1e: {  	s7 =	smul.u32 @!p0 $0xF7A, s2;
	p2 =	seq.s32 @!p0 s5, $0x0  }
0x1f: {  	s9 =	smul.u32 $0xF7A, s1;
	s8 =	simm.s32 @!p0 $0x1BF5;
	p2 =	por !p2, p0  }
0x20: {  	[sflag:s8] =	ssyncset.s32 @!p0 $0xFFFFF086;
	s6 =	sadd.s32 @!p0 s3, s7;
	s7 =	simm.s32 @!p0 $0x108  }
0x21: {  	s3 =	sadd.s32 s3, s9;
	s6 =	sadd.s32 @!p0 $0x88, s6;
	s7 =	simm.s32 @p2 $0x1082  }
0x22: {  	[simem:s7], [sflag:s8] =	dma.local @!p0 [hbm:s6], $0xF7A  }
0x23: {  	s9 =	sor.u32 $0xD0000000, s2;
	s6 =	simm.s32 $0x108;
	_ =	swait.ge @!p0 [sflag:s8], $0x0  }
0x24: {  	s3 =	sadd.s32 $0x88, s3;
	s6 =	simm.s32 @!p1 $0x1082;
	[sflag:s4] =	ssyncset.s32 $0xFFFFF086  }
0x25: {  	[simem:s6], [sflag:s4] =	dma.local [hbm:s3], $0xF7A  }
0x26: {  	[smem:$0x3F90] =	sst s1;
	(tag) =	ssettag s2;
	_ =	strace s9  }
0x27: {  	s1 =	sld [smem:$0x3FA0]  }
0x28: {  	s2 =	sld [smem:$0x3FA1]  }
0x29: {  	s4 =	sld [smem:$0x3FA3]  }
0x2a: {  	p0 =	seq.s32 s5, $0x0;
	s5 =	sld [smem:$0x3FA4]  }
0x2b: {  	s6 =	sld [smem:$0x3FA5]  }
0x2c: {  	s7 =	sld [smem:$0x3FA6]  }
0x2d: {  	s3 =	simm.s32 $0x108;
	s8 =	sld [smem:$0x3FA7]  }
0x2e: {  	s3 =	simm.s32 @!p0 $0x1082;
	s9 =	sld [smem:$0x3FA8]  }
0x2f: {  	lr =	sadd.s32 s0, s3;
	s0 =	sld [smem:$0x3F9F]  }
0x30: {  	s3 =	sld [smem:$0x3FA2]  }
0x31: {  	[smem:$0x3FAB] =	sst s10  }
0x32: {  	s10 =	sld [smem:$0x3FA9];
	_ =	sdelay $0x3  }
0x33: {  	p0 =	seq.s32 s10, $0x1;
	s10 =	sld [smem:$0x3FAB];
	_ =	sdelay $0x3  }
0x34: {  	[smem:$0x3FAB] =	sst s10  }
0x35: {  	s10 =	sld [smem:$0x3FAA];
	_ =	sdelay $0x3  }
0x36: {  	p1 =	seq.s32 s10, $0x1;
	s10 =	sld [smem:$0x3FAB];
	_ =	sdelay $0x3  }
0x37: {  	[smem:$0x3FAB] =	sst s10  }
0x38: {  	s10 =	sld [smem:$0x3FAC]  }
0x39: {  	_ = 	snop;
	(pc) =	sbr.ind lr, $3  }
0x3a: {  	_ = 	snop  }
0x3b: {  	_ = 	snop  }
0x3c: {  	p2 =	seq.s32 s10, $0x1;
	s10 =	sld [smem:$0x3FAB]  }
0x3d: {  	_ =	shalt  }
0x3e: {  	_ =	shalt  }
0x3f: {  	_ =	shalt  }
0x40: {  	_ =	shalt  }
0x41: {  	_ =	shalt  }
0x42: {  	_ =	shalt  }
0x43: {  	_ =	shalt  }
0x44: {  	_ =	shalt  }
0x45: {  	_ =	shalt  }
0x46: {  	_ =	shalt  }
0x47: {  	_ =	shalt  }
0x48: {  	_ =	shalt  }
0x49: {  	_ =	shalt  }
0x4a: {  	_ =	shalt  }
0x4b: {  	_ =	shalt  }
0x4c: {  	_ =	shalt  }
0x4d: {  	_ =	shalt  }
0x4e: {  	_ =	shalt  }
0x4f: {  	_ =	shalt  }
0x50: {  	_ =	shalt  }
0x51: {  	_ =	shalt  }
0x52: {  	_ =	shalt  }
0x53: {  	_ =	shalt  }
0x54: {  	_ =	shalt  }
0x55: {  	_ =	shalt  }
0x56: {  	_ =	shalt  }
0x57: {  	_ =	shalt  }
0x58: {  	_ =	shalt  }
0x59: {  	_ =	shalt  }
0x5a: {  	_ =	shalt  }
0x5b: {  	_ =	shalt  }
0x5c: {  	_ =	shalt  }
0x5d: {  	_ =	shalt  }
0x5e: {  	_ =	shalt  }
0x5f: {  	_ =	shalt  }
0x60: {  	_ =	shalt  }
0x61: {  	_ =	shalt  }
0x62: {  	_ =	shalt  }
0x63: {  	_ =	shalt  }
0x64: {  	_ =	shalt  }
0x65: {  	_ =	shalt  }
0x66: {  	_ =	shalt  }
0x67: {  	_ =	shalt  }
0x68: {  	_ =	shalt  }
0x69: {  	_ =	shalt  }
0x6a: {  	_ =	shalt  }
0x6b: {  	_ =	shalt  }
0x6c: {  	_ =	shalt  }
0x6d: {  	_ =	shalt  }
0x6e: {  	_ =	shalt  }
0x6f: {  	_ =	shalt  }
0x70: {  	_ =	shalt  }
0x71: {  	_ =	shalt  }
0x72: {  	_ =	shalt  }
0x73: {  	_ =	shalt  }
0x74: {  	_ =	shalt  }
0x75: {  	_ =	shalt  }
0x76: {  	_ =	shalt  }
0x77: {  	_ =	shalt  }
0x78: {  	_ =	shalt  }
0x79: {  	_ =	shalt  }
0x7a: {  	_ =	shalt  }
0x7b: {  	_ =	shalt  }
0x7c: {  	_ =	shalt  }
0x7d: {  	_ =	shalt  }
0x7e: {  	_ =	shalt  }
0x7f: {  	_ =	shalt  }
0x80: {  	_ =	shalt  }
0x81: {  	_ =	shalt  }
0x82: {  	_ =	shalt  }
0x83: {  	_ =	shalt  }
0x84: {  	_ =	shalt  }
0x85: {  	_ =	shalt  }
0x86: {  	_ =	shalt  }
0x87: {  	_ =	shalt  }
.Lfunc_end0:
.L_simem_size_0:
called_computation_lowered:
.L_overlay_start_0:
0x88: {  	s2 =	sld [smem:$0x3FD9]  }
0x89: {  	s3 =	sld [smem:$0x3FFE];
	_ =	sdelay $0x1  }
0x8a: {  	s1 =	srdreg.scid  }
0x8b: {  	s0 =	sand.u32 $0x1, s1  }
0x8c: {  	s17 =	sshll.u32 s0, $0xA;
	s2 =	sadd.s32 s3, s2  }
0x8d: {  	s2 =	sadd.s32 s2, s17  }
0x8e: {  	[smem:$0x3FB7] =	sst s2  }
0x8f: {  	_ = 	snop  }
0x90: {  	s2 =	sld [smem:$0x3FD0];
	(tm) =	ssettm $0x1  }
0x91: {  	s18 =	sld [smem:$0x3FFB];
	_ =	sdelay $0x3  }
0x92: {  	_ =	strace s18  }
0x93: {  	s3 =	sld [smem:$0x3FFC];
	_ =	sdelay $0x3  }
0x94: {  	_ =	strace s3  }
0x95: {  	s3 =	sld [smem:$0x3FFD];
	_ =	sdelay $0x3  }
0x96: {  	_ =	strace s3  }
0x97: {  	_ =	strace $0x8FFFFFFF  }
0x98: {  	s19 =	sld [smem:$0x3FDB];
	_ =	sdelay $0x1  }
0x99: {  	s4 =	simm.s32 $_scs_section_size  }
0x9a: {  	s5 =	simm.s32 $_size__tile_overlayer_lowered;
	s6 =	simm.s32 $_tile_overlayer_lowered  }
0x9b: {  	s22 =	simm.s32 $0x1BFF;
	s21 =	sshll.u32 s6, $0x1;
	s3 =	sadd.s32 s4, s19  }
0x9c: {  	s7 =	simm.s32 $0x0;
	s20 =	sshll.u32 s5, $0x1;
	s5 =	sadd.s32 s21, s3  }
0x9d: {  	[timem:s7], [sflag:s22] =	dma.local [hbm:s5], s20  }
0x9e: {  	_ =	swait.ge [sflag:s22], s20  }
0x9f: {  	s4 =	ssub.s32 $0x0, s20;
	[sflag:s22] =	ssyncset.done $0x0  }
0xa0: {  	[sflag:s22] =	ssyncadd.s32 s4;
	_ =	sdelay $0x1  }
0xa1: {  	s23 =	simm.s32 $0x1B8B  }
0xa2: {  	_ =	swait.ge [sflag:s23], $0x1  }
0xa3: {  	[sflag:s23] =	ssyncset.done $0x0  }
0xa4: {  	s25 =	simm.s32 $0x1B8E;
	s24 =	sld [smem:$0x3FFE];
	[sflag:s23] =	ssyncadd.s32 $0xFFFFFFFF  }
0xa5: {  	s26 =	simm.s32 $execute0_lowered;
	[smem:$0x3FD2] =	sst s25  }
0xa6: {  	s5 =	sshll.u32 s26, $0x1;
	_ =	strace $0x80000046;
	[dreg:$0x1] =	wrdreg $0xFFFFFFFF  }
0xa7: {  	s28 =	simm.s32 $_size_execute0_lowered;
	s3 =	sadd.s32 s3, s5;
	[dreg:$0x0] =	wrdreg $0x0  }
0xa8: {  	s5 =	sshll.u32 s28, $0x1;
	[dreg:$0x2] =	wrdreg s3  }
0xa9: {  	[dreg:$0x3] =	wrdreg s5  }
0xaa: {  	[dreg:$0x4] =	wrdreg $0xC0  }
0xab: {  	_ =	task [dreg:s7], $0x5FFFF  }
0xac: {  	[dreg:$0x1] =	wrdreg $0xFFFFFFFF  }
0xad: {  	[dreg:$0x0] =	wrdreg $0x60  }
0xae: {  	[dreg:$0x2] =	wrdreg s24  }
0xaf: {  	[dreg:$0x3] =	wrdreg s2  }
0xb0: {  	[dreg:$0x4] =	wrdreg $0x51E00  }
0xb1: {  	[dreg:$0x5] =	wrdreg $0x9  }
0xb2: {  	_ =	task.clear_ibuf [dreg:s7], $0x6FFFF;
	_ =	strace $0x90000046  }
0xb3: {  	s29 =	simm.s32 $0x9;
	_ =	strace $0x80000048  }
0xb4: {  	_ =	swait.ge [sflag:s29], $0x1  }
0xb5: {  	[sflag:s29] =	ssyncadd.s32 $0xFFFFFFFF  }
0xb6: {  	_ =	strace $0x90000048  }
0xb7: {  	_ =	sfence  }
0xb8: {  	s30 =	sld [smem:$0x0];
	_ =	sdelay $0x2  }
0xb9: {  	s31 =	sshll.u32 s1, $0xD;
	s1 =	sshrl.u32 s1, $0x2  }
0xba: {  	s3 =	sand.u32 $0x4000, s31;
	s1 =	sadd.s32 s1, s30  }
0xbb: {  	s0 =	sor.u32 s3, s0;
	s1 =	sshll.u32 s1, $0x11  }
0xbc: {  	s0 =	sor.u32 s1, s0  }
0xbd: {  	s0 =	sadd.s32 $0x8F2B, s0  }
0xbe: {  	[sflag:s0] =	ssyncadd.remote.s32 $0x1  }
0xbf: {  	_ =	sfence.sel $0xFFFF  }
0xc0: {  	[dreg:$0x0] =	wrdreg $0xFFFFFFFF;
	(pc) =	sbr.abs _section_cstart, $3  }
0xc1: {  	[dreg:$0x1] =	wrdreg $0xFFFFFFFF  }
0xc2: {  	_ =	task.clear_ibuf [dreg:s7], $0x2FFFF;
	_ =	strace $0x9FFFFFFF  }
0xc3: {  	(tm) =	ssettm $0x7FFFFFFF  }
tec
execute0_lowered:
.L_overlay_start_1:
0x0: {  	(tag) =	ssettag $0x1  }
0x1: {  	s4 =	rddreg [dreg:$0x0]  }
0x2: {  	s8 =	rddreg [dreg:$0x1]  }
0x3: {  	s1 =	rddreg [dreg:$0x2]  }
0x4: {  	s3 =	srdreg.scid;
	s2 =	stileid.u32  }
0x5: {  	s16 =	simm.s32 $0x1;
	s17 =	simm.s32 $0x2400;
	s18 =	simm.s32 $0x2480  }
0x6: {  	s19 =	simm.s32 $0x2500;
	s20 =	simm.s32 $0x2580;
	s21 =	simm.s32 $0x2600  }
0x7: {  	s22 =	simm.s32 $0x2680;
	s23 =	simm.s32 $0x51A0;
	s24 =	simm.s32 $0x3E10  }
0x8: {  	s25 =	simm.s32 $0x51C0;
	s26 =	simm.s32 $0x0;
	s5 =	sand.u32 $0x1, s3  }
0x9: {  	s6 =	sshll.u32 s2, $0x1;
	s7 =	smul.u32 $0x280, s2;
	s3 =	simm.s32 $0x0  }
0xa: {  	s11 =	sadd.s32 $0xC200, s4;
	p0 =	sgt.u32 s2, $0x1;
	p1 =	sne.s32 s2, $0x0  }
0xb: {  	s6 =	sor.u32 s5, s6;
	s9 =	smul.u32 $0x2800, s5;
	[smem:$0x7FF] =	sst s3  }
0xc: {  	s12 =	sshll.u32 s5, $0x2;
	s31 =	ssub.s32 $0x2, s5;
	s10 =	smul.u32 $0x271, s6  }
0xd: {  	_ =	strace $0x80000047;
	s30 =	sadd.s32 s12, s4;
	s5 =	sshrl.u32 s31, $0x1  }
0xe: {  	s14 =	smul.u32 $0x4E0, s6;
	s6 =	sshll.u32 s6, $0x4;
	s8 =	sadd.s32 s8, s12  }
0xf: {  	s12 =	simm.s32 $0x2800;
	s9 =	sadd.s32 s7, s9;
	s15 =	ssub.s32 s31, s5  }
.Ltmp0:
0x10: {  	s6 =	sadd.s32 s6, s11;
	s10 =	sadd.s32 s10, s4;
	(pc) =	sbr.rel .LBB2_1-.Ltmp0, $4  }
0x11: {  	s9 =	sshrl.u32 s9, $0x3;
	s5 =	sadd.s32 s11, s14;
	s6 =	sadd.s32 $0x9C00, s6  }
0x12: {  	s11 =	smax.u32 s15, $0x1;
	s14 =	simm.s32 $0x80;
	s15 =	simm.s32 $0x2780  }
0x13: {  	v0 =	vimm.f32 $0.0e+00;
	s13 =	sadd.s32 s9, s4;
	s4 =	sadd.s32 s7, s1;
	s7 =	sadd.s32 $0x16000, s10  }
0x14: {  	v1 =	vimm.f32 $1.000000000e+00;
	v2 =	vimm.s32 $0x0;
	v3 =	vlaneseq.u32;
	s9 =	sadd.s32 $0x17000, s30;
	s10 =	sadd.s32 $0x16600, s13;
	s13 =	simm.s32 $0x2  }
.LBB2_8:
0x15: {  	s0 =	spop (v2sf)  }
0x16: {  	v4, _, _ =	vpop (xrf0);
	s0 =	sxor.u32 $0x80000000, s0  }
0x17: {  	v4 =	vadd.s32 s0, v4  }
0x18: {  	v5 =	vxor.u32 $0x80000000, v4  }
0x19: {  	(xrf0) =	vmax.scan.msk.u32 $0xffff, v5  }
0x1a: {  	v4 =	vadd.s32 $0xFFFFFFFF, v4  }
0x1b: {  	vm1 =	vgt.s32 v4, $0x0  }
0x1c: {  	v4 =	vnsel vm1, $0x0, v4;
	_ =	sdelay $0x2  }
0x1d: {  	v5, _, _ =	vpop (xrf0)  }
0x1e: {  	(v2sf) =	vpush v5, $0xF;
	v5 =	vor.u32 s30, v3  }
0x1f: {  	s29 =	sadd.s32 $0x10, s29;
	[tilespmem:v4+s24+$0x0] =	vst.idx.msk vm0, v5  }
0x20: {  	v4 =	vld [tilespmem:s29+$0x0];
	_ =	sdelay $0x4  }
0x21: {  	vm13 =	vlt.f32 v4, $0.0e+00;
	vm14 =	vgt.f32 v4, $0.0e+00  }
0x22: {  	vm0 =	vmor vm14, vm13  }
0x23: {  	v4 =	vsel vm0, $0x1, v2  }
0x24: {  	(xrf0) =	vadd.scan.msk.s32 $0xffff, v4;
	_ =	sdelay $0x4  }
0x25: {  	s30 =	spop (v2sf)  }
0x26: {  	v4, _, _ =	vpop (xrf0);
	s0 =	sxor.u32 $0x80000000, s30  }
0x27: {  	v4 =	vadd.s32 s0, v4  }
0x28: {  	v5 =	vadd.s32 $0xFFFFFFFF, v4  }
0x29: {  	vm15 =	vgt.s32 v5, $0x0  }
0x2a: {  	v5 =	vnsel vm15, $0x0, v5;
	_ =	sdelay $0x1  }
0x2b: {  	v4 =	vxor.u32 $0x80000000, v4  }
0x2c: {  	(xrf0) =	vmax.scan.msk.u32 $0xffff, v4  }
0x2d: {  	v4 =	vor.u32 s28, v3  }
0x2e: {  	[tilespmem:v5+s24+$0x0] =	vst.idx.msk vm0, v4  }
0x2f: {  	v4 =	vld [tilespmem:$0x51A0];
	_ =	sdelay $0x2  }
0x30: {  	v5, _, _ =	vpop (xrf0)  }
0x31: {  	(v2sf) =	vpush v5, $0xF;
	_ =	sdelay $0x1  }
0x32: {  	v5 =	vld [tilespmem:$0x51B0];
	_ =	sdelay $0x1  }
0x33: {  	v4 =	vld.idx.msk [tilespmem:v4+s24+$0x0], $0xffff;
	_ =	sdelay $0x4  }
0x34: {  	[tilespmem:$0x51C0] =	vst v4  }
0x35: {  	v4 =	vld.idx.msk [tilespmem:v5+s24+$0x0], $0xffff;
	_ =	sdelay $0x4  }
0x36: {  	s31 =	spop (v2sf);
	[tilespmem:$0x51D0] =	vst v4  }
0x37: {  	[hbm4b:s9+s3] =	stream.linear.scatter [tilespmem:s25], [sflag:$0x2], $0x20, $0x38;
	[tilespmem:$0x5460] =	vst v63  }
0x38: {  	_ =	swait.ge [sflag:s13], $0x20  }
0x39: {  	[sflag:s13] =	ssyncset.done $0x0  }
0x3a: {  	[sflag:s13] =	ssyncadd.s32 $0xFFFFFFE0  }
.LBB2_9:
0x3b: {  	s26 =	sadd.s32 $0x1, s26  }
0x3c: {  	s0 =	sshll.u32 s2, $0x6;
	[bflag:$0x0] =	sbarrier.arrive $0xFFFF;
	p2 =	sne.s32 s26, s11  }
.Ltmp1:
0x3d: {  	s28 =	sshrl.u32 s4, $0x3;
	s0 =	sor.u32 $0x1C02, s0;
	(pc) =	sbr.rel @!p2 .LBB2_10-.Ltmp1, $4  }
0x3e: {  	[hbm:s10], [sflag:s0] =	dma.local [spmem:s28], $0x50  }
0x3f: {  	_ =	swait.ge [sflag:s13], $0x50  }
0x40: {  	[sflag:s13] =	ssyncset.done $0x0  }
0x41: {  	[sflag:s13] =	ssyncadd.s32 $0xFFFFFFB0  }
.LBB2_1:
0x42: {  	[tilespmem:$0x2800] =	vst v0  }
0x43: {  	[tilespmem:$0x2810] =	vst v0  }
0x44: {  	[tilespmem:$0x2820] =	vst v0  }
0x45: {  	[tilespmem:$0x2830] =	vst v0  }
0x46: {  	[tilespmem:$0x2840] =	vst v0  }
0x47: {  	[tilespmem:$0x2850] =	vst v0  }
0x48: {  	[tilespmem:$0x2860] =	vst v0  }
0x49: {  	[tilespmem:$0x2870] =	vst v0  }
0x4a: {  	[tilespmem:$0x2880] =	vst v0  }
0x4b: {  	[tilespmem:$0x2890] =	vst v0  }
0x4c: {  	[tilespmem:$0x28A0] =	vst v0  }
0x4d: {  	[tilespmem:$0x28B0] =	vst v0  }
0x4e: {  	[tilespmem:$0x28C0] =	vst v0  }
0x4f: {  	[tilespmem:$0x28D0] =	vst v0  }
0x50: {  	[tilespmem:$0x28E0] =	vst v0  }
0x51: {  	[tilespmem:$0x28F0] =	vst v0  }
0x52: {  	[tilespmem:$0x2900] =	vst v0  }
0x53: {  	[tilespmem:$0x2910] =	vst v0  }
0x54: {  	[tilespmem:$0x2920] =	vst v0  }
0x55: {  	[tilespmem:$0x2930] =	vst v0  }
0x56: {  	[tilespmem:$0x2940] =	vst v0  }
0x57: {  	[tilespmem:$0x2950] =	vst v0  }
0x58: {  	[tilespmem:$0x2960] =	vst v0  }
0x59: {  	[tilespmem:$0x2970] =	vst v0  }
0x5a: {  	[tilespmem:$0x2980] =	vst v0  }
0x5b: {  	[tilespmem:$0x2990] =	vst v0  }
0x5c: {  	[tilespmem:$0x29A0] =	vst v0  }
0x5d: {  	[tilespmem:$0x29B0] =	vst v0  }
0x5e: {  	[tilespmem:$0x29C0] =	vst v0  }
0x5f: {  	[tilespmem:$0x29D0] =	vst v0  }
0x60: {  	[tilespmem:$0x29E0] =	vst v0  }
0x61: {  	[tilespmem:$0x29F0] =	vst v0  }
0x62: {  	[tilespmem:$0x2A00] =	vst v0  }
0x63: {  	[tilespmem:$0x2A10] =	vst v0  }
0x64: {  	[tilespmem:$0x2A20] =	vst v0  }
0x65: {  	[tilespmem:$0x2A30] =	vst v0  }
0x66: {  	[tilespmem:$0x2A40] =	vst v0  }
0x67: {  	[tilespmem:$0x2A50] =	vst v0  }
0x68: {  	[tilespmem:$0x2A60] =	vst v0  }
0x69: {  	[tilespmem:$0x2A70] =	vst v0  }
0x6a: {  	[tilespmem:$0x2780] =	vst v1  }
0x6b: {  	[tilespmem:$0x2790] =	vst v1  }
0x6c: {  	[tilespmem:$0x27A0] =	vst v1  }
0x6d: {  	[tilespmem:$0x27B0] =	vst v1  }
0x6e: {  	[tilespmem:$0x27C0] =	vst v1  }
0x6f: {  	[tilespmem:$0x27D0] =	vst v1  }
0x70: {  	[tilespmem:$0x27E0] =	vst v1  }
0x71: {  	[tilespmem:$0x27F0] =	vst v1  }
0x72: {  	[spmem:s4] =	stream.linear.scatter [tilespmem:s12], [sflag:$0x2], $0x280, $0x38;
	[tilespmem:$0x5460] =	vst v63  }
0x73: {  	_ =	swait.ge [sflag:s13], $0x280  }
0x74: {  	[sflag:s13] =	ssyncset.done $0x0  }
0x75: {  	[sflag:s13] =	ssyncadd.s32 $0xFFFFFD80  }
0x76: {  	[bflag:$0x0] =	sbarrier.arrive $0xFFFF  }
0x77: {  	[tilespmem:s3], [sflag:$0x2] =	stream.linear.gather [hbm4b:s5+s3], $0x2700, $0x38;
	[tilespmem:$0x5460] =	vst v63  }
0x78: {  	_ =	swait.ge [sflag:s13], $0x2700  }
0x79: {  	[sflag:s13] =	ssyncset.done $0x0  }
0x7a: {  	s28 =	simm.s32 @!p0 $0x0;
	s29 =	simm.s32 @!p0 $0x2700;
	[sflag:s13] =	ssyncadd.s32 $0xFFFFD900  }
0x7b: {  	[tilespmem:s29], [sflag:$0x2] =	stream.linear.gather @!p0 [hbm4b:s6+s28], $0x80, $0x38;
	[tilespmem:$0x5460] =	vst v63  }
0x7c: {  	s28 =	simm.s32 @!p0 $0x2  }
0x7d: {  	_ =	swait.ge @!p0 [sflag:s28], $0x80  }
0x7e: {  	[sflag:s28] =	ssyncset.done @!p0 $0x0  }
0x7f: {  	[sflag:s28] =	ssyncadd.s32 @!p0 $0xFFFFFF80;
	s28 =	simm.s32 $0x0  }
0x80: {  	[spmem:s1] =	stream.indirect.scatter.add.f32 [tilespmem:s15], [sflag:$0x1], $0x1, s28, s14, $0xb8;
	[tilespmem:$0x5460] =	vst v63  }
0x81: {  	s28 =	simm.s32 $0x80  }
0x82: {  	[spmem:s1] =	stream.indirect.scatter.add.f32 [tilespmem:s15], [sflag:$0x1], $0x1, s28, s14, $0xb8;
	[tilespmem:$0x5460] =	vst v63  }
0x83: {  	s28 =	simm.s32 $0x100  }
0x84: {  	[spmem:s1] =	stream.indirect.scatter.add.f32 [tilespmem:s15], [sflag:$0x1], $0x1, s28, s14, $0xb8;
	[tilespmem:$0x5460] =	vst v63  }
0x85: {  	s28 =	simm.s32 $0x180  }
0x86: {  	[spmem:s1] =	stream.indirect.scatter.add.f32 [tilespmem:s15], [sflag:$0x1], $0x1, s28, s14, $0xb8;
	[tilespmem:$0x5460] =	vst v63  }
0x87: {  	s28 =	simm.s32 $0x200  }
0x88: {  	[spmem:s1] =	stream.indirect.scatter.add.f32 [tilespmem:s15], [sflag:$0x1], $0x1, s28, s14, $0xb8;
	[tilespmem:$0x5460] =	vst v63  }
0x89: {  	s28 =	simm.s32 $0x280  }
0x8a: {  	[spmem:s1] =	stream.indirect.scatter.add.f32 [tilespmem:s15], [sflag:$0x1], $0x1, s28, s14, $0xb8;
	[tilespmem:$0x5460] =	vst v63  }
0x8b: {  	s28 =	simm.s32 $0x300  }
0x8c: {  	[spmem:s1] =	stream.indirect.scatter.add.f32 [tilespmem:s15], [sflag:$0x1], $0x1, s28, s14, $0xb8;
	[tilespmem:$0x5460] =	vst v63  }
0x8d: {  	s28 =	simm.s32 $0x380  }
0x8e: {  	[spmem:s1] =	stream.indirect.scatter.add.f32 [tilespmem:s15], [sflag:$0x1], $0x1, s28, s14, $0xb8;
	[tilespmem:$0x5460] =	vst v63  }
0x8f: {  	_ =	swait.ge [sflag:s16], $0x80  }
0x90: {  	[sflag:s16] =	ssyncset.done $0x0  }
0x91: {  	[sflag:s16] =	ssyncadd.s32 $0xFFFFFF80  }
0x92: {  	_ =	swait.ge [sflag:s16], $0x80  }
0x93: {  	[sflag:s16] =	ssyncset.done $0x0  }
0x94: {  	[sflag:s16] =	ssyncadd.s32 $0xFFFFFF80  }
0x95: {  	_ =	swait.ge [sflag:s16], $0x80  }
0x96: {  	[sflag:s16] =	ssyncset.done $0x0  }
0x97: {  	[sflag:s16] =	ssyncadd.s32 $0xFFFFFF80  }
0x98: {  	_ =	swait.ge [sflag:s16], $0x80  }
0x99: {  	[sflag:s16] =	ssyncset.done $0x0  }
0x9a: {  	[sflag:s16] =	ssyncadd.s32 $0xFFFFFF80  }
0x9b: {  	_ =	swait.ge [sflag:s16], $0x80  }
0x9c: {  	[sflag:s16] =	ssyncset.done $0x0  }
0x9d: {  	[sflag:s16] =	ssyncadd.s32 $0xFFFFFF80  }
0x9e: {  	_ =	swait.ge [sflag:s16], $0x80  }
0x9f: {  	[sflag:s16] =	ssyncset.done $0x0  }
0xa0: {  	[sflag:s16] =	ssyncadd.s32 $0xFFFFFF80  }
0xa1: {  	_ =	swait.ge [sflag:s16], $0x80  }
0xa2: {  	[sflag:s16] =	ssyncset.done $0x0  }
0xa3: {  	[sflag:s16] =	ssyncadd.s32 $0xFFFFFF80  }
0xa4: {  	_ =	swait.ge [sflag:s16], $0x80  }
0xa5: {  	s30 =	simm.s32 $0x2000;
	s28 =	simm.s32 $0x1000;
	[sflag:s16] =	ssyncset.done $0x0  }
.LBB2_2:
0xa6: {  	s31 =	sshra.s32 s28, $0x2  }
0xa7: {  	[sflag:s16] =	ssyncadd.s32 $0xFFFFFF80;
	s28 =	smov.u32 s30;
	s29 =	sadd.s32 $0x1000, s30  }
0xa8: {  	[spmem:s1] =	stream.indirect.scatter.add.f32 [tilespmem:s15], [sflag:$0x1], $0x1, s31, s14, $0xb8;
	[tilespmem:$0x5460] =	vst v63  }
0xa9: {  	p2 =	sne.s32 s30, $0x8000;
	s30 =	sadd.s32 $0x80, s31  }
0xaa: {  	[spmem:s1] =	stream.indirect.scatter.add.f32 [tilespmem:s15], [sflag:$0x1], $0x1, s30, s14, $0xb8;
	[tilespmem:$0x5460] =	vst v63  }
0xab: {  	s30 =	sadd.s32 $0x100, s31  }
0xac: {  	[spmem:s1] =	stream.indirect.scatter.add.f32 [tilespmem:s15], [sflag:$0x1], $0x1, s30, s14, $0xb8;
	[tilespmem:$0x5460] =	vst v63  }
0xad: {  	s30 =	sadd.s32 $0x180, s31  }
0xae: {  	[spmem:s1] =	stream.indirect.scatter.add.f32 [tilespmem:s15], [sflag:$0x1], $0x1, s30, s14, $0xb8;
	[tilespmem:$0x5460] =	vst v63  }
0xaf: {  	s30 =	sadd.s32 $0x200, s31  }
0xb0: {  	[spmem:s1] =	stream.indirect.scatter.add.f32 [tilespmem:s15], [sflag:$0x1], $0x1, s30, s14, $0xb8;
	[tilespmem:$0x5460] =	vst v63  }
0xb1: {  	s30 =	sadd.s32 $0x280, s31  }
0xb2: {  	[spmem:s1] =	stream.indirect.scatter.add.f32 [tilespmem:s15], [sflag:$0x1], $0x1, s30, s14, $0xb8;
	[tilespmem:$0x5460] =	vst v63  }
0xb3: {  	s30 =	sadd.s32 $0x300, s31  }
0xb4: {  	[spmem:s1] =	stream.indirect.scatter.add.f32 [tilespmem:s15], [sflag:$0x1], $0x1, s30, s14, $0xb8;
	[tilespmem:$0x5460] =	vst v63  }
0xb5: {  	s30 =	sadd.s32 $0x380, s31  }
0xb6: {  	[spmem:s1] =	stream.indirect.scatter.add.f32 [tilespmem:s15], [sflag:$0x1], $0x1, s30, s14, $0xb8;
	[tilespmem:$0x5460] =	vst v63  }
0xb7: {  	_ =	swait.ge [sflag:s16], $0x80  }
0xb8: {  	[sflag:s16] =	ssyncset.done $0x0  }
0xb9: {  	[sflag:s16] =	ssyncadd.s32 $0xFFFFFF80  }
0xba: {  	_ =	swait.ge [sflag:s16], $0x80  }
0xbb: {  	[sflag:s16] =	ssyncset.done $0x0  }
0xbc: {  	[sflag:s16] =	ssyncadd.s32 $0xFFFFFF80  }
0xbd: {  	_ =	swait.ge [sflag:s16], $0x80  }
0xbe: {  	[sflag:s16] =	ssyncset.done $0x0  }
0xbf: {  	[sflag:s16] =	ssyncadd.s32 $0xFFFFFF80  }
0xc0: {  	_ =	swait.ge [sflag:s16], $0x80  }
0xc1: {  	[sflag:s16] =	ssyncset.done $0x0  }
0xc2: {  	[sflag:s16] =	ssyncadd.s32 $0xFFFFFF80  }
0xc3: {  	_ =	swait.ge [sflag:s16], $0x80  }
0xc4: {  	[sflag:s16] =	ssyncset.done $0x0  }
0xc5: {  	[sflag:s16] =	ssyncadd.s32 $0xFFFFFF80  }
0xc6: {  	_ =	swait.ge [sflag:s16], $0x80  }
0xc7: {  	[sflag:s16] =	ssyncset.done $0x0  }
0xc8: {  	[sflag:s16] =	ssyncadd.s32 $0xFFFFFF80  }
.Ltmp2:
0xc9: {  	_ =	swait.ge [sflag:s16], $0x80;
	(pc) =	sbr.rel @p2 .LBB2_2-.Ltmp2, $4  }
0xca: {  	[sflag:s16] =	ssyncset.done $0x0  }
0xcb: {  	[sflag:s16] =	ssyncadd.s32 $0xFFFFFF80  }
0xcc: {  	_ =	swait.ge [sflag:s16], $0x80  }
0xcd: {  	s30 =	smov.u32 s29;
	[sflag:s16] =	ssyncset.done $0x0  }
0xce: {  	s28 =	sshra.s32 s28, $0x2;
	[sflag:s16] =	ssyncadd.s32 $0xFFFFFF80  }
0xcf: {  	[spmem:s1] =	stream.indirect.scatter.add.f32 [tilespmem:s15], [sflag:$0x1], $0x1, s28, s14, $0xb8;
	[tilespmem:$0x5460] =	vst v63  }
0xd0: {  	s29 =	sadd.s32 $0x80, s28  }
0xd1: {  	[spmem:s1] =	stream.indirect.scatter.add.f32 [tilespmem:s15], [sflag:$0x1], $0x1, s29, s14, $0xb8;
	[tilespmem:$0x5460] =	vst v63  }
0xd2: {  	s30 =	sadd.s32 $0x100, s28  }
0xd3: {  	[spmem:s1] =	stream.indirect.scatter.add.f32 [tilespmem:s15], [sflag:$0x1], $0x1, s30, s14, $0xb8;
	[tilespmem:$0x5460] =	vst v63  }
0xd4: {  	s31 =	sadd.s32 $0x180, s28  }
0xd5: {  	[spmem:s1] =	stream.indirect.scatter.add.f32 [tilespmem:s15], [sflag:$0x1], $0x1, s31, s14, $0xb8;
	[tilespmem:$0x5460] =	vst v63  }
0xd6: {  	s0 =	sadd.s32 $0x200, s28  }
0xd7: {  	[spmem:s1] =	stream.indirect.scatter.add.f32 [tilespmem:s15], [sflag:$0x1], $0x1, s0, s14, $0xb8;
	[tilespmem:$0x5460] =	vst v63  }
0xd8: {  	s30 =	sadd.s32 $0x280, s28  }
0xd9: {  	[spmem:s1] =	stream.indirect.scatter.add.f32 [tilespmem:s15], [sflag:$0x1], $0x1, s30, s14, $0xb8;
	[tilespmem:$0x5460] =	vst v63  }
0xda: {  	s31 =	sadd.s32 $0x300, s28  }
0xdb: {  	[spmem:s1] =	stream.indirect.scatter.add.f32 [tilespmem:s15], [sflag:$0x1], $0x1, s31, s14, $0xb8;
	[tilespmem:$0x5460] =	vst v63  }
0xdc: {  	s28 =	sadd.s32 $0x380, s28  }
0xdd: {  	[spmem:s1] =	stream.indirect.scatter.add.f32 [tilespmem:s15], [sflag:$0x1], $0x1, s28, s14, $0xb8;
	[tilespmem:$0x5460] =	vst v63  }
0xde: {  	_ =	swait.ge [sflag:s16], $0x80  }
0xdf: {  	[sflag:s16] =	ssyncset.done $0x0  }
0xe0: {  	[sflag:s16] =	ssyncadd.s32 $0xFFFFFF80  }
0xe1: {  	_ =	swait.ge [sflag:s16], $0x80  }
0xe2: {  	[sflag:s16] =	ssyncset.done $0x0  }
0xe3: {  	[sflag:s16] =	ssyncadd.s32 $0xFFFFFF80  }
0xe4: {  	_ =	swait.ge [sflag:s16], $0x80  }
0xe5: {  	[sflag:s16] =	ssyncset.done $0x0  }
0xe6: {  	[sflag:s16] =	ssyncadd.s32 $0xFFFFFF80  }
0xe7: {  	_ =	swait.ge [sflag:s16], $0x80  }
0xe8: {  	[sflag:s16] =	ssyncset.done $0x0  }
0xe9: {  	[sflag:s16] =	ssyncadd.s32 $0xFFFFFF80  }
0xea: {  	_ =	swait.ge [sflag:s16], $0x80  }
0xeb: {  	[sflag:s16] =	ssyncset.done $0x0  }
0xec: {  	[sflag:s16] =	ssyncadd.s32 $0xFFFFFF80  }
0xed: {  	_ =	swait.ge [sflag:s16], $0x80  }
0xee: {  	[sflag:s16] =	ssyncset.done $0x0  }
0xef: {  	[sflag:s16] =	ssyncadd.s32 $0xFFFFFF80  }
0xf0: {  	_ =	swait.ge [sflag:s16], $0x80  }
0xf1: {  	[sflag:s16] =	ssyncset.done $0x0  }
0xf2: {  	[sflag:s16] =	ssyncadd.s32 $0xFFFFFF80  }
0xf3: {  	_ =	swait.ge [sflag:s16], $0x80  }
0xf4: {  	[sflag:s16] =	ssyncset.done $0x0  }
0xf5: {  	[sflag:s16] =	ssyncadd.s32 $0xFFFFFF80  }
0xf6: {  	[spmem:s1] =	stream.indirect.scatter.add.f32 [tilespmem:s15], [sflag:$0x1], $0x1, s17, s14, $0xb8;
	[tilespmem:$0x5460] =	vst v63  }
0xf7: {  	_ = 	snop  }
0xf8: {  	[spmem:s1] =	stream.indirect.scatter.add.f32 [tilespmem:s15], [sflag:$0x1], $0x1, s18, s14, $0xb8;
	[tilespmem:$0x5460] =	vst v63  }
0xf9: {  	_ = 	snop  }
0xfa: {  	[spmem:s1] =	stream.indirect.scatter.add.f32 [tilespmem:s15], [sflag:$0x1], $0x1, s19, s14, $0xb8;
	[tilespmem:$0x5460] =	vst v63  }
0xfb: {  	_ = 	snop  }
0xfc: {  	[spmem:s1] =	stream.indirect.scatter.add.f32 [tilespmem:s15], [sflag:$0x1], $0x1, s20, s14, $0xb8;
	[tilespmem:$0x5460] =	vst v63  }
0xfd: {  	_ = 	snop  }
0xfe: {  	[spmem:s1] =	stream.indirect.scatter.add.f32 [tilespmem:s15], [sflag:$0x1], $0x1, s21, s14, $0xb8;
	[tilespmem:$0x5460] =	vst v63  }
0xff: {  	_ = 	snop  }
0x100: {  	[spmem:s1] =	stream.indirect.scatter.add.f32 [tilespmem:s15], [sflag:$0x1], $0x1, s22, s14, $0xb8;
	[tilespmem:$0x5460] =	vst v63  }
0x101: {  	s29 =	simm.s32 @!p0 $0x2700;
	s30 =	simm.s32 @!p0 $0x2780;
	s28 =	simm.s32 @!p0 $0x80  }
0x102: {  	[spmem:s1] =	stream.indirect.scatter.add.f32 @!p0 [tilespmem:s30], [sflag:$0x1], $0x1, s29, s28, $0xb8;
	[tilespmem:$0x5460] =	vst v63  }
0x103: {  	_ =	swait.ge [sflag:s16], $0x80  }
0x104: {  	[sflag:s16] =	ssyncset.done $0x0  }
0x105: {  	[sflag:s16] =	ssyncadd.s32 $0xFFFFFF80  }
0x106: {  	_ =	swait.ge [sflag:s16], $0x80  }
0x107: {  	[sflag:s16] =	ssyncset.done $0x0  }
0x108: {  	[sflag:s16] =	ssyncadd.s32 $0xFFFFFF80  }
0x109: {  	_ =	swait.ge [sflag:s16], $0x80  }
0x10a: {  	[sflag:s16] =	ssyncset.done $0x0  }
0x10b: {  	[sflag:s16] =	ssyncadd.s32 $0xFFFFFF80  }
0x10c: {  	_ =	swait.ge [sflag:s16], $0x80  }
0x10d: {  	[sflag:s16] =	ssyncset.done $0x0  }
0x10e: {  	[sflag:s16] =	ssyncadd.s32 $0xFFFFFF80  }
0x10f: {  	_ =	swait.ge [sflag:s16], $0x80  }
0x110: {  	[sflag:s16] =	ssyncset.done $0x0  }
0x111: {  	[sflag:s16] =	ssyncadd.s32 $0xFFFFFF80  }
0x112: {  	_ =	swait.ge [sflag:s16], $0x80  }
.Ltmp3:
0x113: {  	[sflag:s16] =	ssyncset.done $0x0;
	(pc) =	sbr.rel @p1 .LBB2_9-.Ltmp3, $4  }
0x114: {  	s28 =	simm.s32 @!p0 $0x1;
	[sflag:s16] =	ssyncadd.s32 $0xFFFFFF80  }
0x115: {  	_ =	swait.ge @!p0 [sflag:s28], $0x80  }
0x116: {  	[sflag:s28] =	ssyncset.done @!p0 $0x0  }
0x117: {  	[sflag:s28] =	ssyncadd.s32 @!p0 $0xFFFFFF80  }
0x118: {  	s28 =	simm.s32 $0x40;
	s29 =	simm.s32 $0x0  }
.LBB2_5:
0x119: {  	p2 =	sne.s32 s28, $0x4E00;
	[tilespmem:s29+$0x3E10] =	vst v2;
	s30 =	smov.u32 s28;
	s28 =	sadd.s32 $0x40, s28  }
.Ltmp4:
0x11a: {  	[tilespmem:s29+$0x2A80] =	vst v0;
	(pc) =	sbr.rel @p2 .LBB2_5-.Ltmp4, $2  }
0x11b: {  	_ =	sdelay $0x2  }
0x11c: {  	s29 =	sshra.s32 s30, $0x2  }
0x11d: {  	[tilespmem:s29+$0x3E10] =	vst v2  }
0x11e: {  	[tilespmem:s29+$0x2A80] =	vst v0;
	s28 =	simm.s32 $0x0;
	s29 =	simm.s32 $0x2A80  }
0x11f: {  	[tilespmem:s29], [sflag:$0x2] =	stream.linear.gather [hbm4b:s7+s28], $0x1388, $0x38;
	[tilespmem:$0x5460] =	vst v63  }
0x120: {  	_ =	swait.ge [sflag:s13], $0x1388  }
0x121: {  	[sflag:s13] =	ssyncset.done $0x0  }
0x122: {  	[sflag:s13] =	ssyncadd.s32 $0xFFFFEC78  }
0x123: {  	[tilespmem:s23], [sflag:$0x2] =	stream.linear.gather [hbm4b:s8+s28], $0x20, $0x38;
	[tilespmem:$0x5460] =	vst v63  }
0x124: {  	_ =	swait.ge [sflag:s13], $0x20  }
0x125: {  	[sflag:s13] =	ssyncset.done $0x0  }
0x126: {  	[sflag:s13] =	ssyncadd.s32 $0xFFFFFFE0  }
0x127: {  	v4 =	vld [tilespmem:s29+$0x0];
	_ =	sdelay $0x4  }
0x128: {  	vm0 =	vlt.f32 v4, $0.0e+00;
	vm1 =	vgt.f32 v4, $0.0e+00  }
0x129: {  	vm0 =	vmor vm1, vm0  }
0x12a: {  	v4 =	vsel vm0, $0x1, v2  }
0x12b: {  	(xrf0) =	vadd.scan.msk.s32 $0xffff, v4;
	_ =	sdelay $0x5  }
0x12c: {  	v4, _, _ =	vpop (xrf0)  }
0x12d: {  	v4 =	vadd.s32 s28, v4  }
0x12e: {  	v5 =	vadd.s32 $0xFFFFFFFF, v4;
	v4 =	vxor.u32 $0x80000000, v4  }
0x12f: {  	(xrf0) =	vmax.scan.msk.u32 $0xffff, v4;
	_ =	sdelay $0x1  }
0x130: {  	vm1 =	vgt.s32 v5, $0x0  }
0x131: {  	v5 =	vnsel vm1, $0x0, v5;
	_ =	sdelay $0x2  }
0x132: {  	v4, _, _ =	vpop (xrf0)  }
0x133: {  	v6 =	vor.u32 s28, v3;
	(v2sf) =	vpush v4, $0xF  }
0x134: {  	s29 =	simm.s32 $0x2A90;
	[tilespmem:v5+s24+$0x0] =	vst.idx.msk vm0, v6  }
0x135: {  	v5 =	vld [tilespmem:s29+$0x0];
	_ =	sdelay $0x4  }
0x136: {  	vm0 =	vlt.f32 v5, $0.0e+00;
	vm1 =	vgt.f32 v5, $0.0e+00  }
0x137: {  	vm0 =	vmor vm1, vm0  }
0x138: {  	v5 =	vsel vm0, $0x1, v2  }
0x139: {  	(xrf0) =	vadd.scan.msk.s32 $0xffff, v5  }
0x13a: {  	s30 =	simm.s32 $0x10;
	s31 =	simm.s32 $0x30;
	s28 =	simm.s32 $0x20  }
.LBB2_7:
0x13b: {  	p2 =	sne.s32 s31, $0x1380;
	_ =	sdelay $0x2  }
0x13c: {  	s0 =	spop (v2sf)  }
0x13d: {  	v4, _, _ =	vpop (xrf0);
	s0 =	sxor.u32 $0x80000000, s0  }
0x13e: {  	v4 =	vadd.s32 s0, v4  }
0x13f: {  	v5 =	vadd.s32 $0xFFFFFFFF, v4;
	v4 =	vxor.u32 $0x80000000, v4  }
0x140: {  	vm1 =	vgt.s32 v5, $0x0;
	(xrf0) =	vmax.scan.msk.u32 $0xffff, v4  }
0x141: {  	v4 =	vnsel vm1, $0x0, v5;
	_ =	sdelay $0x3  }
0x142: {  	v5 =	vor.u32 s30, v3;
	s30 =	smov.u32 s28;
	s28 =	smov.u32 s31  }
0x143: {  	[tilespmem:v4+s24+$0x0] =	vst.idx.msk vm0, v5;
	v4, _, _ =	vpop (xrf0)  }
0x144: {  	(v2sf) =	vpush v4, $0xF  }
0x145: {  	s29 =	sadd.s32 $0x10, s29  }
0x146: {  	v4 =	vld [tilespmem:s29+$0x0];
	_ =	sdelay $0x4  }
.Ltmp5:
0x147: {  	vm0 =	vlt.f32 v4, $0.0e+00;
	vm1 =	vgt.f32 v4, $0.0e+00;
	(pc) =	sbr.rel @p2 .LBB2_7-.Ltmp5, $4  }
0x148: {  	vm0 =	vmor vm1, vm0  }
0x149: {  	v4 =	vsel vm0, $0x1, v2  }
0x14a: {  	(xrf0) =	vadd.scan.msk.s32 $0xffff, v4  }
0x14b: {  	s31 =	sadd.s32 $0x10, s31  }
.Ltmp6:
0x14c: {  	_ = 	snop;
	(pc) =	sbr.rel .LBB2_8-.Ltmp6, $1  }
0x14d: {  	_ =	sdelay $0x3  }
.LBB2_10:
0x14e: {  	_ =	sfence.sel $0x180000  }
0x14f: {  	[bflag:$0x0] =	sbarrier.arrive $0xFFFF  }
0x150: {  	_ =	strace $0x90000047  }
0x151: {  	[bflag:$0x2] =	sbarrier.arrive $0xFFFF  }
0x152: {  	s0 =	rddreg [dreg:$0x3]  }
0x153: {  	s0 =	sadd.s32 @!p1 $0x100000, s0  }
0x154: {  	[sflag:s0] =	ssyncadd.tile.s32 @!p1 $0x1;
	_ =	shalt  }
.Lfunc_end2:
_tile_overlayer_lowered:
.L_overlay_start_2:
0x155: {  	(tag) =	ssettag $0x2  }
0x156: {  	s0 =	rddreg [dreg:$0x0];
	s2 =	stileid.u32  }
0x157: {  	s1 =	rddreg [dreg:$0x1];
	p0 =	sne.s32 s2, $0x0  }
0x158: {  	s3 =	rddreg [dreg:$0x2];
	[bflag:$0x3] =	sbarrier.arrive $0xFFFF;
	s2 =	simm.s32 @!p0 $0x1C02  }
0x159: {  	[timem:s3], [sflag:s2] =	dma.local @!p0 [hbm:s0], s1  }
0x15a: {  	s0 =	simm.s32 @!p0 $0x2  }
0x15b: {  	_ =	swait.ge @!p0 [sflag:s0], s1  }
0x15c: {  	s1 =	ssub.s32 @!p0 $0x0, s1;
	[sflag:s0] =	ssyncset.done @!p0 $0x0  }
0x15d: {  	[sflag:s0] =	ssyncadd.s32 @!p0 s1  }
0x15e: {  	[bflag:$0x3] =	sbarrier.arrive $0xFFFF  }
0x15f: {  	_ =	shalt  }

</sc_bundles>
